<compile_context>
chip_gen: v7x
topology: tpu7x:2x2x1
jax: 0.10.2.dev20260603
libtpu: 0.0.44.dev20260713+nightly
codegen_flags: <defaults>
</compile_context>

<pallas_src>
import functools

import jax
import jax.numpy as jnp
from jax import lax
from jax.experimental import pallas as pl
from jax.experimental.pallas import tpu as pltpu
from jax.experimental.pallas import tpu_sc as plsc

_N = 10000
_E = 320000
_D = 128
_C1 = 50
_C2 = 100

_NC = 2
_NS = 16
_NW = _NC * _NS
_K = 96
_CPW = 108
_IBLK = 24
_EPAD = _NW * _CPW * _K
_ROWS_PT = 632
_NSH = _NS * _ROWS_PT
_CNT_PT = 1024
_NCNT = _NS * _CNT_PT


def _sc_aggregate_body(x_hbm, src_hbm, dst_hbm,
                       sums_hbm, cnts_hbm,
                       idx_s_v, idx_d_v, rows_v, ones_v, zc_v,
                       shared_sum, shared_cnt,
                       gsem0, gsem1, gsem2, ssem0, ssem1, ssem2):
    gsems = (gsem0, gsem1, gsem2)
    ssems = (ssem0, ssem1, ssem2)
    c = lax.axis_index("c")
    s = lax.axis_index("s")
    wid = c * _NS + s

    def _z(i, carry):
        for l in range(_D // 16):
            rows_v[1, i, pl.ds(l * 16, 16)] = jnp.zeros((16,), jnp.float32)
        return carry

    lax.fori_loop(0, _K, _z, 0)
    for i in range(_CNT_PT // 16):
        zc_v[pl.ds(i * 16, 16)] = jnp.zeros((16,), jnp.float32)
    r0 = s * _ROWS_PT
    nfull = _ROWS_PT // _K
    for k in range(nfull):
        pltpu.sync_copy(rows_v.at[1],
                        shared_sum.at[pl.ds(r0 + k * _K, _K), :])
    rem = _ROWS_PT - nfull * _K
    pltpu.sync_copy(rows_v.at[1, pl.ds(0, rem), :],
                    shared_sum.at[pl.ds(r0 + nfull * _K, rem), :])
    pltpu.sync_copy(zc_v, shared_cnt.at[pl.ds(s * _CNT_PT, _CNT_PT)])
    for i in range(_K // 16):
        ones_v[pl.ds(i * 16, 16)] = jnp.ones((16,), jnp.float32)
    plsc.subcore_barrier()

    def _wait_gather(buf):
        pltpu.make_async_copy(x_hbm.at[pl.ds(0, _K), :], rows_v.at[buf],
                              gsems[buf]).wait()

    def _wait_scatter(buf):
        pltpu.make_async_copy(rows_v.at[buf], shared_sum.at[pl.ds(0, _K), :],
                              ssems[buf]).wait()

    def _gather(j, buf):
        pltpu.async_copy(x_hbm.at[idx_s_v.at[j]], rows_v.at[buf], gsems[buf])

    off = 0
    while off < _CPW:
        nblk = min(_IBLK, _CPW - off)
        pltpu.sync_copy(src_hbm.at[wid, pl.ds(off, nblk)],
                        idx_s_v.at[pl.ds(0, nblk)])
        pltpu.sync_copy(dst_hbm.at[wid, pl.ds(off, nblk)],
                        idx_d_v.at[pl.ds(0, nblk)])
        _gather(0, 0)
        _gather(1, 1)

        def triple(g, carry):
            for b in range(3):
                j = 3 * g + b
                nb = (b + 2) % 3
                _wait_gather(b)
                pltpu.async_copy(rows_v.at[b], shared_sum.at[idx_d_v.at[j]],
                                 ssems[b], add=True)

                @pl.when(jnp.logical_and(j >= 1, j + 2 < nblk))
                def _():
                    _wait_scatter(nb)

                @pl.when(j + 2 < nblk)
                def _():
                    _gather(j + 2, nb)

                pltpu.sync_copy(ones_v, shared_cnt.at[idx_d_v.at[j]],
                                add=True)
            return carry

        lax.fori_loop(0, nblk // 3, triple, 0)
        _wait_scatter(0)
        _wait_scatter(1)
        _wait_scatter(2)
        off += nblk
    plsc.subcore_barrier()

    row0 = s * _ROWS_PT
    pltpu.sync_copy(shared_sum.at[pl.ds(row0, _ROWS_PT), :],
                    sums_hbm.at[c, pl.ds(row0, _ROWS_PT), :])
    el0 = s * _CNT_PT
    pltpu.sync_copy(shared_cnt.at[pl.ds(el0, _CNT_PT)],
                    cnts_hbm.at[pl.ds(c * _NCNT + el0, _CNT_PT)])


@functools.cache
def _get_sc_aggregate():
    return pl.kernel(
        _sc_aggregate_body,
        out_type=(jax.ShapeDtypeStruct((_NC, _NSH, _D), jnp.float32),
                  jax.ShapeDtypeStruct((_NC * _NCNT,), jnp.float32)),
        mesh=plsc.VectorSubcoreMesh(core_axis_name="c", subcore_axis_name="s"),
        scratch_types=(
            pltpu.VMEM((_IBLK, _K), jnp.int32),
            pltpu.VMEM((_IBLK, _K), jnp.int32),
            pltpu.VMEM((3, _K, _D), jnp.float32),
            pltpu.VMEM((_K,), jnp.float32),
            pltpu.VMEM((_CNT_PT,), jnp.float32),
            pltpu.VMEM_SHARED((_NSH, _D), jnp.float32),
            pltpu.VMEM_SHARED((_NCNT,), jnp.float32),
            pltpu.SemaphoreType.DMA,
            pltpu.SemaphoreType.DMA,
            pltpu.SemaphoreType.DMA,
            pltpu.SemaphoreType.DMA,
            pltpu.SemaphoreType.DMA,
            pltpu.SemaphoreType.DMA,
        ),
    )


def _tc_dense_body(x_ref, sums_ref, cnts_ref, wl_ref, bl_ref, wr_ref, w12_ref,
                   x1_ref, out1_ref, out2_ref):
    ssum = sums_ref[0] + sums_ref[1]
    cnt = cnts_ref[0] + cnts_ref[1]
    mean = ssum / jnp.maximum(cnt, 1.0)
    x1 = (jnp.dot(mean, wl_ref[...], preferred_element_type=jnp.float32)
          + bl_ref[...]
          + jnp.dot(x_ref[...], wr_ref[...], preferred_element_type=jnp.float32))
    x1_ref[...] = x1
    rn = jnp.sqrt(jnp.sum(x1 * x1, axis=1, keepdims=True))
    hn = x1 / jnp.maximum(rn, 1e-12)
    w = w12_ref[...]
    wn = jnp.sqrt(jnp.sum(w * w, axis=0, keepdims=True))
    out12 = jnp.dot(hn, w / jnp.maximum(wn, 1e-12),
                    preferred_element_type=jnp.float32)
    out1_ref[...] = out12[:, :_C1]
    out2_ref[...] = out12[:, _D:_D + _C2]


_BR = 1000


def _tc_dense(x, sums, cnts3, w_l, b_l2, w_r, w12):
    grid = (_N // _BR,)
    return pl.pallas_call(
        _tc_dense_body,
        grid=grid,
        in_specs=[
            pl.BlockSpec((_BR, _D), lambda i: (i, 0)),
            pl.BlockSpec((_NC, _BR, _D), lambda i: (0, i, 0)),
            pl.BlockSpec((_NC, _BR, 1), lambda i: (0, i, 0)),
            pl.BlockSpec((_D, _D), lambda i: (0, 0)),
            pl.BlockSpec((1, _D), lambda i: (0, 0)),
            pl.BlockSpec((_D, _D), lambda i: (0, 0)),
            pl.BlockSpec((_D, 256), lambda i: (0, 0)),
        ],
        out_specs=[
            pl.BlockSpec((_BR, _D), lambda i: (i, 0)),
            pl.BlockSpec((_BR, _C1), lambda i: (i, 0)),
            pl.BlockSpec((_BR, _C2), lambda i: (i, 0)),
        ],
        out_shape=[
            jax.ShapeDtypeStruct((_N, _D), jnp.float32),
            jax.ShapeDtypeStruct((_N, _C1), jnp.float32),
            jax.ShapeDtypeStruct((_N, _C2), jnp.float32),
        ],
    )(x, sums, cnts3, w_l, b_l2, w_r, w12)


def kernel(x, edge_index, W_l, b_l, W_r, W1, W2):
    src = edge_index[0]
    dst = edge_index[1]
    npad = _EPAD - _E
    pad_src = (jnp.arange(npad, dtype=jnp.int32) * 97) % _N
    pad_dst = _N + (jnp.arange(npad, dtype=jnp.int32) % (_NSH - _N))
    src3 = jnp.concatenate([src, pad_src]).reshape(_NW, _CPW, _K)
    dst3 = jnp.concatenate([dst, pad_dst]).reshape(_NW, _CPW, _K)

    sums, cnts = _get_sc_aggregate()(x, src3, dst3)

    w12 = jnp.zeros((_D, 256), jnp.float32)
    w12 = lax.dynamic_update_slice(w12, W1, (0, 0))
    w12 = lax.dynamic_update_slice(w12, W2, (0, _D))
    cnts3 = jnp.stack([cnts[:_N], cnts[_NCNT:_NCNT + _N]])[:, :, None]
    x1, out1, out2 = _tc_dense(x, sums, cnts3, W_l, b_l.reshape(1, _D), W_r,
                               w12)
    return (out1, out2, x1)

# --- scband reference (transcript-rebuilt; emitter-appended) ---
"""Pipeline reference for scband-encoder-modified2-1176821039649 (READ-ONLY COPY).

The authoritative reference and input builder live on the scoring server;
editing this copy changes nothing except your own understanding.
"""

import jax, jax.numpy as jnp
import numpy as np

N = 10000
E = 320000
D = 128
C1 = 50
C2 = 100


def setup_inputs(seed: int = 0) -> dict:
    key = jax.random.key(seed)
    ks = jax.random.split(key, 8)
    x = jax.random.normal(ks[0], (N, D), dtype=jnp.float32)
    edge_index = jax.random.randint(ks[1], (2, E), 0, N, dtype=jnp.int32)
    # SAGEConv parameters (lin_l applied to aggregated neighbors with bias, lin_r is root weight)
    W_l = jax.random.normal(ks[2], (D, D), dtype=jnp.float32) * (1.0 / np.sqrt(D))
    b_l = jnp.zeros((D,), dtype=jnp.float32)
    W_r = jax.random.normal(ks[3], (D, D), dtype=jnp.float32) * (1.0 / np.sqrt(D))
    # NormedLinear weights: uniform(-1,1) then renorm per column (mimic scale)
    W1 = jax.random.uniform(ks[4], (D, C1), dtype=jnp.float32, minval=-1.0, maxval=1.0)
    W2 = jax.random.uniform(ks[5], (D, C2), dtype=jnp.float32, minval=-1.0, maxval=1.0)
    return {"x": x, "edge_index": edge_index, "W_l": W_l, "b_l": b_l, "W_r": W_r, "W1": W1, "W2": W2}


def _normed_linear(h, W):
    hn = h / jnp.maximum(jnp.linalg.norm(h, axis=1, keepdims=True), 1e-12)
    Wn = W / jnp.maximum(jnp.linalg.norm(W, axis=0, keepdims=True), 1e-12)
    return hn @ Wn


def reference(x, edge_index, W_l, b_l, W_r, W1, W2):
    src = edge_index[0]
    dst = edge_index[1]
    # SAGEConv with mean aggregation: messages from src gathered, mean-reduced at dst
    msgs = x[src]
    summed = jax.ops.segment_sum(msgs, dst, num_segments=N)
    counts = jax.ops.segment_sum(jnp.ones((E,), dtype=x.dtype), dst, num_segments=N)
    mean = summed / jnp.clip(counts, 1.0, None)[:, None]
    x1 = mean @ W_l + b_l + x @ W_r
    out1 = _normed_linear(x1, W1)
    out2 = _normed_linear(x1, W2)
    return (out1, out2, x1)

if __name__ == "__main__":
    import jax
    _d = setup_inputs()
    print(jax.jit(kernel)(*tuple(_d.values())))

</pallas_src>

<mosaic_0001>
#map = affine_map<(d0, d1) -> (0, 0)>
#map1 = affine_map<(d0, d1) -> (0, 0, 0)>
#map2 = affine_map<(d0, d1) -> (0)>
module attributes {stable_mosaic.version = 14 : i64} {
  func.func @_sc_aggregate_body(%arg0: i32, %arg1: i32, %arg2: memref<10000x128xf32, #tpu.memory_space<hbm>>, %arg3: memref<32x108x96xi32, #tpu.memory_space<hbm>>, %arg4: memref<32x108x96xi32, #tpu.memory_space<hbm>>, %arg5: memref<2x10112x128xf32, #tpu.memory_space<hbm>>, %arg6: memref<32768xf32, #tpu.memory_space<hbm>>, %arg7: memref<24x96xi32, #tpu.memory_space<vmem>>, %arg8: memref<24x96xi32, #tpu.memory_space<vmem>>, %arg9: memref<3x96x128xf32, #tpu.memory_space<vmem>>, %arg10: memref<96xf32, #tpu.memory_space<vmem>>, %arg11: memref<1024xf32, #tpu.memory_space<vmem>>, %arg12: memref<10112x128xf32, #tpu.memory_space<vmem_shared>>, %arg13: memref<16384xf32, #tpu.memory_space<vmem_shared>>, %arg14: memref<!tpu.dma_semaphore, #tpu.memory_space<semaphore_mem>>, %arg15: memref<!tpu.dma_semaphore, #tpu.memory_space<semaphore_mem>>, %arg16: memref<!tpu.dma_semaphore, #tpu.memory_space<semaphore_mem>>, %arg17: memref<!tpu.dma_semaphore, #tpu.memory_space<semaphore_mem>>, %arg18: memref<!tpu.dma_semaphore, #tpu.memory_space<semaphore_mem>>, %arg19: memref<!tpu.dma_semaphore, #tpu.memory_space<semaphore_mem>>) attributes {dimension_semantics = [#tpu.dimension_semantics<core_parallel>, #tpu.dimension_semantics<subcore_parallel>], iteration_bounds = array<i64: 2, 16>, scalar_prefetch = 0 : i64, scratch_operands = 13 : i64, tpu.core_type = #tpu.core_type<sc_vector_subcore>, window_params = [{transform_indices = #map}, {transform_indices = #map1}, {transform_indices = #map1}, {transform_indices = #map1}, {transform_indices = #map2}]} {
    %mul3A = arith.constant 16 : i32
    %mul3A_0 = arith.muli %arg0, %mul3A : i32
    %add3A = arith.addi %mul3A_0, %arg1 : i32
    %scan3A = arith.constant 0 : i32
    %scan3A_1 = arith.constant 0 : i32
    %scan3A_2 = arith.constant 96 : i32
    %scan3A_3 = arith.addi %scan3A_1, %scan3A_2 : i32
    %scan3A_4 = arith.constant 1 : i32
    scf.for %scan3A_829 = %scan3A_1 to %scan3A_3 step %scan3A_4  : i32 {
      %broadcast_in_dim3A_830 = arith.constant 0.000000e+00 : f32
      %broadcast_in_dim3A_831 = vector.broadcast %broadcast_in_dim3A_830 : f32 to vector<16xf32>
      %swap3A_832 = arith.constant 1 : i32
      %swap3A_833 = arith.index_cast %swap3A_832 : i32 to index
      %swap3A_834 = arith.index_cast %scan3A_829 : i32 to index
      %swap3A_835 = arith.constant 0 : index
      %swap3A_836 = tpu.vector_load %arg9[%swap3A_833, %swap3A_834, %swap3A_835] {strides = array<i32>} : memref<3x96x128xf32, #tpu.memory_space<vmem>>, vector<1x1x16xf32>,
      %swap3A_837 = vector.shape_cast %swap3A_836 : vector<1x1x16xf32> to vector<16xf32>
      %swap3A_838 = vector.shape_cast %broadcast_in_dim3A_831 : vector<16xf32> to vector<1x1x16xf32>
      tpu.vector_store %arg9[%swap3A_833, %swap3A_834, %swap3A_835], %swap3A_838 {strides = array<i32>} : memref<3x96x128xf32, #tpu.memory_space<vmem>>, vector<1x1x16xf32>,
      %broadcast_in_dim3A_839 = arith.constant 0.000000e+00 : f32
      %broadcast_in_dim3A_840 = vector.broadcast %broadcast_in_dim3A_839 : f32 to vector<16xf32>
      %swap3A_841 = arith.constant 1 : i32
      %swap3A_842 = arith.index_cast %swap3A_841 : i32 to index
      %swap3A_843 = arith.index_cast %scan3A_829 : i32 to index
      %swap3A_844 = arith.constant 16 : index
      %swap3A_845 = tpu.vector_load %arg9[%swap3A_842, %swap3A_843, %swap3A_844] {strides = array<i32>} : memref<3x96x128xf32, #tpu.memory_space<vmem>>, vector<1x1x16xf32>,
      %swap3A_846 = vector.shape_cast %swap3A_845 : vector<1x1x16xf32> to vector<16xf32>
      %swap3A_847 = vector.shape_cast %broadcast_in_dim3A_840 : vector<16xf32> to vector<1x1x16xf32>
      tpu.vector_store %arg9[%swap3A_842, %swap3A_843, %swap3A_844], %swap3A_847 {strides = array<i32>} : memref<3x96x128xf32, #tpu.memory_space<vmem>>, vector<1x1x16xf32>,
      %broadcast_in_dim3A_848 = arith.constant 0.000000e+00 : f32
      %broadcast_in_dim3A_849 = vector.broadcast %broadcast_in_dim3A_848 : f32 to vector<16xf32>
      %swap3A_850 = arith.constant 1 : i32
      %swap3A_851 = arith.index_cast %swap3A_850 : i32 to index
      %swap3A_852 = arith.index_cast %scan3A_829 : i32 to index
      %swap3A_853 = arith.constant 32 : index
      %swap3A_854 = tpu.vector_load %arg9[%swap3A_851, %swap3A_852, %swap3A_853] {strides = array<i32>} : memref<3x96x128xf32, #tpu.memory_space<vmem>>, vector<1x1x16xf32>,
      %swap3A_855 = vector.shape_cast %swap3A_854 : vector<1x1x16xf32> to vector<16xf32>
      %swap3A_856 = vector.shape_cast %broadcast_in_dim3A_849 : vector<16xf32> to vector<1x1x16xf32>
      tpu.vector_store %arg9[%swap3A_851, %swap3A_852, %swap3A_853], %swap3A_856 {strides = array<i32>} : memref<3x96x128xf32, #tpu.memory_space<vmem>>, vector<1x1x16xf32>,
      %broadcast_in_dim3A_857 = arith.constant 0.000000e+00 : f32
      %broadcast_in_dim3A_858 = vector.broadcast %broadcast_in_dim3A_857 : f32 to vector<16xf32>
      %swap3A_859 = arith.constant 1 : i32
      %swap3A_860 = arith.index_cast %swap3A_859 : i32 to index
      %swap3A_861 = arith.index_cast %scan3A_829 : i32 to index
      %swap3A_862 = arith.constant 48 : index
      %swap3A_863 = tpu.vector_load %arg9[%swap3A_860, %swap3A_861, %swap3A_862] {strides = array<i32>} : memref<3x96x128xf32, #tpu.memory_space<vmem>>, vector<1x1x16xf32>,
      %swap3A_864 = vector.shape_cast %swap3A_863 : vector<1x1x16xf32> to vector<16xf32>
      %swap3A_865 = vector.shape_cast %broadcast_in_dim3A_858 : vector<16xf32> to vector<1x1x16xf32>
      tpu.vector_store %arg9[%swap3A_860, %swap3A_861, %swap3A_862], %swap3A_865 {strides = array<i32>} : memref<3x96x128xf32, #tpu.memory_space<vmem>>, vector<1x1x16xf32>,
      %broadcast_in_dim3A_866 = arith.constant 0.000000e+00 : f32
      %broadcast_in_dim3A_867 = vector.broadcast %broadcast_in_dim3A_866 : f32 to vector<16xf32>
      %swap3A_868 = arith.constant 1 : i32
      %swap3A_869 = arith.index_cast %swap3A_868 : i32 to index
      %swap3A_870 = arith.index_cast %scan3A_829 : i32 to index
      %swap3A_871 = arith.constant 64 : index
      %swap3A_872 = tpu.vector_load %arg9[%swap3A_869, %swap3A_870, %swap3A_871] {strides = array<i32>} : memref<3x96x128xf32, #tpu.memory_space<vmem>>, vector<1x1x16xf32>,
      %swap3A_873 = vector.shape_cast %swap3A_872 : vector<1x1x16xf32> to vector<16xf32>
      %swap3A_874 = vector.shape_cast %broadcast_in_dim3A_867 : vector<16xf32> to vector<1x1x16xf32>
      tpu.vector_store %arg9[%swap3A_869, %swap3A_870, %swap3A_871], %swap3A_874 {strides = array<i32>} : memref<3x96x128xf32, #tpu.memory_space<vmem>>, vector<1x1x16xf32>,
      %broadcast_in_dim3A_875 = arith.constant 0.000000e+00 : f32
      %broadcast_in_dim3A_876 = vector.broadcast %broadcast_in_dim3A_875 : f32 to vector<16xf32>
      %swap3A_877 = arith.constant 1 : i32
      %swap3A_878 = arith.index_cast %swap3A_877 : i32 to index
      %swap3A_879 = arith.index_cast %scan3A_829 : i32 to index
      %swap3A_880 = arith.constant 80 : index
      %swap3A_881 = tpu.vector_load %arg9[%swap3A_878, %swap3A_879, %swap3A_880] {strides = array<i32>} : memref<3x96x128xf32, #tpu.memory_space<vmem>>, vector<1x1x16xf32>,
      %swap3A_882 = vector.shape_cast %swap3A_881 : vector<1x1x16xf32> to vector<16xf32>
      %swap3A_883 = vector.shape_cast %broadcast_in_dim3A_876 : vector<16xf32> to vector<1x1x16xf32>
      tpu.vector_store %arg9[%swap3A_878, %swap3A_879, %swap3A_880], %swap3A_883 {strides = array<i32>} : memref<3x96x128xf32, #tpu.memory_space<vmem>>, vector<1x1x16xf32>,
      %broadcast_in_dim3A_884 = arith.constant 0.000000e+00 : f32
      %broadcast_in_dim3A_885 = vector.broadcast %broadcast_in_dim3A_884 : f32 to vector<16xf32>
      %swap3A_886 = arith.constant 1 : i32
      %swap3A_887 = arith.index_cast %swap3A_886 : i32 to index
      %swap3A_888 = arith.index_cast %scan3A_829 : i32 to index
      %swap3A_889 = arith.constant 96 : index
      %swap3A_890 = tpu.vector_load %arg9[%swap3A_887, %swap3A_888, %swap3A_889] {strides = array<i32>} : memref<3x96x128xf32, #tpu.memory_space<vmem>>, vector<1x1x16xf32>,
      %swap3A_891 = vector.shape_cast %swap3A_890 : vector<1x1x16xf32> to vector<16xf32>
      %swap3A_892 = vector.shape_cast %broadcast_in_dim3A_885 : vector<16xf32> to vector<1x1x16xf32>
      tpu.vector_store %arg9[%swap3A_887, %swap3A_888, %swap3A_889], %swap3A_892 {strides = array<i32>} : memref<3x96x128xf32, #tpu.memory_space<vmem>>, vector<1x1x16xf32>,
      %broadcast_in_dim3A_893 = arith.constant 0.000000e+00 : f32
      %broadcast_in_dim3A_894 = vector.broadcast %broadcast_in_dim3A_893 : f32 to vector<16xf32>
      %swap3A_895 = arith.constant 1 : i32
      %swap3A_896 = arith.index_cast %swap3A_895 : i32 to index
      %swap3A_897 = arith.index_cast %scan3A_829 : i32 to index
      %swap3A_898 = arith.constant 112 : index
      %swap3A_899 = tpu.vector_load %arg9[%swap3A_896, %swap3A_897, %swap3A_898] {strides = array<i32>} : memref<3x96x128xf32, #tpu.memory_space<vmem>>, vector<1x1x16xf32>,
      %swap3A_900 = vector.shape_cast %swap3A_899 : vector<1x1x16xf32> to vector<16xf32>
      %swap3A_901 = vector.shape_cast %broadcast_in_dim3A_894 : vector<16xf32> to vector<1x1x16xf32>
      tpu.vector_store %arg9[%swap3A_896, %swap3A_897, %swap3A_898], %swap3A_901 {strides = array<i32>} : memref<3x96x128xf32, #tpu.memory_space<vmem>>, vector<1x1x16xf32>,
    }
    %scan3A_5 = arith.constant 96 : i32
    %broadcast_in_dim3A = arith.constant 0.000000e+00 : f32
    %broadcast_in_dim3A_6 = vector.broadcast %broadcast_in_dim3A : f32 to vector<16xf32>
    %swap3A = arith.constant 0 : index
    %swap3A_7 = tpu.vector_load %arg11[%swap3A] {strides = array<i32>} : memref<1024xf32, #tpu.memory_space<vmem>>, vector<16xf32>,
    %swap3A_8 = vector.shape_cast %swap3A_7 : vector<16xf32> to vector<16xf32>
    %swap3A_9 = vector.shape_cast %broadcast_in_dim3A_6 : vector<16xf32> to vector<16xf32>
    tpu.vector_store %arg11[%swap3A], %swap3A_9 {strides = array<i32>} : memref<1024xf32, #tpu.memory_space<vmem>>, vector<16xf32>,
    %broadcast_in_dim3A_10 = arith.constant 0.000000e+00 : f32
    %broadcast_in_dim3A_11 = vector.broadcast %broadcast_in_dim3A_10 : f32 to vector<16xf32>
    %swap3A_12 = arith.constant 16 : index
    %swap3A_13 = tpu.vector_load %arg11[%swap3A_12] {strides = array<i32>} : memref<1024xf32, #tpu.memory_space<vmem>>, vector<16xf32>,
    %swap3A_14 = vector.shape_cast %swap3A_13 : vector<16xf32> to vector<16xf32>
    %swap3A_15 = vector.shape_cast %broadcast_in_dim3A_11 : vector<16xf32> to vector<16xf32>
    tpu.vector_store %arg11[%swap3A_12], %swap3A_15 {strides = array<i32>} : memref<1024xf32, #tpu.memory_space<vmem>>, vector<16xf32>,
    %broadcast_in_dim3A_16 = arith.constant 0.000000e+00 : f32
    %broadcast_in_dim3A_17 = vector.broadcast %broadcast_in_dim3A_16 : f32 to vector<16xf32>
    %swap3A_18 = arith.constant 32 : index
    %swap3A_19 = tpu.vector_load %arg11[%swap3A_18] {strides = array<i32>} : memref<1024xf32, #tpu.memory_space<vmem>>, vector<16xf32>,
    %swap3A_20 = vector.shape_cast %swap3A_19 : vector<16xf32> to vector<16xf32>
    %swap3A_21 = vector.shape_cast %broadcast_in_dim3A_17 : vector<16xf32> to vector<16xf32>
    tpu.vector_store %arg11[%swap3A_18], %swap3A_21 {strides = array<i32>} : memref<1024xf32, #tpu.memory_space<vmem>>, vector<16xf32>,
    %broadcast_in_dim3A_22 = arith.constant 0.000000e+00 : f32
    %broadcast_in_dim3A_23 = vector.broadcast %broadcast_in_dim3A_22 : f32 to vector<16xf32>
    %swap3A_24 = arith.constant 48 : index
    %swap3A_25 = tpu.vector_load %arg11[%swap3A_24] {strides = array<i32>} : memref<1024xf32, #tpu.memory_space<vmem>>, vector<16xf32>,
    %swap3A_26 = vector.shape_cast %swap3A_25 : vector<16xf32> to vector<16xf32>
    %swap3A_27 = vector.shape_cast %broadcast_in_dim3A_23 : vector<16xf32> to vector<16xf32>
    tpu.vector_store %arg11[%swap3A_24], %swap3A_27 {strides = array<i32>} : memref<1024xf32, #tpu.memory_space<vmem>>, vector<16xf32>,
    %broadcast_in_dim3A_28 = arith.constant 0.000000e+00 : f32
    %broadcast_in_dim3A_29 = vector.broadcast %broadcast_in_dim3A_28 : f32 to vector<16xf32>
    %swap3A_30 = arith.constant 64 : index
    %swap3A_31 = tpu.vector_load %arg11[%swap3A_30] {strides = array<i32>} : memref<1024xf32, #tpu.memory_space<vmem>>, vector<16xf32>,
    %swap3A_32 = vector.shape_cast %swap3A_31 : vector<16xf32> to vector<16xf32>
    %swap3A_33 = vector.shape_cast %broadcast_in_dim3A_29 : vector<16xf32> to vector<16xf32>
    tpu.vector_store %arg11[%swap3A_30], %swap3A_33 {strides = array<i32>} : memref<1024xf32, #tpu.memory_space<vmem>>, vector<16xf32>,
    %broadcast_in_dim3A_34 = arith.constant 0.000000e+00 : f32
    %broadcast_in_dim3A_35 = vector.broadcast %broadcast_in_dim3A_34 : f32 to vector<16xf32>
    %swap3A_36 = arith.constant 80 : index
    %swap3A_37 = tpu.vector_load %arg11[%swap3A_36] {strides = array<i32>} : memref<1024xf32, #tpu.memory_space<vmem>>, vector<16xf32>,
    %swap3A_38 = vector.shape_cast %swap3A_37 : vector<16xf32> to vector<16xf32>
    %swap3A_39 = vector.shape_cast %broadcast_in_dim3A_35 : vector<16xf32> to vector<16xf32>
    tpu.vector_store %arg11[%swap3A_36], %swap3A_39 {strides = array<i32>} : memref<1024xf32, #tpu.memory_space<vmem>>, vector<16xf32>,
    %broadcast_in_dim3A_40 = arith.constant 0.000000e+00 : f32
    %broadcast_in_dim3A_41 = vector.broadcast %broadcast_in_dim3A_40 : f32 to vector<16xf32>
    %swap3A_42 = arith.constant 96 : index
    %swap3A_43 = tpu.vector_load %arg11[%swap3A_42] {strides = array<i32>} : memref<1024xf32, #tpu.memory_space<vmem>>, vector<16xf32>,
    %swap3A_44 = vector.shape_cast %swap3A_43 : vector<16xf32> to vector<16xf32>
    %swap3A_45 = vector.shape_cast %broadcast_in_dim3A_41 : vector<16xf32> to vector<16xf32>
    tpu.vector_store %arg11[%swap3A_42], %swap3A_45 {strides = array<i32>} : memref<1024xf32, #tpu.memory_space<vmem>>, vector<16xf32>,
    %broadcast_in_dim3A_46 = arith.constant 0.000000e+00 : f32
    %broadcast_in_dim3A_47 = vector.broadcast %broadcast_in_dim3A_46 : f32 to vector<16xf32>
    %swap3A_48 = arith.constant 112 : index
    %swap3A_49 = tpu.vector_load %arg11[%swap3A_48] {strides = array<i32>} : memref<1024xf32, #tpu.memory_space<vmem>>, vector<16xf32>,
    %swap3A_50 = vector.shape_cast %swap3A_49 : vector<16xf32> to vector<16xf32>
    %swap3A_51 = vector.shape_cast %broadcast_in_dim3A_47 : vector<16xf32> to vector<16xf32>
    tpu.vector_store %arg11[%swap3A_48], %swap3A_51 {strides = array<i32>} : memref<1024xf32, #tpu.memory_space<vmem>>, vector<16xf32>,
    %broadcast_in_dim3A_52 = arith.constant 0.000000e+00 : f32
    %broadcast_in_dim3A_53 = vector.broadcast %broadcast_in_dim3A_52 : f32 to vector<16xf32>
    %swap3A_54 = arith.constant 128 : index
    %swap3A_55 = tpu.vector_load %arg11[%swap3A_54] {strides = array<i32>} : memref<1024xf32, #tpu.memory_space<vmem>>, vector<16xf32>,
    %swap3A_56 = vector.shape_cast %swap3A_55 : vector<16xf32> to vector<16xf32>
    %swap3A_57 = vector.shape_cast %broadcast_in_dim3A_53 : vector<16xf32> to vector<16xf32>
    tpu.vector_store %arg11[%swap3A_54], %swap3A_57 {strides = array<i32>} : memref<1024xf32, #tpu.memory_space<vmem>>, vector<16xf32>,
    %broadcast_in_dim3A_58 = arith.constant 0.000000e+00 : f32
    %broadcast_in_dim3A_59 = vector.broadcast %broadcast_in_dim3A_58 : f32 to vector<16xf32>
    %swap3A_60 = arith.constant 144 : index
    %swap3A_61 = tpu.vector_load %arg11[%swap3A_60] {strides = array<i32>} : memref<1024xf32, #tpu.memory_space<vmem>>, vector<16xf32>,
    %swap3A_62 = vector.shape_cast %swap3A_61 : vector<16xf32> to vector<16xf32>
    %swap3A_63 = vector.shape_cast %broadcast_in_dim3A_59 : vector<16xf32> to vector<16xf32>
    tpu.vector_store %arg11[%swap3A_60], %swap3A_63 {strides = array<i32>} : memref<1024xf32, #tpu.memory_space<vmem>>, vector<16xf32>,
    %broadcast_in_dim3A_64 = arith.constant 0.000000e+00 : f32
    %broadcast_in_dim3A_65 = vector.broadcast %broadcast_in_dim3A_64 : f32 to vector<16xf32>
    %swap3A_66 = arith.constant 160 : index
    %swap3A_67 = tpu.vector_load %arg11[%swap3A_66] {strides = array<i32>} : memref<1024xf32, #tpu.memory_space<vmem>>, vector<16xf32>,
    %swap3A_68 = vector.shape_cast %swap3A_67 : vector<16xf32> to vector<16xf32>
    %swap3A_69 = vector.shape_cast %broadcast_in_dim3A_65 : vector<16xf32> to vector<16xf32>
    tpu.vector_store %arg11[%swap3A_66], %swap3A_69 {strides = array<i32>} : memref<1024xf32, #tpu.memory_space<vmem>>, vector<16xf32>,
    %broadcast_in_dim3A_70 = arith.constant 0.000000e+00 : f32
    %broadcast_in_dim3A_71 = vector.broadcast %broadcast_in_dim3A_70 : f32 to vector<16xf32>
    %swap3A_72 = arith.constant 176 : index
    %swap3A_73 = tpu.vector_load %arg11[%swap3A_72] {strides = array<i32>} : memref<1024xf32, #tpu.memory_space<vmem>>, vector<16xf32>,
    %swap3A_74 = vector.shape_cast %swap3A_73 : vector<16xf32> to vector<16xf32>
    %swap3A_75 = vector.shape_cast %broadcast_in_dim3A_71 : vector<16xf32> to vector<16xf32>
    tpu.vector_store %arg11[%swap3A_72], %swap3A_75 {strides = array<i32>} : memref<1024xf32, #tpu.memory_space<vmem>>, vector<16xf32>,
    %broadcast_in_dim3A_76 = arith.constant 0.000000e+00 : f32
    %broadcast_in_dim3A_77 = vector.broadcast %broadcast_in_dim3A_76 : f32 to vector<16xf32>
    %swap3A_78 = arith.constant 192 : index
    %swap3A_79 = tpu.vector_load %arg11[%swap3A_78] {strides = array<i32>} : memref<1024xf32, #tpu.memory_space<vmem>>, vector<16xf32>,
    %swap3A_80 = vector.shape_cast %swap3A_79 : vector<16xf32> to vector<16xf32>
    %swap3A_81 = vector.shape_cast %broadcast_in_dim3A_77 : vector<16xf32> to vector<16xf32>
    tpu.vector_store %arg11[%swap3A_78], %swap3A_81 {strides = array<i32>} : memref<1024xf32, #tpu.memory_space<vmem>>, vector<16xf32>,
    %broadcast_in_dim3A_82 = arith.constant 0.000000e+00 : f32
    %broadcast_in_dim3A_83 = vector.broadcast %broadcast_in_dim3A_82 : f32 to vector<16xf32>
    %swap3A_84 = arith.constant 208 : index
    %swap3A_85 = tpu.vector_load %arg11[%swap3A_84] {strides = array<i32>} : memref<1024xf32, #tpu.memory_space<vmem>>, vector<16xf32>,
    %swap3A_86 = vector.shape_cast %swap3A_85 : vector<16xf32> to vector<16xf32>
    %swap3A_87 = vector.shape_cast %broadcast_in_dim3A_83 : vector<16xf32> to vector<16xf32>
    tpu.vector_store %arg11[%swap3A_84], %swap3A_87 {strides = array<i32>} : memref<1024xf32, #tpu.memory_space<vmem>>, vector<16xf32>,
    %broadcast_in_dim3A_88 = arith.constant 0.000000e+00 : f32
    %broadcast_in_dim3A_89 = vector.broadcast %broadcast_in_dim3A_88 : f32 to vector<16xf32>
    %swap3A_90 = arith.constant 224 : index
    %swap3A_91 = tpu.vector_load %arg11[%swap3A_90] {strides = array<i32>} : memref<1024xf32, #tpu.memory_space<vmem>>, vector<16xf32>,
    %swap3A_92 = vector.shape_cast %swap3A_91 : vector<16xf32> to vector<16xf32>
    %swap3A_93 = vector.shape_cast %broadcast_in_dim3A_89 : vector<16xf32> to vector<16xf32>
    tpu.vector_store %arg11[%swap3A_90], %swap3A_93 {strides = array<i32>} : memref<1024xf32, #tpu.memory_space<vmem>>, vector<16xf32>,
    %broadcast_in_dim3A_94 = arith.constant 0.000000e+00 : f32
    %broadcast_in_dim3A_95 = vector.broadcast %broadcast_in_dim3A_94 : f32 to vector<16xf32>
    %swap3A_96 = arith.constant 240 : index
    %swap3A_97 = tpu.vector_load %arg11[%swap3A_96] {strides = array<i32>} : memref<1024xf32, #tpu.memory_space<vmem>>, vector<16xf32>,
    %swap3A_98 = vector.shape_cast %swap3A_97 : vector<16xf32> to vector<16xf32>
    %swap3A_99 = vector.shape_cast %broadcast_in_dim3A_95 : vector<16xf32> to vector<16xf32>
    tpu.vector_store %arg11[%swap3A_96], %swap3A_99 {strides = array<i32>} : memref<1024xf32, #tpu.memory_space<vmem>>, vector<16xf32>,
    %broadcast_in_dim3A_100 = arith.constant 0.000000e+00 : f32
    %broadcast_in_dim3A_101 = vector.broadcast %broadcast_in_dim3A_100 : f32 to vector<16xf32>
    %swap3A_102 = arith.constant 256 : index
    %swap3A_103 = tpu.vector_load %arg11[%swap3A_102] {strides = array<i32>} : memref<1024xf32, #tpu.memory_space<vmem>>, vector<16xf32>,
    %swap3A_104 = vector.shape_cast %swap3A_103 : vector<16xf32> to vector<16xf32>
    %swap3A_105 = vector.shape_cast %broadcast_in_dim3A_101 : vector<16xf32> to vector<16xf32>
    tpu.vector_store %arg11[%swap3A_102], %swap3A_105 {strides = array<i32>} : memref<1024xf32, #tpu.memory_space<vmem>>, vector<16xf32>,
    %broadcast_in_dim3A_106 = arith.constant 0.000000e+00 : f32
    %broadcast_in_dim3A_107 = vector.broadcast %broadcast_in_dim3A_106 : f32 to vector<16xf32>
    %swap3A_108 = arith.constant 272 : index
    %swap3A_109 = tpu.vector_load %arg11[%swap3A_108] {strides = array<i32>} : memref<1024xf32, #tpu.memory_space<vmem>>, vector<16xf32>,
    %swap3A_110 = vector.shape_cast %swap3A_109 : vector<16xf32> to vector<16xf32>
    %swap3A_111 = vector.shape_cast %broadcast_in_dim3A_107 : vector<16xf32> to vector<16xf32>
    tpu.vector_store %arg11[%swap3A_108], %swap3A_111 {strides = array<i32>} : memref<1024xf32, #tpu.memory_space<vmem>>, vector<16xf32>,
    %broadcast_in_dim3A_112 = arith.constant 0.000000e+00 : f32
    %broadcast_in_dim3A_113 = vector.broadcast %broadcast_in_dim3A_112 : f32 to vector<16xf32>
    %swap3A_114 = arith.constant 288 : index
    %swap3A_115 = tpu.vector_load %arg11[%swap3A_114] {strides = array<i32>} : memref<1024xf32, #tpu.memory_space<vmem>>, vector<16xf32>,
    %swap3A_116 = vector.shape_cast %swap3A_115 : vector<16xf32> to vector<16xf32>
    %swap3A_117 = vector.shape_cast %broadcast_in_dim3A_113 : vector<16xf32> to vector<16xf32>
    tpu.vector_store %arg11[%swap3A_114], %swap3A_117 {strides = array<i32>} : memref<1024xf32, #tpu.memory_space<vmem>>, vector<16xf32>,
    %broadcast_in_dim3A_118 = arith.constant 0.000000e+00 : f32
    %broadcast_in_dim3A_119 = vector.broadcast %broadcast_in_dim3A_118 : f32 to vector<16xf32>
    %swap3A_120 = arith.constant 304 : index
    %swap3A_121 = tpu.vector_load %arg11[%swap3A_120] {strides = array<i32>} : memref<1024xf32, #tpu.memory_space<vmem>>, vector<16xf32>,
    %swap3A_122 = vector.shape_cast %swap3A_121 : vector<16xf32> to vector<16xf32>
    %swap3A_123 = vector.shape_cast %broadcast_in_dim3A_119 : vector<16xf32> to vector<16xf32>
    tpu.vector_store %arg11[%swap3A_120], %swap3A_123 {strides = array<i32>} : memref<1024xf32, #tpu.memory_space<vmem>>, vector<16xf32>,
    %broadcast_in_dim3A_124 = arith.constant 0.000000e+00 : f32
    %broadcast_in_dim3A_125 = vector.broadcast %broadcast_in_dim3A_124 : f32 to vector<16xf32>
    %swap3A_126 = arith.constant 320 : index
    %swap3A_127 = tpu.vector_load %arg11[%swap3A_126] {strides = array<i32>} : memref<1024xf32, #tpu.memory_space<vmem>>, vector<16xf32>,
    %swap3A_128 = vector.shape_cast %swap3A_127 : vector<16xf32> to vector<16xf32>
    %swap3A_129 = vector.shape_cast %broadcast_in_dim3A_125 : vector<16xf32> to vector<16xf32>
    tpu.vector_store %arg11[%swap3A_126], %swap3A_129 {strides = array<i32>} : memref<1024xf32, #tpu.memory_space<vmem>>, vector<16xf32>,
    %broadcast_in_dim3A_130 = arith.constant 0.000000e+00 : f32
    %broadcast_in_dim3A_131 = vector.broadcast %broadcast_in_dim3A_130 : f32 to vector<16xf32>
    %swap3A_132 = arith.constant 336 : index
    %swap3A_133 = tpu.vector_load %arg11[%swap3A_132] {strides = array<i32>} : memref<1024xf32, #tpu.memory_space<vmem>>, vector<16xf32>,
    %swap3A_134 = vector.shape_cast %swap3A_133 : vector<16xf32> to vector<16xf32>
    %swap3A_135 = vector.shape_cast %broadcast_in_dim3A_131 : vector<16xf32> to vector<16xf32>
    tpu.vector_store %arg11[%swap3A_132], %swap3A_135 {strides = array<i32>} : memref<1024xf32, #tpu.memory_space<vmem>>, vector<16xf32>,
    %broadcast_in_dim3A_136 = arith.constant 0.000000e+00 : f32
    %broadcast_in_dim3A_137 = vector.broadcast %broadcast_in_dim3A_136 : f32 to vector<16xf32>
    %swap3A_138 = arith.constant 352 : index
    %swap3A_139 = tpu.vector_load %arg11[%swap3A_138] {strides = array<i32>} : memref<1024xf32, #tpu.memory_space<vmem>>, vector<16xf32>,
    %swap3A_140 = vector.shape_cast %swap3A_139 : vector<16xf32> to vector<16xf32>
    %swap3A_141 = vector.shape_cast %broadcast_in_dim3A_137 : vector<16xf32> to vector<16xf32>
    tpu.vector_store %arg11[%swap3A_138], %swap3A_141 {strides = array<i32>} : memref<1024xf32, #tpu.memory_space<vmem>>, vector<16xf32>,
    %broadcast_in_dim3A_142 = arith.constant 0.000000e+00 : f32
    %broadcast_in_dim3A_143 = vector.broadcast %broadcast_in_dim3A_142 : f32 to vector<16xf32>
    %swap3A_144 = arith.constant 368 : index
    %swap3A_145 = tpu.vector_load %arg11[%swap3A_144] {strides = array<i32>} : memref<1024xf32, #tpu.memory_space<vmem>>, vector<16xf32>,
    %swap3A_146 = vector.shape_cast %swap3A_145 : vector<16xf32> to vector<16xf32>
    %swap3A_147 = vector.shape_cast %broadcast_in_dim3A_143 : vector<16xf32> to vector<16xf32>
    tpu.vector_store %arg11[%swap3A_144], %swap3A_147 {strides = array<i32>} : memref<1024xf32, #tpu.memory_space<vmem>>, vector<16xf32>,
    %broadcast_in_dim3A_148 = arith.constant 0.000000e+00 : f32
    %broadcast_in_dim3A_149 = vector.broadcast %broadcast_in_dim3A_148 : f32 to vector<16xf32>
    %swap3A_150 = arith.constant 384 : index
    %swap3A_151 = tpu.vector_load %arg11[%swap3A_150] {strides = array<i32>} : memref<1024xf32, #tpu.memory_space<vmem>>, vector<16xf32>,
    %swap3A_152 = vector.shape_cast %swap3A_151 : vector<16xf32> to vector<16xf32>
    %swap3A_153 = vector.shape_cast %broadcast_in_dim3A_149 : vector<16xf32> to vector<16xf32>
    tpu.vector_store %arg11[%swap3A_150], %swap3A_153 {strides = array<i32>} : memref<1024xf32, #tpu.memory_space<vmem>>, vector<16xf32>,
    %broadcast_in_dim3A_154 = arith.constant 0.000000e+00 : f32
    %broadcast_in_dim3A_155 = vector.broadcast %broadcast_in_dim3A_154 : f32 to vector<16xf32>
    %swap3A_156 = arith.constant 400 : index
    %swap3A_157 = tpu.vector_load %arg11[%swap3A_156] {strides = array<i32>} : memref<1024xf32, #tpu.memory_space<vmem>>, vector<16xf32>,
    %swap3A_158 = vector.shape_cast %swap3A_157 : vector<16xf32> to vector<16xf32>
    %swap3A_159 = vector.shape_cast %broadcast_in_dim3A_155 : vector<16xf32> to vector<16xf32>
    tpu.vector_store %arg11[%swap3A_156], %swap3A_159 {strides = array<i32>} : memref<1024xf32, #tpu.memory_space<vmem>>, vector<16xf32>,
    %broadcast_in_dim3A_160 = arith.constant 0.000000e+00 : f32
    %broadcast_in_dim3A_161 = vector.broadcast %broadcast_in_dim3A_160 : f32 to vector<16xf32>
    %swap3A_162 = arith.constant 416 : index
    %swap3A_163 = tpu.vector_load %arg11[%swap3A_162] {strides = array<i32>} : memref<1024xf32, #tpu.memory_space<vmem>>, vector<16xf32>,
    %swap3A_164 = vector.shape_cast %swap3A_163 : vector<16xf32> to vector<16xf32>
    %swap3A_165 = vector.shape_cast %broadcast_in_dim3A_161 : vector<16xf32> to vector<16xf32>
    tpu.vector_store %arg11[%swap3A_162], %swap3A_165 {strides = array<i32>} : memref<1024xf32, #tpu.memory_space<vmem>>, vector<16xf32>,
    %broadcast_in_dim3A_166 = arith.constant 0.000000e+00 : f32
    %broadcast_in_dim3A_167 = vector.broadcast %broadcast_in_dim3A_166 : f32 to vector<16xf32>
    %swap3A_168 = arith.constant 432 : index
    %swap3A_169 = tpu.vector_load %arg11[%swap3A_168] {strides = array<i32>} : memref<1024xf32, #tpu.memory_space<vmem>>, vector<16xf32>,
    %swap3A_170 = vector.shape_cast %swap3A_169 : vector<16xf32> to vector<16xf32>
    %swap3A_171 = vector.shape_cast %broadcast_in_dim3A_167 : vector<16xf32> to vector<16xf32>
    tpu.vector_store %arg11[%swap3A_168], %swap3A_171 {strides = array<i32>} : memref<1024xf32, #tpu.memory_space<vmem>>, vector<16xf32>,
    %broadcast_in_dim3A_172 = arith.constant 0.000000e+00 : f32
    %broadcast_in_dim3A_173 = vector.broadcast %broadcast_in_dim3A_172 : f32 to vector<16xf32>
    %swap3A_174 = arith.constant 448 : index
    %swap3A_175 = tpu.vector_load %arg11[%swap3A_174] {strides = array<i32>} : memref<1024xf32, #tpu.memory_space<vmem>>, vector<16xf32>,
    %swap3A_176 = vector.shape_cast %swap3A_175 : vector<16xf32> to vector<16xf32>
    %swap3A_177 = vector.shape_cast %broadcast_in_dim3A_173 : vector<16xf32> to vector<16xf32>
    tpu.vector_store %arg11[%swap3A_174], %swap3A_177 {strides = array<i32>} : memref<1024xf32, #tpu.memory_space<vmem>>, vector<16xf32>,
    %broadcast_in_dim3A_178 = arith.constant 0.000000e+00 : f32
    %broadcast_in_dim3A_179 = vector.broadcast %broadcast_in_dim3A_178 : f32 to vector<16xf32>
    %swap3A_180 = arith.constant 464 : index
    %swap3A_181 = tpu.vector_load %arg11[%swap3A_180] {strides = array<i32>} : memref<1024xf32, #tpu.memory_space<vmem>>, vector<16xf32>,
    %swap3A_182 = vector.shape_cast %swap3A_181 : vector<16xf32> to vector<16xf32>
    %swap3A_183 = vector.shape_cast %broadcast_in_dim3A_179 : vector<16xf32> to vector<16xf32>
    tpu.vector_store %arg11[%swap3A_180], %swap3A_183 {strides = array<i32>} : memref<1024xf32, #tpu.memory_space<vmem>>, vector<16xf32>,
    %broadcast_in_dim3A_184 = arith.constant 0.000000e+00 : f32
    %broadcast_in_dim3A_185 = vector.broadcast %broadcast_in_dim3A_184 : f32 to vector<16xf32>
    %swap3A_186 = arith.constant 480 : index
    %swap3A_187 = tpu.vector_load %arg11[%swap3A_186] {strides = array<i32>} : memref<1024xf32, #tpu.memory_space<vmem>>, vector<16xf32>,
    %swap3A_188 = vector.shape_cast %swap3A_187 : vector<16xf32> to vector<16xf32>
    %swap3A_189 = vector.shape_cast %broadcast_in_dim3A_185 : vector<16xf32> to vector<16xf32>
    tpu.vector_store %arg11[%swap3A_186], %swap3A_189 {strides = array<i32>} : memref<1024xf32, #tpu.memory_space<vmem>>, vector<16xf32>,
    %broadcast_in_dim3A_190 = arith.constant 0.000000e+00 : f32
    %broadcast_in_dim3A_191 = vector.broadcast %broadcast_in_dim3A_190 : f32 to vector<16xf32>
    %swap3A_192 = arith.constant 496 : index
    %swap3A_193 = tpu.vector_load %arg11[%swap3A_192] {strides = array<i32>} : memref<1024xf32, #tpu.memory_space<vmem>>, vector<16xf32>,
    %swap3A_194 = vector.shape_cast %swap3A_193 : vector<16xf32> to vector<16xf32>
    %swap3A_195 = vector.shape_cast %broadcast_in_dim3A_191 : vector<16xf32> to vector<16xf32>
    tpu.vector_store %arg11[%swap3A_192], %swap3A_195 {strides = array<i32>} : memref<1024xf32, #tpu.memory_space<vmem>>, vector<16xf32>,
    %broadcast_in_dim3A_196 = arith.constant 0.000000e+00 : f32
    %broadcast_in_dim3A_197 = vector.broadcast %broadcast_in_dim3A_196 : f32 to vector<16xf32>
    %swap3A_198 = arith.constant 512 : index
    %swap3A_199 = tpu.vector_load %arg11[%swap3A_198] {strides = array<i32>} : memref<1024xf32, #tpu.memory_space<vmem>>, vector<16xf32>,
    %swap3A_200 = vector.shape_cast %swap3A_199 : vector<16xf32> to vector<16xf32>
    %swap3A_201 = vector.shape_cast %broadcast_in_dim3A_197 : vector<16xf32> to vector<16xf32>
    tpu.vector_store %arg11[%swap3A_198], %swap3A_201 {strides = array<i32>} : memref<1024xf32, #tpu.memory_space<vmem>>, vector<16xf32>,
    %broadcast_in_dim3A_202 = arith.constant 0.000000e+00 : f32
    %broadcast_in_dim3A_203 = vector.broadcast %broadcast_in_dim3A_202 : f32 to vector<16xf32>
    %swap3A_204 = arith.constant 528 : index
    %swap3A_205 = tpu.vector_load %arg11[%swap3A_204] {strides = array<i32>} : memref<1024xf32, #tpu.memory_space<vmem>>, vector<16xf32>,
    %swap3A_206 = vector.shape_cast %swap3A_205 : vector<16xf32> to vector<16xf32>
    %swap3A_207 = vector.shape_cast %broadcast_in_dim3A_203 : vector<16xf32> to vector<16xf32>
    tpu.vector_store %arg11[%swap3A_204], %swap3A_207 {strides = array<i32>} : memref<1024xf32, #tpu.memory_space<vmem>>, vector<16xf32>,
    %broadcast_in_dim3A_208 = arith.constant 0.000000e+00 : f32
    %broadcast_in_dim3A_209 = vector.broadcast %broadcast_in_dim3A_208 : f32 to vector<16xf32>
    %swap3A_210 = arith.constant 544 : index
    %swap3A_211 = tpu.vector_load %arg11[%swap3A_210] {strides = array<i32>} : memref<1024xf32, #tpu.memory_space<vmem>>, vector<16xf32>,
    %swap3A_212 = vector.shape_cast %swap3A_211 : vector<16xf32> to vector<16xf32>
    %swap3A_213 = vector.shape_cast %broadcast_in_dim3A_209 : vector<16xf32> to vector<16xf32>
    tpu.vector_store %arg11[%swap3A_210], %swap3A_213 {strides = array<i32>} : memref<1024xf32, #tpu.memory_space<vmem>>, vector<16xf32>,
    %broadcast_in_dim3A_214 = arith.constant 0.000000e+00 : f32
    %broadcast_in_dim3A_215 = vector.broadcast %broadcast_in_dim3A_214 : f32 to vector<16xf32>
    %swap3A_216 = arith.constant 560 : index
    %swap3A_217 = tpu.vector_load %arg11[%swap3A_216] {strides = array<i32>} : memref<1024xf32, #tpu.memory_space<vmem>>, vector<16xf32>,
    %swap3A_218 = vector.shape_cast %swap3A_217 : vector<16xf32> to vector<16xf32>
    %swap3A_219 = vector.shape_cast %broadcast_in_dim3A_215 : vector<16xf32> to vector<16xf32>
    tpu.vector_store %arg11[%swap3A_216], %swap3A_219 {strides = array<i32>} : memref<1024xf32, #tpu.memory_space<vmem>>, vector<16xf32>,
    %broadcast_in_dim3A_220 = arith.constant 0.000000e+00 : f32
    %broadcast_in_dim3A_221 = vector.broadcast %broadcast_in_dim3A_220 : f32 to vector<16xf32>
    %swap3A_222 = arith.constant 576 : index
    %swap3A_223 = tpu.vector_load %arg11[%swap3A_222] {strides = array<i32>} : memref<1024xf32, #tpu.memory_space<vmem>>, vector<16xf32>,
    %swap3A_224 = vector.shape_cast %swap3A_223 : vector<16xf32> to vector<16xf32>
    %swap3A_225 = vector.shape_cast %broadcast_in_dim3A_221 : vector<16xf32> to vector<16xf32>
    tpu.vector_store %arg11[%swap3A_222], %swap3A_225 {strides = array<i32>} : memref<1024xf32, #tpu.memory_space<vmem>>, vector<16xf32>,
    %broadcast_in_dim3A_226 = arith.constant 0.000000e+00 : f32
    %broadcast_in_dim3A_227 = vector.broadcast %broadcast_in_dim3A_226 : f32 to vector<16xf32>
    %swap3A_228 = arith.constant 592 : index
    %swap3A_229 = tpu.vector_load %arg11[%swap3A_228] {strides = array<i32>} : memref<1024xf32, #tpu.memory_space<vmem>>, vector<16xf32>,
    %swap3A_230 = vector.shape_cast %swap3A_229 : vector<16xf32> to vector<16xf32>
    %swap3A_231 = vector.shape_cast %broadcast_in_dim3A_227 : vector<16xf32> to vector<16xf32>
    tpu.vector_store %arg11[%swap3A_228], %swap3A_231 {strides = array<i32>} : memref<1024xf32, #tpu.memory_space<vmem>>, vector<16xf32>,
    %broadcast_in_dim3A_232 = arith.constant 0.000000e+00 : f32
    %broadcast_in_dim3A_233 = vector.broadcast %broadcast_in_dim3A_232 : f32 to vector<16xf32>
    %swap3A_234 = arith.constant 608 : index
    %swap3A_235 = tpu.vector_load %arg11[%swap3A_234] {strides = array<i32>} : memref<1024xf32, #tpu.memory_space<vmem>>, vector<16xf32>,
    %swap3A_236 = vector.shape_cast %swap3A_235 : vector<16xf32> to vector<16xf32>
    %swap3A_237 = vector.shape_cast %broadcast_in_dim3A_233 : vector<16xf32> to vector<16xf32>
    tpu.vector_store %arg11[%swap3A_234], %swap3A_237 {strides = array<i32>} : memref<1024xf32, #tpu.memory_space<vmem>>, vector<16xf32>,
    %broadcast_in_dim3A_238 = arith.constant 0.000000e+00 : f32
    %broadcast_in_dim3A_239 = vector.broadcast %broadcast_in_dim3A_238 : f32 to vector<16xf32>
    %swap3A_240 = arith.constant 624 : index
    %swap3A_241 = tpu.vector_load %arg11[%swap3A_240] {strides = array<i32>} : memref<1024xf32, #tpu.memory_space<vmem>>, vector<16xf32>,
    %swap3A_242 = vector.shape_cast %swap3A_241 : vector<16xf32> to vector<16xf32>
    %swap3A_243 = vector.shape_cast %broadcast_in_dim3A_239 : vector<16xf32> to vector<16xf32>
    tpu.vector_store %arg11[%swap3A_240], %swap3A_243 {strides = array<i32>} : memref<1024xf32, #tpu.memory_space<vmem>>, vector<16xf32>,
    %broadcast_in_dim3A_244 = arith.constant 0.000000e+00 : f32
    %broadcast_in_dim3A_245 = vector.broadcast %broadcast_in_dim3A_244 : f32 to vector<16xf32>
    %swap3A_246 = arith.constant 640 : index
    %swap3A_247 = tpu.vector_load %arg11[%swap3A_246] {strides = array<i32>} : memref<1024xf32, #tpu.memory_space<vmem>>, vector<16xf32>,
    %swap3A_248 = vector.shape_cast %swap3A_247 : vector<16xf32> to vector<16xf32>
    %swap3A_249 = vector.shape_cast %broadcast_in_dim3A_245 : vector<16xf32> to vector<16xf32>
    tpu.vector_store %arg11[%swap3A_246], %swap3A_249 {strides = array<i32>} : memref<1024xf32, #tpu.memory_space<vmem>>, vector<16xf32>,
    %broadcast_in_dim3A_250 = arith.constant 0.000000e+00 : f32
    %broadcast_in_dim3A_251 = vector.broadcast %broadcast_in_dim3A_250 : f32 to vector<16xf32>
    %swap3A_252 = arith.constant 656 : index
    %swap3A_253 = tpu.vector_load %arg11[%swap3A_252] {strides = array<i32>} : memref<1024xf32, #tpu.memory_space<vmem>>, vector<16xf32>,
    %swap3A_254 = vector.shape_cast %swap3A_253 : vector<16xf32> to vector<16xf32>
    %swap3A_255 = vector.shape_cast %broadcast_in_dim3A_251 : vector<16xf32> to vector<16xf32>
    tpu.vector_store %arg11[%swap3A_252], %swap3A_255 {strides = array<i32>} : memref<1024xf32, #tpu.memory_space<vmem>>, vector<16xf32>,
    %broadcast_in_dim3A_256 = arith.constant 0.000000e+00 : f32
    %broadcast_in_dim3A_257 = vector.broadcast %broadcast_in_dim3A_256 : f32 to vector<16xf32>
    %swap3A_258 = arith.constant 672 : index
    %swap3A_259 = tpu.vector_load %arg11[%swap3A_258] {strides = array<i32>} : memref<1024xf32, #tpu.memory_space<vmem>>, vector<16xf32>,
    %swap3A_260 = vector.shape_cast %swap3A_259 : vector<16xf32> to vector<16xf32>
    %swap3A_261 = vector.shape_cast %broadcast_in_dim3A_257 : vector<16xf32> to vector<16xf32>
    tpu.vector_store %arg11[%swap3A_258], %swap3A_261 {strides = array<i32>} : memref<1024xf32, #tpu.memory_space<vmem>>, vector<16xf32>,
    %broadcast_in_dim3A_262 = arith.constant 0.000000e+00 : f32
    %broadcast_in_dim3A_263 = vector.broadcast %broadcast_in_dim3A_262 : f32 to vector<16xf32>
    %swap3A_264 = arith.constant 688 : index
    %swap3A_265 = tpu.vector_load %arg11[%swap3A_264] {strides = array<i32>} : memref<1024xf32, #tpu.memory_space<vmem>>, vector<16xf32>,
    %swap3A_266 = vector.shape_cast %swap3A_265 : vector<16xf32> to vector<16xf32>
    %swap3A_267 = vector.shape_cast %broadcast_in_dim3A_263 : vector<16xf32> to vector<16xf32>
    tpu.vector_store %arg11[%swap3A_264], %swap3A_267 {strides = array<i32>} : memref<1024xf32, #tpu.memory_space<vmem>>, vector<16xf32>,
    %broadcast_in_dim3A_268 = arith.constant 0.000000e+00 : f32
    %broadcast_in_dim3A_269 = vector.broadcast %broadcast_in_dim3A_268 : f32 to vector<16xf32>
    %swap3A_270 = arith.constant 704 : index
    %swap3A_271 = tpu.vector_load %arg11[%swap3A_270] {strides = array<i32>} : memref<1024xf32, #tpu.memory_space<vmem>>, vector<16xf32>,
    %swap3A_272 = vector.shape_cast %swap3A_271 : vector<16xf32> to vector<16xf32>
    %swap3A_273 = vector.shape_cast %broadcast_in_dim3A_269 : vector<16xf32> to vector<16xf32>
    tpu.vector_store %arg11[%swap3A_270], %swap3A_273 {strides = array<i32>} : memref<1024xf32, #tpu.memory_space<vmem>>, vector<16xf32>,
    %broadcast_in_dim3A_274 = arith.constant 0.000000e+00 : f32
    %broadcast_in_dim3A_275 = vector.broadcast %broadcast_in_dim3A_274 : f32 to vector<16xf32>
    %swap3A_276 = arith.constant 720 : index
    %swap3A_277 = tpu.vector_load %arg11[%swap3A_276] {strides = array<i32>} : memref<1024xf32, #tpu.memory_space<vmem>>, vector<16xf32>,
    %swap3A_278 = vector.shape_cast %swap3A_277 : vector<16xf32> to vector<16xf32>
    %swap3A_279 = vector.shape_cast %broadcast_in_dim3A_275 : vector<16xf32> to vector<16xf32>
    tpu.vector_store %arg11[%swap3A_276], %swap3A_279 {strides = array<i32>} : memref<1024xf32, #tpu.memory_space<vmem>>, vector<16xf32>,
    %broadcast_in_dim3A_280 = arith.constant 0.000000e+00 : f32
    %broadcast_in_dim3A_281 = vector.broadcast %broadcast_in_dim3A_280 : f32 to vector<16xf32>
    %swap3A_282 = arith.constant 736 : index
    %swap3A_283 = tpu.vector_load %arg11[%swap3A_282] {strides = array<i32>} : memref<1024xf32, #tpu.memory_space<vmem>>, vector<16xf32>,
    %swap3A_284 = vector.shape_cast %swap3A_283 : vector<16xf32> to vector<16xf32>
    %swap3A_285 = vector.shape_cast %broadcast_in_dim3A_281 : vector<16xf32> to vector<16xf32>
    tpu.vector_store %arg11[%swap3A_282], %swap3A_285 {strides = array<i32>} : memref<1024xf32, #tpu.memory_space<vmem>>, vector<16xf32>,
    %broadcast_in_dim3A_286 = arith.constant 0.000000e+00 : f32
    %broadcast_in_dim3A_287 = vector.broadcast %broadcast_in_dim3A_286 : f32 to vector<16xf32>
    %swap3A_288 = arith.constant 752 : index
    %swap3A_289 = tpu.vector_load %arg11[%swap3A_288] {strides = array<i32>} : memref<1024xf32, #tpu.memory_space<vmem>>, vector<16xf32>,
    %swap3A_290 = vector.shape_cast %swap3A_289 : vector<16xf32> to vector<16xf32>
    %swap3A_291 = vector.shape_cast %broadcast_in_dim3A_287 : vector<16xf32> to vector<16xf32>
    tpu.vector_store %arg11[%swap3A_288], %swap3A_291 {strides = array<i32>} : memref<1024xf32, #tpu.memory_space<vmem>>, vector<16xf32>,
    %broadcast_in_dim3A_292 = arith.constant 0.000000e+00 : f32
    %broadcast_in_dim3A_293 = vector.broadcast %broadcast_in_dim3A_292 : f32 to vector<16xf32>
    %swap3A_294 = arith.constant 768 : index
    %swap3A_295 = tpu.vector_load %arg11[%swap3A_294] {strides = array<i32>} : memref<1024xf32, #tpu.memory_space<vmem>>, vector<16xf32>,
    %swap3A_296 = vector.shape_cast %swap3A_295 : vector<16xf32> to vector<16xf32>
    %swap3A_297 = vector.shape_cast %broadcast_in_dim3A_293 : vector<16xf32> to vector<16xf32>
    tpu.vector_store %arg11[%swap3A_294], %swap3A_297 {strides = array<i32>} : memref<1024xf32, #tpu.memory_space<vmem>>, vector<16xf32>,
    %broadcast_in_dim3A_298 = arith.constant 0.000000e+00 : f32
    %broadcast_in_dim3A_299 = vector.broadcast %broadcast_in_dim3A_298 : f32 to vector<16xf32>
    %swap3A_300 = arith.constant 784 : index
    %swap3A_301 = tpu.vector_load %arg11[%swap3A_300] {strides = array<i32>} : memref<1024xf32, #tpu.memory_space<vmem>>, vector<16xf32>,
    %swap3A_302 = vector.shape_cast %swap3A_301 : vector<16xf32> to vector<16xf32>
    %swap3A_303 = vector.shape_cast %broadcast_in_dim3A_299 : vector<16xf32> to vector<16xf32>
    tpu.vector_store %arg11[%swap3A_300], %swap3A_303 {strides = array<i32>} : memref<1024xf32, #tpu.memory_space<vmem>>, vector<16xf32>,
    %broadcast_in_dim3A_304 = arith.constant 0.000000e+00 : f32
    %broadcast_in_dim3A_305 = vector.broadcast %broadcast_in_dim3A_304 : f32 to vector<16xf32>
    %swap3A_306 = arith.constant 800 : index
    %swap3A_307 = tpu.vector_load %arg11[%swap3A_306] {strides = array<i32>} : memref<1024xf32, #tpu.memory_space<vmem>>, vector<16xf32>,
    %swap3A_308 = vector.shape_cast %swap3A_307 : vector<16xf32> to vector<16xf32>
    %swap3A_309 = vector.shape_cast %broadcast_in_dim3A_305 : vector<16xf32> to vector<16xf32>
    tpu.vector_store %arg11[%swap3A_306], %swap3A_309 {strides = array<i32>} : memref<1024xf32, #tpu.memory_space<vmem>>, vector<16xf32>,
    %broadcast_in_dim3A_310 = arith.constant 0.000000e+00 : f32
    %broadcast_in_dim3A_311 = vector.broadcast %broadcast_in_dim3A_310 : f32 to vector<16xf32>
    %swap3A_312 = arith.constant 816 : index
    %swap3A_313 = tpu.vector_load %arg11[%swap3A_312] {strides = array<i32>} : memref<1024xf32, #tpu.memory_space<vmem>>, vector<16xf32>,
    %swap3A_314 = vector.shape_cast %swap3A_313 : vector<16xf32> to vector<16xf32>
    %swap3A_315 = vector.shape_cast %broadcast_in_dim3A_311 : vector<16xf32> to vector<16xf32>
    tpu.vector_store %arg11[%swap3A_312], %swap3A_315 {strides = array<i32>} : memref<1024xf32, #tpu.memory_space<vmem>>, vector<16xf32>,
    %broadcast_in_dim3A_316 = arith.constant 0.000000e+00 : f32
    %broadcast_in_dim3A_317 = vector.broadcast %broadcast_in_dim3A_316 : f32 to vector<16xf32>
    %swap3A_318 = arith.constant 832 : index
    %swap3A_319 = tpu.vector_load %arg11[%swap3A_318] {strides = array<i32>} : memref<1024xf32, #tpu.memory_space<vmem>>, vector<16xf32>,
    %swap3A_320 = vector.shape_cast %swap3A_319 : vector<16xf32> to vector<16xf32>
    %swap3A_321 = vector.shape_cast %broadcast_in_dim3A_317 : vector<16xf32> to vector<16xf32>
    tpu.vector_store %arg11[%swap3A_318], %swap3A_321 {strides = array<i32>} : memref<1024xf32, #tpu.memory_space<vmem>>, vector<16xf32>,
    %broadcast_in_dim3A_322 = arith.constant 0.000000e+00 : f32
    %broadcast_in_dim3A_323 = vector.broadcast %broadcast_in_dim3A_322 : f32 to vector<16xf32>
    %swap3A_324 = arith.constant 848 : index
    %swap3A_325 = tpu.vector_load %arg11[%swap3A_324] {strides = array<i32>} : memref<1024xf32, #tpu.memory_space<vmem>>, vector<16xf32>,
    %swap3A_326 = vector.shape_cast %swap3A_325 : vector<16xf32> to vector<16xf32>
    %swap3A_327 = vector.shape_cast %broadcast_in_dim3A_323 : vector<16xf32> to vector<16xf32>
    tpu.vector_store %arg11[%swap3A_324], %swap3A_327 {strides = array<i32>} : memref<1024xf32, #tpu.memory_space<vmem>>, vector<16xf32>,
    %broadcast_in_dim3A_328 = arith.constant 0.000000e+00 : f32
    %broadcast_in_dim3A_329 = vector.broadcast %broadcast_in_dim3A_328 : f32 to vector<16xf32>
    %swap3A_330 = arith.constant 864 : index
    %swap3A_331 = tpu.vector_load %arg11[%swap3A_330] {strides = array<i32>} : memref<1024xf32, #tpu.memory_space<vmem>>, vector<16xf32>,
    %swap3A_332 = vector.shape_cast %swap3A_331 : vector<16xf32> to vector<16xf32>
    %swap3A_333 = vector.shape_cast %broadcast_in_dim3A_329 : vector<16xf32> to vector<16xf32>
    tpu.vector_store %arg11[%swap3A_330], %swap3A_333 {strides = array<i32>} : memref<1024xf32, #tpu.memory_space<vmem>>, vector<16xf32>,
    %broadcast_in_dim3A_334 = arith.constant 0.000000e+00 : f32
    %broadcast_in_dim3A_335 = vector.broadcast %broadcast_in_dim3A_334 : f32 to vector<16xf32>
    %swap3A_336 = arith.constant 880 : index
    %swap3A_337 = tpu.vector_load %arg11[%swap3A_336] {strides = array<i32>} : memref<1024xf32, #tpu.memory_space<vmem>>, vector<16xf32>,
    %swap3A_338 = vector.shape_cast %swap3A_337 : vector<16xf32> to vector<16xf32>
    %swap3A_339 = vector.shape_cast %broadcast_in_dim3A_335 : vector<16xf32> to vector<16xf32>
    tpu.vector_store %arg11[%swap3A_336], %swap3A_339 {strides = array<i32>} : memref<1024xf32, #tpu.memory_space<vmem>>, vector<16xf32>,
    %broadcast_in_dim3A_340 = arith.constant 0.000000e+00 : f32
    %broadcast_in_dim3A_341 = vector.broadcast %broadcast_in_dim3A_340 : f32 to vector<16xf32>
    %swap3A_342 = arith.constant 896 : index
    %swap3A_343 = tpu.vector_load %arg11[%swap3A_342] {strides = array<i32>} : memref<1024xf32, #tpu.memory_space<vmem>>, vector<16xf32>,
    %swap3A_344 = vector.shape_cast %swap3A_343 : vector<16xf32> to vector<16xf32>
    %swap3A_345 = vector.shape_cast %broadcast_in_dim3A_341 : vector<16xf32> to vector<16xf32>
    tpu.vector_store %arg11[%swap3A_342], %swap3A_345 {strides = array<i32>} : memref<1024xf32, #tpu.memory_space<vmem>>, vector<16xf32>,
    %broadcast_in_dim3A_346 = arith.constant 0.000000e+00 : f32
    %broadcast_in_dim3A_347 = vector.broadcast %broadcast_in_dim3A_346 : f32 to vector<16xf32>
    %swap3A_348 = arith.constant 912 : index
    %swap3A_349 = tpu.vector_load %arg11[%swap3A_348] {strides = array<i32>} : memref<1024xf32, #tpu.memory_space<vmem>>, vector<16xf32>,
    %swap3A_350 = vector.shape_cast %swap3A_349 : vector<16xf32> to vector<16xf32>
    %swap3A_351 = vector.shape_cast %broadcast_in_dim3A_347 : vector<16xf32> to vector<16xf32>
    tpu.vector_store %arg11[%swap3A_348], %swap3A_351 {strides = array<i32>} : memref<1024xf32, #tpu.memory_space<vmem>>, vector<16xf32>,
    %broadcast_in_dim3A_352 = arith.constant 0.000000e+00 : f32
    %broadcast_in_dim3A_353 = vector.broadcast %broadcast_in_dim3A_352 : f32 to vector<16xf32>
    %swap3A_354 = arith.constant 928 : index
    %swap3A_355 = tpu.vector_load %arg11[%swap3A_354] {strides = array<i32>} : memref<1024xf32, #tpu.memory_space<vmem>>, vector<16xf32>,
    %swap3A_356 = vector.shape_cast %swap3A_355 : vector<16xf32> to vector<16xf32>
    %swap3A_357 = vector.shape_cast %broadcast_in_dim3A_353 : vector<16xf32> to vector<16xf32>
    tpu.vector_store %arg11[%swap3A_354], %swap3A_357 {strides = array<i32>} : memref<1024xf32, #tpu.memory_space<vmem>>, vector<16xf32>,
    %broadcast_in_dim3A_358 = arith.constant 0.000000e+00 : f32
    %broadcast_in_dim3A_359 = vector.broadcast %broadcast_in_dim3A_358 : f32 to vector<16xf32>
    %swap3A_360 = arith.constant 944 : index
    %swap3A_361 = tpu.vector_load %arg11[%swap3A_360] {strides = array<i32>} : memref<1024xf32, #tpu.memory_space<vmem>>, vector<16xf32>,
    %swap3A_362 = vector.shape_cast %swap3A_361 : vector<16xf32> to vector<16xf32>
    %swap3A_363 = vector.shape_cast %broadcast_in_dim3A_359 : vector<16xf32> to vector<16xf32>
    tpu.vector_store %arg11[%swap3A_360], %swap3A_363 {strides = array<i32>} : memref<1024xf32, #tpu.memory_space<vmem>>, vector<16xf32>,
    %broadcast_in_dim3A_364 = arith.constant 0.000000e+00 : f32
    %broadcast_in_dim3A_365 = vector.broadcast %broadcast_in_dim3A_364 : f32 to vector<16xf32>
    %swap3A_366 = arith.constant 960 : index
    %swap3A_367 = tpu.vector_load %arg11[%swap3A_366] {strides = array<i32>} : memref<1024xf32, #tpu.memory_space<vmem>>, vector<16xf32>,
    %swap3A_368 = vector.shape_cast %swap3A_367 : vector<16xf32> to vector<16xf32>
    %swap3A_369 = vector.shape_cast %broadcast_in_dim3A_365 : vector<16xf32> to vector<16xf32>
    tpu.vector_store %arg11[%swap3A_366], %swap3A_369 {strides = array<i32>} : memref<1024xf32, #tpu.memory_space<vmem>>, vector<16xf32>,
    %broadcast_in_dim3A_370 = arith.constant 0.000000e+00 : f32
    %broadcast_in_dim3A_371 = vector.broadcast %broadcast_in_dim3A_370 : f32 to vector<16xf32>
    %swap3A_372 = arith.constant 976 : index
    %swap3A_373 = tpu.vector_load %arg11[%swap3A_372] {strides = array<i32>} : memref<1024xf32, #tpu.memory_space<vmem>>, vector<16xf32>,
    %swap3A_374 = vector.shape_cast %swap3A_373 : vector<16xf32> to vector<16xf32>
    %swap3A_375 = vector.shape_cast %broadcast_in_dim3A_371 : vector<16xf32> to vector<16xf32>
    tpu.vector_store %arg11[%swap3A_372], %swap3A_375 {strides = array<i32>} : memref<1024xf32, #tpu.memory_space<vmem>>, vector<16xf32>,
    %broadcast_in_dim3A_376 = arith.constant 0.000000e+00 : f32
    %broadcast_in_dim3A_377 = vector.broadcast %broadcast_in_dim3A_376 : f32 to vector<16xf32>
    %swap3A_378 = arith.constant 992 : index
    %swap3A_379 = tpu.vector_load %arg11[%swap3A_378] {strides = array<i32>} : memref<1024xf32, #tpu.memory_space<vmem>>, vector<16xf32>,
    %swap3A_380 = vector.shape_cast %swap3A_379 : vector<16xf32> to vector<16xf32>
    %swap3A_381 = vector.shape_cast %broadcast_in_dim3A_377 : vector<16xf32> to vector<16xf32>
    tpu.vector_store %arg11[%swap3A_378], %swap3A_381 {strides = array<i32>} : memref<1024xf32, #tpu.memory_space<vmem>>, vector<16xf32>,
    %broadcast_in_dim3A_382 = arith.constant 0.000000e+00 : f32
    %broadcast_in_dim3A_383 = vector.broadcast %broadcast_in_dim3A_382 : f32 to vector<16xf32>
    %swap3A_384 = arith.constant 1008 : index
    %swap3A_385 = tpu.vector_load %arg11[%swap3A_384] {strides = array<i32>} : memref<1024xf32, #tpu.memory_space<vmem>>, vector<16xf32>,
    %swap3A_386 = vector.shape_cast %swap3A_385 : vector<16xf32> to vector<16xf32>
    %swap3A_387 = vector.shape_cast %broadcast_in_dim3A_383 : vector<16xf32> to vector<16xf32>
    tpu.vector_store %arg11[%swap3A_384], %swap3A_387 {strides = array<i32>} : memref<1024xf32, #tpu.memory_space<vmem>>, vector<16xf32>,
    %mul3A_388 = arith.constant 632 : i32
    %mul3A_389 = arith.muli %arg1, %mul3A_388 : i32
    %add3A_390 = arith.constant 0 : i32
    %add3A_391 = arith.addi %mul3A_389, %add3A_390 : i32
    %run_scoped3A = arith.constant 1 : i32
    "tpu.region"() ({
      %run_scoped3A_829 = tpu.sem_alloc : memref<!tpu.dma_semaphore, #tpu.memory_space<semaphore_mem>>
      %dma_start3A_830 = arith.constant 0 : i32
      %dma_start3A_831 = arith.constant 0 : i32
      %dma_start3A_832 = tpu.memref_slice %arg9[%run_scoped3A, %dma_start3A_830, %dma_start3A_831] : memref<3x96x128xf32, #tpu.memory_space<vmem>> -> memref<1x96x128xf32, #tpu.memory_space<vmem>>
      %dma_start3A_833 = tpu.memref_squeeze %dma_start3A_832 : memref<1x96x128xf32, #tpu.memory_space<vmem>> -> memref<96x128xf32, #tpu.memory_space<vmem>>
      %dma_start3A_834 = arith.constant 0 : i32
      %dma_start3A_835 = tpu.memref_slice %arg12[%add3A_391, %dma_start3A_834] : memref<10112x128xf32, #tpu.memory_space<vmem_shared>> -> memref<96x128xf32, #tpu.memory_space<vmem_shared>>
      %dma_start3A_836 = arith.constant 0 : i32
      %dma_start3A_837 = tpu.memref_slice %arg12[%add3A_391, %dma_start3A_836] : memref<10112x128xf32, #tpu.memory_space<vmem_shared>> -> memref<96x128xf32, #tpu.memory_space<vmem_shared>>
      %dma_start3A_838 = arith.constant 0 : i32
      %dma_start3A_839 = arith.constant 0 : i32
      %dma_start3A_840 = tpu.memref_slice %arg9[%run_scoped3A, %dma_start3A_838, %dma_start3A_839] : memref<3x96x128xf32, #tpu.memory_space<vmem>> -> memref<1x96x128xf32, #tpu.memory_space<vmem>>
      %dma_start3A_841 = tpu.memref_squeeze %dma_start3A_840 : memref<1x96x128xf32, #tpu.memory_space<vmem>> -> memref<96x128xf32, #tpu.memory_space<vmem>>
      tpu.enqueue_dma source(%dma_start3A_841 : memref<96x128xf32, #tpu.memory_space<vmem>>) target(%dma_start3A_837 : memref<96x128xf32, #tpu.memory_space<vmem_shared>>) target_semaphore(%run_scoped3A_829 : memref<!tpu.dma_semaphore, #tpu.memory_space<semaphore_mem>>)
      %dma_wait3A_842 = arith.constant 0 : i32
      %dma_wait3A_843 = arith.constant 0 : i32
      %dma_wait3A_844 = tpu.memref_slice %arg9[%run_scoped3A, %dma_wait3A_842, %dma_wait3A_843] : memref<3x96x128xf32, #tpu.memory_space<vmem>> -> memref<1x96x128xf32, #tpu.memory_space<vmem>>
      %dma_wait3A_845 = tpu.memref_squeeze %dma_wait3A_844 : memref<1x96x128xf32, #tpu.memory_space<vmem>> -> memref<96x128xf32, #tpu.memory_space<vmem>>
      %dma_wait3A_846 = arith.constant 0 : i32
      %dma_wait3A_847 = tpu.memref_slice %arg12[%add3A_391, %dma_wait3A_846] : memref<10112x128xf32, #tpu.memory_space<vmem_shared>> -> memref<96x128xf32, #tpu.memory_space<vmem_shared>>
      %dma_wait3A_848 = arith.constant 0 : i32
      %dma_wait3A_849 = tpu.memref_slice %arg12[%add3A_391, %dma_wait3A_848] : memref<10112x128xf32, #tpu.memory_space<vmem_shared>> -> memref<96x128xf32, #tpu.memory_space<vmem_shared>>
      %dma_wait3A_850 = arith.constant 0 : i32
      %dma_wait3A_851 = arith.constant 0 : i32
      %dma_wait3A_852 = tpu.memref_slice %arg9[%run_scoped3A, %dma_wait3A_850, %dma_wait3A_851] : memref<3x96x128xf32, #tpu.memory_space<vmem>> -> memref<1x96x128xf32, #tpu.memory_space<vmem>>
      %dma_wait3A_853 = tpu.memref_squeeze %dma_wait3A_852 : memref<1x96x128xf32, #tpu.memory_space<vmem>> -> memref<96x128xf32, #tpu.memory_space<vmem>>
      tpu.wait_dma2 semaphore(%run_scoped3A_829 : memref<!tpu.dma_semaphore, #tpu.memory_space<semaphore_mem>>) src(%dma_wait3A_853 : memref<96x128xf32, #tpu.memory_space<vmem>>) dst(%dma_wait3A_849 : memref<96x128xf32, #tpu.memory_space<vmem_shared>>)
      tpu.yield
    }) : () -> ()
    %add3A_392 = arith.constant 96 : i32
    %add3A_393 = arith.addi %mul3A_389, %add3A_392 : i32
    %run_scoped3A_394 = arith.constant 1 : i32
    "tpu.region"() ({
      %run_scoped3A_829 = tpu.sem_alloc : memref<!tpu.dma_semaphore, #tpu.memory_space<semaphore_mem>>
      %dma_start3A_830 = arith.constant 0 : i32
      %dma_start3A_831 = arith.constant 0 : i32
      %dma_start3A_832 = tpu.memref_slice %arg9[%run_scoped3A_394, %dma_start3A_830, %dma_start3A_831] : memref<3x96x128xf32, #tpu.memory_space<vmem>> -> memref<1x96x128xf32, #tpu.memory_space<vmem>>
      %dma_start3A_833 = tpu.memref_squeeze %dma_start3A_832 : memref<1x96x128xf32, #tpu.memory_space<vmem>> -> memref<96x128xf32, #tpu.memory_space<vmem>>
      %dma_start3A_834 = arith.constant 0 : i32
      %dma_start3A_835 = tpu.memref_slice %arg12[%add3A_393, %dma_start3A_834] : memref<10112x128xf32, #tpu.memory_space<vmem_shared>> -> memref<96x128xf32, #tpu.memory_space<vmem_shared>>
      %dma_start3A_836 = arith.constant 0 : i32
      %dma_start3A_837 = tpu.memref_slice %arg12[%add3A_393, %dma_start3A_836] : memref<10112x128xf32, #tpu.memory_space<vmem_shared>> -> memref<96x128xf32, #tpu.memory_space<vmem_shared>>
      %dma_start3A_838 = arith.constant 0 : i32
      %dma_start3A_839 = arith.constant 0 : i32
      %dma_start3A_840 = tpu.memref_slice %arg9[%run_scoped3A_394, %dma_start3A_838, %dma_start3A_839] : memref<3x96x128xf32, #tpu.memory_space<vmem>> -> memref<1x96x128xf32, #tpu.memory_space<vmem>>
      %dma_start3A_841 = tpu.memref_squeeze %dma_start3A_840 : memref<1x96x128xf32, #tpu.memory_space<vmem>> -> memref<96x128xf32, #tpu.memory_space<vmem>>
      tpu.enqueue_dma source(%dma_start3A_841 : memref<96x128xf32, #tpu.memory_space<vmem>>) target(%dma_start3A_837 : memref<96x128xf32, #tpu.memory_space<vmem_shared>>) target_semaphore(%run_scoped3A_829 : memref<!tpu.dma_semaphore, #tpu.memory_space<semaphore_mem>>)
      %dma_wait3A_842 = arith.constant 0 : i32
      %dma_wait3A_843 = arith.constant 0 : i32
      %dma_wait3A_844 = tpu.memref_slice %arg9[%run_scoped3A_394, %dma_wait3A_842, %dma_wait3A_843] : memref<3x96x128xf32, #tpu.memory_space<vmem>> -> memref<1x96x128xf32, #tpu.memory_space<vmem>>
      %dma_wait3A_845 = tpu.memref_squeeze %dma_wait3A_844 : memref<1x96x128xf32, #tpu.memory_space<vmem>> -> memref<96x128xf32, #tpu.memory_space<vmem>>
      %dma_wait3A_846 = arith.constant 0 : i32
      %dma_wait3A_847 = tpu.memref_slice %arg12[%add3A_393, %dma_wait3A_846] : memref<10112x128xf32, #tpu.memory_space<vmem_shared>> -> memref<96x128xf32, #tpu.memory_space<vmem_shared>>
      %dma_wait3A_848 = arith.constant 0 : i32
      %dma_wait3A_849 = tpu.memref_slice %arg12[%add3A_393, %dma_wait3A_848] : memref<10112x128xf32, #tpu.memory_space<vmem_shared>> -> memref<96x128xf32, #tpu.memory_space<vmem_shared>>
      %dma_wait3A_850 = arith.constant 0 : i32
      %dma_wait3A_851 = arith.constant 0 : i32
      %dma_wait3A_852 = tpu.memref_slice %arg9[%run_scoped3A_394, %dma_wait3A_850, %dma_wait3A_851] : memref<3x96x128xf32, #tpu.memory_space<vmem>> -> memref<1x96x128xf32, #tpu.memory_space<vmem>>
      %dma_wait3A_853 = tpu.memref_squeeze %dma_wait3A_852 : memref<1x96x128xf32, #tpu.memory_space<vmem>> -> memref<96x128xf32, #tpu.memory_space<vmem>>
      tpu.wait_dma2 semaphore(%run_scoped3A_829 : memref<!tpu.dma_semaphore, #tpu.memory_space<semaphore_mem>>) src(%dma_wait3A_853 : memref<96x128xf32, #tpu.memory_space<vmem>>) dst(%dma_wait3A_849 : memref<96x128xf32, #tpu.memory_space<vmem_shared>>)
      tpu.yield
    }) : () -> ()
    %add3A_395 = arith.constant 192 : i32
    %add3A_396 = arith.addi %mul3A_389, %add3A_395 : i32
    %run_scoped3A_397 = arith.constant 1 : i32
    "tpu.region"() ({
      %run_scoped3A_829 = tpu.sem_alloc : memref<!tpu.dma_semaphore, #tpu.memory_space<semaphore_mem>>
      %dma_start3A_830 = arith.constant 0 : i32
      %dma_start3A_831 = arith.constant 0 : i32
      %dma_start3A_832 = tpu.memref_slice %arg9[%run_scoped3A_397, %dma_start3A_830, %dma_start3A_831] : memref<3x96x128xf32, #tpu.memory_space<vmem>> -> memref<1x96x128xf32, #tpu.memory_space<vmem>>
      %dma_start3A_833 = tpu.memref_squeeze %dma_start3A_832 : memref<1x96x128xf32, #tpu.memory_space<vmem>> -> memref<96x128xf32, #tpu.memory_space<vmem>>
      %dma_start3A_834 = arith.constant 0 : i32
      %dma_start3A_835 = tpu.memref_slice %arg12[%add3A_396, %dma_start3A_834] : memref<10112x128xf32, #tpu.memory_space<vmem_shared>> -> memref<96x128xf32, #tpu.memory_space<vmem_shared>>
      %dma_start3A_836 = arith.constant 0 : i32
      %dma_start3A_837 = tpu.memref_slice %arg12[%add3A_396, %dma_start3A_836] : memref<10112x128xf32, #tpu.memory_space<vmem_shared>> -> memref<96x128xf32, #tpu.memory_space<vmem_shared>>
      %dma_start3A_838 = arith.constant 0 : i32
      %dma_start3A_839 = arith.constant 0 : i32
      %dma_start3A_840 = tpu.memref_slice %arg9[%run_scoped3A_397, %dma_start3A_838, %dma_start3A_839] : memref<3x96x128xf32, #tpu.memory_space<vmem>> -> memref<1x96x128xf32, #tpu.memory_space<vmem>>
      %dma_start3A_841 = tpu.memref_squeeze %dma_start3A_840 : memref<1x96x128xf32, #tpu.memory_space<vmem>> -> memref<96x128xf32, #tpu.memory_space<vmem>>
      tpu.enqueue_dma source(%dma_start3A_841 : memref<96x128xf32, #tpu.memory_space<vmem>>) target(%dma_start3A_837 : memref<96x128xf32, #tpu.memory_space<vmem_shared>>) target_semaphore(%run_scoped3A_829 : memref<!tpu.dma_semaphore, #tpu.memory_space<semaphore_mem>>)
      %dma_wait3A_842 = arith.constant 0 : i32
      %dma_wait3A_843 = arith.constant 0 : i32
      %dma_wait3A_844 = tpu.memref_slice %arg9[%run_scoped3A_397, %dma_wait3A_842, %dma_wait3A_843] : memref<3x96x128xf32, #tpu.memory_space<vmem>> -> memref<1x96x128xf32, #tpu.memory_space<vmem>>
      %dma_wait3A_845 = tpu.memref_squeeze %dma_wait3A_844 : memref<1x96x128xf32, #tpu.memory_space<vmem>> -> memref<96x128xf32, #tpu.memory_space<vmem>>
      %dma_wait3A_846 = arith.constant 0 : i32
      %dma_wait3A_847 = tpu.memref_slice %arg12[%add3A_396, %dma_wait3A_846] : memref<10112x128xf32, #tpu.memory_space<vmem_shared>> -> memref<96x128xf32, #tpu.memory_space<vmem_shared>>
      %dma_wait3A_848 = arith.constant 0 : i32
      %dma_wait3A_849 = tpu.memref_slice %arg12[%add3A_396, %dma_wait3A_848] : memref<10112x128xf32, #tpu.memory_space<vmem_shared>> -> memref<96x128xf32, #tpu.memory_space<vmem_shared>>
      %dma_wait3A_850 = arith.constant 0 : i32
      %dma_wait3A_851 = arith.constant 0 : i32
      %dma_wait3A_852 = tpu.memref_slice %arg9[%run_scoped3A_397, %dma_wait3A_850, %dma_wait3A_851] : memref<3x96x128xf32, #tpu.memory_space<vmem>> -> memref<1x96x128xf32, #tpu.memory_space<vmem>>
      %dma_wait3A_853 = tpu.memref_squeeze %dma_wait3A_852 : memref<1x96x128xf32, #tpu.memory_space<vmem>> -> memref<96x128xf32, #tpu.memory_space<vmem>>
      tpu.wait_dma2 semaphore(%run_scoped3A_829 : memref<!tpu.dma_semaphore, #tpu.memory_space<semaphore_mem>>) src(%dma_wait3A_853 : memref<96x128xf32, #tpu.memory_space<vmem>>) dst(%dma_wait3A_849 : memref<96x128xf32, #tpu.memory_space<vmem_shared>>)
      tpu.yield
    }) : () -> ()
    %add3A_398 = arith.constant 288 : i32
    %add3A_399 = arith.addi %mul3A_389, %add3A_398 : i32
    %run_scoped3A_400 = arith.constant 1 : i32
    "tpu.region"() ({
      %run_scoped3A_829 = tpu.sem_alloc : memref<!tpu.dma_semaphore, #tpu.memory_space<semaphore_mem>>
      %dma_start3A_830 = arith.constant 0 : i32
      %dma_start3A_831 = arith.constant 0 : i32
      %dma_start3A_832 = tpu.memref_slice %arg9[%run_scoped3A_400, %dma_start3A_830, %dma_start3A_831] : memref<3x96x128xf32, #tpu.memory_space<vmem>> -> memref<1x96x128xf32, #tpu.memory_space<vmem>>
      %dma_start3A_833 = tpu.memref_squeeze %dma_start3A_832 : memref<1x96x128xf32, #tpu.memory_space<vmem>> -> memref<96x128xf32, #tpu.memory_space<vmem>>
      %dma_start3A_834 = arith.constant 0 : i32
      %dma_start3A_835 = tpu.memref_slice %arg12[%add3A_399, %dma_start3A_834] : memref<10112x128xf32, #tpu.memory_space<vmem_shared>> -> memref<96x128xf32, #tpu.memory_space<vmem_shared>>
      %dma_start3A_836 = arith.constant 0 : i32
      %dma_start3A_837 = tpu.memref_slice %arg12[%add3A_399, %dma_start3A_836] : memref<10112x128xf32, #tpu.memory_space<vmem_shared>> -> memref<96x128xf32, #tpu.memory_space<vmem_shared>>
      %dma_start3A_838 = arith.constant 0 : i32
      %dma_start3A_839 = arith.constant 0 : i32
      %dma_start3A_840 = tpu.memref_slice %arg9[%run_scoped3A_400, %dma_start3A_838, %dma_start3A_839] : memref<3x96x128xf32, #tpu.memory_space<vmem>> -> memref<1x96x128xf32, #tpu.memory_space<vmem>>
      %dma_start3A_841 = tpu.memref_squeeze %dma_start3A_840 : memref<1x96x128xf32, #tpu.memory_space<vmem>> -> memref<96x128xf32, #tpu.memory_space<vmem>>
      tpu.enqueue_dma source(%dma_start3A_841 : memref<96x128xf32, #tpu.memory_space<vmem>>) target(%dma_start3A_837 : memref<96x128xf32, #tpu.memory_space<vmem_shared>>) target_semaphore(%run_scoped3A_829 : memref<!tpu.dma_semaphore, #tpu.memory_space<semaphore_mem>>)
      %dma_wait3A_842 = arith.constant 0 : i32
      %dma_wait3A_843 = arith.constant 0 : i32
      %dma_wait3A_844 = tpu.memref_slice %arg9[%run_scoped3A_400, %dma_wait3A_842, %dma_wait3A_843] : memref<3x96x128xf32, #tpu.memory_space<vmem>> -> memref<1x96x128xf32, #tpu.memory_space<vmem>>
      %dma_wait3A_845 = tpu.memref_squeeze %dma_wait3A_844 : memref<1x96x128xf32, #tpu.memory_space<vmem>> -> memref<96x128xf32, #tpu.memory_space<vmem>>
      %dma_wait3A_846 = arith.constant 0 : i32
      %dma_wait3A_847 = tpu.memref_slice %arg12[%add3A_399, %dma_wait3A_846] : memref<10112x128xf32, #tpu.memory_space<vmem_shared>> -> memref<96x128xf32, #tpu.memory_space<vmem_shared>>
      %dma_wait3A_848 = arith.constant 0 : i32
      %dma_wait3A_849 = tpu.memref_slice %arg12[%add3A_399, %dma_wait3A_848] : memref<10112x128xf32, #tpu.memory_space<vmem_shared>> -> memref<96x128xf32, #tpu.memory_space<vmem_shared>>
      %dma_wait3A_850 = arith.constant 0 : i32
      %dma_wait3A_851 = arith.constant 0 : i32
      %dma_wait3A_852 = tpu.memref_slice %arg9[%run_scoped3A_400, %dma_wait3A_850, %dma_wait3A_851] : memref<3x96x128xf32, #tpu.memory_space<vmem>> -> memref<1x96x128xf32, #tpu.memory_space<vmem>>
      %dma_wait3A_853 = tpu.memref_squeeze %dma_wait3A_852 : memref<1x96x128xf32, #tpu.memory_space<vmem>> -> memref<96x128xf32, #tpu.memory_space<vmem>>
      tpu.wait_dma2 semaphore(%run_scoped3A_829 : memref<!tpu.dma_semaphore, #tpu.memory_space<semaphore_mem>>) src(%dma_wait3A_853 : memref<96x128xf32, #tpu.memory_space<vmem>>) dst(%dma_wait3A_849 : memref<96x128xf32, #tpu.memory_space<vmem_shared>>)
      tpu.yield
    }) : () -> ()
    %add3A_401 = arith.constant 384 : i32
    %add3A_402 = arith.addi %mul3A_389, %add3A_401 : i32
    %run_scoped3A_403 = arith.constant 1 : i32
    "tpu.region"() ({
      %run_scoped3A_829 = tpu.sem_alloc : memref<!tpu.dma_semaphore, #tpu.memory_space<semaphore_mem>>
      %dma_start3A_830 = arith.constant 0 : i32
      %dma_start3A_831 = arith.constant 0 : i32
      %dma_start3A_832 = tpu.memref_slice %arg9[%run_scoped3A_403, %dma_start3A_830, %dma_start3A_831] : memref<3x96x128xf32, #tpu.memory_space<vmem>> -> memref<1x96x128xf32, #tpu.memory_space<vmem>>
      %dma_start3A_833 = tpu.memref_squeeze %dma_start3A_832 : memref<1x96x128xf32, #tpu.memory_space<vmem>> -> memref<96x128xf32, #tpu.memory_space<vmem>>
      %dma_start3A_834 = arith.constant 0 : i32
      %dma_start3A_835 = tpu.memref_slice %arg12[%add3A_402, %dma_start3A_834] : memref<10112x128xf32, #tpu.memory_space<vmem_shared>> -> memref<96x128xf32, #tpu.memory_space<vmem_shared>>
      %dma_start3A_836 = arith.constant 0 : i32
      %dma_start3A_837 = tpu.memref_slice %arg12[%add3A_402, %dma_start3A_836] : memref<10112x128xf32, #tpu.memory_space<vmem_shared>> -> memref<96x128xf32, #tpu.memory_space<vmem_shared>>
      %dma_start3A_838 = arith.constant 0 : i32
      %dma_start3A_839 = arith.constant 0 : i32
      %dma_start3A_840 = tpu.memref_slice %arg9[%run_scoped3A_403, %dma_start3A_838, %dma_start3A_839] : memref<3x96x128xf32, #tpu.memory_space<vmem>> -> memref<1x96x128xf32, #tpu.memory_space<vmem>>
      %dma_start3A_841 = tpu.memref_squeeze %dma_start3A_840 : memref<1x96x128xf32, #tpu.memory_space<vmem>> -> memref<96x128xf32, #tpu.memory_space<vmem>>
      tpu.enqueue_dma source(%dma_start3A_841 : memref<96x128xf32, #tpu.memory_space<vmem>>) target(%dma_start3A_837 : memref<96x128xf32, #tpu.memory_space<vmem_shared>>) target_semaphore(%run_scoped3A_829 : memref<!tpu.dma_semaphore, #tpu.memory_space<semaphore_mem>>)
      %dma_wait3A_842 = arith.constant 0 : i32
      %dma_wait3A_843 = arith.constant 0 : i32
      %dma_wait3A_844 = tpu.memref_slice %arg9[%run_scoped3A_403, %dma_wait3A_842, %dma_wait3A_843] : memref<3x96x128xf32, #tpu.memory_space<vmem>> -> memref<1x96x128xf32, #tpu.memory_space<vmem>>
      %dma_wait3A_845 = tpu.memref_squeeze %dma_wait3A_844 : memref<1x96x128xf32, #tpu.memory_space<vmem>> -> memref<96x128xf32, #tpu.memory_space<vmem>>
      %dma_wait3A_846 = arith.constant 0 : i32
      %dma_wait3A_847 = tpu.memref_slice %arg12[%add3A_402, %dma_wait3A_846] : memref<10112x128xf32, #tpu.memory_space<vmem_shared>> -> memref<96x128xf32, #tpu.memory_space<vmem_shared>>
      %dma_wait3A_848 = arith.constant 0 : i32
      %dma_wait3A_849 = tpu.memref_slice %arg12[%add3A_402, %dma_wait3A_848] : memref<10112x128xf32, #tpu.memory_space<vmem_shared>> -> memref<96x128xf32, #tpu.memory_space<vmem_shared>>
      %dma_wait3A_850 = arith.constant 0 : i32
      %dma_wait3A_851 = arith.constant 0 : i32
      %dma_wait3A_852 = tpu.memref_slice %arg9[%run_scoped3A_403, %dma_wait3A_850, %dma_wait3A_851] : memref<3x96x128xf32, #tpu.memory_space<vmem>> -> memref<1x96x128xf32, #tpu.memory_space<vmem>>
      %dma_wait3A_853 = tpu.memref_squeeze %dma_wait3A_852 : memref<1x96x128xf32, #tpu.memory_space<vmem>> -> memref<96x128xf32, #tpu.memory_space<vmem>>
      tpu.wait_dma2 semaphore(%run_scoped3A_829 : memref<!tpu.dma_semaphore, #tpu.memory_space<semaphore_mem>>) src(%dma_wait3A_853 : memref<96x128xf32, #tpu.memory_space<vmem>>) dst(%dma_wait3A_849 : memref<96x128xf32, #tpu.memory_space<vmem_shared>>)
      tpu.yield
    }) : () -> ()
    %add3A_404 = arith.constant 480 : i32
    %add3A_405 = arith.addi %mul3A_389, %add3A_404 : i32
    %run_scoped3A_406 = arith.constant 1 : i32
    "tpu.region"() ({
      %run_scoped3A_829 = tpu.sem_alloc : memref<!tpu.dma_semaphore, #tpu.memory_space<semaphore_mem>>
      %dma_start3A_830 = arith.constant 0 : i32
      %dma_start3A_831 = arith.constant 0 : i32
      %dma_start3A_832 = tpu.memref_slice %arg9[%run_scoped3A_406, %dma_start3A_830, %dma_start3A_831] : memref<3x96x128xf32, #tpu.memory_space<vmem>> -> memref<1x96x128xf32, #tpu.memory_space<vmem>>
      %dma_start3A_833 = tpu.memref_squeeze %dma_start3A_832 : memref<1x96x128xf32, #tpu.memory_space<vmem>> -> memref<96x128xf32, #tpu.memory_space<vmem>>
      %dma_start3A_834 = arith.constant 0 : i32
      %dma_start3A_835 = tpu.memref_slice %arg12[%add3A_405, %dma_start3A_834] : memref<10112x128xf32, #tpu.memory_space<vmem_shared>> -> memref<96x128xf32, #tpu.memory_space<vmem_shared>>
      %dma_start3A_836 = arith.constant 0 : i32
      %dma_start3A_837 = tpu.memref_slice %arg12[%add3A_405, %dma_start3A_836] : memref<10112x128xf32, #tpu.memory_space<vmem_shared>> -> memref<96x128xf32, #tpu.memory_space<vmem_shared>>
      %dma_start3A_838 = arith.constant 0 : i32
      %dma_start3A_839 = arith.constant 0 : i32
      %dma_start3A_840 = tpu.memref_slice %arg9[%run_scoped3A_406, %dma_start3A_838, %dma_start3A_839] : memref<3x96x128xf32, #tpu.memory_space<vmem>> -> memref<1x96x128xf32, #tpu.memory_space<vmem>>
      %dma_start3A_841 = tpu.memref_squeeze %dma_start3A_840 : memref<1x96x128xf32, #tpu.memory_space<vmem>> -> memref<96x128xf32, #tpu.memory_space<vmem>>
      tpu.enqueue_dma source(%dma_start3A_841 : memref<96x128xf32, #tpu.memory_space<vmem>>) target(%dma_start3A_837 : memref<96x128xf32, #tpu.memory_space<vmem_shared>>) target_semaphore(%run_scoped3A_829 : memref<!tpu.dma_semaphore, #tpu.memory_space<semaphore_mem>>)
      %dma_wait3A_842 = arith.constant 0 : i32
      %dma_wait3A_843 = arith.constant 0 : i32
      %dma_wait3A_844 = tpu.memref_slice %arg9[%run_scoped3A_406, %dma_wait3A_842, %dma_wait3A_843] : memref<3x96x128xf32, #tpu.memory_space<vmem>> -> memref<1x96x128xf32, #tpu.memory_space<vmem>>
      %dma_wait3A_845 = tpu.memref_squeeze %dma_wait3A_844 : memref<1x96x128xf32, #tpu.memory_space<vmem>> -> memref<96x128xf32, #tpu.memory_space<vmem>>
      %dma_wait3A_846 = arith.constant 0 : i32
      %dma_wait3A_847 = tpu.memref_slice %arg12[%add3A_405, %dma_wait3A_846] : memref<10112x128xf32, #tpu.memory_space<vmem_shared>> -> memref<96x128xf32, #tpu.memory_space<vmem_shared>>
      %dma_wait3A_848 = arith.constant 0 : i32
      %dma_wait3A_849 = tpu.memref_slice %arg12[%add3A_405, %dma_wait3A_848] : memref<10112x128xf32, #tpu.memory_space<vmem_shared>> -> memref<96x128xf32, #tpu.memory_space<vmem_shared>>
      %dma_wait3A_850 = arith.constant 0 : i32
      %dma_wait3A_851 = arith.constant 0 : i32
      %dma_wait3A_852 = tpu.memref_slice %arg9[%run_scoped3A_406, %dma_wait3A_850, %dma_wait3A_851] : memref<3x96x128xf32, #tpu.memory_space<vmem>> -> memref<1x96x128xf32, #tpu.memory_space<vmem>>
      %dma_wait3A_853 = tpu.memref_squeeze %dma_wait3A_852 : memref<1x96x128xf32, #tpu.memory_space<vmem>> -> memref<96x128xf32, #tpu.memory_space<vmem>>
      tpu.wait_dma2 semaphore(%run_scoped3A_829 : memref<!tpu.dma_semaphore, #tpu.memory_space<semaphore_mem>>) src(%dma_wait3A_853 : memref<96x128xf32, #tpu.memory_space<vmem>>) dst(%dma_wait3A_849 : memref<96x128xf32, #tpu.memory_space<vmem_shared>>)
      tpu.yield
    }) : () -> ()
    %add3A_407 = arith.constant 576 : i32
    %add3A_408 = arith.addi %mul3A_389, %add3A_407 : i32
    %run_scoped3A_409 = arith.constant 1 : i32
    "tpu.region"() ({
      %run_scoped3A_829 = tpu.sem_alloc : memref<!tpu.dma_semaphore, #tpu.memory_space<semaphore_mem>>
      %dma_start3A_830 = arith.constant 0 : i32
      %dma_start3A_831 = arith.constant 0 : i32
      %dma_start3A_832 = tpu.memref_slice %arg9[%run_scoped3A_409, %dma_start3A_830, %dma_start3A_831] : memref<3x96x128xf32, #tpu.memory_space<vmem>> -> memref<1x56x128xf32, #tpu.memory_space<vmem>>
      %dma_start3A_833 = tpu.memref_squeeze %dma_start3A_832 : memref<1x56x128xf32, #tpu.memory_space<vmem>> -> memref<56x128xf32, #tpu.memory_space<vmem>>
      %dma_start3A_834 = arith.constant 0 : i32
      %dma_start3A_835 = tpu.memref_slice %arg12[%add3A_408, %dma_start3A_834] : memref<10112x128xf32, #tpu.memory_space<vmem_shared>> -> memref<56x128xf32, #tpu.memory_space<vmem_shared>>
      %dma_start3A_836 = arith.constant 0 : i32
      %dma_start3A_837 = tpu.memref_slice %arg12[%add3A_408, %dma_start3A_836] : memref<10112x128xf32, #tpu.memory_space<vmem_shared>> -> memref<56x128xf32, #tpu.memory_space<vmem_shared>>
      %dma_start3A_838 = arith.constant 0 : i32
      %dma_start3A_839 = arith.constant 0 : i32
      %dma_start3A_840 = tpu.memref_slice %arg9[%run_scoped3A_409, %dma_start3A_838, %dma_start3A_839] : memref<3x96x128xf32, #tpu.memory_space<vmem>> -> memref<1x56x128xf32, #tpu.memory_space<vmem>>
      %dma_start3A_841 = tpu.memref_squeeze %dma_start3A_840 : memref<1x56x128xf32, #tpu.memory_space<vmem>> -> memref<56x128xf32, #tpu.memory_space<vmem>>
      tpu.enqueue_dma source(%dma_start3A_841 : memref<56x128xf32, #tpu.memory_space<vmem>>) target(%dma_start3A_837 : memref<56x128xf32, #tpu.memory_space<vmem_shared>>) target_semaphore(%run_scoped3A_829 : memref<!tpu.dma_semaphore, #tpu.memory_space<semaphore_mem>>)
      %dma_wait3A_842 = arith.constant 0 : i32
      %dma_wait3A_843 = arith.constant 0 : i32
      %dma_wait3A_844 = tpu.memref_slice %arg9[%run_scoped3A_409, %dma_wait3A_842, %dma_wait3A_843] : memref<3x96x128xf32, #tpu.memory_space<vmem>> -> memref<1x56x128xf32, #tpu.memory_space<vmem>>
      %dma_wait3A_845 = tpu.memref_squeeze %dma_wait3A_844 : memref<1x56x128xf32, #tpu.memory_space<vmem>> -> memref<56x128xf32, #tpu.memory_space<vmem>>
      %dma_wait3A_846 = arith.constant 0 : i32
      %dma_wait3A_847 = tpu.memref_slice %arg12[%add3A_408, %dma_wait3A_846] : memref<10112x128xf32, #tpu.memory_space<vmem_shared>> -> memref<56x128xf32, #tpu.memory_space<vmem_shared>>
      %dma_wait3A_848 = arith.constant 0 : i32
      %dma_wait3A_849 = tpu.memref_slice %arg12[%add3A_408, %dma_wait3A_848] : memref<10112x128xf32, #tpu.memory_space<vmem_shared>> -> memref<56x128xf32, #tpu.memory_space<vmem_shared>>
      %dma_wait3A_850 = arith.constant 0 : i32
      %dma_wait3A_851 = arith.constant 0 : i32
      %dma_wait3A_852 = tpu.memref_slice %arg9[%run_scoped3A_409, %dma_wait3A_850, %dma_wait3A_851] : memref<3x96x128xf32, #tpu.memory_space<vmem>> -> memref<1x56x128xf32, #tpu.memory_space<vmem>>
      %dma_wait3A_853 = tpu.memref_squeeze %dma_wait3A_852 : memref<1x56x128xf32, #tpu.memory_space<vmem>> -> memref<56x128xf32, #tpu.memory_space<vmem>>
      tpu.wait_dma2 semaphore(%run_scoped3A_829 : memref<!tpu.dma_semaphore, #tpu.memory_space<semaphore_mem>>) src(%dma_wait3A_853 : memref<56x128xf32, #tpu.memory_space<vmem>>) dst(%dma_wait3A_849 : memref<56x128xf32, #tpu.memory_space<vmem_shared>>)
      tpu.yield
    }) : () -> ()
    %mul3A_410 = arith.constant 1024 : i32
    %mul3A_411 = arith.muli %arg1, %mul3A_410 : i32
    "tpu.region"() ({
      %run_scoped3A_829 = tpu.sem_alloc : memref<!tpu.dma_semaphore, #tpu.memory_space<semaphore_mem>>
      %dma_start3A_830 = tpu.memref_slice %arg13[%mul3A_411] : memref<16384xf32, #tpu.memory_space<vmem_shared>> -> memref<1024xf32, #tpu.memory_space<vmem_shared>>
      %dma_start3A_831 = tpu.memref_slice %arg13[%mul3A_411] : memref<16384xf32, #tpu.memory_space<vmem_shared>> -> memref<1024xf32, #tpu.memory_space<vmem_shared>>
      tpu.enqueue_dma source(%arg11 : memref<1024xf32, #tpu.memory_space<vmem>>) target(%dma_start3A_831 : memref<1024xf32, #tpu.memory_space<vmem_shared>>) target_semaphore(%run_scoped3A_829 : memref<!tpu.dma_semaphore, #tpu.memory_space<semaphore_mem>>)
      %dma_wait3A_832 = tpu.memref_slice %arg13[%mul3A_411] : memref<16384xf32, #tpu.memory_space<vmem_shared>> -> memref<1024xf32, #tpu.memory_space<vmem_shared>>
      %dma_wait3A_833 = tpu.memref_slice %arg13[%mul3A_411] : memref<16384xf32, #tpu.memory_space<vmem_shared>> -> memref<1024xf32, #tpu.memory_space<vmem_shared>>
      tpu.wait_dma2 semaphore(%run_scoped3A_829 : memref<!tpu.dma_semaphore, #tpu.memory_space<semaphore_mem>>) src(%arg11 : memref<1024xf32, #tpu.memory_space<vmem>>) dst(%dma_wait3A_833 : memref<1024xf32, #tpu.memory_space<vmem_shared>>)
      tpu.yield
    }) : () -> ()
    %broadcast_in_dim3A_412 = arith.constant 1.000000e+00 : f32
    %broadcast_in_dim3A_413 = vector.broadcast %broadcast_in_dim3A_412 : f32 to vector<16xf32>
    %swap3A_414 = arith.constant 0 : index
    %swap3A_415 = tpu.vector_load %arg10[%swap3A_414] {strides = array<i32>} : memref<96xf32, #tpu.memory_space<vmem>>, vector<16xf32>,
    %swap3A_416 = vector.shape_cast %swap3A_415 : vector<16xf32> to vector<16xf32>
    %swap3A_417 = vector.shape_cast %broadcast_in_dim3A_413 : vector<16xf32> to vector<16xf32>
    tpu.vector_store %arg10[%swap3A_414], %swap3A_417 {strides = array<i32>} : memref<96xf32, #tpu.memory_space<vmem>>, vector<16xf32>,
    %broadcast_in_dim3A_418 = arith.constant 1.000000e+00 : f32
    %broadcast_in_dim3A_419 = vector.broadcast %broadcast_in_dim3A_418 : f32 to vector<16xf32>
    %swap3A_420 = arith.constant 16 : index
    %swap3A_421 = tpu.vector_load %arg10[%swap3A_420] {strides = array<i32>} : memref<96xf32, #tpu.memory_space<vmem>>, vector<16xf32>,
    %swap3A_422 = vector.shape_cast %swap3A_421 : vector<16xf32> to vector<16xf32>
    %swap3A_423 = vector.shape_cast %broadcast_in_dim3A_419 : vector<16xf32> to vector<16xf32>
    tpu.vector_store %arg10[%swap3A_420], %swap3A_423 {strides = array<i32>} : memref<96xf32, #tpu.memory_space<vmem>>, vector<16xf32>,
    %broadcast_in_dim3A_424 = arith.constant 1.000000e+00 : f32
    %broadcast_in_dim3A_425 = vector.broadcast %broadcast_in_dim3A_424 : f32 to vector<16xf32>
    %swap3A_426 = arith.constant 32 : index
    %swap3A_427 = tpu.vector_load %arg10[%swap3A_426] {strides = array<i32>} : memref<96xf32, #tpu.memory_space<vmem>>, vector<16xf32>,
    %swap3A_428 = vector.shape_cast %swap3A_427 : vector<16xf32> to vector<16xf32>
    %swap3A_429 = vector.shape_cast %broadcast_in_dim3A_425 : vector<16xf32> to vector<16xf32>
    tpu.vector_store %arg10[%swap3A_426], %swap3A_429 {strides = array<i32>} : memref<96xf32, #tpu.memory_space<vmem>>, vector<16xf32>,
    %broadcast_in_dim3A_430 = arith.constant 1.000000e+00 : f32
    %broadcast_in_dim3A_431 = vector.broadcast %broadcast_in_dim3A_430 : f32 to vector<16xf32>
    %swap3A_432 = arith.constant 48 : index
    %swap3A_433 = tpu.vector_load %arg10[%swap3A_432] {strides = array<i32>} : memref<96xf32, #tpu.memory_space<vmem>>, vector<16xf32>,
    %swap3A_434 = vector.shape_cast %swap3A_433 : vector<16xf32> to vector<16xf32>
    %swap3A_435 = vector.shape_cast %broadcast_in_dim3A_431 : vector<16xf32> to vector<16xf32>
    tpu.vector_store %arg10[%swap3A_432], %swap3A_435 {strides = array<i32>} : memref<96xf32, #tpu.memory_space<vmem>>, vector<16xf32>,
    %broadcast_in_dim3A_436 = arith.constant 1.000000e+00 : f32
    %broadcast_in_dim3A_437 = vector.broadcast %broadcast_in_dim3A_436 : f32 to vector<16xf32>
    %swap3A_438 = arith.constant 64 : index
    %swap3A_439 = tpu.vector_load %arg10[%swap3A_438] {strides = array<i32>} : memref<96xf32, #tpu.memory_space<vmem>>, vector<16xf32>,
    %swap3A_440 = vector.shape_cast %swap3A_439 : vector<16xf32> to vector<16xf32>
    %swap3A_441 = vector.shape_cast %broadcast_in_dim3A_437 : vector<16xf32> to vector<16xf32>
    tpu.vector_store %arg10[%swap3A_438], %swap3A_441 {strides = array<i32>} : memref<96xf32, #tpu.memory_space<vmem>>, vector<16xf32>,
    %broadcast_in_dim3A_442 = arith.constant 1.000000e+00 : f32
    %broadcast_in_dim3A_443 = vector.broadcast %broadcast_in_dim3A_442 : f32 to vector<16xf32>
    %swap3A_444 = arith.constant 80 : index
    %swap3A_445 = tpu.vector_load %arg10[%swap3A_444] {strides = array<i32>} : memref<96xf32, #tpu.memory_space<vmem>>, vector<16xf32>,
    %swap3A_446 = vector.shape_cast %swap3A_445 : vector<16xf32> to vector<16xf32>
    %swap3A_447 = vector.shape_cast %broadcast_in_dim3A_443 : vector<16xf32> to vector<16xf32>
    tpu.vector_store %arg10[%swap3A_444], %swap3A_447 {strides = array<i32>} : memref<96xf32, #tpu.memory_space<vmem>>, vector<16xf32>,
    %barrier3A = arith.constant 0 : index
    tpu.barrier barrier_id(%barrier3A)
    "tpu.region"() ({
      %run_scoped3A_829 = tpu.sem_alloc : memref<!tpu.dma_semaphore, #tpu.memory_space<semaphore_mem>>
      %dma_start3A_830 = arith.constant 0 : i32
      %dma_start3A_831 = arith.constant 0 : i32
      %dma_start3A_832 = tpu.memref_slice %arg7[%dma_start3A_830, %dma_start3A_831] : memref<24x96xi32, #tpu.memory_space<vmem>> -> memref<24x96xi32, #tpu.memory_space<vmem>>
      %dma_start3A_833 = arith.constant 0 : i32
      %dma_start3A_834 = arith.constant 0 : i32
      %dma_start3A_835 = tpu.memref_slice %arg3[%add3A, %dma_start3A_833, %dma_start3A_834] : memref<32x108x96xi32, #tpu.memory_space<hbm>> -> memref<1x24x96xi32, #tpu.memory_space<hbm>>
      %dma_start3A_836 = tpu.memref_squeeze %dma_start3A_835 : memref<1x24x96xi32, #tpu.memory_space<hbm>> -> memref<24x96xi32, #tpu.memory_space<hbm>>
      %dma_start3A_837 = arith.constant 0 : i32
      %dma_start3A_838 = arith.constant 0 : i32
      %dma_start3A_839 = tpu.memref_slice %arg7[%dma_start3A_837, %dma_start3A_838] : memref<24x96xi32, #tpu.memory_space<vmem>> -> memref<24x96xi32, #tpu.memory_space<vmem>>
      %dma_start3A_840 = arith.constant 0 : i32
      %dma_start3A_841 = arith.constant 0 : i32
      %dma_start3A_842 = tpu.memref_slice %arg3[%add3A, %dma_start3A_840, %dma_start3A_841] : memref<32x108x96xi32, #tpu.memory_space<hbm>> -> memref<1x24x96xi32, #tpu.memory_space<hbm>>
      %dma_start3A_843 = tpu.memref_squeeze %dma_start3A_842 : memref<1x24x96xi32, #tpu.memory_space<hbm>> -> memref<24x96xi32, #tpu.memory_space<hbm>>
      tpu.enqueue_dma source(%dma_start3A_843 : memref<24x96xi32, #tpu.memory_space<hbm>>) target(%dma_start3A_839 : memref<24x96xi32, #tpu.memory_space<vmem>>) target_semaphore(%run_scoped3A_829 : memref<!tpu.dma_semaphore, #tpu.memory_space<semaphore_mem>>)
      %dma_wait3A_844 = arith.constant 0 : i32
      %dma_wait3A_845 = arith.constant 0 : i32
      %dma_wait3A_846 = tpu.memref_slice %arg7[%dma_wait3A_844, %dma_wait3A_845] : memref<24x96xi32, #tpu.memory_space<vmem>> -> memref<24x96xi32, #tpu.memory_space<vmem>>
      %dma_wait3A_847 = arith.constant 0 : i32
      %dma_wait3A_848 = arith.constant 0 : i32
      %dma_wait3A_849 = tpu.memref_slice %arg3[%add3A, %dma_wait3A_847, %dma_wait3A_848] : memref<32x108x96xi32, #tpu.memory_space<hbm>> -> memref<1x24x96xi32, #tpu.memory_space<hbm>>
      %dma_wait3A_850 = tpu.memref_squeeze %dma_wait3A_849 : memref<1x24x96xi32, #tpu.memory_space<hbm>> -> memref<24x96xi32, #tpu.memory_space<hbm>>
      %dma_wait3A_851 = arith.constant 0 : i32
      %dma_wait3A_852 = arith.constant 0 : i32
      %dma_wait3A_853 = tpu.memref_slice %arg7[%dma_wait3A_851, %dma_wait3A_852] : memref<24x96xi32, #tpu.memory_space<vmem>> -> memref<24x96xi32, #tpu.memory_space<vmem>>
      %dma_wait3A_854 = arith.constant 0 : i32
      %dma_wait3A_855 = arith.constant 0 : i32
      %dma_wait3A_856 = tpu.memref_slice %arg3[%add3A, %dma_wait3A_854, %dma_wait3A_855] : memref<32x108x96xi32, #tpu.memory_space<hbm>> -> memref<1x24x96xi32, #tpu.memory_space<hbm>>
      %dma_wait3A_857 = tpu.memref_squeeze %dma_wait3A_856 : memref<1x24x96xi32, #tpu.memory_space<hbm>> -> memref<24x96xi32, #tpu.memory_space<hbm>>
      tpu.wait_dma2 semaphore(%run_scoped3A_829 : memref<!tpu.dma_semaphore, #tpu.memory_space<semaphore_mem>>) src(%dma_wait3A_857 : memref<24x96xi32, #tpu.memory_space<hbm>>) dst(%dma_wait3A_853 : memref<24x96xi32, #tpu.memory_space<vmem>>)
      tpu.yield
    }) : () -> ()
    "tpu.region"() ({
      %run_scoped3A_829 = tpu.sem_alloc : memref<!tpu.dma_semaphore, #tpu.memory_space<semaphore_mem>>
      %dma_start3A_830 = arith.constant 0 : i32
      %dma_start3A_831 = arith.constant 0 : i32
      %dma_start3A_832 = tpu.memref_slice %arg8[%dma_start3A_830, %dma_start3A_831] : memref<24x96xi32, #tpu.memory_space<vmem>> -> memref<24x96xi32, #tpu.memory_space<vmem>>
      %dma_start3A_833 = arith.constant 0 : i32
      %dma_start3A_834 = arith.constant 0 : i32
      %dma_start3A_835 = tpu.memref_slice %arg4[%add3A, %dma_start3A_833, %dma_start3A_834] : memref<32x108x96xi32, #tpu.memory_space<hbm>> -> memref<1x24x96xi32, #tpu.memory_space<hbm>>
      %dma_start3A_836 = tpu.memref_squeeze %dma_start3A_835 : memref<1x24x96xi32, #tpu.memory_space<hbm>> -> memref<24x96xi32, #tpu.memory_space<hbm>>
      %dma_start3A_837 = arith.constant 0 : i32
      %dma_start3A_838 = arith.constant 0 : i32
      %dma_start3A_839 = tpu.memref_slice %arg8[%dma_start3A_837, %dma_start3A_838] : memref<24x96xi32, #tpu.memory_space<vmem>> -> memref<24x96xi32, #tpu.memory_space<vmem>>
      %dma_start3A_840 = arith.constant 0 : i32
      %dma_start3A_841 = arith.constant 0 : i32
      %dma_start3A_842 = tpu.memref_slice %arg4[%add3A, %dma_start3A_840, %dma_start3A_841] : memref<32x108x96xi32, #tpu.memory_space<hbm>> -> memref<1x24x96xi32, #tpu.memory_space<hbm>>
      %dma_start3A_843 = tpu.memref_squeeze %dma_start3A_842 : memref<1x24x96xi32, #tpu.memory_space<hbm>> -> memref<24x96xi32, #tpu.memory_space<hbm>>
      tpu.enqueue_dma source(%dma_start3A_843 : memref<24x96xi32, #tpu.memory_space<hbm>>) target(%dma_start3A_839 : memref<24x96xi32, #tpu.memory_space<vmem>>) target_semaphore(%run_scoped3A_829 : memref<!tpu.dma_semaphore, #tpu.memory_space<semaphore_mem>>)
      %dma_wait3A_844 = arith.constant 0 : i32
      %dma_wait3A_845 = arith.constant 0 : i32
      %dma_wait3A_846 = tpu.memref_slice %arg8[%dma_wait3A_844, %dma_wait3A_845] : memref<24x96xi32, #tpu.memory_space<vmem>> -> memref<24x96xi32, #tpu.memory_space<vmem>>
      %dma_wait3A_847 = arith.constant 0 : i32
      %dma_wait3A_848 = arith.constant 0 : i32
      %dma_wait3A_849 = tpu.memref_slice %arg4[%add3A, %dma_wait3A_847, %dma_wait3A_848] : memref<32x108x96xi32, #tpu.memory_space<hbm>> -> memref<1x24x96xi32, #tpu.memory_space<hbm>>
      %dma_wait3A_850 = tpu.memref_squeeze %dma_wait3A_849 : memref<1x24x96xi32, #tpu.memory_space<hbm>> -> memref<24x96xi32, #tpu.memory_space<hbm>>
      %dma_wait3A_851 = arith.constant 0 : i32
      %dma_wait3A_852 = arith.constant 0 : i32
      %dma_wait3A_853 = tpu.memref_slice %arg8[%dma_wait3A_851, %dma_wait3A_852] : memref<24x96xi32, #tpu.memory_space<vmem>> -> memref<24x96xi32, #tpu.memory_space<vmem>>
      %dma_wait3A_854 = arith.constant 0 : i32
      %dma_wait3A_855 = arith.constant 0 : i32
      %dma_wait3A_856 = tpu.memref_slice %arg4[%add3A, %dma_wait3A_854, %dma_wait3A_855] : memref<32x108x96xi32, #tpu.memory_space<hbm>> -> memref<1x24x96xi32, #tpu.memory_space<hbm>>
      %dma_wait3A_857 = tpu.memref_squeeze %dma_wait3A_856 : memref<1x24x96xi32, #tpu.memory_space<hbm>> -> memref<24x96xi32, #tpu.memory_space<hbm>>
      tpu.wait_dma2 semaphore(%run_scoped3A_829 : memref<!tpu.dma_semaphore, #tpu.memory_space<semaphore_mem>>) src(%dma_wait3A_857 : memref<24x96xi32, #tpu.memory_space<hbm>>) dst(%dma_wait3A_853 : memref<24x96xi32, #tpu.memory_space<vmem>>)
      tpu.yield
    }) : () -> ()
    %dma_start3A = arith.constant 0 : i32
    %dma_start3A_448 = arith.constant 0 : i32
    %dma_start3A_449 = arith.constant 0 : i32
    %dma_start3A_450 = arith.constant 0 : i32
    %dma_start3A_451 = tpu.memref_slice %arg9[%dma_start3A_448, %dma_start3A_449, %dma_start3A_450] : memref<3x96x128xf32, #tpu.memory_space<vmem>> -> memref<1x96x128xf32, #tpu.memory_space<vmem>>
    %dma_start3A_452 = tpu.memref_squeeze %dma_start3A_451 : memref<1x96x128xf32, #tpu.memory_space<vmem>> -> memref<96x128xf32, #tpu.memory_space<vmem>>
    %dma_start3A_453 = arith.constant 0 : i32
    %dma_start3A_454 = tpu.memref_slice %arg7[%dma_start3A, %dma_start3A_453] : memref<24x96xi32, #tpu.memory_space<vmem>> -> memref<1x96xi32, #tpu.memory_space<vmem>>
    %dma_start3A_455 = tpu.memref_squeeze %dma_start3A_454 : memref<1x96xi32, #tpu.memory_space<vmem>> -> memref<96xi32, #tpu.memory_space<vmem>>
    %dma_start3A_456 = arith.constant 0 : i32
    %dma_start3A_457 = arith.constant 0 : i32
    %dma_start3A_458 = tpu.memref_slice %arg2[%dma_start3A_456, %dma_start3A_457] : memref<10000x128xf32, #tpu.memory_space<hbm>> -> memref<10000x128xf32, #tpu.memory_space<hbm>>
    tpu.enqueue_indirect_dma source(%dma_start3A_458 : memref<10000x128xf32, #tpu.memory_space<hbm>>) target(%dma_start3A_452 : memref<96x128xf32, #tpu.memory_space<vmem>>) offsets(%dma_start3A_455 : memref<96xi32, #tpu.memory_space<vmem>>) semaphore(%arg14 : memref<!tpu.dma_semaphore, #tpu.memory_space<semaphore_mem>>)
    %dma_start3A_459 = arith.constant 1 : i32
    %dma_start3A_460 = arith.constant 1 : i32
    %dma_start3A_461 = arith.constant 0 : i32
    %dma_start3A_462 = arith.constant 0 : i32
    %dma_start3A_463 = tpu.memref_slice %arg9[%dma_start3A_460, %dma_start3A_461, %dma_start3A_462] : memref<3x96x128xf32, #tpu.memory_space<vmem>> -> memref<1x96x128xf32, #tpu.memory_space<vmem>>
    %dma_start3A_464 = tpu.memref_squeeze %dma_start3A_463 : memref<1x96x128xf32, #tpu.memory_space<vmem>> -> memref<96x128xf32, #tpu.memory_space<vmem>>
    %dma_start3A_465 = arith.constant 0 : i32
    %dma_start3A_466 = tpu.memref_slice %arg7[%dma_start3A_459, %dma_start3A_465] : memref<24x96xi32, #tpu.memory_space<vmem>> -> memref<1x96xi32, #tpu.memory_space<vmem>>
    %dma_start3A_467 = tpu.memref_squeeze %dma_start3A_466 : memref<1x96xi32, #tpu.memory_space<vmem>> -> memref<96xi32, #tpu.memory_space<vmem>>
    %dma_start3A_468 = arith.constant 0 : i32
    %dma_start3A_469 = arith.constant 0 : i32
    %dma_start3A_470 = tpu.memref_slice %arg2[%dma_start3A_468, %dma_start3A_469] : memref<10000x128xf32, #tpu.memory_space<hbm>> -> memref<10000x128xf32, #tpu.memory_space<hbm>>
    tpu.enqueue_indirect_dma source(%dma_start3A_470 : memref<10000x128xf32, #tpu.memory_space<hbm>>) target(%dma_start3A_464 : memref<96x128xf32, #tpu.memory_space<vmem>>) offsets(%dma_start3A_467 : memref<96xi32, #tpu.memory_space<vmem>>) semaphore(%arg15 : memref<!tpu.dma_semaphore, #tpu.memory_space<semaphore_mem>>)
    %scan3A_471 = arith.constant 0 : i32
    %scan3A_472 = arith.constant 0 : i32
    %scan3A_473 = arith.constant 8 : i32
    %scan3A_474 = arith.addi %scan3A_472, %scan3A_473 : i32
    %scan3A_475 = arith.constant 1 : i32
    scf.for %scan3A_829 = %scan3A_472 to %scan3A_474 step %scan3A_475  : i32 {
      %mul3A_830 = arith.constant 3 : i32
      %mul3A_831 = arith.muli %mul3A_830, %scan3A_829 : i32
      %add3A_832 = arith.constant 0 : i32
      %add3A_833 = arith.addi %mul3A_831, %add3A_832 : i32
      %dma_wait3A_834 = arith.constant 0 : i32
      %dma_wait3A_835 = arith.constant 0 : i32
      %dma_wait3A_836 = arith.constant 0 : i32
      %dma_wait3A_837 = tpu.memref_slice %arg9[%dma_wait3A_834, %dma_wait3A_835, %dma_wait3A_836] : memref<3x96x128xf32, #tpu.memory_space<vmem>> -> memref<1x96x128xf32, #tpu.memory_space<vmem>>
      %dma_wait3A_838 = tpu.memref_squeeze %dma_wait3A_837 : memref<1x96x128xf32, #tpu.memory_space<vmem>> -> memref<96x128xf32, #tpu.memory_space<vmem>>
      %dma_wait3A_839 = arith.constant 0 : i32
      %dma_wait3A_840 = arith.constant 0 : i32
      %dma_wait3A_841 = tpu.memref_slice %arg2[%dma_wait3A_839, %dma_wait3A_840] : memref<10000x128xf32, #tpu.memory_space<hbm>> -> memref<96x128xf32, #tpu.memory_space<hbm>>
      %dma_wait3A_842 = arith.constant 0 : i32
      %dma_wait3A_843 = arith.constant 0 : i32
      %dma_wait3A_844 = tpu.memref_slice %arg9[%dma_wait3A_834, %dma_wait3A_842, %dma_wait3A_843] : memref<3x96x128xf32, #tpu.memory_space<vmem>> -> memref<1x96x128xf32, #tpu.memory_space<vmem>>
      %dma_wait3A_845 = tpu.memref_squeeze %dma_wait3A_844 : memref<1x96x128xf32, #tpu.memory_space<vmem>> -> memref<96x128xf32, #tpu.memory_space<vmem>>
      %dma_wait3A_846 = arith.constant 0 : i32
      %dma_wait3A_847 = arith.constant 0 : i32
      %dma_wait3A_848 = tpu.memref_slice %arg2[%dma_wait3A_846, %dma_wait3A_847] : memref<10000x128xf32, #tpu.memory_space<hbm>> -> memref<96x128xf32, #tpu.memory_space<hbm>>
      tpu.wait_dma2 semaphore(%arg14 : memref<!tpu.dma_semaphore, #tpu.memory_space<semaphore_mem>>) src(%dma_wait3A_848 : memref<96x128xf32, #tpu.memory_space<hbm>>) dst(%dma_wait3A_845 : memref<96x128xf32, #tpu.memory_space<vmem>>)
      %dma_start3A_849 = arith.constant 0 : i32
      %dma_start3A_850 = arith.constant 0 : i32
      %dma_start3A_851 = arith.constant 0 : i32
      %dma_start3A_852 = tpu.memref_slice %arg9[%dma_start3A_849, %dma_start3A_850, %dma_start3A_851] : memref<3x96x128xf32, #tpu.memory_space<vmem>> -> memref<1x96x128xf32, #tpu.memory_space<vmem>>
      %dma_start3A_853 = tpu.memref_squeeze %dma_start3A_852 : memref<1x96x128xf32, #tpu.memory_space<vmem>> -> memref<96x128xf32, #tpu.memory_space<vmem>>
      %dma_start3A_854 = arith.constant 0 : i32
      %dma_start3A_855 = tpu.memref_slice %arg8[%add3A_833, %dma_start3A_854] : memref<24x96xi32, #tpu.memory_space<vmem>> -> memref<1x96xi32, #tpu.memory_space<vmem>>
      %dma_start3A_856 = tpu.memref_squeeze %dma_start3A_855 : memref<1x96xi32, #tpu.memory_space<vmem>> -> memref<96xi32, #tpu.memory_space<vmem>>
      %dma_start3A_857 = arith.constant 0 : i32
      %dma_start3A_858 = arith.constant 0 : i32
      %dma_start3A_859 = tpu.memref_slice %arg12[%dma_start3A_857, %dma_start3A_858] : memref<10112x128xf32, #tpu.memory_space<vmem_shared>> -> memref<10112x128xf32, #tpu.memory_space<vmem_shared>>
      tpu.enqueue_indirect_dma source(%dma_start3A_853 : memref<96x128xf32, #tpu.memory_space<vmem>>) target(%dma_start3A_859 : memref<10112x128xf32, #tpu.memory_space<vmem_shared>>) offsets(%dma_start3A_856 : memref<96xi32, #tpu.memory_space<vmem>>) semaphore(%arg17 : memref<!tpu.dma_semaphore, #tpu.memory_space<semaphore_mem>>) {add = true}
      %ge3A = arith.constant 1 : i32
      %ge3A_860 = arith.cmpi sge, %add3A_833, %ge3A : i32
      %add3A_861 = arith.constant 2 : i32
      %add3A_862 = arith.addi %add3A_833, %add3A_861 : i32
      %lt3A = arith.constant 24 : i32
      %lt3A_863 = arith.cmpi slt, %add3A_862, %lt3A : i32
      %and3A = arith.andi %ge3A_860, %lt3A_863 : i1
      %convert_element_type3A = arith.extui %and3A : i1 to i32
      %cond3A = arith.constant 0 : i32
      %cond3A_864 = arith.cmpi ne, %convert_element_type3A, %cond3A : i32
      scf.if %cond3A_864 {
        %dma_wait3A_966 = arith.constant 2 : i32
        %dma_wait3A_967 = arith.constant 0 : i32
        %dma_wait3A_968 = arith.constant 0 : i32
        %dma_wait3A_969 = tpu.memref_slice %arg9[%dma_wait3A_966, %dma_wait3A_967, %dma_wait3A_968] : memref<3x96x128xf32, #tpu.memory_space<vmem>> -> memref<1x96x128xf32, #tpu.memory_space<vmem>>
        %dma_wait3A_970 = tpu.memref_squeeze %dma_wait3A_969 : memref<1x96x128xf32, #tpu.memory_space<vmem>> -> memref<96x128xf32, #tpu.memory_space<vmem>>
        %dma_wait3A_971 = arith.constant 0 : i32
        %dma_wait3A_972 = arith.constant 0 : i32
        %dma_wait3A_973 = tpu.memref_slice %arg12[%dma_wait3A_971, %dma_wait3A_972] : memref<10112x128xf32, #tpu.memory_space<vmem_shared>> -> memref<96x128xf32, #tpu.memory_space<vmem_shared>>
        %dma_wait3A_974 = arith.constant 0 : i32
        %dma_wait3A_975 = arith.constant 0 : i32
        %dma_wait3A_976 = tpu.memref_slice %arg12[%dma_wait3A_974, %dma_wait3A_975] : memref<10112x128xf32, #tpu.memory_space<vmem_shared>> -> memref<96x128xf32, #tpu.memory_space<vmem_shared>>
        %dma_wait3A_977 = arith.constant 0 : i32
        %dma_wait3A_978 = arith.constant 0 : i32
        %dma_wait3A_979 = tpu.memref_slice %arg9[%dma_wait3A_966, %dma_wait3A_977, %dma_wait3A_978] : memref<3x96x128xf32, #tpu.memory_space<vmem>> -> memref<1x96x128xf32, #tpu.memory_space<vmem>>
        %dma_wait3A_980 = tpu.memref_squeeze %dma_wait3A_979 : memref<1x96x128xf32, #tpu.memory_space<vmem>> -> memref<96x128xf32, #tpu.memory_space<vmem>>
        tpu.wait_dma2 semaphore(%arg19 : memref<!tpu.dma_semaphore, #tpu.memory_space<semaphore_mem>>) src(%dma_wait3A_980 : memref<96x128xf32, #tpu.memory_space<vmem>>) dst(%dma_wait3A_976 : memref<96x128xf32, #tpu.memory_space<vmem_shared>>)
      } else {
      }
      %add3A_865 = arith.constant 2 : i32
      %add3A_866 = arith.addi %add3A_833, %add3A_865 : i32
      %lt3A_867 = arith.constant 24 : i32
      %lt3A_868 = arith.cmpi slt, %add3A_866, %lt3A_867 : i32
      %convert_element_type3A_869 = arith.extui %lt3A_868 : i1 to i32
      %cond3A_870 = arith.constant 0 : i32
      %cond3A_871 = arith.cmpi ne, %convert_element_type3A_869, %cond3A_870 : i32
      scf.if %cond3A_871 {
        %add3A_966 = arith.constant 2 : i32
        %add3A_967 = arith.addi %add3A_833, %add3A_966 : i32
        %dma_start3A_968 = arith.constant 2 : i32
        %dma_start3A_969 = arith.constant 0 : i32
        %dma_start3A_970 = arith.constant 0 : i32
        %dma_start3A_971 = tpu.memref_slice %arg9[%dma_start3A_968, %dma_start3A_969, %dma_start3A_970] : memref<3x96x128xf32, #tpu.memory_space<vmem>> -> memref<1x96x128xf32, #tpu.memory_space<vmem>>
        %dma_start3A_972 = tpu.memref_squeeze %dma_start3A_971 : memref<1x96x128xf32, #tpu.memory_space<vmem>> -> memref<96x128xf32, #tpu.memory_space<vmem>>
        %dma_start3A_973 = arith.constant 0 : i32
        %dma_start3A_974 = tpu.memref_slice %arg7[%add3A_967, %dma_start3A_973] : memref<24x96xi32, #tpu.memory_space<vmem>> -> memref<1x96xi32, #tpu.memory_space<vmem>>
        %dma_start3A_975 = tpu.memref_squeeze %dma_start3A_974 : memref<1x96xi32, #tpu.memory_space<vmem>> -> memref<96xi32, #tpu.memory_space<vmem>>
        %dma_start3A_976 = arith.constant 0 : i32
        %dma_start3A_977 = arith.constant 0 : i32
        %dma_start3A_978 = tpu.memref_slice %arg2[%dma_start3A_976, %dma_start3A_977] : memref<10000x128xf32, #tpu.memory_space<hbm>> -> memref<10000x128xf32, #tpu.memory_space<hbm>>
        tpu.enqueue_indirect_dma source(%dma_start3A_978 : memref<10000x128xf32, #tpu.memory_space<hbm>>) target(%dma_start3A_972 : memref<96x128xf32, #tpu.memory_space<vmem>>) offsets(%dma_start3A_975 : memref<96xi32, #tpu.memory_space<vmem>>) semaphore(%arg16 : memref<!tpu.dma_semaphore, #tpu.memory_space<semaphore_mem>>)
      } else {
      }
      "tpu.region"() ({
        %run_scoped3A_966 = tpu.sem_alloc : memref<!tpu.dma_semaphore, #tpu.memory_space<semaphore_mem>>
        %dma_start3A_967 = arith.constant 0 : i32
        %dma_start3A_968 = tpu.memref_slice %arg8[%add3A_833, %dma_start3A_967] : memref<24x96xi32, #tpu.memory_space<vmem>> -> memref<1x96xi32, #tpu.memory_space<vmem>>
        %dma_start3A_969 = tpu.memref_squeeze %dma_start3A_968 : memref<1x96xi32, #tpu.memory_space<vmem>> -> memref<96xi32, #tpu.memory_space<vmem>>
        %dma_start3A_970 = arith.constant 0 : i32
        %dma_start3A_971 = tpu.memref_slice %arg13[%dma_start3A_970] : memref<16384xf32, #tpu.memory_space<vmem_shared>> -> memref<16384xf32, #tpu.memory_space<vmem_shared>>
        tpu.enqueue_indirect_dma source(%arg10 : memref<96xf32, #tpu.memory_space<vmem>>) target(%dma_start3A_971 : memref<16384xf32, #tpu.memory_space<vmem_shared>>) offsets(%dma_start3A_969 : memref<96xi32, #tpu.memory_space<vmem>>) semaphore(%run_scoped3A_966 : memref<!tpu.dma_semaphore, #tpu.memory_space<semaphore_mem>>) {add = true}
        %dma_wait3A_972 = arith.constant 0 : i32
        %dma_wait3A_973 = tpu.memref_slice %arg8[%add3A_833, %dma_wait3A_972] : memref<24x96xi32, #tpu.memory_space<vmem>> -> memref<1x96xi32, #tpu.memory_space<vmem>>
        %dma_wait3A_974 = tpu.memref_squeeze %dma_wait3A_973 : memref<1x96xi32, #tpu.memory_space<vmem>> -> memref<96xi32, #tpu.memory_space<vmem>>
        %dma_wait3A_975 = arith.constant 0 : i32
        %dma_wait3A_976 = tpu.memref_slice %arg13[%dma_wait3A_975] : memref<16384xf32, #tpu.memory_space<vmem_shared>> -> memref<16384xf32, #tpu.memory_space<vmem_shared>>
        tpu.wait_indirect_dma semaphore(%run_scoped3A_966 : memref<!tpu.dma_semaphore, #tpu.memory_space<semaphore_mem>>) src(%arg10 : memref<96xf32, #tpu.memory_space<vmem>>) dst(%dma_wait3A_976 : memref<16384xf32, #tpu.memory_space<vmem_shared>>)
        tpu.yield
      }) : () -> ()
      %mul3A_872 = arith.constant 3 : i32
      %mul3A_873 = arith.muli %mul3A_872, %scan3A_829 : i32
      %add3A_874 = arith.constant 1 : i32
      %add3A_875 = arith.addi %mul3A_873, %add3A_874 : i32
      %dma_wait3A_876 = arith.constant 1 : i32
      %dma_wait3A_877 = arith.constant 0 : i32
      %dma_wait3A_878 = arith.constant 0 : i32
      %dma_wait3A_879 = tpu.memref_slice %arg9[%dma_wait3A_876, %dma_wait3A_877, %dma_wait3A_878] : memref<3x96x128xf32, #tpu.memory_space<vmem>> -> memref<1x96x128xf32, #tpu.memory_space<vmem>>
      %dma_wait3A_880 = tpu.memref_squeeze %dma_wait3A_879 : memref<1x96x128xf32, #tpu.memory_space<vmem>> -> memref<96x128xf32, #tpu.memory_space<vmem>>
      %dma_wait3A_881 = arith.constant 0 : i32
      %dma_wait3A_882 = arith.constant 0 : i32
      %dma_wait3A_883 = tpu.memref_slice %arg2[%dma_wait3A_881, %dma_wait3A_882] : memref<10000x128xf32, #tpu.memory_space<hbm>> -> memref<96x128xf32, #tpu.memory_space<hbm>>
      %dma_wait3A_884 = arith.constant 0 : i32
      %dma_wait3A_885 = arith.constant 0 : i32
      %dma_wait3A_886 = tpu.memref_slice %arg9[%dma_wait3A_876, %dma_wait3A_884, %dma_wait3A_885] : memref<3x96x128xf32, #tpu.memory_space<vmem>> -> memref<1x96x128xf32, #tpu.memory_space<vmem>>
      %dma_wait3A_887 = tpu.memref_squeeze %dma_wait3A_886 : memref<1x96x128xf32, #tpu.memory_space<vmem>> -> memref<96x128xf32, #tpu.memory_space<vmem>>
      %dma_wait3A_888 = arith.constant 0 : i32
      %dma_wait3A_889 = arith.constant 0 : i32
      %dma_wait3A_890 = tpu.memref_slice %arg2[%dma_wait3A_888, %dma_wait3A_889] : memref<10000x128xf32, #tpu.memory_space<hbm>> -> memref<96x128xf32, #tpu.memory_space<hbm>>
      tpu.wait_dma2 semaphore(%arg15 : memref<!tpu.dma_semaphore, #tpu.memory_space<semaphore_mem>>) src(%dma_wait3A_890 : memref<96x128xf32, #tpu.memory_space<hbm>>) dst(%dma_wait3A_887 : memref<96x128xf32, #tpu.memory_space<vmem>>)
      %dma_start3A_891 = arith.constant 1 : i32
      %dma_start3A_892 = arith.constant 0 : i32
      %dma_start3A_893 = arith.constant 0 : i32
      %dma_start3A_894 = tpu.memref_slice %arg9[%dma_start3A_891, %dma_start3A_892, %dma_start3A_893] : memref<3x96x128xf32, #tpu.memory_space<vmem>> -> memref<1x96x128xf32, #tpu.memory_space<vmem>>
      %dma_start3A_895 = tpu.memref_squeeze %dma_start3A_894 : memref<1x96x128xf32, #tpu.memory_space<vmem>> -> memref<96x128xf32, #tpu.memory_space<vmem>>
      %dma_start3A_896 = arith.constant 0 : i32
      %dma_start3A_897 = tpu.memref_slice %arg8[%add3A_875, %dma_start3A_896] : memref<24x96xi32, #tpu.memory_space<vmem>> -> memref<1x96xi32, #tpu.memory_space<vmem>>
      %dma_start3A_898 = tpu.memref_squeeze %dma_start3A_897 : memref<1x96xi32, #tpu.memory_space<vmem>> -> memref<96xi32, #tpu.memory_space<vmem>>
      %dma_start3A_899 = arith.constant 0 : i32
      %dma_start3A_900 = arith.constant 0 : i32
      %dma_start3A_901 = tpu.memref_slice %arg12[%dma_start3A_899, %dma_start3A_900] : memref<10112x128xf32, #tpu.memory_space<vmem_shared>> -> memref<10112x128xf32, #tpu.memory_space<vmem_shared>>
      tpu.enqueue_indirect_dma source(%dma_start3A_895 : memref<96x128xf32, #tpu.memory_space<vmem>>) target(%dma_start3A_901 : memref<10112x128xf32, #tpu.memory_space<vmem_shared>>) offsets(%dma_start3A_898 : memref<96xi32, #tpu.memory_space<vmem>>) semaphore(%arg18 : memref<!tpu.dma_semaphore, #tpu.memory_space<semaphore_mem>>) {add = true}
      %ge3A_902 = arith.constant 1 : i32
      %ge3A_903 = arith.cmpi sge, %add3A_875, %ge3A_902 : i32
      %add3A_904 = arith.constant 2 : i32
      %add3A_905 = arith.addi %add3A_875, %add3A_904 : i32
      %lt3A_906 = arith.constant 24 : i32
      %lt3A_907 = arith.cmpi slt, %add3A_905, %lt3A_906 : i32
      %and3A_908 = arith.andi %ge3A_903, %lt3A_907 : i1
      %convert_element_type3A_909 = arith.extui %and3A_908 : i1 to i32
      %cond3A_910 = arith.constant 0 : i32
      %cond3A_911 = arith.cmpi ne, %convert_element_type3A_909, %cond3A_910 : i32
      scf.if %cond3A_911 {
        %dma_wait3A_966 = arith.constant 0 : i32
        %dma_wait3A_967 = arith.constant 0 : i32
        %dma_wait3A_968 = arith.constant 0 : i32
        %dma_wait3A_969 = tpu.memref_slice %arg9[%dma_wait3A_966, %dma_wait3A_967, %dma_wait3A_968] : memref<3x96x128xf32, #tpu.memory_space<vmem>> -> memref<1x96x128xf32, #tpu.memory_space<vmem>>
        %dma_wait3A_970 = tpu.memref_squeeze %dma_wait3A_969 : memref<1x96x128xf32, #tpu.memory_space<vmem>> -> memref<96x128xf32, #tpu.memory_space<vmem>>
        %dma_wait3A_971 = arith.constant 0 : i32
        %dma_wait3A_972 = arith.constant 0 : i32
        %dma_wait3A_973 = tpu.memref_slice %arg12[%dma_wait3A_971, %dma_wait3A_972] : memref<10112x128xf32, #tpu.memory_space<vmem_shared>> -> memref<96x128xf32, #tpu.memory_space<vmem_shared>>
        %dma_wait3A_974 = arith.constant 0 : i32
        %dma_wait3A_975 = arith.constant 0 : i32
        %dma_wait3A_976 = tpu.memref_slice %arg12[%dma_wait3A_974, %dma_wait3A_975] : memref<10112x128xf32, #tpu.memory_space<vmem_shared>> -> memref<96x128xf32, #tpu.memory_space<vmem_shared>>
        %dma_wait3A_977 = arith.constant 0 : i32
        %dma_wait3A_978 = arith.constant 0 : i32
        %dma_wait3A_979 = tpu.memref_slice %arg9[%dma_wait3A_966, %dma_wait3A_977, %dma_wait3A_978] : memref<3x96x128xf32, #tpu.memory_space<vmem>> -> memref<1x96x128xf32, #tpu.memory_space<vmem>>
        %dma_wait3A_980 = tpu.memref_squeeze %dma_wait3A_979 : memref<1x96x128xf32, #tpu.memory_space<vmem>> -> memref<96x128xf32, #tpu.memory_space<vmem>>
        tpu.wait_dma2 semaphore(%arg17 : memref<!tpu.dma_semaphore, #tpu.memory_space<semaphore_mem>>) src(%dma_wait3A_980 : memref<96x128xf32, #tpu.memory_space<vmem>>) dst(%dma_wait3A_976 : memref<96x128xf32, #tpu.memory_space<vmem_shared>>)
      } else {
      }
      %add3A_912 = arith.constant 2 : i32
      %add3A_913 = arith.addi %add3A_875, %add3A_912 : i32
      %lt3A_914 = arith.constant 24 : i32
      %lt3A_915 = arith.cmpi slt, %add3A_913, %lt3A_914 : i32
      %convert_element_type3A_916 = arith.extui %lt3A_915 : i1 to i32
      %cond3A_917 = arith.constant 0 : i32
      %cond3A_918 = arith.cmpi ne, %convert_element_type3A_916, %cond3A_917 : i32
      scf.if %cond3A_918 {
        %add3A_966 = arith.constant 2 : i32
        %add3A_967 = arith.addi %add3A_875, %add3A_966 : i32
        %dma_start3A_968 = arith.constant 0 : i32
        %dma_start3A_969 = arith.constant 0 : i32
        %dma_start3A_970 = arith.constant 0 : i32
        %dma_start3A_971 = tpu.memref_slice %arg9[%dma_start3A_968, %dma_start3A_969, %dma_start3A_970] : memref<3x96x128xf32, #tpu.memory_space<vmem>> -> memref<1x96x128xf32, #tpu.memory_space<vmem>>
        %dma_start3A_972 = tpu.memref_squeeze %dma_start3A_971 : memref<1x96x128xf32, #tpu.memory_space<vmem>> -> memref<96x128xf32, #tpu.memory_space<vmem>>
        %dma_start3A_973 = arith.constant 0 : i32
        %dma_start3A_974 = tpu.memref_slice %arg7[%add3A_967, %dma_start3A_973] : memref<24x96xi32, #tpu.memory_space<vmem>> -> memref<1x96xi32, #tpu.memory_space<vmem>>
        %dma_start3A_975 = tpu.memref_squeeze %dma_start3A_974 : memref<1x96xi32, #tpu.memory_space<vmem>> -> memref<96xi32, #tpu.memory_space<vmem>>
        %dma_start3A_976 = arith.constant 0 : i32
        %dma_start3A_977 = arith.constant 0 : i32
        %dma_start3A_978 = tpu.memref_slice %arg2[%dma_start3A_976, %dma_start3A_977] : memref<10000x128xf32, #tpu.memory_space<hbm>> -> memref<10000x128xf32, #tpu.memory_space<hbm>>
        tpu.enqueue_indirect_dma source(%dma_start3A_978 : memref<10000x128xf32, #tpu.memory_space<hbm>>) target(%dma_start3A_972 : memref<96x128xf32, #tpu.memory_space<vmem>>) offsets(%dma_start3A_975 : memref<96xi32, #tpu.memory_space<vmem>>) semaphore(%arg14 : memref<!tpu.dma_semaphore, #tpu.memory_space<semaphore_mem>>)
      } else {
      }
      "tpu.region"() ({
        %run_scoped3A_966 = tpu.sem_alloc : memref<!tpu.dma_semaphore, #tpu.memory_space<semaphore_mem>>
        %dma_start3A_967 = arith.constant 0 : i32
        %dma_start3A_968 = tpu.memref_slice %arg8[%add3A_875, %dma_start3A_967] : memref<24x96xi32, #tpu.memory_space<vmem>> -> memref<1x96xi32, #tpu.memory_space<vmem>>
        %dma_start3A_969 = tpu.memref_squeeze %dma_start3A_968 : memref<1x96xi32, #tpu.memory_space<vmem>> -> memref<96xi32, #tpu.memory_space<vmem>>
        %dma_start3A_970 = arith.constant 0 : i32
        %dma_start3A_971 = tpu.memref_slice %arg13[%dma_start3A_970] : memref<16384xf32, #tpu.memory_space<vmem_shared>> -> memref<16384xf32, #tpu.memory_space<vmem_shared>>
        tpu.enqueue_indirect_dma source(%arg10 : memref<96xf32, #tpu.memory_space<vmem>>) target(%dma_start3A_971 : memref<16384xf32, #tpu.memory_space<vmem_shared>>) offsets(%dma_start3A_969 : memref<96xi32, #tpu.memory_space<vmem>>) semaphore(%run_scoped3A_966 : memref<!tpu.dma_semaphore, #tpu.memory_space<semaphore_mem>>) {add = true}
        %dma_wait3A_972 = arith.constant 0 : i32
        %dma_wait3A_973 = tpu.memref_slice %arg8[%add3A_875, %dma_wait3A_972] : memref<24x96xi32, #tpu.memory_space<vmem>> -> memref<1x96xi32, #tpu.memory_space<vmem>>
        %dma_wait3A_974 = tpu.memref_squeeze %dma_wait3A_973 : memref<1x96xi32, #tpu.memory_space<vmem>> -> memref<96xi32, #tpu.memory_space<vmem>>
        %dma_wait3A_975 = arith.constant 0 : i32
        %dma_wait3A_976 = tpu.memref_slice %arg13[%dma_wait3A_975] : memref<16384xf32, #tpu.memory_space<vmem_shared>> -> memref<16384xf32, #tpu.memory_space<vmem_shared>>
        tpu.wait_indirect_dma semaphore(%run_scoped3A_966 : memref<!tpu.dma_semaphore, #tpu.memory_space<semaphore_mem>>) src(%arg10 : memref<96xf32, #tpu.memory_space<vmem>>) dst(%dma_wait3A_976 : memref<16384xf32, #tpu.memory_space<vmem_shared>>)
        tpu.yield
      }) : () -> ()
      %mul3A_919 = arith.constant 3 : i32
      %mul3A_920 = arith.muli %mul3A_919, %scan3A_829 : i32
      %add3A_921 = arith.constant 2 : i32
      %add3A_922 = arith.addi %mul3A_920, %add3A_921 : i32
      %dma_wait3A_923 = arith.constant 2 : i32
      %dma_wait3A_924 = arith.constant 0 : i32
      %dma_wait3A_925 = arith.constant 0 : i32
      %dma_wait3A_926 = tpu.memref_slice %arg9[%dma_wait3A_923, %dma_wait3A_924, %dma_wait3A_925] : memref<3x96x128xf32, #tpu.memory_space<vmem>> -> memref<1x96x128xf32, #tpu.memory_space<vmem>>
      %dma_wait3A_927 = tpu.memref_squeeze %dma_wait3A_926 : memref<1x96x128xf32, #tpu.memory_space<vmem>> -> memref<96x128xf32, #tpu.memory_space<vmem>>
      %dma_wait3A_928 = arith.constant 0 : i32
      %dma_wait3A_929 = arith.constant 0 : i32
      %dma_wait3A_930 = tpu.memref_slice %arg2[%dma_wait3A_928, %dma_wait3A_929] : memref<10000x128xf32, #tpu.memory_space<hbm>> -> memref<96x128xf32, #tpu.memory_space<hbm>>
      %dma_wait3A_931 = arith.constant 0 : i32
      %dma_wait3A_932 = arith.constant 0 : i32
      %dma_wait3A_933 = tpu.memref_slice %arg9[%dma_wait3A_923, %dma_wait3A_931, %dma_wait3A_932] : memref<3x96x128xf32, #tpu.memory_space<vmem>> -> memref<1x96x128xf32, #tpu.memory_space<vmem>>
      %dma_wait3A_934 = tpu.memref_squeeze %dma_wait3A_933 : memref<1x96x128xf32, #tpu.memory_space<vmem>> -> memref<96x128xf32, #tpu.memory_space<vmem>>
      %dma_wait3A_935 = arith.constant 0 : i32
      %dma_wait3A_936 = arith.constant 0 : i32
      %dma_wait3A_937 = tpu.memref_slice %arg2[%dma_wait3A_935, %dma_wait3A_936] : memref<10000x128xf32, #tpu.memory_space<hbm>> -> memref<96x128xf32, #tpu.memory_space<hbm>>
      tpu.wait_dma2 semaphore(%arg16 : memref<!tpu.dma_semaphore, #tpu.memory_space<semaphore_mem>>) src(%dma_wait3A_937 : memref<96x128xf32, #tpu.memory_space<hbm>>) dst(%dma_wait3A_934 : memref<96x128xf32, #tpu.memory_space<vmem>>)
      %dma_start3A_938 = arith.constant 2 : i32
      %dma_start3A_939 = arith.constant 0 : i32
      %dma_start3A_940 = arith.constant 0 : i32
      %dma_start3A_941 = tpu.memref_slice %arg9[%dma_start3A_938, %dma_start3A_939, %dma_start3A_940] : memref<3x96x128xf32, #tpu.memory_space<vmem>> -> memref<1x96x128xf32, #tpu.memory_space<vmem>>
      %dma_start3A_942 = tpu.memref_squeeze %dma_start3A_941 : memref<1x96x128xf32, #tpu.memory_space<vmem>> -> memref<96x128xf32, #tpu.memory_space<vmem>>
      %dma_start3A_943 = arith.constant 0 : i32
      %dma_start3A_944 = tpu.memref_slice %arg8[%add3A_922, %dma_start3A_943] : memref<24x96xi32, #tpu.memory_space<vmem>> -> memref<1x96xi32, #tpu.memory_space<vmem>>
      %dma_start3A_945 = tpu.memref_squeeze %dma_start3A_944 : memref<1x96xi32, #tpu.memory_space<vmem>> -> memref<96xi32, #tpu.memory_space<vmem>>
      %dma_start3A_946 = arith.constant 0 : i32
      %dma_start3A_947 = arith.constant 0 : i32
      %dma_start3A_948 = tpu.memref_slice %arg12[%dma_start3A_946, %dma_start3A_947] : memref<10112x128xf32, #tpu.memory_space<vmem_shared>> -> memref<10112x128xf32, #tpu.memory_space<vmem_shared>>
      tpu.enqueue_indirect_dma source(%dma_start3A_942 : memref<96x128xf32, #tpu.memory_space<vmem>>) target(%dma_start3A_948 : memref<10112x128xf32, #tpu.memory_space<vmem_shared>>) offsets(%dma_start3A_945 : memref<96xi32, #tpu.memory_space<vmem>>) semaphore(%arg19 : memref<!tpu.dma_semaphore, #tpu.memory_space<semaphore_mem>>) {add = true}
      %ge3A_949 = arith.constant 1 : i32
      %ge3A_950 = arith.cmpi sge, %add3A_922, %ge3A_949 : i32
      %add3A_951 = arith.constant 2 : i32
      %add3A_952 = arith.addi %add3A_922, %add3A_951 : i32
      %lt3A_953 = arith.constant 24 : i32
      %lt3A_954 = arith.cmpi slt, %add3A_952, %lt3A_953 : i32
      %and3A_955 = arith.andi %ge3A_950, %lt3A_954 : i1
      %convert_element_type3A_956 = arith.extui %and3A_955 : i1 to i32
      %cond3A_957 = arith.constant 0 : i32
      %cond3A_958 = arith.cmpi ne, %convert_element_type3A_956, %cond3A_957 : i32
      scf.if %cond3A_958 {
        %dma_wait3A_966 = arith.constant 1 : i32
        %dma_wait3A_967 = arith.constant 0 : i32
        %dma_wait3A_968 = arith.constant 0 : i32
        %dma_wait3A_969 = tpu.memref_slice %arg9[%dma_wait3A_966, %dma_wait3A_967, %dma_wait3A_968] : memref<3x96x128xf32, #tpu.memory_space<vmem>> -> memref<1x96x128xf32, #tpu.memory_space<vmem>>
        %dma_wait3A_970 = tpu.memref_squeeze %dma_wait3A_969 : memref<1x96x128xf32, #tpu.memory_space<vmem>> -> memref<96x128xf32, #tpu.memory_space<vmem>>
        %dma_wait3A_971 = arith.constant 0 : i32
        %dma_wait3A_972 = arith.constant 0 : i32
        %dma_wait3A_973 = tpu.memref_slice %arg12[%dma_wait3A_971, %dma_wait3A_972] : memref<10112x128xf32, #tpu.memory_space<vmem_shared>> -> memref<96x128xf32, #tpu.memory_space<vmem_shared>>
        %dma_wait3A_974 = arith.constant 0 : i32
        %dma_wait3A_975 = arith.constant 0 : i32
        %dma_wait3A_976 = tpu.memref_slice %arg12[%dma_wait3A_974, %dma_wait3A_975] : memref<10112x128xf32, #tpu.memory_space<vmem_shared>> -> memref<96x128xf32, #tpu.memory_space<vmem_shared>>
        %dma_wait3A_977 = arith.constant 0 : i32
        %dma_wait3A_978 = arith.constant 0 : i32
        %dma_wait3A_979 = tpu.memref_slice %arg9[%dma_wait3A_966, %dma_wait3A_977, %dma_wait3A_978] : memref<3x96x128xf32, #tpu.memory_space<vmem>> -> memref<1x96x128xf32, #tpu.memory_space<vmem>>
        %dma_wait3A_980 = tpu.memref_squeeze %dma_wait3A_979 : memref<1x96x128xf32, #tpu.memory_space<vmem>> -> memref<96x128xf32, #tpu.memory_space<vmem>>
        tpu.wait_dma2 semaphore(%arg18 : memref<!tpu.dma_semaphore, #tpu.memory_space<semaphore_mem>>) src(%dma_wait3A_980 : memref<96x128xf32, #tpu.memory_space<vmem>>) dst(%dma_wait3A_976 : memref<96x128xf32, #tpu.memory_space<vmem_shared>>)
      } else {
      }
      %add3A_959 = arith.constant 2 : i32
      %add3A_960 = arith.addi %add3A_922, %add3A_959 : i32
      %lt3A_961 = arith.constant 24 : i32
      %lt3A_962 = arith.cmpi slt, %add3A_960, %lt3A_961 : i32
      %convert_element_type3A_963 = arith.extui %lt3A_962 : i1 to i32
      %cond3A_964 = arith.constant 0 : i32
      %cond3A_965 = arith.cmpi ne, %convert_element_type3A_963, %cond3A_964 : i32
      scf.if %cond3A_965 {
        %add3A_966 = arith.constant 2 : i32
        %add3A_967 = arith.addi %add3A_922, %add3A_966 : i32
        %dma_start3A_968 = arith.constant 1 : i32
        %dma_start3A_969 = arith.constant 0 : i32
        %dma_start3A_970 = arith.constant 0 : i32
        %dma_start3A_971 = tpu.memref_slice %arg9[%dma_start3A_968, %dma_start3A_969, %dma_start3A_970] : memref<3x96x128xf32, #tpu.memory_space<vmem>> -> memref<1x96x128xf32, #tpu.memory_space<vmem>>
        %dma_start3A_972 = tpu.memref_squeeze %dma_start3A_971 : memref<1x96x128xf32, #tpu.memory_space<vmem>> -> memref<96x128xf32, #tpu.memory_space<vmem>>
        %dma_start3A_973 = arith.constant 0 : i32
        %dma_start3A_974 = tpu.memref_slice %arg7[%add3A_967, %dma_start3A_973] : memref<24x96xi32, #tpu.memory_space<vmem>> -> memref<1x96xi32, #tpu.memory_space<vmem>>
        %dma_start3A_975 = tpu.memref_squeeze %dma_start3A_974 : memref<1x96xi32, #tpu.memory_space<vmem>> -> memref<96xi32, #tpu.memory_space<vmem>>
        %dma_start3A_976 = arith.constant 0 : i32
        %dma_start3A_977 = arith.constant 0 : i32
        %dma_start3A_978 = tpu.memref_slice %arg2[%dma_start3A_976, %dma_start3A_977] : memref<10000x128xf32, #tpu.memory_space<hbm>> -> memref<10000x128xf32, #tpu.memory_space<hbm>>
        tpu.enqueue_indirect_dma source(%dma_start3A_978 : memref<10000x128xf32, #tpu.memory_space<hbm>>) target(%dma_start3A_972 : memref<96x128xf32, #tpu.memory_space<vmem>>) offsets(%dma_start3A_975 : memref<96xi32, #tpu.memory_space<vmem>>) semaphore(%arg15 : memref<!tpu.dma_semaphore, #tpu.memory_space<semaphore_mem>>)
      } else {
      }
      "tpu.region"() ({
        %run_scoped3A_966 = tpu.sem_alloc : memref<!tpu.dma_semaphore, #tpu.memory_space<semaphore_mem>>
        %dma_start3A_967 = arith.constant 0 : i32
        %dma_start3A_968 = tpu.memref_slice %arg8[%add3A_922, %dma_start3A_967] : memref<24x96xi32, #tpu.memory_space<vmem>> -> memref<1x96xi32, #tpu.memory_space<vmem>>
        %dma_start3A_969 = tpu.memref_squeeze %dma_start3A_968 : memref<1x96xi32, #tpu.memory_space<vmem>> -> memref<96xi32, #tpu.memory_space<vmem>>
        %dma_start3A_970 = arith.constant 0 : i32
        %dma_start3A_971 = tpu.memref_slice %arg13[%dma_start3A_970] : memref<16384xf32, #tpu.memory_space<vmem_shared>> -> memref<16384xf32, #tpu.memory_space<vmem_shared>>
        tpu.enqueue_indirect_dma source(%arg10 : memref<96xf32, #tpu.memory_space<vmem>>) target(%dma_start3A_971 : memref<16384xf32, #tpu.memory_space<vmem_shared>>) offsets(%dma_start3A_969 : memref<96xi32, #tpu.memory_space<vmem>>) semaphore(%run_scoped3A_966 : memref<!tpu.dma_semaphore, #tpu.memory_space<semaphore_mem>>) {add = true}
        %dma_wait3A_972 = arith.constant 0 : i32
        %dma_wait3A_973 = tpu.memref_slice %arg8[%add3A_922, %dma_wait3A_972] : memref<24x96xi32, #tpu.memory_space<vmem>> -> memref<1x96xi32, #tpu.memory_space<vmem>>
        %dma_wait3A_974 = tpu.memref_squeeze %dma_wait3A_973 : memref<1x96xi32, #tpu.memory_space<vmem>> -> memref<96xi32, #tpu.memory_space<vmem>>
        %dma_wait3A_975 = arith.constant 0 : i32
        %dma_wait3A_976 = tpu.memref_slice %arg13[%dma_wait3A_975] : memref<16384xf32, #tpu.memory_space<vmem_shared>> -> memref<16384xf32, #tpu.memory_space<vmem_shared>>
        tpu.wait_indirect_dma semaphore(%run_scoped3A_966 : memref<!tpu.dma_semaphore, #tpu.memory_space<semaphore_mem>>) src(%arg10 : memref<96xf32, #tpu.memory_space<vmem>>) dst(%dma_wait3A_976 : memref<16384xf32, #tpu.memory_space<vmem_shared>>)
        tpu.yield
      }) : () -> ()
    }
    %scan3A_476 = arith.constant 8 : i32
    %dma_wait3A = arith.constant 0 : i32
    %dma_wait3A_477 = arith.constant 0 : i32
    %dma_wait3A_478 = arith.constant 0 : i32
    %dma_wait3A_479 = tpu.memref_slice %arg9[%dma_wait3A, %dma_wait3A_477, %dma_wait3A_478] : memref<3x96x128xf32, #tpu.memory_space<vmem>> -> memref<1x96x128xf32, #tpu.memory_space<vmem>>
    %dma_wait3A_480 = tpu.memref_squeeze %dma_wait3A_479 : memref<1x96x128xf32, #tpu.memory_space<vmem>> -> memref<96x128xf32, #tpu.memory_space<vmem>>
    %dma_wait3A_481 = arith.constant 0 : i32
    %dma_wait3A_482 = arith.constant 0 : i32
    %dma_wait3A_483 = tpu.memref_slice %arg12[%dma_wait3A_481, %dma_wait3A_482] : memref<10112x128xf32, #tpu.memory_space<vmem_shared>> -> memref<96x128xf32, #tpu.memory_space<vmem_shared>>
    %dma_wait3A_484 = arith.constant 0 : i32
    %dma_wait3A_485 = arith.constant 0 : i32
    %dma_wait3A_486 = tpu.memref_slice %arg12[%dma_wait3A_484, %dma_wait3A_485] : memref<10112x128xf32, #tpu.memory_space<vmem_shared>> -> memref<96x128xf32, #tpu.memory_space<vmem_shared>>
    %dma_wait3A_487 = arith.constant 0 : i32
    %dma_wait3A_488 = arith.constant 0 : i32
    %dma_wait3A_489 = tpu.memref_slice %arg9[%dma_wait3A, %dma_wait3A_487, %dma_wait3A_488] : memref<3x96x128xf32, #tpu.memory_space<vmem>> -> memref<1x96x128xf32, #tpu.memory_space<vmem>>
    %dma_wait3A_490 = tpu.memref_squeeze %dma_wait3A_489 : memref<1x96x128xf32, #tpu.memory_space<vmem>> -> memref<96x128xf32, #tpu.memory_space<vmem>>
    tpu.wait_dma2 semaphore(%arg17 : memref<!tpu.dma_semaphore, #tpu.memory_space<semaphore_mem>>) src(%dma_wait3A_490 : memref<96x128xf32, #tpu.memory_space<vmem>>) dst(%dma_wait3A_486 : memref<96x128xf32, #tpu.memory_space<vmem_shared>>)
    %dma_wait3A_491 = arith.constant 1 : i32
    %dma_wait3A_492 = arith.constant 0 : i32
    %dma_wait3A_493 = arith.constant 0 : i32
    %dma_wait3A_494 = tpu.memref_slice %arg9[%dma_wait3A_491, %dma_wait3A_492, %dma_wait3A_493] : memref<3x96x128xf32, #tpu.memory_space<vmem>> -> memref<1x96x128xf32, #tpu.memory_space<vmem>>
    %dma_wait3A_495 = tpu.memref_squeeze %dma_wait3A_494 : memref<1x96x128xf32, #tpu.memory_space<vmem>> -> memref<96x128xf32, #tpu.memory_space<vmem>>
    %dma_wait3A_496 = arith.constant 0 : i32
    %dma_wait3A_497 = arith.constant 0 : i32
    %dma_wait3A_498 = tpu.memref_slice %arg12[%dma_wait3A_496, %dma_wait3A_497] : memref<10112x128xf32, #tpu.memory_space<vmem_shared>> -> memref<96x128xf32, #tpu.memory_space<vmem_shared>>
    %dma_wait3A_499 = arith.constant 0 : i32
    %dma_wait3A_500 = arith.constant 0 : i32
    %dma_wait3A_501 = tpu.memref_slice %arg12[%dma_wait3A_499, %dma_wait3A_500] : memref<10112x128xf32, #tpu.memory_space<vmem_shared>> -> memref<96x128xf32, #tpu.memory_space<vmem_shared>>
    %dma_wait3A_502 = arith.constant 0 : i32
    %dma_wait3A_503 = arith.constant 0 : i32
    %dma_wait3A_504 = tpu.memref_slice %arg9[%dma_wait3A_491, %dma_wait3A_502, %dma_wait3A_503] : memref<3x96x128xf32, #tpu.memory_space<vmem>> -> memref<1x96x128xf32, #tpu.memory_space<vmem>>
    %dma_wait3A_505 = tpu.memref_squeeze %dma_wait3A_504 : memref<1x96x128xf32, #tpu.memory_space<vmem>> -> memref<96x128xf32, #tpu.memory_space<vmem>>
    tpu.wait_dma2 semaphore(%arg18 : memref<!tpu.dma_semaphore, #tpu.memory_space<semaphore_mem>>) src(%dma_wait3A_505 : memref<96x128xf32, #tpu.memory_space<vmem>>) dst(%dma_wait3A_501 : memref<96x128xf32, #tpu.memory_space<vmem_shared>>)
    %dma_wait3A_506 = arith.constant 2 : i32
    %dma_wait3A_507 = arith.constant 0 : i32
    %dma_wait3A_508 = arith.constant 0 : i32
    %dma_wait3A_509 = tpu.memref_slice %arg9[%dma_wait3A_506, %dma_wait3A_507, %dma_wait3A_508] : memref<3x96x128xf32, #tpu.memory_space<vmem>> -> memref<1x96x128xf32, #tpu.memory_space<vmem>>
    %dma_wait3A_510 = tpu.memref_squeeze %dma_wait3A_509 : memref<1x96x128xf32, #tpu.memory_space<vmem>> -> memref<96x128xf32, #tpu.memory_space<vmem>>
    %dma_wait3A_511 = arith.constant 0 : i32
    %dma_wait3A_512 = arith.constant 0 : i32
    %dma_wait3A_513 = tpu.memref_slice %arg12[%dma_wait3A_511, %dma_wait3A_512] : memref<10112x128xf32, #tpu.memory_space<vmem_shared>> -> memref<96x128xf32, #tpu.memory_space<vmem_shared>>
    %dma_wait3A_514 = arith.constant 0 : i32
    %dma_wait3A_515 = arith.constant 0 : i32
    %dma_wait3A_516 = tpu.memref_slice %arg12[%dma_wait3A_514, %dma_wait3A_515] : memref<10112x128xf32, #tpu.memory_space<vmem_shared>> -> memref<96x128xf32, #tpu.memory_space<vmem_shared>>
    %dma_wait3A_517 = arith.constant 0 : i32
    %dma_wait3A_518 = arith.constant 0 : i32
    %dma_wait3A_519 = tpu.memref_slice %arg9[%dma_wait3A_506, %dma_wait3A_517, %dma_wait3A_518] : memref<3x96x128xf32, #tpu.memory_space<vmem>> -> memref<1x96x128xf32, #tpu.memory_space<vmem>>
    %dma_wait3A_520 = tpu.memref_squeeze %dma_wait3A_519 : memref<1x96x128xf32, #tpu.memory_space<vmem>> -> memref<96x128xf32, #tpu.memory_space<vmem>>
    tpu.wait_dma2 semaphore(%arg19 : memref<!tpu.dma_semaphore, #tpu.memory_space<semaphore_mem>>) src(%dma_wait3A_520 : memref<96x128xf32, #tpu.memory_space<vmem>>) dst(%dma_wait3A_516 : memref<96x128xf32, #tpu.memory_space<vmem_shared>>)
    "tpu.region"() ({
      %run_scoped3A_829 = tpu.sem_alloc : memref<!tpu.dma_semaphore, #tpu.memory_space<semaphore_mem>>
      %dma_start3A_830 = arith.constant 0 : i32
      %dma_start3A_831 = arith.constant 0 : i32
      %dma_start3A_832 = tpu.memref_slice %arg7[%dma_start3A_830, %dma_start3A_831] : memref<24x96xi32, #tpu.memory_space<vmem>> -> memref<24x96xi32, #tpu.memory_space<vmem>>
      %dma_start3A_833 = arith.constant 24 : i32
      %dma_start3A_834 = arith.constant 0 : i32
      %dma_start3A_835 = tpu.memref_slice %arg3[%add3A, %dma_start3A_833, %dma_start3A_834] : memref<32x108x96xi32, #tpu.memory_space<hbm>> -> memref<1x24x96xi32, #tpu.memory_space<hbm>>
      %dma_start3A_836 = tpu.memref_squeeze %dma_start3A_835 : memref<1x24x96xi32, #tpu.memory_space<hbm>> -> memref<24x96xi32, #tpu.memory_space<hbm>>
      %dma_start3A_837 = arith.constant 0 : i32
      %dma_start3A_838 = arith.constant 0 : i32
      %dma_start3A_839 = tpu.memref_slice %arg7[%dma_start3A_837, %dma_start3A_838] : memref<24x96xi32, #tpu.memory_space<vmem>> -> memref<24x96xi32, #tpu.memory_space<vmem>>
      %dma_start3A_840 = arith.constant 24 : i32
      %dma_start3A_841 = arith.constant 0 : i32
      %dma_start3A_842 = tpu.memref_slice %arg3[%add3A, %dma_start3A_840, %dma_start3A_841] : memref<32x108x96xi32, #tpu.memory_space<hbm>> -> memref<1x24x96xi32, #tpu.memory_space<hbm>>
      %dma_start3A_843 = tpu.memref_squeeze %dma_start3A_842 : memref<1x24x96xi32, #tpu.memory_space<hbm>> -> memref<24x96xi32, #tpu.memory_space<hbm>>
      tpu.enqueue_dma source(%dma_start3A_843 : memref<24x96xi32, #tpu.memory_space<hbm>>) target(%dma_start3A_839 : memref<24x96xi32, #tpu.memory_space<vmem>>) target_semaphore(%run_scoped3A_829 : memref<!tpu.dma_semaphore, #tpu.memory_space<semaphore_mem>>)
      %dma_wait3A_844 = arith.constant 0 : i32
      %dma_wait3A_845 = arith.constant 0 : i32
      %dma_wait3A_846 = tpu.memref_slice %arg7[%dma_wait3A_844, %dma_wait3A_845] : memref<24x96xi32, #tpu.memory_space<vmem>> -> memref<24x96xi32, #tpu.memory_space<vmem>>
      %dma_wait3A_847 = arith.constant 24 : i32
      %dma_wait3A_848 = arith.constant 0 : i32
      %dma_wait3A_849 = tpu.memref_slice %arg3[%add3A, %dma_wait3A_847, %dma_wait3A_848] : memref<32x108x96xi32, #tpu.memory_space<hbm>> -> memref<1x24x96xi32, #tpu.memory_space<hbm>>
      %dma_wait3A_850 = tpu.memref_squeeze %dma_wait3A_849 : memref<1x24x96xi32, #tpu.memory_space<hbm>> -> memref<24x96xi32, #tpu.memory_space<hbm>>
      %dma_wait3A_851 = arith.constant 0 : i32
      %dma_wait3A_852 = arith.constant 0 : i32
      %dma_wait3A_853 = tpu.memref_slice %arg7[%dma_wait3A_851, %dma_wait3A_852] : memref<24x96xi32, #tpu.memory_space<vmem>> -> memref<24x96xi32, #tpu.memory_space<vmem>>
      %dma_wait3A_854 = arith.constant 24 : i32
      %dma_wait3A_855 = arith.constant 0 : i32
      %dma_wait3A_856 = tpu.memref_slice %arg3[%add3A, %dma_wait3A_854, %dma_wait3A_855] : memref<32x108x96xi32, #tpu.memory_space<hbm>> -> memref<1x24x96xi32, #tpu.memory_space<hbm>>
      %dma_wait3A_857 = tpu.memref_squeeze %dma_wait3A_856 : memref<1x24x96xi32, #tpu.memory_space<hbm>> -> memref<24x96xi32, #tpu.memory_space<hbm>>
      tpu.wait_dma2 semaphore(%run_scoped3A_829 : memref<!tpu.dma_semaphore, #tpu.memory_space<semaphore_mem>>) src(%dma_wait3A_857 : memref<24x96xi32, #tpu.memory_space<hbm>>) dst(%dma_wait3A_853 : memref<24x96xi32, #tpu.memory_space<vmem>>)
      tpu.yield
    }) : () -> ()
    "tpu.region"() ({
      %run_scoped3A_829 = tpu.sem_alloc : memref<!tpu.dma_semaphore, #tpu.memory_space<semaphore_mem>>
      %dma_start3A_830 = arith.constant 0 : i32
      %dma_start3A_831 = arith.constant 0 : i32
      %dma_start3A_832 = tpu.memref_slice %arg8[%dma_start3A_830, %dma_start3A_831] : memref<24x96xi32, #tpu.memory_space<vmem>> -> memref<24x96xi32, #tpu.memory_space<vmem>>
      %dma_start3A_833 = arith.constant 24 : i32
      %dma_start3A_834 = arith.constant 0 : i32
      %dma_start3A_835 = tpu.memref_slice %arg4[%add3A, %dma_start3A_833, %dma_start3A_834] : memref<32x108x96xi32, #tpu.memory_space<hbm>> -> memref<1x24x96xi32, #tpu.memory_space<hbm>>
      %dma_start3A_836 = tpu.memref_squeeze %dma_start3A_835 : memref<1x24x96xi32, #tpu.memory_space<hbm>> -> memref<24x96xi32, #tpu.memory_space<hbm>>
      %dma_start3A_837 = arith.constant 0 : i32
      %dma_start3A_838 = arith.constant 0 : i32
      %dma_start3A_839 = tpu.memref_slice %arg8[%dma_start3A_837, %dma_start3A_838] : memref<24x96xi32, #tpu.memory_space<vmem>> -> memref<24x96xi32, #tpu.memory_space<vmem>>
      %dma_start3A_840 = arith.constant 24 : i32
      %dma_start3A_841 = arith.constant 0 : i32
      %dma_start3A_842 = tpu.memref_slice %arg4[%add3A, %dma_start3A_840, %dma_start3A_841] : memref<32x108x96xi32, #tpu.memory_space<hbm>> -> memref<1x24x96xi32, #tpu.memory_space<hbm>>
      %dma_start3A_843 = tpu.memref_squeeze %dma_start3A_842 : memref<1x24x96xi32, #tpu.memory_space<hbm>> -> memref<24x96xi32, #tpu.memory_space<hbm>>
      tpu.enqueue_dma source(%dma_start3A_843 : memref<24x96xi32, #tpu.memory_space<hbm>>) target(%dma_start3A_839 : memref<24x96xi32, #tpu.memory_space<vmem>>) target_semaphore(%run_scoped3A_829 : memref<!tpu.dma_semaphore, #tpu.memory_space<semaphore_mem>>)
      %dma_wait3A_844 = arith.constant 0 : i32
      %dma_wait3A_845 = arith.constant 0 : i32
      %dma_wait3A_846 = tpu.memref_slice %arg8[%dma_wait3A_844, %dma_wait3A_845] : memref<24x96xi32, #tpu.memory_space<vmem>> -> memref<24x96xi32, #tpu.memory_space<vmem>>
      %dma_wait3A_847 = arith.constant 24 : i32
      %dma_wait3A_848 = arith.constant 0 : i32
      %dma_wait3A_849 = tpu.memref_slice %arg4[%add3A, %dma_wait3A_847, %dma_wait3A_848] : memref<32x108x96xi32, #tpu.memory_space<hbm>> -> memref<1x24x96xi32, #tpu.memory_space<hbm>>
      %dma_wait3A_850 = tpu.memref_squeeze %dma_wait3A_849 : memref<1x24x96xi32, #tpu.memory_space<hbm>> -> memref<24x96xi32, #tpu.memory_space<hbm>>
      %dma_wait3A_851 = arith.constant 0 : i32
      %dma_wait3A_852 = arith.constant 0 : i32
      %dma_wait3A_853 = tpu.memref_slice %arg8[%dma_wait3A_851, %dma_wait3A_852] : memref<24x96xi32, #tpu.memory_space<vmem>> -> memref<24x96xi32, #tpu.memory_space<vmem>>
      %dma_wait3A_854 = arith.constant 24 : i32
      %dma_wait3A_855 = arith.constant 0 : i32
      %dma_wait3A_856 = tpu.memref_slice %arg4[%add3A, %dma_wait3A_854, %dma_wait3A_855] : memref<32x108x96xi32, #tpu.memory_space<hbm>> -> memref<1x24x96xi32, #tpu.memory_space<hbm>>
      %dma_wait3A_857 = tpu.memref_squeeze %dma_wait3A_856 : memref<1x24x96xi32, #tpu.memory_space<hbm>> -> memref<24x96xi32, #tpu.memory_space<hbm>>
      tpu.wait_dma2 semaphore(%run_scoped3A_829 : memref<!tpu.dma_semaphore, #tpu.memory_space<semaphore_mem>>) src(%dma_wait3A_857 : memref<24x96xi32, #tpu.memory_space<hbm>>) dst(%dma_wait3A_853 : memref<24x96xi32, #tpu.memory_space<vmem>>)
      tpu.yield
    }) : () -> ()
    %dma_start3A_521 = arith.constant 0 : i32
    %dma_start3A_522 = arith.constant 0 : i32
    %dma_start3A_523 = arith.constant 0 : i32
    %dma_start3A_524 = arith.constant 0 : i32
    %dma_start3A_525 = tpu.memref_slice %arg9[%dma_start3A_522, %dma_start3A_523, %dma_start3A_524] : memref<3x96x128xf32, #tpu.memory_space<vmem>> -> memref<1x96x128xf32, #tpu.memory_space<vmem>>
    %dma_start3A_526 = tpu.memref_squeeze %dma_start3A_525 : memref<1x96x128xf32, #tpu.memory_space<vmem>> -> memref<96x128xf32, #tpu.memory_space<vmem>>
    %dma_start3A_527 = arith.constant 0 : i32
    %dma_start3A_528 = tpu.memref_slice %arg7[%dma_start3A_521, %dma_start3A_527] : memref<24x96xi32, #tpu.memory_space<vmem>> -> memref<1x96xi32, #tpu.memory_space<vmem>>
    %dma_start3A_529 = tpu.memref_squeeze %dma_start3A_528 : memref<1x96xi32, #tpu.memory_space<vmem>> -> memref<96xi32, #tpu.memory_space<vmem>>
    %dma_start3A_530 = arith.constant 0 : i32
    %dma_start3A_531 = arith.constant 0 : i32
    %dma_start3A_532 = tpu.memref_slice %arg2[%dma_start3A_530, %dma_start3A_531] : memref<10000x128xf32, #tpu.memory_space<hbm>> -> memref<10000x128xf32, #tpu.memory_space<hbm>>
    tpu.enqueue_indirect_dma source(%dma_start3A_532 : memref<10000x128xf32, #tpu.memory_space<hbm>>) target(%dma_start3A_526 : memref<96x128xf32, #tpu.memory_space<vmem>>) offsets(%dma_start3A_529 : memref<96xi32, #tpu.memory_space<vmem>>) semaphore(%arg14 : memref<!tpu.dma_semaphore, #tpu.memory_space<semaphore_mem>>)
    %dma_start3A_533 = arith.constant 1 : i32
    %dma_start3A_534 = arith.constant 1 : i32
    %dma_start3A_535 = arith.constant 0 : i32
    %dma_start3A_536 = arith.constant 0 : i32
    %dma_start3A_537 = tpu.memref_slice %arg9[%dma_start3A_534, %dma_start3A_535, %dma_start3A_536] : memref<3x96x128xf32, #tpu.memory_space<vmem>> -> memref<1x96x128xf32, #tpu.memory_space<vmem>>
    %dma_start3A_538 = tpu.memref_squeeze %dma_start3A_537 : memref<1x96x128xf32, #tpu.memory_space<vmem>> -> memref<96x128xf32, #tpu.memory_space<vmem>>
    %dma_start3A_539 = arith.constant 0 : i32
    %dma_start3A_540 = tpu.memref_slice %arg7[%dma_start3A_533, %dma_start3A_539] : memref<24x96xi32, #tpu.memory_space<vmem>> -> memref<1x96xi32, #tpu.memory_space<vmem>>
    %dma_start3A_541 = tpu.memref_squeeze %dma_start3A_540 : memref<1x96xi32, #tpu.memory_space<vmem>> -> memref<96xi32, #tpu.memory_space<vmem>>
    %dma_start3A_542 = arith.constant 0 : i32
    %dma_start3A_543 = arith.constant 0 : i32
    %dma_start3A_544 = tpu.memref_slice %arg2[%dma_start3A_542, %dma_start3A_543] : memref<10000x128xf32, #tpu.memory_space<hbm>> -> memref<10000x128xf32, #tpu.memory_space<hbm>>
    tpu.enqueue_indirect_dma source(%dma_start3A_544 : memref<10000x128xf32, #tpu.memory_space<hbm>>) target(%dma_start3A_538 : memref<96x128xf32, #tpu.memory_space<vmem>>) offsets(%dma_start3A_541 : memref<96xi32, #tpu.memory_space<vmem>>) semaphore(%arg15 : memref<!tpu.dma_semaphore, #tpu.memory_space<semaphore_mem>>)
    %scan3A_545 = arith.constant 0 : i32
    %scan3A_546 = arith.constant 0 : i32
    %scan3A_547 = arith.constant 8 : i32
    %scan3A_548 = arith.addi %scan3A_546, %scan3A_547 : i32
    %scan3A_549 = arith.constant 1 : i32
    scf.for %scan3A_829 = %scan3A_546 to %scan3A_548 step %scan3A_549  : i32 {
      %mul3A_830 = arith.constant 3 : i32
      %mul3A_831 = arith.muli %mul3A_830, %scan3A_829 : i32
      %add3A_832 = arith.constant 0 : i32
      %add3A_833 = arith.addi %mul3A_831, %add3A_832 : i32
      %dma_wait3A_834 = arith.constant 0 : i32
      %dma_wait3A_835 = arith.constant 0 : i32
      %dma_wait3A_836 = arith.constant 0 : i32
      %dma_wait3A_837 = tpu.memref_slice %arg9[%dma_wait3A_834, %dma_wait3A_835, %dma_wait3A_836] : memref<3x96x128xf32, #tpu.memory_space<vmem>> -> memref<1x96x128xf32, #tpu.memory_space<vmem>>
      %dma_wait3A_838 = tpu.memref_squeeze %dma_wait3A_837 : memref<1x96x128xf32, #tpu.memory_space<vmem>> -> memref<96x128xf32, #tpu.memory_space<vmem>>
      %dma_wait3A_839 = arith.constant 0 : i32
      %dma_wait3A_840 = arith.constant 0 : i32
      %dma_wait3A_841 = tpu.memref_slice %arg2[%dma_wait3A_839, %dma_wait3A_840] : memref<10000x128xf32, #tpu.memory_space<hbm>> -> memref<96x128xf32, #tpu.memory_space<hbm>>
      %dma_wait3A_842 = arith.constant 0 : i32
      %dma_wait3A_843 = arith.constant 0 : i32
      %dma_wait3A_844 = tpu.memref_slice %arg9[%dma_wait3A_834, %dma_wait3A_842, %dma_wait3A_843] : memref<3x96x128xf32, #tpu.memory_space<vmem>> -> memref<1x96x128xf32, #tpu.memory_space<vmem>>
      %dma_wait3A_845 = tpu.memref_squeeze %dma_wait3A_844 : memref<1x96x128xf32, #tpu.memory_space<vmem>> -> memref<96x128xf32, #tpu.memory_space<vmem>>
      %dma_wait3A_846 = arith.constant 0 : i32
      %dma_wait3A_847 = arith.constant 0 : i32
      %dma_wait3A_848 = tpu.memref_slice %arg2[%dma_wait3A_846, %dma_wait3A_847] : memref<10000x128xf32, #tpu.memory_space<hbm>> -> memref<96x128xf32, #tpu.memory_space<hbm>>
      tpu.wait_dma2 semaphore(%arg14 : memref<!tpu.dma_semaphore, #tpu.memory_space<semaphore_mem>>) src(%dma_wait3A_848 : memref<96x128xf32, #tpu.memory_space<hbm>>) dst(%dma_wait3A_845 : memref<96x128xf32, #tpu.memory_space<vmem>>)
      %dma_start3A_849 = arith.constant 0 : i32
      %dma_start3A_850 = arith.constant 0 : i32
      %dma_start3A_851 = arith.constant 0 : i32
      %dma_start3A_852 = tpu.memref_slice %arg9[%dma_start3A_849, %dma_start3A_850, %dma_start3A_851] : memref<3x96x128xf32, #tpu.memory_space<vmem>> -> memref<1x96x128xf32, #tpu.memory_space<vmem>>
      %dma_start3A_853 = tpu.memref_squeeze %dma_start3A_852 : memref<1x96x128xf32, #tpu.memory_space<vmem>> -> memref<96x128xf32, #tpu.memory_space<vmem>>
      %dma_start3A_854 = arith.constant 0 : i32
      %dma_start3A_855 = tpu.memref_slice %arg8[%add3A_833, %dma_start3A_854] : memref<24x96xi32, #tpu.memory_space<vmem>> -> memref<1x96xi32, #tpu.memory_space<vmem>>
      %dma_start3A_856 = tpu.memref_squeeze %dma_start3A_855 : memref<1x96xi32, #tpu.memory_space<vmem>> -> memref<96xi32, #tpu.memory_space<vmem>>
      %dma_start3A_857 = arith.constant 0 : i32
      %dma_start3A_858 = arith.constant 0 : i32
      %dma_start3A_859 = tpu.memref_slice %arg12[%dma_start3A_857, %dma_start3A_858] : memref<10112x128xf32, #tpu.memory_space<vmem_shared>> -> memref<10112x128xf32, #tpu.memory_space<vmem_shared>>
      tpu.enqueue_indirect_dma source(%dma_start3A_853 : memref<96x128xf32, #tpu.memory_space<vmem>>) target(%dma_start3A_859 : memref<10112x128xf32, #tpu.memory_space<vmem_shared>>) offsets(%dma_start3A_856 : memref<96xi32, #tpu.memory_space<vmem>>) semaphore(%arg17 : memref<!tpu.dma_semaphore, #tpu.memory_space<semaphore_mem>>) {add = true}
      %ge3A = arith.constant 1 : i32
      %ge3A_860 = arith.cmpi sge, %add3A_833, %ge3A : i32
      %add3A_861 = arith.constant 2 : i32
      %add3A_862 = arith.addi %add3A_833, %add3A_861 : i32
      %lt3A = arith.constant 24 : i32
      %lt3A_863 = arith.cmpi slt, %add3A_862, %lt3A : i32
      %and3A = arith.andi %ge3A_860, %lt3A_863 : i1
      %convert_element_type3A = arith.extui %and3A : i1 to i32
      %cond3A = arith.constant 0 : i32
      %cond3A_864 = arith.cmpi ne, %convert_element_type3A, %cond3A : i32
      scf.if %cond3A_864 {
        %dma_wait3A_966 = arith.constant 2 : i32
        %dma_wait3A_967 = arith.constant 0 : i32
        %dma_wait3A_968 = arith.constant 0 : i32
        %dma_wait3A_969 = tpu.memref_slice %arg9[%dma_wait3A_966, %dma_wait3A_967, %dma_wait3A_968] : memref<3x96x128xf32, #tpu.memory_space<vmem>> -> memref<1x96x128xf32, #tpu.memory_space<vmem>>
        %dma_wait3A_970 = tpu.memref_squeeze %dma_wait3A_969 : memref<1x96x128xf32, #tpu.memory_space<vmem>> -> memref<96x128xf32, #tpu.memory_space<vmem>>
        %dma_wait3A_971 = arith.constant 0 : i32
        %dma_wait3A_972 = arith.constant 0 : i32
        %dma_wait3A_973 = tpu.memref_slice %arg12[%dma_wait3A_971, %dma_wait3A_972] : memref<10112x128xf32, #tpu.memory_space<vmem_shared>> -> memref<96x128xf32, #tpu.memory_space<vmem_shared>>
        %dma_wait3A_974 = arith.constant 0 : i32
        %dma_wait3A_975 = arith.constant 0 : i32
        %dma_wait3A_976 = tpu.memref_slice %arg12[%dma_wait3A_974, %dma_wait3A_975] : memref<10112x128xf32, #tpu.memory_space<vmem_shared>> -> memref<96x128xf32, #tpu.memory_space<vmem_shared>>
        %dma_wait3A_977 = arith.constant 0 : i32
        %dma_wait3A_978 = arith.constant 0 : i32
        %dma_wait3A_979 = tpu.memref_slice %arg9[%dma_wait3A_966, %dma_wait3A_977, %dma_wait3A_978] : memref<3x96x128xf32, #tpu.memory_space<vmem>> -> memref<1x96x128xf32, #tpu.memory_space<vmem>>
        %dma_wait3A_980 = tpu.memref_squeeze %dma_wait3A_979 : memref<1x96x128xf32, #tpu.memory_space<vmem>> -> memref<96x128xf32, #tpu.memory_space<vmem>>
        tpu.wait_dma2 semaphore(%arg19 : memref<!tpu.dma_semaphore, #tpu.memory_space<semaphore_mem>>) src(%dma_wait3A_980 : memref<96x128xf32, #tpu.memory_space<vmem>>) dst(%dma_wait3A_976 : memref<96x128xf32, #tpu.memory_space<vmem_shared>>)
      } else {
      }
      %add3A_865 = arith.constant 2 : i32
      %add3A_866 = arith.addi %add3A_833, %add3A_865 : i32
      %lt3A_867 = arith.constant 24 : i32
      %lt3A_868 = arith.cmpi slt, %add3A_866, %lt3A_867 : i32
      %convert_element_type3A_869 = arith.extui %lt3A_868 : i1 to i32
      %cond3A_870 = arith.constant 0 : i32
      %cond3A_871 = arith.cmpi ne, %convert_element_type3A_869, %cond3A_870 : i32
      scf.if %cond3A_871 {
        %add3A_966 = arith.constant 2 : i32
        %add3A_967 = arith.addi %add3A_833, %add3A_966 : i32
        %dma_start3A_968 = arith.constant 2 : i32
        %dma_start3A_969 = arith.constant 0 : i32
        %dma_start3A_970 = arith.constant 0 : i32
        %dma_start3A_971 = tpu.memref_slice %arg9[%dma_start3A_968, %dma_start3A_969, %dma_start3A_970] : memref<3x96x128xf32, #tpu.memory_space<vmem>> -> memref<1x96x128xf32, #tpu.memory_space<vmem>>
        %dma_start3A_972 = tpu.memref_squeeze %dma_start3A_971 : memref<1x96x128xf32, #tpu.memory_space<vmem>> -> memref<96x128xf32, #tpu.memory_space<vmem>>
        %dma_start3A_973 = arith.constant 0 : i32
        %dma_start3A_974 = tpu.memref_slice %arg7[%add3A_967, %dma_start3A_973] : memref<24x96xi32, #tpu.memory_space<vmem>> -> memref<1x96xi32, #tpu.memory_space<vmem>>
        %dma_start3A_975 = tpu.memref_squeeze %dma_start3A_974 : memref<1x96xi32, #tpu.memory_space<vmem>> -> memref<96xi32, #tpu.memory_space<vmem>>
        %dma_start3A_976 = arith.constant 0 : i32
        %dma_start3A_977 = arith.constant 0 : i32
        %dma_start3A_978 = tpu.memref_slice %arg2[%dma_start3A_976, %dma_start3A_977] : memref<10000x128xf32, #tpu.memory_space<hbm>> -> memref<10000x128xf32, #tpu.memory_space<hbm>>
        tpu.enqueue_indirect_dma source(%dma_start3A_978 : memref<10000x128xf32, #tpu.memory_space<hbm>>) target(%dma_start3A_972 : memref<96x128xf32, #tpu.memory_space<vmem>>) offsets(%dma_start3A_975 : memref<96xi32, #tpu.memory_space<vmem>>) semaphore(%arg16 : memref<!tpu.dma_semaphore, #tpu.memory_space<semaphore_mem>>)
      } else {
      }
      "tpu.region"() ({
        %run_scoped3A_966 = tpu.sem_alloc : memref<!tpu.dma_semaphore, #tpu.memory_space<semaphore_mem>>
        %dma_start3A_967 = arith.constant 0 : i32
        %dma_start3A_968 = tpu.memref_slice %arg8[%add3A_833, %dma_start3A_967] : memref<24x96xi32, #tpu.memory_space<vmem>> -> memref<1x96xi32, #tpu.memory_space<vmem>>
        %dma_start3A_969 = tpu.memref_squeeze %dma_start3A_968 : memref<1x96xi32, #tpu.memory_space<vmem>> -> memref<96xi32, #tpu.memory_space<vmem>>
        %dma_start3A_970 = arith.constant 0 : i32
        %dma_start3A_971 = tpu.memref_slice %arg13[%dma_start3A_970] : memref<16384xf32, #tpu.memory_space<vmem_shared>> -> memref<16384xf32, #tpu.memory_space<vmem_shared>>
        tpu.enqueue_indirect_dma source(%arg10 : memref<96xf32, #tpu.memory_space<vmem>>) target(%dma_start3A_971 : memref<16384xf32, #tpu.memory_space<vmem_shared>>) offsets(%dma_start3A_969 : memref<96xi32, #tpu.memory_space<vmem>>) semaphore(%run_scoped3A_966 : memref<!tpu.dma_semaphore, #tpu.memory_space<semaphore_mem>>) {add = true}
        %dma_wait3A_972 = arith.constant 0 : i32
        %dma_wait3A_973 = tpu.memref_slice %arg8[%add3A_833, %dma_wait3A_972] : memref<24x96xi32, #tpu.memory_space<vmem>> -> memref<1x96xi32, #tpu.memory_space<vmem>>
        %dma_wait3A_974 = tpu.memref_squeeze %dma_wait3A_973 : memref<1x96xi32, #tpu.memory_space<vmem>> -> memref<96xi32, #tpu.memory_space<vmem>>
        %dma_wait3A_975 = arith.constant 0 : i32
        %dma_wait3A_976 = tpu.memref_slice %arg13[%dma_wait3A_975] : memref<16384xf32, #tpu.memory_space<vmem_shared>> -> memref<16384xf32, #tpu.memory_space<vmem_shared>>
        tpu.wait_indirect_dma semaphore(%run_scoped3A_966 : memref<!tpu.dma_semaphore, #tpu.memory_space<semaphore_mem>>) src(%arg10 : memref<96xf32, #tpu.memory_space<vmem>>) dst(%dma_wait3A_976 : memref<16384xf32, #tpu.memory_space<vmem_shared>>)
        tpu.yield
      }) : () -> ()
      %mul3A_872 = arith.constant 3 : i32
      %mul3A_873 = arith.muli %mul3A_872, %scan3A_829 : i32
      %add3A_874 = arith.constant 1 : i32
      %add3A_875 = arith.addi %mul3A_873, %add3A_874 : i32
      %dma_wait3A_876 = arith.constant 1 : i32
      %dma_wait3A_877 = arith.constant 0 : i32
      %dma_wait3A_878 = arith.constant 0 : i32
      %dma_wait3A_879 = tpu.memref_slice %arg9[%dma_wait3A_876, %dma_wait3A_877, %dma_wait3A_878] : memref<3x96x128xf32, #tpu.memory_space<vmem>> -> memref<1x96x128xf32, #tpu.memory_space<vmem>>
      %dma_wait3A_880 = tpu.memref_squeeze %dma_wait3A_879 : memref<1x96x128xf32, #tpu.memory_space<vmem>> -> memref<96x128xf32, #tpu.memory_space<vmem>>
      %dma_wait3A_881 = arith.constant 0 : i32
      %dma_wait3A_882 = arith.constant 0 : i32
      %dma_wait3A_883 = tpu.memref_slice %arg2[%dma_wait3A_881, %dma_wait3A_882] : memref<10000x128xf32, #tpu.memory_space<hbm>> -> memref<96x128xf32, #tpu.memory_space<hbm>>
      %dma_wait3A_884 = arith.constant 0 : i32
      %dma_wait3A_885 = arith.constant 0 : i32
      %dma_wait3A_886 = tpu.memref_slice %arg9[%dma_wait3A_876, %dma_wait3A_884, %dma_wait3A_885] : memref<3x96x128xf32, #tpu.memory_space<vmem>> -> memref<1x96x128xf32, #tpu.memory_space<vmem>>
      %dma_wait3A_887 = tpu.memref_squeeze %dma_wait3A_886 : memref<1x96x128xf32, #tpu.memory_space<vmem>> -> memref<96x128xf32, #tpu.memory_space<vmem>>
      %dma_wait3A_888 = arith.constant 0 : i32
      %dma_wait3A_889 = arith.constant 0 : i32
      %dma_wait3A_890 = tpu.memref_slice %arg2[%dma_wait3A_888, %dma_wait3A_889] : memref<10000x128xf32, #tpu.memory_space<hbm>> -> memref<96x128xf32, #tpu.memory_space<hbm>>
      tpu.wait_dma2 semaphore(%arg15 : memref<!tpu.dma_semaphore, #tpu.memory_space<semaphore_mem>>) src(%dma_wait3A_890 : memref<96x128xf32, #tpu.memory_space<hbm>>) dst(%dma_wait3A_887 : memref<96x128xf32, #tpu.memory_space<vmem>>)
      %dma_start3A_891 = arith.constant 1 : i32
      %dma_start3A_892 = arith.constant 0 : i32
      %dma_start3A_893 = arith.constant 0 : i32
      %dma_start3A_894 = tpu.memref_slice %arg9[%dma_start3A_891, %dma_start3A_892, %dma_start3A_893] : memref<3x96x128xf32, #tpu.memory_space<vmem>> -> memref<1x96x128xf32, #tpu.memory_space<vmem>>
      %dma_start3A_895 = tpu.memref_squeeze %dma_start3A_894 : memref<1x96x128xf32, #tpu.memory_space<vmem>> -> memref<96x128xf32, #tpu.memory_space<vmem>>
      %dma_start3A_896 = arith.constant 0 : i32
      %dma_start3A_897 = tpu.memref_slice %arg8[%add3A_875, %dma_start3A_896] : memref<24x96xi32, #tpu.memory_space<vmem>> -> memref<1x96xi32, #tpu.memory_space<vmem>>
      %dma_start3A_898 = tpu.memref_squeeze %dma_start3A_897 : memref<1x96xi32, #tpu.memory_space<vmem>> -> memref<96xi32, #tpu.memory_space<vmem>>
      %dma_start3A_899 = arith.constant 0 : i32
      %dma_start3A_900 = arith.constant 0 : i32
      %dma_start3A_901 = tpu.memref_slice %arg12[%dma_start3A_899, %dma_start3A_900] : memref<10112x128xf32, #tpu.memory_space<vmem_shared>> -> memref<10112x128xf32, #tpu.memory_space<vmem_shared>>
      tpu.enqueue_indirect_dma source(%dma_start3A_895 : memref<96x128xf32, #tpu.memory_space<vmem>>) target(%dma_start3A_901 : memref<10112x128xf32, #tpu.memory_space<vmem_shared>>) offsets(%dma_start3A_898 : memref<96xi32, #tpu.memory_space<vmem>>) semaphore(%arg18 : memref<!tpu.dma_semaphore, #tpu.memory_space<semaphore_mem>>) {add = true}
      %ge3A_902 = arith.constant 1 : i32
      %ge3A_903 = arith.cmpi sge, %add3A_875, %ge3A_902 : i32
      %add3A_904 = arith.constant 2 : i32
      %add3A_905 = arith.addi %add3A_875, %add3A_904 : i32
      %lt3A_906 = arith.constant 24 : i32
      %lt3A_907 = arith.cmpi slt, %add3A_905, %lt3A_906 : i32
      %and3A_908 = arith.andi %ge3A_903, %lt3A_907 : i1
      %convert_element_type3A_909 = arith.extui %and3A_908 : i1 to i32
      %cond3A_910 = arith.constant 0 : i32
      %cond3A_911 = arith.cmpi ne, %convert_element_type3A_909, %cond3A_910 : i32
      scf.if %cond3A_911 {
        %dma_wait3A_966 = arith.constant 0 : i32
        %dma_wait3A_967 = arith.constant 0 : i32
        %dma_wait3A_968 = arith.constant 0 : i32
        %dma_wait3A_969 = tpu.memref_slice %arg9[%dma_wait3A_966, %dma_wait3A_967, %dma_wait3A_968] : memref<3x96x128xf32, #tpu.memory_space<vmem>> -> memref<1x96x128xf32, #tpu.memory_space<vmem>>
        %dma_wait3A_970 = tpu.memref_squeeze %dma_wait3A_969 : memref<1x96x128xf32, #tpu.memory_space<vmem>> -> memref<96x128xf32, #tpu.memory_space<vmem>>
        %dma_wait3A_971 = arith.constant 0 : i32
        %dma_wait3A_972 = arith.constant 0 : i32
        %dma_wait3A_973 = tpu.memref_slice %arg12[%dma_wait3A_971, %dma_wait3A_972] : memref<10112x128xf32, #tpu.memory_space<vmem_shared>> -> memref<96x128xf32, #tpu.memory_space<vmem_shared>>
        %dma_wait3A_974 = arith.constant 0 : i32
        %dma_wait3A_975 = arith.constant 0 : i32
        %dma_wait3A_976 = tpu.memref_slice %arg12[%dma_wait3A_974, %dma_wait3A_975] : memref<10112x128xf32, #tpu.memory_space<vmem_shared>> -> memref<96x128xf32, #tpu.memory_space<vmem_shared>>
        %dma_wait3A_977 = arith.constant 0 : i32
        %dma_wait3A_978 = arith.constant 0 : i32
        %dma_wait3A_979 = tpu.memref_slice %arg9[%dma_wait3A_966, %dma_wait3A_977, %dma_wait3A_978] : memref<3x96x128xf32, #tpu.memory_space<vmem>> -> memref<1x96x128xf32, #tpu.memory_space<vmem>>
        %dma_wait3A_980 = tpu.memref_squeeze %dma_wait3A_979 : memref<1x96x128xf32, #tpu.memory_space<vmem>> -> memref<96x128xf32, #tpu.memory_space<vmem>>
        tpu.wait_dma2 semaphore(%arg17 : memref<!tpu.dma_semaphore, #tpu.memory_space<semaphore_mem>>) src(%dma_wait3A_980 : memref<96x128xf32, #tpu.memory_space<vmem>>) dst(%dma_wait3A_976 : memref<96x128xf32, #tpu.memory_space<vmem_shared>>)
      } else {
      }
      %add3A_912 = arith.constant 2 : i32
      %add3A_913 = arith.addi %add3A_875, %add3A_912 : i32
      %lt3A_914 = arith.constant 24 : i32
      %lt3A_915 = arith.cmpi slt, %add3A_913, %lt3A_914 : i32
      %convert_element_type3A_916 = arith.extui %lt3A_915 : i1 to i32
      %cond3A_917 = arith.constant 0 : i32
      %cond3A_918 = arith.cmpi ne, %convert_element_type3A_916, %cond3A_917 : i32
      scf.if %cond3A_918 {
        %add3A_966 = arith.constant 2 : i32
        %add3A_967 = arith.addi %add3A_875, %add3A_966 : i32
        %dma_start3A_968 = arith.constant 0 : i32
        %dma_start3A_969 = arith.constant 0 : i32
        %dma_start3A_970 = arith.constant 0 : i32
        %dma_start3A_971 = tpu.memref_slice %arg9[%dma_start3A_968, %dma_start3A_969, %dma_start3A_970] : memref<3x96x128xf32, #tpu.memory_space<vmem>> -> memref<1x96x128xf32, #tpu.memory_space<vmem>>
        %dma_start3A_972 = tpu.memref_squeeze %dma_start3A_971 : memref<1x96x128xf32, #tpu.memory_space<vmem>> -> memref<96x128xf32, #tpu.memory_space<vmem>>
        %dma_start3A_973 = arith.constant 0 : i32
        %dma_start3A_974 = tpu.memref_slice %arg7[%add3A_967, %dma_start3A_973] : memref<24x96xi32, #tpu.memory_space<vmem>> -> memref<1x96xi32, #tpu.memory_space<vmem>>
        %dma_start3A_975 = tpu.memref_squeeze %dma_start3A_974 : memref<1x96xi32, #tpu.memory_space<vmem>> -> memref<96xi32, #tpu.memory_space<vmem>>
        %dma_start3A_976 = arith.constant 0 : i32
        %dma_start3A_977 = arith.constant 0 : i32
        %dma_start3A_978 = tpu.memref_slice %arg2[%dma_start3A_976, %dma_start3A_977] : memref<10000x128xf32, #tpu.memory_space<hbm>> -> memref<10000x128xf32, #tpu.memory_space<hbm>>
        tpu.enqueue_indirect_dma source(%dma_start3A_978 : memref<10000x128xf32, #tpu.memory_space<hbm>>) target(%dma_start3A_972 : memref<96x128xf32, #tpu.memory_space<vmem>>) offsets(%dma_start3A_975 : memref<96xi32, #tpu.memory_space<vmem>>) semaphore(%arg14 : memref<!tpu.dma_semaphore, #tpu.memory_space<semaphore_mem>>)
      } else {
      }
      "tpu.region"() ({
        %run_scoped3A_966 = tpu.sem_alloc : memref<!tpu.dma_semaphore, #tpu.memory_space<semaphore_mem>>
        %dma_start3A_967 = arith.constant 0 : i32
        %dma_start3A_968 = tpu.memref_slice %arg8[%add3A_875, %dma_start3A_967] : memref<24x96xi32, #tpu.memory_space<vmem>> -> memref<1x96xi32, #tpu.memory_space<vmem>>
        %dma_start3A_969 = tpu.memref_squeeze %dma_start3A_968 : memref<1x96xi32, #tpu.memory_space<vmem>> -> memref<96xi32, #tpu.memory_space<vmem>>
        %dma_start3A_970 = arith.constant 0 : i32
        %dma_start3A_971 = tpu.memref_slice %arg13[%dma_start3A_970] : memref<16384xf32, #tpu.memory_space<vmem_shared>> -> memref<16384xf32, #tpu.memory_space<vmem_shared>>
        tpu.enqueue_indirect_dma source(%arg10 : memref<96xf32, #tpu.memory_space<vmem>>) target(%dma_start3A_971 : memref<16384xf32, #tpu.memory_space<vmem_shared>>) offsets(%dma_start3A_969 : memref<96xi32, #tpu.memory_space<vmem>>) semaphore(%run_scoped3A_966 : memref<!tpu.dma_semaphore, #tpu.memory_space<semaphore_mem>>) {add = true}
        %dma_wait3A_972 = arith.constant 0 : i32
        %dma_wait3A_973 = tpu.memref_slice %arg8[%add3A_875, %dma_wait3A_972] : memref<24x96xi32, #tpu.memory_space<vmem>> -> memref<1x96xi32, #tpu.memory_space<vmem>>
        %dma_wait3A_974 = tpu.memref_squeeze %dma_wait3A_973 : memref<1x96xi32, #tpu.memory_space<vmem>> -> memref<96xi32, #tpu.memory_space<vmem>>
        %dma_wait3A_975 = arith.constant 0 : i32
        %dma_wait3A_976 = tpu.memref_slice %arg13[%dma_wait3A_975] : memref<16384xf32, #tpu.memory_space<vmem_shared>> -> memref<16384xf32, #tpu.memory_space<vmem_shared>>
        tpu.wait_indirect_dma semaphore(%run_scoped3A_966 : memref<!tpu.dma_semaphore, #tpu.memory_space<semaphore_mem>>) src(%arg10 : memref<96xf32, #tpu.memory_space<vmem>>) dst(%dma_wait3A_976 : memref<16384xf32, #tpu.memory_space<vmem_shared>>)
        tpu.yield
      }) : () -> ()
      %mul3A_919 = arith.constant 3 : i32
      %mul3A_920 = arith.muli %mul3A_919, %scan3A_829 : i32
      %add3A_921 = arith.constant 2 : i32
      %add3A_922 = arith.addi %mul3A_920, %add3A_921 : i32
      %dma_wait3A_923 = arith.constant 2 : i32
      %dma_wait3A_924 = arith.constant 0 : i32
      %dma_wait3A_925 = arith.constant 0 : i32
      %dma_wait3A_926 = tpu.memref_slice %arg9[%dma_wait3A_923, %dma_wait3A_924, %dma_wait3A_925] : memref<3x96x128xf32, #tpu.memory_space<vmem>> -> memref<1x96x128xf32, #tpu.memory_space<vmem>>
      %dma_wait3A_927 = tpu.memref_squeeze %dma_wait3A_926 : memref<1x96x128xf32, #tpu.memory_space<vmem>> -> memref<96x128xf32, #tpu.memory_space<vmem>>
      %dma_wait3A_928 = arith.constant 0 : i32
      %dma_wait3A_929 = arith.constant 0 : i32
      %dma_wait3A_930 = tpu.memref_slice %arg2[%dma_wait3A_928, %dma_wait3A_929] : memref<10000x128xf32, #tpu.memory_space<hbm>> -> memref<96x128xf32, #tpu.memory_space<hbm>>
      %dma_wait3A_931 = arith.constant 0 : i32
      %dma_wait3A_932 = arith.constant 0 : i32
      %dma_wait3A_933 = tpu.memref_slice %arg9[%dma_wait3A_923, %dma_wait3A_931, %dma_wait3A_932] : memref<3x96x128xf32, #tpu.memory_space<vmem>> -> memref<1x96x128xf32, #tpu.memory_space<vmem>>
      %dma_wait3A_934 = tpu.memref_squeeze %dma_wait3A_933 : memref<1x96x128xf32, #tpu.memory_space<vmem>> -> memref<96x128xf32, #tpu.memory_space<vmem>>
      %dma_wait3A_935 = arith.constant 0 : i32
      %dma_wait3A_936 = arith.constant 0 : i32
      %dma_wait3A_937 = tpu.memref_slice %arg2[%dma_wait3A_935, %dma_wait3A_936] : memref<10000x128xf32, #tpu.memory_space<hbm>> -> memref<96x128xf32, #tpu.memory_space<hbm>>
      tpu.wait_dma2 semaphore(%arg16 : memref<!tpu.dma_semaphore, #tpu.memory_space<semaphore_mem>>) src(%dma_wait3A_937 : memref<96x128xf32, #tpu.memory_space<hbm>>) dst(%dma_wait3A_934 : memref<96x128xf32, #tpu.memory_space<vmem>>)
      %dma_start3A_938 = arith.constant 2 : i32
      %dma_start3A_939 = arith.constant 0 : i32
      %dma_start3A_940 = arith.constant 0 : i32
      %dma_start3A_941 = tpu.memref_slice %arg9[%dma_start3A_938, %dma_start3A_939, %dma_start3A_940] : memref<3x96x128xf32, #tpu.memory_space<vmem>> -> memref<1x96x128xf32, #tpu.memory_space<vmem>>
      %dma_start3A_942 = tpu.memref_squeeze %dma_start3A_941 : memref<1x96x128xf32, #tpu.memory_space<vmem>> -> memref<96x128xf32, #tpu.memory_space<vmem>>
      %dma_start3A_943 = arith.constant 0 : i32
      %dma_start3A_944 = tpu.memref_slice %arg8[%add3A_922, %dma_start3A_943] : memref<24x96xi32, #tpu.memory_space<vmem>> -> memref<1x96xi32, #tpu.memory_space<vmem>>
      %dma_start3A_945 = tpu.memref_squeeze %dma_start3A_944 : memref<1x96xi32, #tpu.memory_space<vmem>> -> memref<96xi32, #tpu.memory_space<vmem>>
      %dma_start3A_946 = arith.constant 0 : i32
      %dma_start3A_947 = arith.constant 0 : i32
      %dma_start3A_948 = tpu.memref_slice %arg12[%dma_start3A_946, %dma_start3A_947] : memref<10112x128xf32, #tpu.memory_space<vmem_shared>> -> memref<10112x128xf32, #tpu.memory_space<vmem_shared>>
      tpu.enqueue_indirect_dma source(%dma_start3A_942 : memref<96x128xf32, #tpu.memory_space<vmem>>) target(%dma_start3A_948 : memref<10112x128xf32, #tpu.memory_space<vmem_shared>>) offsets(%dma_start3A_945 : memref<96xi32, #tpu.memory_space<vmem>>) semaphore(%arg19 : memref<!tpu.dma_semaphore, #tpu.memory_space<semaphore_mem>>) {add = true}
      %ge3A_949 = arith.constant 1 : i32
      %ge3A_950 = arith.cmpi sge, %add3A_922, %ge3A_949 : i32
      %add3A_951 = arith.constant 2 : i32
      %add3A_952 = arith.addi %add3A_922, %add3A_951 : i32
      %lt3A_953 = arith.constant 24 : i32
      %lt3A_954 = arith.cmpi slt, %add3A_952, %lt3A_953 : i32
      %and3A_955 = arith.andi %ge3A_950, %lt3A_954 : i1
      %convert_element_type3A_956 = arith.extui %and3A_955 : i1 to i32
      %cond3A_957 = arith.constant 0 : i32
      %cond3A_958 = arith.cmpi ne, %convert_element_type3A_956, %cond3A_957 : i32
      scf.if %cond3A_958 {
        %dma_wait3A_966 = arith.constant 1 : i32
        %dma_wait3A_967 = arith.constant 0 : i32
        %dma_wait3A_968 = arith.constant 0 : i32
        %dma_wait3A_969 = tpu.memref_slice %arg9[%dma_wait3A_966, %dma_wait3A_967, %dma_wait3A_968] : memref<3x96x128xf32, #tpu.memory_space<vmem>> -> memref<1x96x128xf32, #tpu.memory_space<vmem>>
        %dma_wait3A_970 = tpu.memref_squeeze %dma_wait3A_969 : memref<1x96x128xf32, #tpu.memory_space<vmem>> -> memref<96x128xf32, #tpu.memory_space<vmem>>
        %dma_wait3A_971 = arith.constant 0 : i32
        %dma_wait3A_972 = arith.constant 0 : i32
        %dma_wait3A_973 = tpu.memref_slice %arg12[%dma_wait3A_971, %dma_wait3A_972] : memref<10112x128xf32, #tpu.memory_space<vmem_shared>> -> memref<96x128xf32, #tpu.memory_space<vmem_shared>>
        %dma_wait3A_974 = arith.constant 0 : i32
        %dma_wait3A_975 = arith.constant 0 : i32
        %dma_wait3A_976 = tpu.memref_slice %arg12[%dma_wait3A_974, %dma_wait3A_975] : memref<10112x128xf32, #tpu.memory_space<vmem_shared>> -> memref<96x128xf32, #tpu.memory_space<vmem_shared>>
        %dma_wait3A_977 = arith.constant 0 : i32
        %dma_wait3A_978 = arith.constant 0 : i32
        %dma_wait3A_979 = tpu.memref_slice %arg9[%dma_wait3A_966, %dma_wait3A_977, %dma_wait3A_978] : memref<3x96x128xf32, #tpu.memory_space<vmem>> -> memref<1x96x128xf32, #tpu.memory_space<vmem>>
        %dma_wait3A_980 = tpu.memref_squeeze %dma_wait3A_979 : memref<1x96x128xf32, #tpu.memory_space<vmem>> -> memref<96x128xf32, #tpu.memory_space<vmem>>
        tpu.wait_dma2 semaphore(%arg18 : memref<!tpu.dma_semaphore, #tpu.memory_space<semaphore_mem>>) src(%dma_wait3A_980 : memref<96x128xf32, #tpu.memory_space<vmem>>) dst(%dma_wait3A_976 : memref<96x128xf32, #tpu.memory_space<vmem_shared>>)
      } else {
      }
      %add3A_959 = arith.constant 2 : i32
      %add3A_960 = arith.addi %add3A_922, %add3A_959 : i32
      %lt3A_961 = arith.constant 24 : i32
      %lt3A_962 = arith.cmpi slt, %add3A_960, %lt3A_961 : i32
      %convert_element_type3A_963 = arith.extui %lt3A_962 : i1 to i32
      %cond3A_964 = arith.constant 0 : i32
      %cond3A_965 = arith.cmpi ne, %convert_element_type3A_963, %cond3A_964 : i32
      scf.if %cond3A_965 {
        %add3A_966 = arith.constant 2 : i32
        %add3A_967 = arith.addi %add3A_922, %add3A_966 : i32
        %dma_start3A_968 = arith.constant 1 : i32
        %dma_start3A_969 = arith.constant 0 : i32
        %dma_start3A_970 = arith.constant 0 : i32
        %dma_start3A_971 = tpu.memref_slice %arg9[%dma_start3A_968, %dma_start3A_969, %dma_start3A_970] : memref<3x96x128xf32, #tpu.memory_space<vmem>> -> memref<1x96x128xf32, #tpu.memory_space<vmem>>
        %dma_start3A_972 = tpu.memref_squeeze %dma_start3A_971 : memref<1x96x128xf32, #tpu.memory_space<vmem>> -> memref<96x128xf32, #tpu.memory_space<vmem>>
        %dma_start3A_973 = arith.constant 0 : i32
        %dma_start3A_974 = tpu.memref_slice %arg7[%add3A_967, %dma_start3A_973] : memref<24x96xi32, #tpu.memory_space<vmem>> -> memref<1x96xi32, #tpu.memory_space<vmem>>
        %dma_start3A_975 = tpu.memref_squeeze %dma_start3A_974 : memref<1x96xi32, #tpu.memory_space<vmem>> -> memref<96xi32, #tpu.memory_space<vmem>>
        %dma_start3A_976 = arith.constant 0 : i32
        %dma_start3A_977 = arith.constant 0 : i32
        %dma_start3A_978 = tpu.memref_slice %arg2[%dma_start3A_976, %dma_start3A_977] : memref<10000x128xf32, #tpu.memory_space<hbm>> -> memref<10000x128xf32, #tpu.memory_space<hbm>>
        tpu.enqueue_indirect_dma source(%dma_start3A_978 : memref<10000x128xf32, #tpu.memory_space<hbm>>) target(%dma_start3A_972 : memref<96x128xf32, #tpu.memory_space<vmem>>) offsets(%dma_start3A_975 : memref<96xi32, #tpu.memory_space<vmem>>) semaphore(%arg15 : memref<!tpu.dma_semaphore, #tpu.memory_space<semaphore_mem>>)
      } else {
      }
      "tpu.region"() ({
        %run_scoped3A_966 = tpu.sem_alloc : memref<!tpu.dma_semaphore, #tpu.memory_space<semaphore_mem>>
        %dma_start3A_967 = arith.constant 0 : i32
        %dma_start3A_968 = tpu.memref_slice %arg8[%add3A_922, %dma_start3A_967] : memref<24x96xi32, #tpu.memory_space<vmem>> -> memref<1x96xi32, #tpu.memory_space<vmem>>
        %dma_start3A_969 = tpu.memref_squeeze %dma_start3A_968 : memref<1x96xi32, #tpu.memory_space<vmem>> -> memref<96xi32, #tpu.memory_space<vmem>>
        %dma_start3A_970 = arith.constant 0 : i32
        %dma_start3A_971 = tpu.memref_slice %arg13[%dma_start3A_970] : memref<16384xf32, #tpu.memory_space<vmem_shared>> -> memref<16384xf32, #tpu.memory_space<vmem_shared>>
        tpu.enqueue_indirect_dma source(%arg10 : memref<96xf32, #tpu.memory_space<vmem>>) target(%dma_start3A_971 : memref<16384xf32, #tpu.memory_space<vmem_shared>>) offsets(%dma_start3A_969 : memref<96xi32, #tpu.memory_space<vmem>>) semaphore(%run_scoped3A_966 : memref<!tpu.dma_semaphore, #tpu.memory_space<semaphore_mem>>) {add = true}
        %dma_wait3A_972 = arith.constant 0 : i32
        %dma_wait3A_973 = tpu.memref_slice %arg8[%add3A_922, %dma_wait3A_972] : memref<24x96xi32, #tpu.memory_space<vmem>> -> memref<1x96xi32, #tpu.memory_space<vmem>>
        %dma_wait3A_974 = tpu.memref_squeeze %dma_wait3A_973 : memref<1x96xi32, #tpu.memory_space<vmem>> -> memref<96xi32, #tpu.memory_space<vmem>>
        %dma_wait3A_975 = arith.constant 0 : i32
        %dma_wait3A_976 = tpu.memref_slice %arg13[%dma_wait3A_975] : memref<16384xf32, #tpu.memory_space<vmem_shared>> -> memref<16384xf32, #tpu.memory_space<vmem_shared>>
        tpu.wait_indirect_dma semaphore(%run_scoped3A_966 : memref<!tpu.dma_semaphore, #tpu.memory_space<semaphore_mem>>) src(%arg10 : memref<96xf32, #tpu.memory_space<vmem>>) dst(%dma_wait3A_976 : memref<16384xf32, #tpu.memory_space<vmem_shared>>)
        tpu.yield
      }) : () -> ()
    }
    %scan3A_550 = arith.constant 8 : i32
    %dma_wait3A_551 = arith.constant 0 : i32
    %dma_wait3A_552 = arith.constant 0 : i32
    %dma_wait3A_553 = arith.constant 0 : i32
    %dma_wait3A_554 = tpu.memref_slice %arg9[%dma_wait3A_551, %dma_wait3A_552, %dma_wait3A_553] : memref<3x96x128xf32, #tpu.memory_space<vmem>> -> memref<1x96x128xf32, #tpu.memory_space<vmem>>
    %dma_wait3A_555 = tpu.memref_squeeze %dma_wait3A_554 : memref<1x96x128xf32, #tpu.memory_space<vmem>> -> memref<96x128xf32, #tpu.memory_space<vmem>>
    %dma_wait3A_556 = arith.constant 0 : i32
    %dma_wait3A_557 = arith.constant 0 : i32
    %dma_wait3A_558 = tpu.memref_slice %arg12[%dma_wait3A_556, %dma_wait3A_557] : memref<10112x128xf32, #tpu.memory_space<vmem_shared>> -> memref<96x128xf32, #tpu.memory_space<vmem_shared>>
    %dma_wait3A_559 = arith.constant 0 : i32
    %dma_wait3A_560 = arith.constant 0 : i32
    %dma_wait3A_561 = tpu.memref_slice %arg12[%dma_wait3A_559, %dma_wait3A_560] : memref<10112x128xf32, #tpu.memory_space<vmem_shared>> -> memref<96x128xf32, #tpu.memory_space<vmem_shared>>
    %dma_wait3A_562 = arith.constant 0 : i32
    %dma_wait3A_563 = arith.constant 0 : i32
    %dma_wait3A_564 = tpu.memref_slice %arg9[%dma_wait3A_551, %dma_wait3A_562, %dma_wait3A_563] : memref<3x96x128xf32, #tpu.memory_space<vmem>> -> memref<1x96x128xf32, #tpu.memory_space<vmem>>
    %dma_wait3A_565 = tpu.memref_squeeze %dma_wait3A_564 : memref<1x96x128xf32, #tpu.memory_space<vmem>> -> memref<96x128xf32, #tpu.memory_space<vmem>>
    tpu.wait_dma2 semaphore(%arg17 : memref<!tpu.dma_semaphore, #tpu.memory_space<semaphore_mem>>) src(%dma_wait3A_565 : memref<96x128xf32, #tpu.memory_space<vmem>>) dst(%dma_wait3A_561 : memref<96x128xf32, #tpu.memory_space<vmem_shared>>)
    %dma_wait3A_566 = arith.constant 1 : i32
    %dma_wait3A_567 = arith.constant 0 : i32
    %dma_wait3A_568 = arith.constant 0 : i32
    %dma_wait3A_569 = tpu.memref_slice %arg9[%dma_wait3A_566, %dma_wait3A_567, %dma_wait3A_568] : memref<3x96x128xf32, #tpu.memory_space<vmem>> -> memref<1x96x128xf32, #tpu.memory_space<vmem>>
    %dma_wait3A_570 = tpu.memref_squeeze %dma_wait3A_569 : memref<1x96x128xf32, #tpu.memory_space<vmem>> -> memref<96x128xf32, #tpu.memory_space<vmem>>
    %dma_wait3A_571 = arith.constant 0 : i32
    %dma_wait3A_572 = arith.constant 0 : i32
    %dma_wait3A_573 = tpu.memref_slice %arg12[%dma_wait3A_571, %dma_wait3A_572] : memref<10112x128xf32, #tpu.memory_space<vmem_shared>> -> memref<96x128xf32, #tpu.memory_space<vmem_shared>>
    %dma_wait3A_574 = arith.constant 0 : i32
    %dma_wait3A_575 = arith.constant 0 : i32
    %dma_wait3A_576 = tpu.memref_slice %arg12[%dma_wait3A_574, %dma_wait3A_575] : memref<10112x128xf32, #tpu.memory_space<vmem_shared>> -> memref<96x128xf32, #tpu.memory_space<vmem_shared>>
    %dma_wait3A_577 = arith.constant 0 : i32
    %dma_wait3A_578 = arith.constant 0 : i32
    %dma_wait3A_579 = tpu.memref_slice %arg9[%dma_wait3A_566, %dma_wait3A_577, %dma_wait3A_578] : memref<3x96x128xf32, #tpu.memory_space<vmem>> -> memref<1x96x128xf32, #tpu.memory_space<vmem>>
    %dma_wait3A_580 = tpu.memref_squeeze %dma_wait3A_579 : memref<1x96x128xf32, #tpu.memory_space<vmem>> -> memref<96x128xf32, #tpu.memory_space<vmem>>
    tpu.wait_dma2 semaphore(%arg18 : memref<!tpu.dma_semaphore, #tpu.memory_space<semaphore_mem>>) src(%dma_wait3A_580 : memref<96x128xf32, #tpu.memory_space<vmem>>) dst(%dma_wait3A_576 : memref<96x128xf32, #tpu.memory_space<vmem_shared>>)
    %dma_wait3A_581 = arith.constant 2 : i32
    %dma_wait3A_582 = arith.constant 0 : i32
    %dma_wait3A_583 = arith.constant 0 : i32
    %dma_wait3A_584 = tpu.memref_slice %arg9[%dma_wait3A_581, %dma_wait3A_582, %dma_wait3A_583] : memref<3x96x128xf32, #tpu.memory_space<vmem>> -> memref<1x96x128xf32, #tpu.memory_space<vmem>>
    %dma_wait3A_585 = tpu.memref_squeeze %dma_wait3A_584 : memref<1x96x128xf32, #tpu.memory_space<vmem>> -> memref<96x128xf32, #tpu.memory_space<vmem>>
    %dma_wait3A_586 = arith.constant 0 : i32
    %dma_wait3A_587 = arith.constant 0 : i32
    %dma_wait3A_588 = tpu.memref_slice %arg12[%dma_wait3A_586, %dma_wait3A_587] : memref<10112x128xf32, #tpu.memory_space<vmem_shared>> -> memref<96x128xf32, #tpu.memory_space<vmem_shared>>
    %dma_wait3A_589 = arith.constant 0 : i32
    %dma_wait3A_590 = arith.constant 0 : i32
    %dma_wait3A_591 = tpu.memref_slice %arg12[%dma_wait3A_589, %dma_wait3A_590] : memref<10112x128xf32, #tpu.memory_space<vmem_shared>> -> memref<96x128xf32, #tpu.memory_space<vmem_shared>>
    %dma_wait3A_592 = arith.constant 0 : i32
    %dma_wait3A_593 = arith.constant 0 : i32
    %dma_wait3A_594 = tpu.memref_slice %arg9[%dma_wait3A_581, %dma_wait3A_592, %dma_wait3A_593] : memref<3x96x128xf32, #tpu.memory_space<vmem>> -> memref<1x96x128xf32, #tpu.memory_space<vmem>>
    %dma_wait3A_595 = tpu.memref_squeeze %dma_wait3A_594 : memref<1x96x128xf32, #tpu.memory_space<vmem>> -> memref<96x128xf32, #tpu.memory_space<vmem>>
    tpu.wait_dma2 semaphore(%arg19 : memref<!tpu.dma_semaphore, #tpu.memory_space<semaphore_mem>>) src(%dma_wait3A_595 : memref<96x128xf32, #tpu.memory_space<vmem>>) dst(%dma_wait3A_591 : memref<96x128xf32, #tpu.memory_space<vmem_shared>>)
    "tpu.region"() ({
      %run_scoped3A_829 = tpu.sem_alloc : memref<!tpu.dma_semaphore, #tpu.memory_space<semaphore_mem>>
      %dma_start3A_830 = arith.constant 0 : i32
      %dma_start3A_831 = arith.constant 0 : i32
      %dma_start3A_832 = tpu.memref_slice %arg7[%dma_start3A_830, %dma_start3A_831] : memref<24x96xi32, #tpu.memory_space<vmem>> -> memref<24x96xi32, #tpu.memory_space<vmem>>
      %dma_start3A_833 = arith.constant 48 : i32
      %dma_start3A_834 = arith.constant 0 : i32
      %dma_start3A_835 = tpu.memref_slice %arg3[%add3A, %dma_start3A_833, %dma_start3A_834] : memref<32x108x96xi32, #tpu.memory_space<hbm>> -> memref<1x24x96xi32, #tpu.memory_space<hbm>>
      %dma_start3A_836 = tpu.memref_squeeze %dma_start3A_835 : memref<1x24x96xi32, #tpu.memory_space<hbm>> -> memref<24x96xi32, #tpu.memory_space<hbm>>
      %dma_start3A_837 = arith.constant 0 : i32
      %dma_start3A_838 = arith.constant 0 : i32
      %dma_start3A_839 = tpu.memref_slice %arg7[%dma_start3A_837, %dma_start3A_838] : memref<24x96xi32, #tpu.memory_space<vmem>> -> memref<24x96xi32, #tpu.memory_space<vmem>>
      %dma_start3A_840 = arith.constant 48 : i32
      %dma_start3A_841 = arith.constant 0 : i32
      %dma_start3A_842 = tpu.memref_slice %arg3[%add3A, %dma_start3A_840, %dma_start3A_841] : memref<32x108x96xi32, #tpu.memory_space<hbm>> -> memref<1x24x96xi32, #tpu.memory_space<hbm>>
      %dma_start3A_843 = tpu.memref_squeeze %dma_start3A_842 : memref<1x24x96xi32, #tpu.memory_space<hbm>> -> memref<24x96xi32, #tpu.memory_space<hbm>>
      tpu.enqueue_dma source(%dma_start3A_843 : memref<24x96xi32, #tpu.memory_space<hbm>>) target(%dma_start3A_839 : memref<24x96xi32, #tpu.memory_space<vmem>>) target_semaphore(%run_scoped3A_829 : memref<!tpu.dma_semaphore, #tpu.memory_space<semaphore_mem>>)
      %dma_wait3A_844 = arith.constant 0 : i32
      %dma_wait3A_845 = arith.constant 0 : i32
      %dma_wait3A_846 = tpu.memref_slice %arg7[%dma_wait3A_844, %dma_wait3A_845] : memref<24x96xi32, #tpu.memory_space<vmem>> -> memref<24x96xi32, #tpu.memory_space<vmem>>
      %dma_wait3A_847 = arith.constant 48 : i32
      %dma_wait3A_848 = arith.constant 0 : i32
      %dma_wait3A_849 = tpu.memref_slice %arg3[%add3A, %dma_wait3A_847, %dma_wait3A_848] : memref<32x108x96xi32, #tpu.memory_space<hbm>> -> memref<1x24x96xi32, #tpu.memory_space<hbm>>
      %dma_wait3A_850 = tpu.memref_squeeze %dma_wait3A_849 : memref<1x24x96xi32, #tpu.memory_space<hbm>> -> memref<24x96xi32, #tpu.memory_space<hbm>>
      %dma_wait3A_851 = arith.constant 0 : i32
      %dma_wait3A_852 = arith.constant 0 : i32
      %dma_wait3A_853 = tpu.memref_slice %arg7[%dma_wait3A_851, %dma_wait3A_852] : memref<24x96xi32, #tpu.memory_space<vmem>> -> memref<24x96xi32, #tpu.memory_space<vmem>>
      %dma_wait3A_854 = arith.constant 48 : i32
      %dma_wait3A_855 = arith.constant 0 : i32
      %dma_wait3A_856 = tpu.memref_slice %arg3[%add3A, %dma_wait3A_854, %dma_wait3A_855] : memref<32x108x96xi32, #tpu.memory_space<hbm>> -> memref<1x24x96xi32, #tpu.memory_space<hbm>>
      %dma_wait3A_857 = tpu.memref_squeeze %dma_wait3A_856 : memref<1x24x96xi32, #tpu.memory_space<hbm>> -> memref<24x96xi32, #tpu.memory_space<hbm>>
      tpu.wait_dma2 semaphore(%run_scoped3A_829 : memref<!tpu.dma_semaphore, #tpu.memory_space<semaphore_mem>>) src(%dma_wait3A_857 : memref<24x96xi32, #tpu.memory_space<hbm>>) dst(%dma_wait3A_853 : memref<24x96xi32, #tpu.memory_space<vmem>>)
      tpu.yield
    }) : () -> ()
    "tpu.region"() ({
      %run_scoped3A_829 = tpu.sem_alloc : memref<!tpu.dma_semaphore, #tpu.memory_space<semaphore_mem>>
      %dma_start3A_830 = arith.constant 0 : i32
      %dma_start3A_831 = arith.constant 0 : i32
      %dma_start3A_832 = tpu.memref_slice %arg8[%dma_start3A_830, %dma_start3A_831] : memref<24x96xi32, #tpu.memory_space<vmem>> -> memref<24x96xi32, #tpu.memory_space<vmem>>
      %dma_start3A_833 = arith.constant 48 : i32
      %dma_start3A_834 = arith.constant 0 : i32
      %dma_start3A_835 = tpu.memref_slice %arg4[%add3A, %dma_start3A_833, %dma_start3A_834] : memref<32x108x96xi32, #tpu.memory_space<hbm>> -> memref<1x24x96xi32, #tpu.memory_space<hbm>>
      %dma_start3A_836 = tpu.memref_squeeze %dma_start3A_835 : memref<1x24x96xi32, #tpu.memory_space<hbm>> -> memref<24x96xi32, #tpu.memory_space<hbm>>
      %dma_start3A_837 = arith.constant 0 : i32
      %dma_start3A_838 = arith.constant 0 : i32
      %dma_start3A_839 = tpu.memref_slice %arg8[%dma_start3A_837, %dma_start3A_838] : memref<24x96xi32, #tpu.memory_space<vmem>> -> memref<24x96xi32, #tpu.memory_space<vmem>>
      %dma_start3A_840 = arith.constant 48 : i32
      %dma_start3A_841 = arith.constant 0 : i32
      %dma_start3A_842 = tpu.memref_slice %arg4[%add3A, %dma_start3A_840, %dma_start3A_841] : memref<32x108x96xi32, #tpu.memory_space<hbm>> -> memref<1x24x96xi32, #tpu.memory_space<hbm>>
      %dma_start3A_843 = tpu.memref_squeeze %dma_start3A_842 : memref<1x24x96xi32, #tpu.memory_space<hbm>> -> memref<24x96xi32, #tpu.memory_space<hbm>>
      tpu.enqueue_dma source(%dma_start3A_843 : memref<24x96xi32, #tpu.memory_space<hbm>>) target(%dma_start3A_839 : memref<24x96xi32, #tpu.memory_space<vmem>>) target_semaphore(%run_scoped3A_829 : memref<!tpu.dma_semaphore, #tpu.memory_space<semaphore_mem>>)
      %dma_wait3A_844 = arith.constant 0 : i32
      %dma_wait3A_845 = arith.constant 0 : i32
      %dma_wait3A_846 = tpu.memref_slice %arg8[%dma_wait3A_844, %dma_wait3A_845] : memref<24x96xi32, #tpu.memory_space<vmem>> -> memref<24x96xi32, #tpu.memory_space<vmem>>
      %dma_wait3A_847 = arith.constant 48 : i32
      %dma_wait3A_848 = arith.constant 0 : i32
      %dma_wait3A_849 = tpu.memref_slice %arg4[%add3A, %dma_wait3A_847, %dma_wait3A_848] : memref<32x108x96xi32, #tpu.memory_space<hbm>> -> memref<1x24x96xi32, #tpu.memory_space<hbm>>
      %dma_wait3A_850 = tpu.memref_squeeze %dma_wait3A_849 : memref<1x24x96xi32, #tpu.memory_space<hbm>> -> memref<24x96xi32, #tpu.memory_space<hbm>>
      %dma_wait3A_851 = arith.constant 0 : i32
      %dma_wait3A_852 = arith.constant 0 : i32
      %dma_wait3A_853 = tpu.memref_slice %arg8[%dma_wait3A_851, %dma_wait3A_852] : memref<24x96xi32, #tpu.memory_space<vmem>> -> memref<24x96xi32, #tpu.memory_space<vmem>>
      %dma_wait3A_854 = arith.constant 48 : i32
      %dma_wait3A_855 = arith.constant 0 : i32
      %dma_wait3A_856 = tpu.memref_slice %arg4[%add3A, %dma_wait3A_854, %dma_wait3A_855] : memref<32x108x96xi32, #tpu.memory_space<hbm>> -> memref<1x24x96xi32, #tpu.memory_space<hbm>>
      %dma_wait3A_857 = tpu.memref_squeeze %dma_wait3A_856 : memref<1x24x96xi32, #tpu.memory_space<hbm>> -> memref<24x96xi32, #tpu.memory_space<hbm>>
      tpu.wait_dma2 semaphore(%run_scoped3A_829 : memref<!tpu.dma_semaphore, #tpu.memory_space<semaphore_mem>>) src(%dma_wait3A_857 : memref<24x96xi32, #tpu.memory_space<hbm>>) dst(%dma_wait3A_853 : memref<24x96xi32, #tpu.memory_space<vmem>>)
      tpu.yield
    }) : () -> ()
    %dma_start3A_596 = arith.constant 0 : i32
    %dma_start3A_597 = arith.constant 0 : i32
    %dma_start3A_598 = arith.constant 0 : i32
    %dma_start3A_599 = arith.constant 0 : i32
    %dma_start3A_600 = tpu.memref_slice %arg9[%dma_start3A_597, %dma_start3A_598, %dma_start3A_599] : memref<3x96x128xf32, #tpu.memory_space<vmem>> -> memref<1x96x128xf32, #tpu.memory_space<vmem>>
    %dma_start3A_601 = tpu.memref_squeeze %dma_start3A_600 : memref<1x96x128xf32, #tpu.memory_space<vmem>> -> memref<96x128xf32, #tpu.memory_space<vmem>>
    %dma_start3A_602 = arith.constant 0 : i32
    %dma_start3A_603 = tpu.memref_slice %arg7[%dma_start3A_596, %dma_start3A_602] : memref<24x96xi32, #tpu.memory_space<vmem>> -> memref<1x96xi32, #tpu.memory_space<vmem>>
    %dma_start3A_604 = tpu.memref_squeeze %dma_start3A_603 : memref<1x96xi32, #tpu.memory_space<vmem>> -> memref<96xi32, #tpu.memory_space<vmem>>
    %dma_start3A_605 = arith.constant 0 : i32
    %dma_start3A_606 = arith.constant 0 : i32
    %dma_start3A_607 = tpu.memref_slice %arg2[%dma_start3A_605, %dma_start3A_606] : memref<10000x128xf32, #tpu.memory_space<hbm>> -> memref<10000x128xf32, #tpu.memory_space<hbm>>
    tpu.enqueue_indirect_dma source(%dma_start3A_607 : memref<10000x128xf32, #tpu.memory_space<hbm>>) target(%dma_start3A_601 : memref<96x128xf32, #tpu.memory_space<vmem>>) offsets(%dma_start3A_604 : memref<96xi32, #tpu.memory_space<vmem>>) semaphore(%arg14 : memref<!tpu.dma_semaphore, #tpu.memory_space<semaphore_mem>>)
    %dma_start3A_608 = arith.constant 1 : i32
    %dma_start3A_609 = arith.constant 1 : i32
    %dma_start3A_610 = arith.constant 0 : i32
    %dma_start3A_611 = arith.constant 0 : i32
    %dma_start3A_612 = tpu.memref_slice %arg9[%dma_start3A_609, %dma_start3A_610, %dma_start3A_611] : memref<3x96x128xf32, #tpu.memory_space<vmem>> -> memref<1x96x128xf32, #tpu.memory_space<vmem>>
    %dma_start3A_613 = tpu.memref_squeeze %dma_start3A_612 : memref<1x96x128xf32, #tpu.memory_space<vmem>> -> memref<96x128xf32, #tpu.memory_space<vmem>>
    %dma_start3A_614 = arith.constant 0 : i32
    %dma_start3A_615 = tpu.memref_slice %arg7[%dma_start3A_608, %dma_start3A_614] : memref<24x96xi32, #tpu.memory_space<vmem>> -> memref<1x96xi32, #tpu.memory_space<vmem>>
    %dma_start3A_616 = tpu.memref_squeeze %dma_start3A_615 : memref<1x96xi32, #tpu.memory_space<vmem>> -> memref<96xi32, #tpu.memory_space<vmem>>
    %dma_start3A_617 = arith.constant 0 : i32
    %dma_start3A_618 = arith.constant 0 : i32
    %dma_start3A_619 = tpu.memref_slice %arg2[%dma_start3A_617, %dma_start3A_618] : memref<10000x128xf32, #tpu.memory_space<hbm>> -> memref<10000x128xf32, #tpu.memory_space<hbm>>
    tpu.enqueue_indirect_dma source(%dma_start3A_619 : memref<10000x128xf32, #tpu.memory_space<hbm>>) target(%dma_start3A_613 : memref<96x128xf32, #tpu.memory_space<vmem>>) offsets(%dma_start3A_616 : memref<96xi32, #tpu.memory_space<vmem>>) semaphore(%arg15 : memref<!tpu.dma_semaphore, #tpu.memory_space<semaphore_mem>>)
    %scan3A_620 = arith.constant 0 : i32
    %scan3A_621 = arith.constant 0 : i32
    %scan3A_622 = arith.constant 8 : i32
    %scan3A_623 = arith.addi %scan3A_621, %scan3A_622 : i32
    %scan3A_624 = arith.constant 1 : i32
    scf.for %scan3A_829 = %scan3A_621 to %scan3A_623 step %scan3A_624  : i32 {
      %mul3A_830 = arith.constant 3 : i32
      %mul3A_831 = arith.muli %mul3A_830, %scan3A_829 : i32
      %add3A_832 = arith.constant 0 : i32
      %add3A_833 = arith.addi %mul3A_831, %add3A_832 : i32
      %dma_wait3A_834 = arith.constant 0 : i32
      %dma_wait3A_835 = arith.constant 0 : i32
      %dma_wait3A_836 = arith.constant 0 : i32
      %dma_wait3A_837 = tpu.memref_slice %arg9[%dma_wait3A_834, %dma_wait3A_835, %dma_wait3A_836] : memref<3x96x128xf32, #tpu.memory_space<vmem>> -> memref<1x96x128xf32, #tpu.memory_space<vmem>>
      %dma_wait3A_838 = tpu.memref_squeeze %dma_wait3A_837 : memref<1x96x128xf32, #tpu.memory_space<vmem>> -> memref<96x128xf32, #tpu.memory_space<vmem>>
      %dma_wait3A_839 = arith.constant 0 : i32
      %dma_wait3A_840 = arith.constant 0 : i32
      %dma_wait3A_841 = tpu.memref_slice %arg2[%dma_wait3A_839, %dma_wait3A_840] : memref<10000x128xf32, #tpu.memory_space<hbm>> -> memref<96x128xf32, #tpu.memory_space<hbm>>
      %dma_wait3A_842 = arith.constant 0 : i32
      %dma_wait3A_843 = arith.constant 0 : i32
      %dma_wait3A_844 = tpu.memref_slice %arg9[%dma_wait3A_834, %dma_wait3A_842, %dma_wait3A_843] : memref<3x96x128xf32, #tpu.memory_space<vmem>> -> memref<1x96x128xf32, #tpu.memory_space<vmem>>
      %dma_wait3A_845 = tpu.memref_squeeze %dma_wait3A_844 : memref<1x96x128xf32, #tpu.memory_space<vmem>> -> memref<96x128xf32, #tpu.memory_space<vmem>>
      %dma_wait3A_846 = arith.constant 0 : i32
      %dma_wait3A_847 = arith.constant 0 : i32
      %dma_wait3A_848 = tpu.memref_slice %arg2[%dma_wait3A_846, %dma_wait3A_847] : memref<10000x128xf32, #tpu.memory_space<hbm>> -> memref<96x128xf32, #tpu.memory_space<hbm>>
      tpu.wait_dma2 semaphore(%arg14 : memref<!tpu.dma_semaphore, #tpu.memory_space<semaphore_mem>>) src(%dma_wait3A_848 : memref<96x128xf32, #tpu.memory_space<hbm>>) dst(%dma_wait3A_845 : memref<96x128xf32, #tpu.memory_space<vmem>>)
      %dma_start3A_849 = arith.constant 0 : i32
      %dma_start3A_850 = arith.constant 0 : i32
      %dma_start3A_851 = arith.constant 0 : i32
      %dma_start3A_852 = tpu.memref_slice %arg9[%dma_start3A_849, %dma_start3A_850, %dma_start3A_851] : memref<3x96x128xf32, #tpu.memory_space<vmem>> -> memref<1x96x128xf32, #tpu.memory_space<vmem>>
      %dma_start3A_853 = tpu.memref_squeeze %dma_start3A_852 : memref<1x96x128xf32, #tpu.memory_space<vmem>> -> memref<96x128xf32, #tpu.memory_space<vmem>>
      %dma_start3A_854 = arith.constant 0 : i32
      %dma_start3A_855 = tpu.memref_slice %arg8[%add3A_833, %dma_start3A_854] : memref<24x96xi32, #tpu.memory_space<vmem>> -> memref<1x96xi32, #tpu.memory_space<vmem>>
      %dma_start3A_856 = tpu.memref_squeeze %dma_start3A_855 : memref<1x96xi32, #tpu.memory_space<vmem>> -> memref<96xi32, #tpu.memory_space<vmem>>
      %dma_start3A_857 = arith.constant 0 : i32
      %dma_start3A_858 = arith.constant 0 : i32
      %dma_start3A_859 = tpu.memref_slice %arg12[%dma_start3A_857, %dma_start3A_858] : memref<10112x128xf32, #tpu.memory_space<vmem_shared>> -> memref<10112x128xf32, #tpu.memory_space<vmem_shared>>
      tpu.enqueue_indirect_dma source(%dma_start3A_853 : memref<96x128xf32, #tpu.memory_space<vmem>>) target(%dma_start3A_859 : memref<10112x128xf32, #tpu.memory_space<vmem_shared>>) offsets(%dma_start3A_856 : memref<96xi32, #tpu.memory_space<vmem>>) semaphore(%arg17 : memref<!tpu.dma_semaphore, #tpu.memory_space<semaphore_mem>>) {add = true}
      %ge3A = arith.constant 1 : i32
      %ge3A_860 = arith.cmpi sge, %add3A_833, %ge3A : i32
      %add3A_861 = arith.constant 2 : i32
      %add3A_862 = arith.addi %add3A_833, %add3A_861 : i32
      %lt3A = arith.constant 24 : i32
      %lt3A_863 = arith.cmpi slt, %add3A_862, %lt3A : i32
      %and3A = arith.andi %ge3A_860, %lt3A_863 : i1
      %convert_element_type3A = arith.extui %and3A : i1 to i32
      %cond3A = arith.constant 0 : i32
      %cond3A_864 = arith.cmpi ne, %convert_element_type3A, %cond3A : i32
      scf.if %cond3A_864 {
        %dma_wait3A_966 = arith.constant 2 : i32
        %dma_wait3A_967 = arith.constant 0 : i32
        %dma_wait3A_968 = arith.constant 0 : i32
        %dma_wait3A_969 = tpu.memref_slice %arg9[%dma_wait3A_966, %dma_wait3A_967, %dma_wait3A_968] : memref<3x96x128xf32, #tpu.memory_space<vmem>> -> memref<1x96x128xf32, #tpu.memory_space<vmem>>
        %dma_wait3A_970 = tpu.memref_squeeze %dma_wait3A_969 : memref<1x96x128xf32, #tpu.memory_space<vmem>> -> memref<96x128xf32, #tpu.memory_space<vmem>>
        %dma_wait3A_971 = arith.constant 0 : i32
        %dma_wait3A_972 = arith.constant 0 : i32
        %dma_wait3A_973 = tpu.memref_slice %arg12[%dma_wait3A_971, %dma_wait3A_972] : memref<10112x128xf32, #tpu.memory_space<vmem_shared>> -> memref<96x128xf32, #tpu.memory_space<vmem_shared>>
        %dma_wait3A_974 = arith.constant 0 : i32
        %dma_wait3A_975 = arith.constant 0 : i32
        %dma_wait3A_976 = tpu.memref_slice %arg12[%dma_wait3A_974, %dma_wait3A_975] : memref<10112x128xf32, #tpu.memory_space<vmem_shared>> -> memref<96x128xf32, #tpu.memory_space<vmem_shared>>
        %dma_wait3A_977 = arith.constant 0 : i32
        %dma_wait3A_978 = arith.constant 0 : i32
        %dma_wait3A_979 = tpu.memref_slice %arg9[%dma_wait3A_966, %dma_wait3A_977, %dma_wait3A_978] : memref<3x96x128xf32, #tpu.memory_space<vmem>> -> memref<1x96x128xf32, #tpu.memory_space<vmem>>
        %dma_wait3A_980 = tpu.memref_squeeze %dma_wait3A_979 : memref<1x96x128xf32, #tpu.memory_space<vmem>> -> memref<96x128xf32, #tpu.memory_space<vmem>>
        tpu.wait_dma2 semaphore(%arg19 : memref<!tpu.dma_semaphore, #tpu.memory_space<semaphore_mem>>) src(%dma_wait3A_980 : memref<96x128xf32, #tpu.memory_space<vmem>>) dst(%dma_wait3A_976 : memref<96x128xf32, #tpu.memory_space<vmem_shared>>)
      } else {
      }
      %add3A_865 = arith.constant 2 : i32
      %add3A_866 = arith.addi %add3A_833, %add3A_865 : i32
      %lt3A_867 = arith.constant 24 : i32
      %lt3A_868 = arith.cmpi slt, %add3A_866, %lt3A_867 : i32
      %convert_element_type3A_869 = arith.extui %lt3A_868 : i1 to i32
      %cond3A_870 = arith.constant 0 : i32
      %cond3A_871 = arith.cmpi ne, %convert_element_type3A_869, %cond3A_870 : i32
      scf.if %cond3A_871 {
        %add3A_966 = arith.constant 2 : i32
        %add3A_967 = arith.addi %add3A_833, %add3A_966 : i32
        %dma_start3A_968 = arith.constant 2 : i32
        %dma_start3A_969 = arith.constant 0 : i32
        %dma_start3A_970 = arith.constant 0 : i32
        %dma_start3A_971 = tpu.memref_slice %arg9[%dma_start3A_968, %dma_start3A_969, %dma_start3A_970] : memref<3x96x128xf32, #tpu.memory_space<vmem>> -> memref<1x96x128xf32, #tpu.memory_space<vmem>>
        %dma_start3A_972 = tpu.memref_squeeze %dma_start3A_971 : memref<1x96x128xf32, #tpu.memory_space<vmem>> -> memref<96x128xf32, #tpu.memory_space<vmem>>
        %dma_start3A_973 = arith.constant 0 : i32
        %dma_start3A_974 = tpu.memref_slice %arg7[%add3A_967, %dma_start3A_973] : memref<24x96xi32, #tpu.memory_space<vmem>> -> memref<1x96xi32, #tpu.memory_space<vmem>>
        %dma_start3A_975 = tpu.memref_squeeze %dma_start3A_974 : memref<1x96xi32, #tpu.memory_space<vmem>> -> memref<96xi32, #tpu.memory_space<vmem>>
        %dma_start3A_976 = arith.constant 0 : i32
        %dma_start3A_977 = arith.constant 0 : i32
        %dma_start3A_978 = tpu.memref_slice %arg2[%dma_start3A_976, %dma_start3A_977] : memref<10000x128xf32, #tpu.memory_space<hbm>> -> memref<10000x128xf32, #tpu.memory_space<hbm>>
        tpu.enqueue_indirect_dma source(%dma_start3A_978 : memref<10000x128xf32, #tpu.memory_space<hbm>>) target(%dma_start3A_972 : memref<96x128xf32, #tpu.memory_space<vmem>>) offsets(%dma_start3A_975 : memref<96xi32, #tpu.memory_space<vmem>>) semaphore(%arg16 : memref<!tpu.dma_semaphore, #tpu.memory_space<semaphore_mem>>)
      } else {
      }
      "tpu.region"() ({
        %run_scoped3A_966 = tpu.sem_alloc : memref<!tpu.dma_semaphore, #tpu.memory_space<semaphore_mem>>
        %dma_start3A_967 = arith.constant 0 : i32
        %dma_start3A_968 = tpu.memref_slice %arg8[%add3A_833, %dma_start3A_967] : memref<24x96xi32, #tpu.memory_space<vmem>> -> memref<1x96xi32, #tpu.memory_space<vmem>>
        %dma_start3A_969 = tpu.memref_squeeze %dma_start3A_968 : memref<1x96xi32, #tpu.memory_space<vmem>> -> memref<96xi32, #tpu.memory_space<vmem>>
        %dma_start3A_970 = arith.constant 0 : i32
        %dma_start3A_971 = tpu.memref_slice %arg13[%dma_start3A_970] : memref<16384xf32, #tpu.memory_space<vmem_shared>> -> memref<16384xf32, #tpu.memory_space<vmem_shared>>
        tpu.enqueue_indirect_dma source(%arg10 : memref<96xf32, #tpu.memory_space<vmem>>) target(%dma_start3A_971 : memref<16384xf32, #tpu.memory_space<vmem_shared>>) offsets(%dma_start3A_969 : memref<96xi32, #tpu.memory_space<vmem>>) semaphore(%run_scoped3A_966 : memref<!tpu.dma_semaphore, #tpu.memory_space<semaphore_mem>>) {add = true}
        %dma_wait3A_972 = arith.constant 0 : i32
        %dma_wait3A_973 = tpu.memref_slice %arg8[%add3A_833, %dma_wait3A_972] : memref<24x96xi32, #tpu.memory_space<vmem>> -> memref<1x96xi32, #tpu.memory_space<vmem>>
        %dma_wait3A_974 = tpu.memref_squeeze %dma_wait3A_973 : memref<1x96xi32, #tpu.memory_space<vmem>> -> memref<96xi32, #tpu.memory_space<vmem>>
        %dma_wait3A_975 = arith.constant 0 : i32
        %dma_wait3A_976 = tpu.memref_slice %arg13[%dma_wait3A_975] : memref<16384xf32, #tpu.memory_space<vmem_shared>> -> memref<16384xf32, #tpu.memory_space<vmem_shared>>
        tpu.wait_indirect_dma semaphore(%run_scoped3A_966 : memref<!tpu.dma_semaphore, #tpu.memory_space<semaphore_mem>>) src(%arg10 : memref<96xf32, #tpu.memory_space<vmem>>) dst(%dma_wait3A_976 : memref<16384xf32, #tpu.memory_space<vmem_shared>>)
        tpu.yield
      }) : () -> ()
      %mul3A_872 = arith.constant 3 : i32
      %mul3A_873 = arith.muli %mul3A_872, %scan3A_829 : i32
      %add3A_874 = arith.constant 1 : i32
      %add3A_875 = arith.addi %mul3A_873, %add3A_874 : i32
      %dma_wait3A_876 = arith.constant 1 : i32
      %dma_wait3A_877 = arith.constant 0 : i32
      %dma_wait3A_878 = arith.constant 0 : i32
      %dma_wait3A_879 = tpu.memref_slice %arg9[%dma_wait3A_876, %dma_wait3A_877, %dma_wait3A_878] : memref<3x96x128xf32, #tpu.memory_space<vmem>> -> memref<1x96x128xf32, #tpu.memory_space<vmem>>
      %dma_wait3A_880 = tpu.memref_squeeze %dma_wait3A_879 : memref<1x96x128xf32, #tpu.memory_space<vmem>> -> memref<96x128xf32, #tpu.memory_space<vmem>>
      %dma_wait3A_881 = arith.constant 0 : i32
      %dma_wait3A_882 = arith.constant 0 : i32
      %dma_wait3A_883 = tpu.memref_slice %arg2[%dma_wait3A_881, %dma_wait3A_882] : memref<10000x128xf32, #tpu.memory_space<hbm>> -> memref<96x128xf32, #tpu.memory_space<hbm>>
      %dma_wait3A_884 = arith.constant 0 : i32
      %dma_wait3A_885 = arith.constant 0 : i32
      %dma_wait3A_886 = tpu.memref_slice %arg9[%dma_wait3A_876, %dma_wait3A_884, %dma_wait3A_885] : memref<3x96x128xf32, #tpu.memory_space<vmem>> -> memref<1x96x128xf32, #tpu.memory_space<vmem>>
      %dma_wait3A_887 = tpu.memref_squeeze %dma_wait3A_886 : memref<1x96x128xf32, #tpu.memory_space<vmem>> -> memref<96x128xf32, #tpu.memory_space<vmem>>
      %dma_wait3A_888 = arith.constant 0 : i32
      %dma_wait3A_889 = arith.constant 0 : i32
      %dma_wait3A_890 = tpu.memref_slice %arg2[%dma_wait3A_888, %dma_wait3A_889] : memref<10000x128xf32, #tpu.memory_space<hbm>> -> memref<96x128xf32, #tpu.memory_space<hbm>>
      tpu.wait_dma2 semaphore(%arg15 : memref<!tpu.dma_semaphore, #tpu.memory_space<semaphore_mem>>) src(%dma_wait3A_890 : memref<96x128xf32, #tpu.memory_space<hbm>>) dst(%dma_wait3A_887 : memref<96x128xf32, #tpu.memory_space<vmem>>)
      %dma_start3A_891 = arith.constant 1 : i32
      %dma_start3A_892 = arith.constant 0 : i32
      %dma_start3A_893 = arith.constant 0 : i32
      %dma_start3A_894 = tpu.memref_slice %arg9[%dma_start3A_891, %dma_start3A_892, %dma_start3A_893] : memref<3x96x128xf32, #tpu.memory_space<vmem>> -> memref<1x96x128xf32, #tpu.memory_space<vmem>>
      %dma_start3A_895 = tpu.memref_squeeze %dma_start3A_894 : memref<1x96x128xf32, #tpu.memory_space<vmem>> -> memref<96x128xf32, #tpu.memory_space<vmem>>
      %dma_start3A_896 = arith.constant 0 : i32
      %dma_start3A_897 = tpu.memref_slice %arg8[%add3A_875, %dma_start3A_896] : memref<24x96xi32, #tpu.memory_space<vmem>> -> memref<1x96xi32, #tpu.memory_space<vmem>>
      %dma_start3A_898 = tpu.memref_squeeze %dma_start3A_897 : memref<1x96xi32, #tpu.memory_space<vmem>> -> memref<96xi32, #tpu.memory_space<vmem>>
      %dma_start3A_899 = arith.constant 0 : i32
      %dma_start3A_900 = arith.constant 0 : i32
      %dma_start3A_901 = tpu.memref_slice %arg12[%dma_start3A_899, %dma_start3A_900] : memref<10112x128xf32, #tpu.memory_space<vmem_shared>> -> memref<10112x128xf32, #tpu.memory_space<vmem_shared>>
      tpu.enqueue_indirect_dma source(%dma_start3A_895 : memref<96x128xf32, #tpu.memory_space<vmem>>) target(%dma_start3A_901 : memref<10112x128xf32, #tpu.memory_space<vmem_shared>>) offsets(%dma_start3A_898 : memref<96xi32, #tpu.memory_space<vmem>>) semaphore(%arg18 : memref<!tpu.dma_semaphore, #tpu.memory_space<semaphore_mem>>) {add = true}
      %ge3A_902 = arith.constant 1 : i32
      %ge3A_903 = arith.cmpi sge, %add3A_875, %ge3A_902 : i32
      %add3A_904 = arith.constant 2 : i32
      %add3A_905 = arith.addi %add3A_875, %add3A_904 : i32
      %lt3A_906 = arith.constant 24 : i32
      %lt3A_907 = arith.cmpi slt, %add3A_905, %lt3A_906 : i32
      %and3A_908 = arith.andi %ge3A_903, %lt3A_907 : i1
      %convert_element_type3A_909 = arith.extui %and3A_908 : i1 to i32
      %cond3A_910 = arith.constant 0 : i32
      %cond3A_911 = arith.cmpi ne, %convert_element_type3A_909, %cond3A_910 : i32
      scf.if %cond3A_911 {
        %dma_wait3A_966 = arith.constant 0 : i32
        %dma_wait3A_967 = arith.constant 0 : i32
        %dma_wait3A_968 = arith.constant 0 : i32
        %dma_wait3A_969 = tpu.memref_slice %arg9[%dma_wait3A_966, %dma_wait3A_967, %dma_wait3A_968] : memref<3x96x128xf32, #tpu.memory_space<vmem>> -> memref<1x96x128xf32, #tpu.memory_space<vmem>>
        %dma_wait3A_970 = tpu.memref_squeeze %dma_wait3A_969 : memref<1x96x128xf32, #tpu.memory_space<vmem>> -> memref<96x128xf32, #tpu.memory_space<vmem>>
        %dma_wait3A_971 = arith.constant 0 : i32
        %dma_wait3A_972 = arith.constant 0 : i32
        %dma_wait3A_973 = tpu.memref_slice %arg12[%dma_wait3A_971, %dma_wait3A_972] : memref<10112x128xf32, #tpu.memory_space<vmem_shared>> -> memref<96x128xf32, #tpu.memory_space<vmem_shared>>
        %dma_wait3A_974 = arith.constant 0 : i32
        %dma_wait3A_975 = arith.constant 0 : i32
        %dma_wait3A_976 = tpu.memref_slice %arg12[%dma_wait3A_974, %dma_wait3A_975] : memref<10112x128xf32, #tpu.memory_space<vmem_shared>> -> memref<96x128xf32, #tpu.memory_space<vmem_shared>>
        %dma_wait3A_977 = arith.constant 0 : i32
        %dma_wait3A_978 = arith.constant 0 : i32
        %dma_wait3A_979 = tpu.memref_slice %arg9[%dma_wait3A_966, %dma_wait3A_977, %dma_wait3A_978] : memref<3x96x128xf32, #tpu.memory_space<vmem>> -> memref<1x96x128xf32, #tpu.memory_space<vmem>>
        %dma_wait3A_980 = tpu.memref_squeeze %dma_wait3A_979 : memref<1x96x128xf32, #tpu.memory_space<vmem>> -> memref<96x128xf32, #tpu.memory_space<vmem>>
        tpu.wait_dma2 semaphore(%arg17 : memref<!tpu.dma_semaphore, #tpu.memory_space<semaphore_mem>>) src(%dma_wait3A_980 : memref<96x128xf32, #tpu.memory_space<vmem>>) dst(%dma_wait3A_976 : memref<96x128xf32, #tpu.memory_space<vmem_shared>>)
      } else {
      }
      %add3A_912 = arith.constant 2 : i32
      %add3A_913 = arith.addi %add3A_875, %add3A_912 : i32
      %lt3A_914 = arith.constant 24 : i32
      %lt3A_915 = arith.cmpi slt, %add3A_913, %lt3A_914 : i32
      %convert_element_type3A_916 = arith.extui %lt3A_915 : i1 to i32
      %cond3A_917 = arith.constant 0 : i32
      %cond3A_918 = arith.cmpi ne, %convert_element_type3A_916, %cond3A_917 : i32
      scf.if %cond3A_918 {
        %add3A_966 = arith.constant 2 : i32
        %add3A_967 = arith.addi %add3A_875, %add3A_966 : i32
        %dma_start3A_968 = arith.constant 0 : i32
        %dma_start3A_969 = arith.constant 0 : i32
        %dma_start3A_970 = arith.constant 0 : i32
        %dma_start3A_971 = tpu.memref_slice %arg9[%dma_start3A_968, %dma_start3A_969, %dma_start3A_970] : memref<3x96x128xf32, #tpu.memory_space<vmem>> -> memref<1x96x128xf32, #tpu.memory_space<vmem>>
        %dma_start3A_972 = tpu.memref_squeeze %dma_start3A_971 : memref<1x96x128xf32, #tpu.memory_space<vmem>> -> memref<96x128xf32, #tpu.memory_space<vmem>>
        %dma_start3A_973 = arith.constant 0 : i32
        %dma_start3A_974 = tpu.memref_slice %arg7[%add3A_967, %dma_start3A_973] : memref<24x96xi32, #tpu.memory_space<vmem>> -> memref<1x96xi32, #tpu.memory_space<vmem>>
        %dma_start3A_975 = tpu.memref_squeeze %dma_start3A_974 : memref<1x96xi32, #tpu.memory_space<vmem>> -> memref<96xi32, #tpu.memory_space<vmem>>
        %dma_start3A_976 = arith.constant 0 : i32
        %dma_start3A_977 = arith.constant 0 : i32
        %dma_start3A_978 = tpu.memref_slice %arg2[%dma_start3A_976, %dma_start3A_977] : memref<10000x128xf32, #tpu.memory_space<hbm>> -> memref<10000x128xf32, #tpu.memory_space<hbm>>
        tpu.enqueue_indirect_dma source(%dma_start3A_978 : memref<10000x128xf32, #tpu.memory_space<hbm>>) target(%dma_start3A_972 : memref<96x128xf32, #tpu.memory_space<vmem>>) offsets(%dma_start3A_975 : memref<96xi32, #tpu.memory_space<vmem>>) semaphore(%arg14 : memref<!tpu.dma_semaphore, #tpu.memory_space<semaphore_mem>>)
      } else {
      }
      "tpu.region"() ({
        %run_scoped3A_966 = tpu.sem_alloc : memref<!tpu.dma_semaphore, #tpu.memory_space<semaphore_mem>>
        %dma_start3A_967 = arith.constant 0 : i32
        %dma_start3A_968 = tpu.memref_slice %arg8[%add3A_875, %dma_start3A_967] : memref<24x96xi32, #tpu.memory_space<vmem>> -> memref<1x96xi32, #tpu.memory_space<vmem>>
        %dma_start3A_969 = tpu.memref_squeeze %dma_start3A_968 : memref<1x96xi32, #tpu.memory_space<vmem>> -> memref<96xi32, #tpu.memory_space<vmem>>
        %dma_start3A_970 = arith.constant 0 : i32
        %dma_start3A_971 = tpu.memref_slice %arg13[%dma_start3A_970] : memref<16384xf32, #tpu.memory_space<vmem_shared>> -> memref<16384xf32, #tpu.memory_space<vmem_shared>>
        tpu.enqueue_indirect_dma source(%arg10 : memref<96xf32, #tpu.memory_space<vmem>>) target(%dma_start3A_971 : memref<16384xf32, #tpu.memory_space<vmem_shared>>) offsets(%dma_start3A_969 : memref<96xi32, #tpu.memory_space<vmem>>) semaphore(%run_scoped3A_966 : memref<!tpu.dma_semaphore, #tpu.memory_space<semaphore_mem>>) {add = true}
        %dma_wait3A_972 = arith.constant 0 : i32
        %dma_wait3A_973 = tpu.memref_slice %arg8[%add3A_875, %dma_wait3A_972] : memref<24x96xi32, #tpu.memory_space<vmem>> -> memref<1x96xi32, #tpu.memory_space<vmem>>
        %dma_wait3A_974 = tpu.memref_squeeze %dma_wait3A_973 : memref<1x96xi32, #tpu.memory_space<vmem>> -> memref<96xi32, #tpu.memory_space<vmem>>
        %dma_wait3A_975 = arith.constant 0 : i32
        %dma_wait3A_976 = tpu.memref_slice %arg13[%dma_wait3A_975] : memref<16384xf32, #tpu.memory_space<vmem_shared>> -> memref<16384xf32, #tpu.memory_space<vmem_shared>>
        tpu.wait_indirect_dma semaphore(%run_scoped3A_966 : memref<!tpu.dma_semaphore, #tpu.memory_space<semaphore_mem>>) src(%arg10 : memref<96xf32, #tpu.memory_space<vmem>>) dst(%dma_wait3A_976 : memref<16384xf32, #tpu.memory_space<vmem_shared>>)
        tpu.yield
      }) : () -> ()
      %mul3A_919 = arith.constant 3 : i32
      %mul3A_920 = arith.muli %mul3A_919, %scan3A_829 : i32
      %add3A_921 = arith.constant 2 : i32
      %add3A_922 = arith.addi %mul3A_920, %add3A_921 : i32
      %dma_wait3A_923 = arith.constant 2 : i32
      %dma_wait3A_924 = arith.constant 0 : i32
      %dma_wait3A_925 = arith.constant 0 : i32
      %dma_wait3A_926 = tpu.memref_slice %arg9[%dma_wait3A_923, %dma_wait3A_924, %dma_wait3A_925] : memref<3x96x128xf32, #tpu.memory_space<vmem>> -> memref<1x96x128xf32, #tpu.memory_space<vmem>>
      %dma_wait3A_927 = tpu.memref_squeeze %dma_wait3A_926 : memref<1x96x128xf32, #tpu.memory_space<vmem>> -> memref<96x128xf32, #tpu.memory_space<vmem>>
      %dma_wait3A_928 = arith.constant 0 : i32
      %dma_wait3A_929 = arith.constant 0 : i32
      %dma_wait3A_930 = tpu.memref_slice %arg2[%dma_wait3A_928, %dma_wait3A_929] : memref<10000x128xf32, #tpu.memory_space<hbm>> -> memref<96x128xf32, #tpu.memory_space<hbm>>
      %dma_wait3A_931 = arith.constant 0 : i32
      %dma_wait3A_932 = arith.constant 0 : i32
      %dma_wait3A_933 = tpu.memref_slice %arg9[%dma_wait3A_923, %dma_wait3A_931, %dma_wait3A_932] : memref<3x96x128xf32, #tpu.memory_space<vmem>> -> memref<1x96x128xf32, #tpu.memory_space<vmem>>
      %dma_wait3A_934 = tpu.memref_squeeze %dma_wait3A_933 : memref<1x96x128xf32, #tpu.memory_space<vmem>> -> memref<96x128xf32, #tpu.memory_space<vmem>>
      %dma_wait3A_935 = arith.constant 0 : i32
      %dma_wait3A_936 = arith.constant 0 : i32
      %dma_wait3A_937 = tpu.memref_slice %arg2[%dma_wait3A_935, %dma_wait3A_936] : memref<10000x128xf32, #tpu.memory_space<hbm>> -> memref<96x128xf32, #tpu.memory_space<hbm>>
      tpu.wait_dma2 semaphore(%arg16 : memref<!tpu.dma_semaphore, #tpu.memory_space<semaphore_mem>>) src(%dma_wait3A_937 : memref<96x128xf32, #tpu.memory_space<hbm>>) dst(%dma_wait3A_934 : memref<96x128xf32, #tpu.memory_space<vmem>>)
      %dma_start3A_938 = arith.constant 2 : i32
      %dma_start3A_939 = arith.constant 0 : i32
      %dma_start3A_940 = arith.constant 0 : i32
      %dma_start3A_941 = tpu.memref_slice %arg9[%dma_start3A_938, %dma_start3A_939, %dma_start3A_940] : memref<3x96x128xf32, #tpu.memory_space<vmem>> -> memref<1x96x128xf32, #tpu.memory_space<vmem>>
      %dma_start3A_942 = tpu.memref_squeeze %dma_start3A_941 : memref<1x96x128xf32, #tpu.memory_space<vmem>> -> memref<96x128xf32, #tpu.memory_space<vmem>>
      %dma_start3A_943 = arith.constant 0 : i32
      %dma_start3A_944 = tpu.memref_slice %arg8[%add3A_922, %dma_start3A_943] : memref<24x96xi32, #tpu.memory_space<vmem>> -> memref<1x96xi32, #tpu.memory_space<vmem>>
      %dma_start3A_945 = tpu.memref_squeeze %dma_start3A_944 : memref<1x96xi32, #tpu.memory_space<vmem>> -> memref<96xi32, #tpu.memory_space<vmem>>
      %dma_start3A_946 = arith.constant 0 : i32
      %dma_start3A_947 = arith.constant 0 : i32
      %dma_start3A_948 = tpu.memref_slice %arg12[%dma_start3A_946, %dma_start3A_947] : memref<10112x128xf32, #tpu.memory_space<vmem_shared>> -> memref<10112x128xf32, #tpu.memory_space<vmem_shared>>
      tpu.enqueue_indirect_dma source(%dma_start3A_942 : memref<96x128xf32, #tpu.memory_space<vmem>>) target(%dma_start3A_948 : memref<10112x128xf32, #tpu.memory_space<vmem_shared>>) offsets(%dma_start3A_945 : memref<96xi32, #tpu.memory_space<vmem>>) semaphore(%arg19 : memref<!tpu.dma_semaphore, #tpu.memory_space<semaphore_mem>>) {add = true}
      %ge3A_949 = arith.constant 1 : i32
      %ge3A_950 = arith.cmpi sge, %add3A_922, %ge3A_949 : i32
      %add3A_951 = arith.constant 2 : i32
      %add3A_952 = arith.addi %add3A_922, %add3A_951 : i32
      %lt3A_953 = arith.constant 24 : i32
      %lt3A_954 = arith.cmpi slt, %add3A_952, %lt3A_953 : i32
      %and3A_955 = arith.andi %ge3A_950, %lt3A_954 : i1
      %convert_element_type3A_956 = arith.extui %and3A_955 : i1 to i32
      %cond3A_957 = arith.constant 0 : i32
      %cond3A_958 = arith.cmpi ne, %convert_element_type3A_956, %cond3A_957 : i32
      scf.if %cond3A_958 {
        %dma_wait3A_966 = arith.constant 1 : i32
        %dma_wait3A_967 = arith.constant 0 : i32
        %dma_wait3A_968 = arith.constant 0 : i32
        %dma_wait3A_969 = tpu.memref_slice %arg9[%dma_wait3A_966, %dma_wait3A_967, %dma_wait3A_968] : memref<3x96x128xf32, #tpu.memory_space<vmem>> -> memref<1x96x128xf32, #tpu.memory_space<vmem>>
        %dma_wait3A_970 = tpu.memref_squeeze %dma_wait3A_969 : memref<1x96x128xf32, #tpu.memory_space<vmem>> -> memref<96x128xf32, #tpu.memory_space<vmem>>
        %dma_wait3A_971 = arith.constant 0 : i32
        %dma_wait3A_972 = arith.constant 0 : i32
        %dma_wait3A_973 = tpu.memref_slice %arg12[%dma_wait3A_971, %dma_wait3A_972] : memref<10112x128xf32, #tpu.memory_space<vmem_shared>> -> memref<96x128xf32, #tpu.memory_space<vmem_shared>>
        %dma_wait3A_974 = arith.constant 0 : i32
        %dma_wait3A_975 = arith.constant 0 : i32
        %dma_wait3A_976 = tpu.memref_slice %arg12[%dma_wait3A_974, %dma_wait3A_975] : memref<10112x128xf32, #tpu.memory_space<vmem_shared>> -> memref<96x128xf32, #tpu.memory_space<vmem_shared>>
        %dma_wait3A_977 = arith.constant 0 : i32
        %dma_wait3A_978 = arith.constant 0 : i32
        %dma_wait3A_979 = tpu.memref_slice %arg9[%dma_wait3A_966, %dma_wait3A_977, %dma_wait3A_978] : memref<3x96x128xf32, #tpu.memory_space<vmem>> -> memref<1x96x128xf32, #tpu.memory_space<vmem>>
        %dma_wait3A_980 = tpu.memref_squeeze %dma_wait3A_979 : memref<1x96x128xf32, #tpu.memory_space<vmem>> -> memref<96x128xf32, #tpu.memory_space<vmem>>
        tpu.wait_dma2 semaphore(%arg18 : memref<!tpu.dma_semaphore, #tpu.memory_space<semaphore_mem>>) src(%dma_wait3A_980 : memref<96x128xf32, #tpu.memory_space<vmem>>) dst(%dma_wait3A_976 : memref<96x128xf32, #tpu.memory_space<vmem_shared>>)
      } else {
      }
      %add3A_959 = arith.constant 2 : i32
      %add3A_960 = arith.addi %add3A_922, %add3A_959 : i32
      %lt3A_961 = arith.constant 24 : i32
      %lt3A_962 = arith.cmpi slt, %add3A_960, %lt3A_961 : i32
      %convert_element_type3A_963 = arith.extui %lt3A_962 : i1 to i32
      %cond3A_964 = arith.constant 0 : i32
      %cond3A_965 = arith.cmpi ne, %convert_element_type3A_963, %cond3A_964 : i32
      scf.if %cond3A_965 {
        %add3A_966 = arith.constant 2 : i32
        %add3A_967 = arith.addi %add3A_922, %add3A_966 : i32
        %dma_start3A_968 = arith.constant 1 : i32
        %dma_start3A_969 = arith.constant 0 : i32
        %dma_start3A_970 = arith.constant 0 : i32
        %dma_start3A_971 = tpu.memref_slice %arg9[%dma_start3A_968, %dma_start3A_969, %dma_start3A_970] : memref<3x96x128xf32, #tpu.memory_space<vmem>> -> memref<1x96x128xf32, #tpu.memory_space<vmem>>
        %dma_start3A_972 = tpu.memref_squeeze %dma_start3A_971 : memref<1x96x128xf32, #tpu.memory_space<vmem>> -> memref<96x128xf32, #tpu.memory_space<vmem>>
        %dma_start3A_973 = arith.constant 0 : i32
        %dma_start3A_974 = tpu.memref_slice %arg7[%add3A_967, %dma_start3A_973] : memref<24x96xi32, #tpu.memory_space<vmem>> -> memref<1x96xi32, #tpu.memory_space<vmem>>
        %dma_start3A_975 = tpu.memref_squeeze %dma_start3A_974 : memref<1x96xi32, #tpu.memory_space<vmem>> -> memref<96xi32, #tpu.memory_space<vmem>>
        %dma_start3A_976 = arith.constant 0 : i32
        %dma_start3A_977 = arith.constant 0 : i32
        %dma_start3A_978 = tpu.memref_slice %arg2[%dma_start3A_976, %dma_start3A_977] : memref<10000x128xf32, #tpu.memory_space<hbm>> -> memref<10000x128xf32, #tpu.memory_space<hbm>>
        tpu.enqueue_indirect_dma source(%dma_start3A_978 : memref<10000x128xf32, #tpu.memory_space<hbm>>) target(%dma_start3A_972 : memref<96x128xf32, #tpu.memory_space<vmem>>) offsets(%dma_start3A_975 : memref<96xi32, #tpu.memory_space<vmem>>) semaphore(%arg15 : memref<!tpu.dma_semaphore, #tpu.memory_space<semaphore_mem>>)
      } else {
      }
      "tpu.region"() ({
        %run_scoped3A_966 = tpu.sem_alloc : memref<!tpu.dma_semaphore, #tpu.memory_space<semaphore_mem>>
        %dma_start3A_967 = arith.constant 0 : i32
        %dma_start3A_968 = tpu.memref_slice %arg8[%add3A_922, %dma_start3A_967] : memref<24x96xi32, #tpu.memory_space<vmem>> -> memref<1x96xi32, #tpu.memory_space<vmem>>
        %dma_start3A_969 = tpu.memref_squeeze %dma_start3A_968 : memref<1x96xi32, #tpu.memory_space<vmem>> -> memref<96xi32, #tpu.memory_space<vmem>>
        %dma_start3A_970 = arith.constant 0 : i32
        %dma_start3A_971 = tpu.memref_slice %arg13[%dma_start3A_970] : memref<16384xf32, #tpu.memory_space<vmem_shared>> -> memref<16384xf32, #tpu.memory_space<vmem_shared>>
        tpu.enqueue_indirect_dma source(%arg10 : memref<96xf32, #tpu.memory_space<vmem>>) target(%dma_start3A_971 : memref<16384xf32, #tpu.memory_space<vmem_shared>>) offsets(%dma_start3A_969 : memref<96xi32, #tpu.memory_space<vmem>>) semaphore(%run_scoped3A_966 : memref<!tpu.dma_semaphore, #tpu.memory_space<semaphore_mem>>) {add = true}
        %dma_wait3A_972 = arith.constant 0 : i32
        %dma_wait3A_973 = tpu.memref_slice %arg8[%add3A_922, %dma_wait3A_972] : memref<24x96xi32, #tpu.memory_space<vmem>> -> memref<1x96xi32, #tpu.memory_space<vmem>>
        %dma_wait3A_974 = tpu.memref_squeeze %dma_wait3A_973 : memref<1x96xi32, #tpu.memory_space<vmem>> -> memref<96xi32, #tpu.memory_space<vmem>>
        %dma_wait3A_975 = arith.constant 0 : i32
        %dma_wait3A_976 = tpu.memref_slice %arg13[%dma_wait3A_975] : memref<16384xf32, #tpu.memory_space<vmem_shared>> -> memref<16384xf32, #tpu.memory_space<vmem_shared>>
        tpu.wait_indirect_dma semaphore(%run_scoped3A_966 : memref<!tpu.dma_semaphore, #tpu.memory_space<semaphore_mem>>) src(%arg10 : memref<96xf32, #tpu.memory_space<vmem>>) dst(%dma_wait3A_976 : memref<16384xf32, #tpu.memory_space<vmem_shared>>)
        tpu.yield
      }) : () -> ()
    }
    %scan3A_625 = arith.constant 8 : i32
    %dma_wait3A_626 = arith.constant 0 : i32
    %dma_wait3A_627 = arith.constant 0 : i32
    %dma_wait3A_628 = arith.constant 0 : i32
    %dma_wait3A_629 = tpu.memref_slice %arg9[%dma_wait3A_626, %dma_wait3A_627, %dma_wait3A_628] : memref<3x96x128xf32, #tpu.memory_space<vmem>> -> memref<1x96x128xf32, #tpu.memory_space<vmem>>
    %dma_wait3A_630 = tpu.memref_squeeze %dma_wait3A_629 : memref<1x96x128xf32, #tpu.memory_space<vmem>> -> memref<96x128xf32, #tpu.memory_space<vmem>>
    %dma_wait3A_631 = arith.constant 0 : i32
    %dma_wait3A_632 = arith.constant 0 : i32
    %dma_wait3A_633 = tpu.memref_slice %arg12[%dma_wait3A_631, %dma_wait3A_632] : memref<10112x128xf32, #tpu.memory_space<vmem_shared>> -> memref<96x128xf32, #tpu.memory_space<vmem_shared>>
    %dma_wait3A_634 = arith.constant 0 : i32
    %dma_wait3A_635 = arith.constant 0 : i32
    %dma_wait3A_636 = tpu.memref_slice %arg12[%dma_wait3A_634, %dma_wait3A_635] : memref<10112x128xf32, #tpu.memory_space<vmem_shared>> -> memref<96x128xf32, #tpu.memory_space<vmem_shared>>
    %dma_wait3A_637 = arith.constant 0 : i32
    %dma_wait3A_638 = arith.constant 0 : i32
    %dma_wait3A_639 = tpu.memref_slice %arg9[%dma_wait3A_626, %dma_wait3A_637, %dma_wait3A_638] : memref<3x96x128xf32, #tpu.memory_space<vmem>> -> memref<1x96x128xf32, #tpu.memory_space<vmem>>
    %dma_wait3A_640 = tpu.memref_squeeze %dma_wait3A_639 : memref<1x96x128xf32, #tpu.memory_space<vmem>> -> memref<96x128xf32, #tpu.memory_space<vmem>>
    tpu.wait_dma2 semaphore(%arg17 : memref<!tpu.dma_semaphore, #tpu.memory_space<semaphore_mem>>) src(%dma_wait3A_640 : memref<96x128xf32, #tpu.memory_space<vmem>>) dst(%dma_wait3A_636 : memref<96x128xf32, #tpu.memory_space<vmem_shared>>)
    %dma_wait3A_641 = arith.constant 1 : i32
    %dma_wait3A_642 = arith.constant 0 : i32
    %dma_wait3A_643 = arith.constant 0 : i32
    %dma_wait3A_644 = tpu.memref_slice %arg9[%dma_wait3A_641, %dma_wait3A_642, %dma_wait3A_643] : memref<3x96x128xf32, #tpu.memory_space<vmem>> -> memref<1x96x128xf32, #tpu.memory_space<vmem>>
    %dma_wait3A_645 = tpu.memref_squeeze %dma_wait3A_644 : memref<1x96x128xf32, #tpu.memory_space<vmem>> -> memref<96x128xf32, #tpu.memory_space<vmem>>
    %dma_wait3A_646 = arith.constant 0 : i32
    %dma_wait3A_647 = arith.constant 0 : i32
    %dma_wait3A_648 = tpu.memref_slice %arg12[%dma_wait3A_646, %dma_wait3A_647] : memref<10112x128xf32, #tpu.memory_space<vmem_shared>> -> memref<96x128xf32, #tpu.memory_space<vmem_shared>>
    %dma_wait3A_649 = arith.constant 0 : i32
    %dma_wait3A_650 = arith.constant 0 : i32
    %dma_wait3A_651 = tpu.memref_slice %arg12[%dma_wait3A_649, %dma_wait3A_650] : memref<10112x128xf32, #tpu.memory_space<vmem_shared>> -> memref<96x128xf32, #tpu.memory_space<vmem_shared>>
    %dma_wait3A_652 = arith.constant 0 : i32
    %dma_wait3A_653 = arith.constant 0 : i32
    %dma_wait3A_654 = tpu.memref_slice %arg9[%dma_wait3A_641, %dma_wait3A_652, %dma_wait3A_653] : memref<3x96x128xf32, #tpu.memory_space<vmem>> -> memref<1x96x128xf32, #tpu.memory_space<vmem>>
    %dma_wait3A_655 = tpu.memref_squeeze %dma_wait3A_654 : memref<1x96x128xf32, #tpu.memory_space<vmem>> -> memref<96x128xf32, #tpu.memory_space<vmem>>
    tpu.wait_dma2 semaphore(%arg18 : memref<!tpu.dma_semaphore, #tpu.memory_space<semaphore_mem>>) src(%dma_wait3A_655 : memref<96x128xf32, #tpu.memory_space<vmem>>) dst(%dma_wait3A_651 : memref<96x128xf32, #tpu.memory_space<vmem_shared>>)
    %dma_wait3A_656 = arith.constant 2 : i32
    %dma_wait3A_657 = arith.constant 0 : i32
    %dma_wait3A_658 = arith.constant 0 : i32
    %dma_wait3A_659 = tpu.memref_slice %arg9[%dma_wait3A_656, %dma_wait3A_657, %dma_wait3A_658] : memref<3x96x128xf32, #tpu.memory_space<vmem>> -> memref<1x96x128xf32, #tpu.memory_space<vmem>>
    %dma_wait3A_660 = tpu.memref_squeeze %dma_wait3A_659 : memref<1x96x128xf32, #tpu.memory_space<vmem>> -> memref<96x128xf32, #tpu.memory_space<vmem>>
    %dma_wait3A_661 = arith.constant 0 : i32
    %dma_wait3A_662 = arith.constant 0 : i32
    %dma_wait3A_663 = tpu.memref_slice %arg12[%dma_wait3A_661, %dma_wait3A_662] : memref<10112x128xf32, #tpu.memory_space<vmem_shared>> -> memref<96x128xf32, #tpu.memory_space<vmem_shared>>
    %dma_wait3A_664 = arith.constant 0 : i32
    %dma_wait3A_665 = arith.constant 0 : i32
    %dma_wait3A_666 = tpu.memref_slice %arg12[%dma_wait3A_664, %dma_wait3A_665] : memref<10112x128xf32, #tpu.memory_space<vmem_shared>> -> memref<96x128xf32, #tpu.memory_space<vmem_shared>>
    %dma_wait3A_667 = arith.constant 0 : i32
    %dma_wait3A_668 = arith.constant 0 : i32
    %dma_wait3A_669 = tpu.memref_slice %arg9[%dma_wait3A_656, %dma_wait3A_667, %dma_wait3A_668] : memref<3x96x128xf32, #tpu.memory_space<vmem>> -> memref<1x96x128xf32, #tpu.memory_space<vmem>>
    %dma_wait3A_670 = tpu.memref_squeeze %dma_wait3A_669 : memref<1x96x128xf32, #tpu.memory_space<vmem>> -> memref<96x128xf32, #tpu.memory_space<vmem>>
    tpu.wait_dma2 semaphore(%arg19 : memref<!tpu.dma_semaphore, #tpu.memory_space<semaphore_mem>>) src(%dma_wait3A_670 : memref<96x128xf32, #tpu.memory_space<vmem>>) dst(%dma_wait3A_666 : memref<96x128xf32, #tpu.memory_space<vmem_shared>>)
    "tpu.region"() ({
      %run_scoped3A_829 = tpu.sem_alloc : memref<!tpu.dma_semaphore, #tpu.memory_space<semaphore_mem>>
      %dma_start3A_830 = arith.constant 0 : i32
      %dma_start3A_831 = arith.constant 0 : i32
      %dma_start3A_832 = tpu.memref_slice %arg7[%dma_start3A_830, %dma_start3A_831] : memref<24x96xi32, #tpu.memory_space<vmem>> -> memref<24x96xi32, #tpu.memory_space<vmem>>
      %dma_start3A_833 = arith.constant 72 : i32
      %dma_start3A_834 = arith.constant 0 : i32
      %dma_start3A_835 = tpu.memref_slice %arg3[%add3A, %dma_start3A_833, %dma_start3A_834] : memref<32x108x96xi32, #tpu.memory_space<hbm>> -> memref<1x24x96xi32, #tpu.memory_space<hbm>>
      %dma_start3A_836 = tpu.memref_squeeze %dma_start3A_835 : memref<1x24x96xi32, #tpu.memory_space<hbm>> -> memref<24x96xi32, #tpu.memory_space<hbm>>
      %dma_start3A_837 = arith.constant 0 : i32
      %dma_start3A_838 = arith.constant 0 : i32
      %dma_start3A_839 = tpu.memref_slice %arg7[%dma_start3A_837, %dma_start3A_838] : memref<24x96xi32, #tpu.memory_space<vmem>> -> memref<24x96xi32, #tpu.memory_space<vmem>>
      %dma_start3A_840 = arith.constant 72 : i32
      %dma_start3A_841 = arith.constant 0 : i32
      %dma_start3A_842 = tpu.memref_slice %arg3[%add3A, %dma_start3A_840, %dma_start3A_841] : memref<32x108x96xi32, #tpu.memory_space<hbm>> -> memref<1x24x96xi32, #tpu.memory_space<hbm>>
      %dma_start3A_843 = tpu.memref_squeeze %dma_start3A_842 : memref<1x24x96xi32, #tpu.memory_space<hbm>> -> memref<24x96xi32, #tpu.memory_space<hbm>>
      tpu.enqueue_dma source(%dma_start3A_843 : memref<24x96xi32, #tpu.memory_space<hbm>>) target(%dma_start3A_839 : memref<24x96xi32, #tpu.memory_space<vmem>>) target_semaphore(%run_scoped3A_829 : memref<!tpu.dma_semaphore, #tpu.memory_space<semaphore_mem>>)
      %dma_wait3A_844 = arith.constant 0 : i32
      %dma_wait3A_845 = arith.constant 0 : i32
      %dma_wait3A_846 = tpu.memref_slice %arg7[%dma_wait3A_844, %dma_wait3A_845] : memref<24x96xi32, #tpu.memory_space<vmem>> -> memref<24x96xi32, #tpu.memory_space<vmem>>
      %dma_wait3A_847 = arith.constant 72 : i32
      %dma_wait3A_848 = arith.constant 0 : i32
      %dma_wait3A_849 = tpu.memref_slice %arg3[%add3A, %dma_wait3A_847, %dma_wait3A_848] : memref<32x108x96xi32, #tpu.memory_space<hbm>> -> memref<1x24x96xi32, #tpu.memory_space<hbm>>
      %dma_wait3A_850 = tpu.memref_squeeze %dma_wait3A_849 : memref<1x24x96xi32, #tpu.memory_space<hbm>> -> memref<24x96xi32, #tpu.memory_space<hbm>>
      %dma_wait3A_851 = arith.constant 0 : i32
      %dma_wait3A_852 = arith.constant 0 : i32
      %dma_wait3A_853 = tpu.memref_slice %arg7[%dma_wait3A_851, %dma_wait3A_852] : memref<24x96xi32, #tpu.memory_space<vmem>> -> memref<24x96xi32, #tpu.memory_space<vmem>>
      %dma_wait3A_854 = arith.constant 72 : i32
      %dma_wait3A_855 = arith.constant 0 : i32
      %dma_wait3A_856 = tpu.memref_slice %arg3[%add3A, %dma_wait3A_854, %dma_wait3A_855] : memref<32x108x96xi32, #tpu.memory_space<hbm>> -> memref<1x24x96xi32, #tpu.memory_space<hbm>>
      %dma_wait3A_857 = tpu.memref_squeeze %dma_wait3A_856 : memref<1x24x96xi32, #tpu.memory_space<hbm>> -> memref<24x96xi32, #tpu.memory_space<hbm>>
      tpu.wait_dma2 semaphore(%run_scoped3A_829 : memref<!tpu.dma_semaphore, #tpu.memory_space<semaphore_mem>>) src(%dma_wait3A_857 : memref<24x96xi32, #tpu.memory_space<hbm>>) dst(%dma_wait3A_853 : memref<24x96xi32, #tpu.memory_space<vmem>>)
      tpu.yield
    }) : () -> ()
    "tpu.region"() ({
      %run_scoped3A_829 = tpu.sem_alloc : memref<!tpu.dma_semaphore, #tpu.memory_space<semaphore_mem>>
      %dma_start3A_830 = arith.constant 0 : i32
      %dma_start3A_831 = arith.constant 0 : i32
      %dma_start3A_832 = tpu.memref_slice %arg8[%dma_start3A_830, %dma_start3A_831] : memref<24x96xi32, #tpu.memory_space<vmem>> -> memref<24x96xi32, #tpu.memory_space<vmem>>
      %dma_start3A_833 = arith.constant 72 : i32
      %dma_start3A_834 = arith.constant 0 : i32
      %dma_start3A_835 = tpu.memref_slice %arg4[%add3A, %dma_start3A_833, %dma_start3A_834] : memref<32x108x96xi32, #tpu.memory_space<hbm>> -> memref<1x24x96xi32, #tpu.memory_space<hbm>>
      %dma_start3A_836 = tpu.memref_squeeze %dma_start3A_835 : memref<1x24x96xi32, #tpu.memory_space<hbm>> -> memref<24x96xi32, #tpu.memory_space<hbm>>
      %dma_start3A_837 = arith.constant 0 : i32
      %dma_start3A_838 = arith.constant 0 : i32
      %dma_start3A_839 = tpu.memref_slice %arg8[%dma_start3A_837, %dma_start3A_838] : memref<24x96xi32, #tpu.memory_space<vmem>> -> memref<24x96xi32, #tpu.memory_space<vmem>>
      %dma_start3A_840 = arith.constant 72 : i32
      %dma_start3A_841 = arith.constant 0 : i32
      %dma_start3A_842 = tpu.memref_slice %arg4[%add3A, %dma_start3A_840, %dma_start3A_841] : memref<32x108x96xi32, #tpu.memory_space<hbm>> -> memref<1x24x96xi32, #tpu.memory_space<hbm>>
      %dma_start3A_843 = tpu.memref_squeeze %dma_start3A_842 : memref<1x24x96xi32, #tpu.memory_space<hbm>> -> memref<24x96xi32, #tpu.memory_space<hbm>>
      tpu.enqueue_dma source(%dma_start3A_843 : memref<24x96xi32, #tpu.memory_space<hbm>>) target(%dma_start3A_839 : memref<24x96xi32, #tpu.memory_space<vmem>>) target_semaphore(%run_scoped3A_829 : memref<!tpu.dma_semaphore, #tpu.memory_space<semaphore_mem>>)
      %dma_wait3A_844 = arith.constant 0 : i32
      %dma_wait3A_845 = arith.constant 0 : i32
      %dma_wait3A_846 = tpu.memref_slice %arg8[%dma_wait3A_844, %dma_wait3A_845] : memref<24x96xi32, #tpu.memory_space<vmem>> -> memref<24x96xi32, #tpu.memory_space<vmem>>
      %dma_wait3A_847 = arith.constant 72 : i32
      %dma_wait3A_848 = arith.constant 0 : i32
      %dma_wait3A_849 = tpu.memref_slice %arg4[%add3A, %dma_wait3A_847, %dma_wait3A_848] : memref<32x108x96xi32, #tpu.memory_space<hbm>> -> memref<1x24x96xi32, #tpu.memory_space<hbm>>
      %dma_wait3A_850 = tpu.memref_squeeze %dma_wait3A_849 : memref<1x24x96xi32, #tpu.memory_space<hbm>> -> memref<24x96xi32, #tpu.memory_space<hbm>>
      %dma_wait3A_851 = arith.constant 0 : i32
      %dma_wait3A_852 = arith.constant 0 : i32
      %dma_wait3A_853 = tpu.memref_slice %arg8[%dma_wait3A_851, %dma_wait3A_852] : memref<24x96xi32, #tpu.memory_space<vmem>> -> memref<24x96xi32, #tpu.memory_space<vmem>>
      %dma_wait3A_854 = arith.constant 72 : i32
      %dma_wait3A_855 = arith.constant 0 : i32
      %dma_wait3A_856 = tpu.memref_slice %arg4[%add3A, %dma_wait3A_854, %dma_wait3A_855] : memref<32x108x96xi32, #tpu.memory_space<hbm>> -> memref<1x24x96xi32, #tpu.memory_space<hbm>>
      %dma_wait3A_857 = tpu.memref_squeeze %dma_wait3A_856 : memref<1x24x96xi32, #tpu.memory_space<hbm>> -> memref<24x96xi32, #tpu.memory_space<hbm>>
      tpu.wait_dma2 semaphore(%run_scoped3A_829 : memref<!tpu.dma_semaphore, #tpu.memory_space<semaphore_mem>>) src(%dma_wait3A_857 : memref<24x96xi32, #tpu.memory_space<hbm>>) dst(%dma_wait3A_853 : memref<24x96xi32, #tpu.memory_space<vmem>>)
      tpu.yield
    }) : () -> ()
    %dma_start3A_671 = arith.constant 0 : i32
    %dma_start3A_672 = arith.constant 0 : i32
    %dma_start3A_673 = arith.constant 0 : i32
    %dma_start3A_674 = arith.constant 0 : i32
    %dma_start3A_675 = tpu.memref_slice %arg9[%dma_start3A_672, %dma_start3A_673, %dma_start3A_674] : memref<3x96x128xf32, #tpu.memory_space<vmem>> -> memref<1x96x128xf32, #tpu.memory_space<vmem>>
    %dma_start3A_676 = tpu.memref_squeeze %dma_start3A_675 : memref<1x96x128xf32, #tpu.memory_space<vmem>> -> memref<96x128xf32, #tpu.memory_space<vmem>>
    %dma_start3A_677 = arith.constant 0 : i32
    %dma_start3A_678 = tpu.memref_slice %arg7[%dma_start3A_671, %dma_start3A_677] : memref<24x96xi32, #tpu.memory_space<vmem>> -> memref<1x96xi32, #tpu.memory_space<vmem>>
    %dma_start3A_679 = tpu.memref_squeeze %dma_start3A_678 : memref<1x96xi32, #tpu.memory_space<vmem>> -> memref<96xi32, #tpu.memory_space<vmem>>
    %dma_start3A_680 = arith.constant 0 : i32
    %dma_start3A_681 = arith.constant 0 : i32
    %dma_start3A_682 = tpu.memref_slice %arg2[%dma_start3A_680, %dma_start3A_681] : memref<10000x128xf32, #tpu.memory_space<hbm>> -> memref<10000x128xf32, #tpu.memory_space<hbm>>
    tpu.enqueue_indirect_dma source(%dma_start3A_682 : memref<10000x128xf32, #tpu.memory_space<hbm>>) target(%dma_start3A_676 : memref<96x128xf32, #tpu.memory_space<vmem>>) offsets(%dma_start3A_679 : memref<96xi32, #tpu.memory_space<vmem>>) semaphore(%arg14 : memref<!tpu.dma_semaphore, #tpu.memory_space<semaphore_mem>>)
    %dma_start3A_683 = arith.constant 1 : i32
    %dma_start3A_684 = arith.constant 1 : i32
    %dma_start3A_685 = arith.constant 0 : i32
    %dma_start3A_686 = arith.constant 0 : i32
    %dma_start3A_687 = tpu.memref_slice %arg9[%dma_start3A_684, %dma_start3A_685, %dma_start3A_686] : memref<3x96x128xf32, #tpu.memory_space<vmem>> -> memref<1x96x128xf32, #tpu.memory_space<vmem>>
    %dma_start3A_688 = tpu.memref_squeeze %dma_start3A_687 : memref<1x96x128xf32, #tpu.memory_space<vmem>> -> memref<96x128xf32, #tpu.memory_space<vmem>>
    %dma_start3A_689 = arith.constant 0 : i32
    %dma_start3A_690 = tpu.memref_slice %arg7[%dma_start3A_683, %dma_start3A_689] : memref<24x96xi32, #tpu.memory_space<vmem>> -> memref<1x96xi32, #tpu.memory_space<vmem>>
    %dma_start3A_691 = tpu.memref_squeeze %dma_start3A_690 : memref<1x96xi32, #tpu.memory_space<vmem>> -> memref<96xi32, #tpu.memory_space<vmem>>
    %dma_start3A_692 = arith.constant 0 : i32
    %dma_start3A_693 = arith.constant 0 : i32
    %dma_start3A_694 = tpu.memref_slice %arg2[%dma_start3A_692, %dma_start3A_693] : memref<10000x128xf32, #tpu.memory_space<hbm>> -> memref<10000x128xf32, #tpu.memory_space<hbm>>
    tpu.enqueue_indirect_dma source(%dma_start3A_694 : memref<10000x128xf32, #tpu.memory_space<hbm>>) target(%dma_start3A_688 : memref<96x128xf32, #tpu.memory_space<vmem>>) offsets(%dma_start3A_691 : memref<96xi32, #tpu.memory_space<vmem>>) semaphore(%arg15 : memref<!tpu.dma_semaphore, #tpu.memory_space<semaphore_mem>>)
    %scan3A_695 = arith.constant 0 : i32
    %scan3A_696 = arith.constant 0 : i32
    %scan3A_697 = arith.constant 8 : i32
    %scan3A_698 = arith.addi %scan3A_696, %scan3A_697 : i32
    %scan3A_699 = arith.constant 1 : i32
    scf.for %scan3A_829 = %scan3A_696 to %scan3A_698 step %scan3A_699  : i32 {
      %mul3A_830 = arith.constant 3 : i32
      %mul3A_831 = arith.muli %mul3A_830, %scan3A_829 : i32
      %add3A_832 = arith.constant 0 : i32
      %add3A_833 = arith.addi %mul3A_831, %add3A_832 : i32
      %dma_wait3A_834 = arith.constant 0 : i32
      %dma_wait3A_835 = arith.constant 0 : i32
      %dma_wait3A_836 = arith.constant 0 : i32
      %dma_wait3A_837 = tpu.memref_slice %arg9[%dma_wait3A_834, %dma_wait3A_835, %dma_wait3A_836] : memref<3x96x128xf32, #tpu.memory_space<vmem>> -> memref<1x96x128xf32, #tpu.memory_space<vmem>>
      %dma_wait3A_838 = tpu.memref_squeeze %dma_wait3A_837 : memref<1x96x128xf32, #tpu.memory_space<vmem>> -> memref<96x128xf32, #tpu.memory_space<vmem>>
      %dma_wait3A_839 = arith.constant 0 : i32
      %dma_wait3A_840 = arith.constant 0 : i32
      %dma_wait3A_841 = tpu.memref_slice %arg2[%dma_wait3A_839, %dma_wait3A_840] : memref<10000x128xf32, #tpu.memory_space<hbm>> -> memref<96x128xf32, #tpu.memory_space<hbm>>
      %dma_wait3A_842 = arith.constant 0 : i32
      %dma_wait3A_843 = arith.constant 0 : i32
      %dma_wait3A_844 = tpu.memref_slice %arg9[%dma_wait3A_834, %dma_wait3A_842, %dma_wait3A_843] : memref<3x96x128xf32, #tpu.memory_space<vmem>> -> memref<1x96x128xf32, #tpu.memory_space<vmem>>
      %dma_wait3A_845 = tpu.memref_squeeze %dma_wait3A_844 : memref<1x96x128xf32, #tpu.memory_space<vmem>> -> memref<96x128xf32, #tpu.memory_space<vmem>>
      %dma_wait3A_846 = arith.constant 0 : i32
      %dma_wait3A_847 = arith.constant 0 : i32
      %dma_wait3A_848 = tpu.memref_slice %arg2[%dma_wait3A_846, %dma_wait3A_847] : memref<10000x128xf32, #tpu.memory_space<hbm>> -> memref<96x128xf32, #tpu.memory_space<hbm>>
      tpu.wait_dma2 semaphore(%arg14 : memref<!tpu.dma_semaphore, #tpu.memory_space<semaphore_mem>>) src(%dma_wait3A_848 : memref<96x128xf32, #tpu.memory_space<hbm>>) dst(%dma_wait3A_845 : memref<96x128xf32, #tpu.memory_space<vmem>>)
      %dma_start3A_849 = arith.constant 0 : i32
      %dma_start3A_850 = arith.constant 0 : i32
      %dma_start3A_851 = arith.constant 0 : i32
      %dma_start3A_852 = tpu.memref_slice %arg9[%dma_start3A_849, %dma_start3A_850, %dma_start3A_851] : memref<3x96x128xf32, #tpu.memory_space<vmem>> -> memref<1x96x128xf32, #tpu.memory_space<vmem>>
      %dma_start3A_853 = tpu.memref_squeeze %dma_start3A_852 : memref<1x96x128xf32, #tpu.memory_space<vmem>> -> memref<96x128xf32, #tpu.memory_space<vmem>>
      %dma_start3A_854 = arith.constant 0 : i32
      %dma_start3A_855 = tpu.memref_slice %arg8[%add3A_833, %dma_start3A_854] : memref<24x96xi32, #tpu.memory_space<vmem>> -> memref<1x96xi32, #tpu.memory_space<vmem>>
      %dma_start3A_856 = tpu.memref_squeeze %dma_start3A_855 : memref<1x96xi32, #tpu.memory_space<vmem>> -> memref<96xi32, #tpu.memory_space<vmem>>
      %dma_start3A_857 = arith.constant 0 : i32
      %dma_start3A_858 = arith.constant 0 : i32
      %dma_start3A_859 = tpu.memref_slice %arg12[%dma_start3A_857, %dma_start3A_858] : memref<10112x128xf32, #tpu.memory_space<vmem_shared>> -> memref<10112x128xf32, #tpu.memory_space<vmem_shared>>
      tpu.enqueue_indirect_dma source(%dma_start3A_853 : memref<96x128xf32, #tpu.memory_space<vmem>>) target(%dma_start3A_859 : memref<10112x128xf32, #tpu.memory_space<vmem_shared>>) offsets(%dma_start3A_856 : memref<96xi32, #tpu.memory_space<vmem>>) semaphore(%arg17 : memref<!tpu.dma_semaphore, #tpu.memory_space<semaphore_mem>>) {add = true}
      %ge3A = arith.constant 1 : i32
      %ge3A_860 = arith.cmpi sge, %add3A_833, %ge3A : i32
      %add3A_861 = arith.constant 2 : i32
      %add3A_862 = arith.addi %add3A_833, %add3A_861 : i32
      %lt3A = arith.constant 24 : i32
      %lt3A_863 = arith.cmpi slt, %add3A_862, %lt3A : i32
      %and3A = arith.andi %ge3A_860, %lt3A_863 : i1
      %convert_element_type3A = arith.extui %and3A : i1 to i32
      %cond3A = arith.constant 0 : i32
      %cond3A_864 = arith.cmpi ne, %convert_element_type3A, %cond3A : i32
      scf.if %cond3A_864 {
        %dma_wait3A_966 = arith.constant 2 : i32
        %dma_wait3A_967 = arith.constant 0 : i32
        %dma_wait3A_968 = arith.constant 0 : i32
        %dma_wait3A_969 = tpu.memref_slice %arg9[%dma_wait3A_966, %dma_wait3A_967, %dma_wait3A_968] : memref<3x96x128xf32, #tpu.memory_space<vmem>> -> memref<1x96x128xf32, #tpu.memory_space<vmem>>
        %dma_wait3A_970 = tpu.memref_squeeze %dma_wait3A_969 : memref<1x96x128xf32, #tpu.memory_space<vmem>> -> memref<96x128xf32, #tpu.memory_space<vmem>>
        %dma_wait3A_971 = arith.constant 0 : i32
        %dma_wait3A_972 = arith.constant 0 : i32
        %dma_wait3A_973 = tpu.memref_slice %arg12[%dma_wait3A_971, %dma_wait3A_972] : memref<10112x128xf32, #tpu.memory_space<vmem_shared>> -> memref<96x128xf32, #tpu.memory_space<vmem_shared>>
        %dma_wait3A_974 = arith.constant 0 : i32
        %dma_wait3A_975 = arith.constant 0 : i32
        %dma_wait3A_976 = tpu.memref_slice %arg12[%dma_wait3A_974, %dma_wait3A_975] : memref<10112x128xf32, #tpu.memory_space<vmem_shared>> -> memref<96x128xf32, #tpu.memory_space<vmem_shared>>
        %dma_wait3A_977 = arith.constant 0 : i32
        %dma_wait3A_978 = arith.constant 0 : i32
        %dma_wait3A_979 = tpu.memref_slice %arg9[%dma_wait3A_966, %dma_wait3A_977, %dma_wait3A_978] : memref<3x96x128xf32, #tpu.memory_space<vmem>> -> memref<1x96x128xf32, #tpu.memory_space<vmem>>
        %dma_wait3A_980 = tpu.memref_squeeze %dma_wait3A_979 : memref<1x96x128xf32, #tpu.memory_space<vmem>> -> memref<96x128xf32, #tpu.memory_space<vmem>>
        tpu.wait_dma2 semaphore(%arg19 : memref<!tpu.dma_semaphore, #tpu.memory_space<semaphore_mem>>) src(%dma_wait3A_980 : memref<96x128xf32, #tpu.memory_space<vmem>>) dst(%dma_wait3A_976 : memref<96x128xf32, #tpu.memory_space<vmem_shared>>)
      } else {
      }
      %add3A_865 = arith.constant 2 : i32
      %add3A_866 = arith.addi %add3A_833, %add3A_865 : i32
      %lt3A_867 = arith.constant 24 : i32
      %lt3A_868 = arith.cmpi slt, %add3A_866, %lt3A_867 : i32
      %convert_element_type3A_869 = arith.extui %lt3A_868 : i1 to i32
      %cond3A_870 = arith.constant 0 : i32
      %cond3A_871 = arith.cmpi ne, %convert_element_type3A_869, %cond3A_870 : i32
      scf.if %cond3A_871 {
        %add3A_966 = arith.constant 2 : i32
        %add3A_967 = arith.addi %add3A_833, %add3A_966 : i32
        %dma_start3A_968 = arith.constant 2 : i32
        %dma_start3A_969 = arith.constant 0 : i32
        %dma_start3A_970 = arith.constant 0 : i32
        %dma_start3A_971 = tpu.memref_slice %arg9[%dma_start3A_968, %dma_start3A_969, %dma_start3A_970] : memref<3x96x128xf32, #tpu.memory_space<vmem>> -> memref<1x96x128xf32, #tpu.memory_space<vmem>>
        %dma_start3A_972 = tpu.memref_squeeze %dma_start3A_971 : memref<1x96x128xf32, #tpu.memory_space<vmem>> -> memref<96x128xf32, #tpu.memory_space<vmem>>
        %dma_start3A_973 = arith.constant 0 : i32
        %dma_start3A_974 = tpu.memref_slice %arg7[%add3A_967, %dma_start3A_973] : memref<24x96xi32, #tpu.memory_space<vmem>> -> memref<1x96xi32, #tpu.memory_space<vmem>>
        %dma_start3A_975 = tpu.memref_squeeze %dma_start3A_974 : memref<1x96xi32, #tpu.memory_space<vmem>> -> memref<96xi32, #tpu.memory_space<vmem>>
        %dma_start3A_976 = arith.constant 0 : i32
        %dma_start3A_977 = arith.constant 0 : i32
        %dma_start3A_978 = tpu.memref_slice %arg2[%dma_start3A_976, %dma_start3A_977] : memref<10000x128xf32, #tpu.memory_space<hbm>> -> memref<10000x128xf32, #tpu.memory_space<hbm>>
        tpu.enqueue_indirect_dma source(%dma_start3A_978 : memref<10000x128xf32, #tpu.memory_space<hbm>>) target(%dma_start3A_972 : memref<96x128xf32, #tpu.memory_space<vmem>>) offsets(%dma_start3A_975 : memref<96xi32, #tpu.memory_space<vmem>>) semaphore(%arg16 : memref<!tpu.dma_semaphore, #tpu.memory_space<semaphore_mem>>)
      } else {
      }
      "tpu.region"() ({
        %run_scoped3A_966 = tpu.sem_alloc : memref<!tpu.dma_semaphore, #tpu.memory_space<semaphore_mem>>
        %dma_start3A_967 = arith.constant 0 : i32
        %dma_start3A_968 = tpu.memref_slice %arg8[%add3A_833, %dma_start3A_967] : memref<24x96xi32, #tpu.memory_space<vmem>> -> memref<1x96xi32, #tpu.memory_space<vmem>>
        %dma_start3A_969 = tpu.memref_squeeze %dma_start3A_968 : memref<1x96xi32, #tpu.memory_space<vmem>> -> memref<96xi32, #tpu.memory_space<vmem>>
        %dma_start3A_970 = arith.constant 0 : i32
        %dma_start3A_971 = tpu.memref_slice %arg13[%dma_start3A_970] : memref<16384xf32, #tpu.memory_space<vmem_shared>> -> memref<16384xf32, #tpu.memory_space<vmem_shared>>
        tpu.enqueue_indirect_dma source(%arg10 : memref<96xf32, #tpu.memory_space<vmem>>) target(%dma_start3A_971 : memref<16384xf32, #tpu.memory_space<vmem_shared>>) offsets(%dma_start3A_969 : memref<96xi32, #tpu.memory_space<vmem>>) semaphore(%run_scoped3A_966 : memref<!tpu.dma_semaphore, #tpu.memory_space<semaphore_mem>>) {add = true}
        %dma_wait3A_972 = arith.constant 0 : i32
        %dma_wait3A_973 = tpu.memref_slice %arg8[%add3A_833, %dma_wait3A_972] : memref<24x96xi32, #tpu.memory_space<vmem>> -> memref<1x96xi32, #tpu.memory_space<vmem>>
        %dma_wait3A_974 = tpu.memref_squeeze %dma_wait3A_973 : memref<1x96xi32, #tpu.memory_space<vmem>> -> memref<96xi32, #tpu.memory_space<vmem>>
        %dma_wait3A_975 = arith.constant 0 : i32
        %dma_wait3A_976 = tpu.memref_slice %arg13[%dma_wait3A_975] : memref<16384xf32, #tpu.memory_space<vmem_shared>> -> memref<16384xf32, #tpu.memory_space<vmem_shared>>
        tpu.wait_indirect_dma semaphore(%run_scoped3A_966 : memref<!tpu.dma_semaphore, #tpu.memory_space<semaphore_mem>>) src(%arg10 : memref<96xf32, #tpu.memory_space<vmem>>) dst(%dma_wait3A_976 : memref<16384xf32, #tpu.memory_space<vmem_shared>>)
        tpu.yield
      }) : () -> ()
      %mul3A_872 = arith.constant 3 : i32
      %mul3A_873 = arith.muli %mul3A_872, %scan3A_829 : i32
      %add3A_874 = arith.constant 1 : i32
      %add3A_875 = arith.addi %mul3A_873, %add3A_874 : i32
      %dma_wait3A_876 = arith.constant 1 : i32
      %dma_wait3A_877 = arith.constant 0 : i32
      %dma_wait3A_878 = arith.constant 0 : i32
      %dma_wait3A_879 = tpu.memref_slice %arg9[%dma_wait3A_876, %dma_wait3A_877, %dma_wait3A_878] : memref<3x96x128xf32, #tpu.memory_space<vmem>> -> memref<1x96x128xf32, #tpu.memory_space<vmem>>
      %dma_wait3A_880 = tpu.memref_squeeze %dma_wait3A_879 : memref<1x96x128xf32, #tpu.memory_space<vmem>> -> memref<96x128xf32, #tpu.memory_space<vmem>>
      %dma_wait3A_881 = arith.constant 0 : i32
      %dma_wait3A_882 = arith.constant 0 : i32
      %dma_wait3A_883 = tpu.memref_slice %arg2[%dma_wait3A_881, %dma_wait3A_882] : memref<10000x128xf32, #tpu.memory_space<hbm>> -> memref<96x128xf32, #tpu.memory_space<hbm>>
      %dma_wait3A_884 = arith.constant 0 : i32
      %dma_wait3A_885 = arith.constant 0 : i32
      %dma_wait3A_886 = tpu.memref_slice %arg9[%dma_wait3A_876, %dma_wait3A_884, %dma_wait3A_885] : memref<3x96x128xf32, #tpu.memory_space<vmem>> -> memref<1x96x128xf32, #tpu.memory_space<vmem>>
      %dma_wait3A_887 = tpu.memref_squeeze %dma_wait3A_886 : memref<1x96x128xf32, #tpu.memory_space<vmem>> -> memref<96x128xf32, #tpu.memory_space<vmem>>
      %dma_wait3A_888 = arith.constant 0 : i32
      %dma_wait3A_889 = arith.constant 0 : i32
      %dma_wait3A_890 = tpu.memref_slice %arg2[%dma_wait3A_888, %dma_wait3A_889] : memref<10000x128xf32, #tpu.memory_space<hbm>> -> memref<96x128xf32, #tpu.memory_space<hbm>>
      tpu.wait_dma2 semaphore(%arg15 : memref<!tpu.dma_semaphore, #tpu.memory_space<semaphore_mem>>) src(%dma_wait3A_890 : memref<96x128xf32, #tpu.memory_space<hbm>>) dst(%dma_wait3A_887 : memref<96x128xf32, #tpu.memory_space<vmem>>)
      %dma_start3A_891 = arith.constant 1 : i32
      %dma_start3A_892 = arith.constant 0 : i32
      %dma_start3A_893 = arith.constant 0 : i32
      %dma_start3A_894 = tpu.memref_slice %arg9[%dma_start3A_891, %dma_start3A_892, %dma_start3A_893] : memref<3x96x128xf32, #tpu.memory_space<vmem>> -> memref<1x96x128xf32, #tpu.memory_space<vmem>>
      %dma_start3A_895 = tpu.memref_squeeze %dma_start3A_894 : memref<1x96x128xf32, #tpu.memory_space<vmem>> -> memref<96x128xf32, #tpu.memory_space<vmem>>
      %dma_start3A_896 = arith.constant 0 : i32
      %dma_start3A_897 = tpu.memref_slice %arg8[%add3A_875, %dma_start3A_896] : memref<24x96xi32, #tpu.memory_space<vmem>> -> memref<1x96xi32, #tpu.memory_space<vmem>>
      %dma_start3A_898 = tpu.memref_squeeze %dma_start3A_897 : memref<1x96xi32, #tpu.memory_space<vmem>> -> memref<96xi32, #tpu.memory_space<vmem>>
      %dma_start3A_899 = arith.constant 0 : i32
      %dma_start3A_900 = arith.constant 0 : i32
      %dma_start3A_901 = tpu.memref_slice %arg12[%dma_start3A_899, %dma_start3A_900] : memref<10112x128xf32, #tpu.memory_space<vmem_shared>> -> memref<10112x128xf32, #tpu.memory_space<vmem_shared>>
      tpu.enqueue_indirect_dma source(%dma_start3A_895 : memref<96x128xf32, #tpu.memory_space<vmem>>) target(%dma_start3A_901 : memref<10112x128xf32, #tpu.memory_space<vmem_shared>>) offsets(%dma_start3A_898 : memref<96xi32, #tpu.memory_space<vmem>>) semaphore(%arg18 : memref<!tpu.dma_semaphore, #tpu.memory_space<semaphore_mem>>) {add = true}
      %ge3A_902 = arith.constant 1 : i32
      %ge3A_903 = arith.cmpi sge, %add3A_875, %ge3A_902 : i32
      %add3A_904 = arith.constant 2 : i32
      %add3A_905 = arith.addi %add3A_875, %add3A_904 : i32
      %lt3A_906 = arith.constant 24 : i32
      %lt3A_907 = arith.cmpi slt, %add3A_905, %lt3A_906 : i32
      %and3A_908 = arith.andi %ge3A_903, %lt3A_907 : i1
      %convert_element_type3A_909 = arith.extui %and3A_908 : i1 to i32
      %cond3A_910 = arith.constant 0 : i32
      %cond3A_911 = arith.cmpi ne, %convert_element_type3A_909, %cond3A_910 : i32
      scf.if %cond3A_911 {
        %dma_wait3A_966 = arith.constant 0 : i32
        %dma_wait3A_967 = arith.constant 0 : i32
        %dma_wait3A_968 = arith.constant 0 : i32
        %dma_wait3A_969 = tpu.memref_slice %arg9[%dma_wait3A_966, %dma_wait3A_967, %dma_wait3A_968] : memref<3x96x128xf32, #tpu.memory_space<vmem>> -> memref<1x96x128xf32, #tpu.memory_space<vmem>>
        %dma_wait3A_970 = tpu.memref_squeeze %dma_wait3A_969 : memref<1x96x128xf32, #tpu.memory_space<vmem>> -> memref<96x128xf32, #tpu.memory_space<vmem>>
        %dma_wait3A_971 = arith.constant 0 : i32
        %dma_wait3A_972 = arith.constant 0 : i32
        %dma_wait3A_973 = tpu.memref_slice %arg12[%dma_wait3A_971, %dma_wait3A_972] : memref<10112x128xf32, #tpu.memory_space<vmem_shared>> -> memref<96x128xf32, #tpu.memory_space<vmem_shared>>
        %dma_wait3A_974 = arith.constant 0 : i32
        %dma_wait3A_975 = arith.constant 0 : i32
        %dma_wait3A_976 = tpu.memref_slice %arg12[%dma_wait3A_974, %dma_wait3A_975] : memref<10112x128xf32, #tpu.memory_space<vmem_shared>> -> memref<96x128xf32, #tpu.memory_space<vmem_shared>>
        %dma_wait3A_977 = arith.constant 0 : i32
        %dma_wait3A_978 = arith.constant 0 : i32
        %dma_wait3A_979 = tpu.memref_slice %arg9[%dma_wait3A_966, %dma_wait3A_977, %dma_wait3A_978] : memref<3x96x128xf32, #tpu.memory_space<vmem>> -> memref<1x96x128xf32, #tpu.memory_space<vmem>>
        %dma_wait3A_980 = tpu.memref_squeeze %dma_wait3A_979 : memref<1x96x128xf32, #tpu.memory_space<vmem>> -> memref<96x128xf32, #tpu.memory_space<vmem>>
        tpu.wait_dma2 semaphore(%arg17 : memref<!tpu.dma_semaphore, #tpu.memory_space<semaphore_mem>>) src(%dma_wait3A_980 : memref<96x128xf32, #tpu.memory_space<vmem>>) dst(%dma_wait3A_976 : memref<96x128xf32, #tpu.memory_space<vmem_shared>>)
      } else {
      }
      %add3A_912 = arith.constant 2 : i32
      %add3A_913 = arith.addi %add3A_875, %add3A_912 : i32
      %lt3A_914 = arith.constant 24 : i32
      %lt3A_915 = arith.cmpi slt, %add3A_913, %lt3A_914 : i32
      %convert_element_type3A_916 = arith.extui %lt3A_915 : i1 to i32
      %cond3A_917 = arith.constant 0 : i32
      %cond3A_918 = arith.cmpi ne, %convert_element_type3A_916, %cond3A_917 : i32
      scf.if %cond3A_918 {
        %add3A_966 = arith.constant 2 : i32
        %add3A_967 = arith.addi %add3A_875, %add3A_966 : i32
        %dma_start3A_968 = arith.constant 0 : i32
        %dma_start3A_969 = arith.constant 0 : i32
        %dma_start3A_970 = arith.constant 0 : i32
        %dma_start3A_971 = tpu.memref_slice %arg9[%dma_start3A_968, %dma_start3A_969, %dma_start3A_970] : memref<3x96x128xf32, #tpu.memory_space<vmem>> -> memref<1x96x128xf32, #tpu.memory_space<vmem>>
        %dma_start3A_972 = tpu.memref_squeeze %dma_start3A_971 : memref<1x96x128xf32, #tpu.memory_space<vmem>> -> memref<96x128xf32, #tpu.memory_space<vmem>>
        %dma_start3A_973 = arith.constant 0 : i32
        %dma_start3A_974 = tpu.memref_slice %arg7[%add3A_967, %dma_start3A_973] : memref<24x96xi32, #tpu.memory_space<vmem>> -> memref<1x96xi32, #tpu.memory_space<vmem>>
        %dma_start3A_975 = tpu.memref_squeeze %dma_start3A_974 : memref<1x96xi32, #tpu.memory_space<vmem>> -> memref<96xi32, #tpu.memory_space<vmem>>
        %dma_start3A_976 = arith.constant 0 : i32
        %dma_start3A_977 = arith.constant 0 : i32
        %dma_start3A_978 = tpu.memref_slice %arg2[%dma_start3A_976, %dma_start3A_977] : memref<10000x128xf32, #tpu.memory_space<hbm>> -> memref<10000x128xf32, #tpu.memory_space<hbm>>
        tpu.enqueue_indirect_dma source(%dma_start3A_978 : memref<10000x128xf32, #tpu.memory_space<hbm>>) target(%dma_start3A_972 : memref<96x128xf32, #tpu.memory_space<vmem>>) offsets(%dma_start3A_975 : memref<96xi32, #tpu.memory_space<vmem>>) semaphore(%arg14 : memref<!tpu.dma_semaphore, #tpu.memory_space<semaphore_mem>>)
      } else {
      }
      "tpu.region"() ({
        %run_scoped3A_966 = tpu.sem_alloc : memref<!tpu.dma_semaphore, #tpu.memory_space<semaphore_mem>>
        %dma_start3A_967 = arith.constant 0 : i32
        %dma_start3A_968 = tpu.memref_slice %arg8[%add3A_875, %dma_start3A_967] : memref<24x96xi32, #tpu.memory_space<vmem>> -> memref<1x96xi32, #tpu.memory_space<vmem>>
        %dma_start3A_969 = tpu.memref_squeeze %dma_start3A_968 : memref<1x96xi32, #tpu.memory_space<vmem>> -> memref<96xi32, #tpu.memory_space<vmem>>
        %dma_start3A_970 = arith.constant 0 : i32
        %dma_start3A_971 = tpu.memref_slice %arg13[%dma_start3A_970] : memref<16384xf32, #tpu.memory_space<vmem_shared>> -> memref<16384xf32, #tpu.memory_space<vmem_shared>>
        tpu.enqueue_indirect_dma source(%arg10 : memref<96xf32, #tpu.memory_space<vmem>>) target(%dma_start3A_971 : memref<16384xf32, #tpu.memory_space<vmem_shared>>) offsets(%dma_start3A_969 : memref<96xi32, #tpu.memory_space<vmem>>) semaphore(%run_scoped3A_966 : memref<!tpu.dma_semaphore, #tpu.memory_space<semaphore_mem>>) {add = true}
        %dma_wait3A_972 = arith.constant 0 : i32
        %dma_wait3A_973 = tpu.memref_slice %arg8[%add3A_875, %dma_wait3A_972] : memref<24x96xi32, #tpu.memory_space<vmem>> -> memref<1x96xi32, #tpu.memory_space<vmem>>
        %dma_wait3A_974 = tpu.memref_squeeze %dma_wait3A_973 : memref<1x96xi32, #tpu.memory_space<vmem>> -> memref<96xi32, #tpu.memory_space<vmem>>
        %dma_wait3A_975 = arith.constant 0 : i32
        %dma_wait3A_976 = tpu.memref_slice %arg13[%dma_wait3A_975] : memref<16384xf32, #tpu.memory_space<vmem_shared>> -> memref<16384xf32, #tpu.memory_space<vmem_shared>>
        tpu.wait_indirect_dma semaphore(%run_scoped3A_966 : memref<!tpu.dma_semaphore, #tpu.memory_space<semaphore_mem>>) src(%arg10 : memref<96xf32, #tpu.memory_space<vmem>>) dst(%dma_wait3A_976 : memref<16384xf32, #tpu.memory_space<vmem_shared>>)
        tpu.yield
      }) : () -> ()
      %mul3A_919 = arith.constant 3 : i32
      %mul3A_920 = arith.muli %mul3A_919, %scan3A_829 : i32
      %add3A_921 = arith.constant 2 : i32
      %add3A_922 = arith.addi %mul3A_920, %add3A_921 : i32
      %dma_wait3A_923 = arith.constant 2 : i32
      %dma_wait3A_924 = arith.constant 0 : i32
      %dma_wait3A_925 = arith.constant 0 : i32
      %dma_wait3A_926 = tpu.memref_slice %arg9[%dma_wait3A_923, %dma_wait3A_924, %dma_wait3A_925] : memref<3x96x128xf32, #tpu.memory_space<vmem>> -> memref<1x96x128xf32, #tpu.memory_space<vmem>>
      %dma_wait3A_927 = tpu.memref_squeeze %dma_wait3A_926 : memref<1x96x128xf32, #tpu.memory_space<vmem>> -> memref<96x128xf32, #tpu.memory_space<vmem>>
      %dma_wait3A_928 = arith.constant 0 : i32
      %dma_wait3A_929 = arith.constant 0 : i32
      %dma_wait3A_930 = tpu.memref_slice %arg2[%dma_wait3A_928, %dma_wait3A_929] : memref<10000x128xf32, #tpu.memory_space<hbm>> -> memref<96x128xf32, #tpu.memory_space<hbm>>
      %dma_wait3A_931 = arith.constant 0 : i32
      %dma_wait3A_932 = arith.constant 0 : i32
      %dma_wait3A_933 = tpu.memref_slice %arg9[%dma_wait3A_923, %dma_wait3A_931, %dma_wait3A_932] : memref<3x96x128xf32, #tpu.memory_space<vmem>> -> memref<1x96x128xf32, #tpu.memory_space<vmem>>
      %dma_wait3A_934 = tpu.memref_squeeze %dma_wait3A_933 : memref<1x96x128xf32, #tpu.memory_space<vmem>> -> memref<96x128xf32, #tpu.memory_space<vmem>>
      %dma_wait3A_935 = arith.constant 0 : i32
      %dma_wait3A_936 = arith.constant 0 : i32
      %dma_wait3A_937 = tpu.memref_slice %arg2[%dma_wait3A_935, %dma_wait3A_936] : memref<10000x128xf32, #tpu.memory_space<hbm>> -> memref<96x128xf32, #tpu.memory_space<hbm>>
      tpu.wait_dma2 semaphore(%arg16 : memref<!tpu.dma_semaphore, #tpu.memory_space<semaphore_mem>>) src(%dma_wait3A_937 : memref<96x128xf32, #tpu.memory_space<hbm>>) dst(%dma_wait3A_934 : memref<96x128xf32, #tpu.memory_space<vmem>>)
      %dma_start3A_938 = arith.constant 2 : i32
      %dma_start3A_939 = arith.constant 0 : i32
      %dma_start3A_940 = arith.constant 0 : i32
      %dma_start3A_941 = tpu.memref_slice %arg9[%dma_start3A_938, %dma_start3A_939, %dma_start3A_940] : memref<3x96x128xf32, #tpu.memory_space<vmem>> -> memref<1x96x128xf32, #tpu.memory_space<vmem>>
      %dma_start3A_942 = tpu.memref_squeeze %dma_start3A_941 : memref<1x96x128xf32, #tpu.memory_space<vmem>> -> memref<96x128xf32, #tpu.memory_space<vmem>>
      %dma_start3A_943 = arith.constant 0 : i32
      %dma_start3A_944 = tpu.memref_slice %arg8[%add3A_922, %dma_start3A_943] : memref<24x96xi32, #tpu.memory_space<vmem>> -> memref<1x96xi32, #tpu.memory_space<vmem>>
      %dma_start3A_945 = tpu.memref_squeeze %dma_start3A_944 : memref<1x96xi32, #tpu.memory_space<vmem>> -> memref<96xi32, #tpu.memory_space<vmem>>
      %dma_start3A_946 = arith.constant 0 : i32
      %dma_start3A_947 = arith.constant 0 : i32
      %dma_start3A_948 = tpu.memref_slice %arg12[%dma_start3A_946, %dma_start3A_947] : memref<10112x128xf32, #tpu.memory_space<vmem_shared>> -> memref<10112x128xf32, #tpu.memory_space<vmem_shared>>
      tpu.enqueue_indirect_dma source(%dma_start3A_942 : memref<96x128xf32, #tpu.memory_space<vmem>>) target(%dma_start3A_948 : memref<10112x128xf32, #tpu.memory_space<vmem_shared>>) offsets(%dma_start3A_945 : memref<96xi32, #tpu.memory_space<vmem>>) semaphore(%arg19 : memref<!tpu.dma_semaphore, #tpu.memory_space<semaphore_mem>>) {add = true}
      %ge3A_949 = arith.constant 1 : i32
      %ge3A_950 = arith.cmpi sge, %add3A_922, %ge3A_949 : i32
      %add3A_951 = arith.constant 2 : i32
      %add3A_952 = arith.addi %add3A_922, %add3A_951 : i32
      %lt3A_953 = arith.constant 24 : i32
      %lt3A_954 = arith.cmpi slt, %add3A_952, %lt3A_953 : i32
      %and3A_955 = arith.andi %ge3A_950, %lt3A_954 : i1
      %convert_element_type3A_956 = arith.extui %and3A_955 : i1 to i32
      %cond3A_957 = arith.constant 0 : i32
      %cond3A_958 = arith.cmpi ne, %convert_element_type3A_956, %cond3A_957 : i32
      scf.if %cond3A_958 {
        %dma_wait3A_966 = arith.constant 1 : i32
        %dma_wait3A_967 = arith.constant 0 : i32
        %dma_wait3A_968 = arith.constant 0 : i32
        %dma_wait3A_969 = tpu.memref_slice %arg9[%dma_wait3A_966, %dma_wait3A_967, %dma_wait3A_968] : memref<3x96x128xf32, #tpu.memory_space<vmem>> -> memref<1x96x128xf32, #tpu.memory_space<vmem>>
        %dma_wait3A_970 = tpu.memref_squeeze %dma_wait3A_969 : memref<1x96x128xf32, #tpu.memory_space<vmem>> -> memref<96x128xf32, #tpu.memory_space<vmem>>
        %dma_wait3A_971 = arith.constant 0 : i32
        %dma_wait3A_972 = arith.constant 0 : i32
        %dma_wait3A_973 = tpu.memref_slice %arg12[%dma_wait3A_971, %dma_wait3A_972] : memref<10112x128xf32, #tpu.memory_space<vmem_shared>> -> memref<96x128xf32, #tpu.memory_space<vmem_shared>>
        %dma_wait3A_974 = arith.constant 0 : i32
        %dma_wait3A_975 = arith.constant 0 : i32
        %dma_wait3A_976 = tpu.memref_slice %arg12[%dma_wait3A_974, %dma_wait3A_975] : memref<10112x128xf32, #tpu.memory_space<vmem_shared>> -> memref<96x128xf32, #tpu.memory_space<vmem_shared>>
        %dma_wait3A_977 = arith.constant 0 : i32
        %dma_wait3A_978 = arith.constant 0 : i32
        %dma_wait3A_979 = tpu.memref_slice %arg9[%dma_wait3A_966, %dma_wait3A_977, %dma_wait3A_978] : memref<3x96x128xf32, #tpu.memory_space<vmem>> -> memref<1x96x128xf32, #tpu.memory_space<vmem>>
        %dma_wait3A_980 = tpu.memref_squeeze %dma_wait3A_979 : memref<1x96x128xf32, #tpu.memory_space<vmem>> -> memref<96x128xf32, #tpu.memory_space<vmem>>
        tpu.wait_dma2 semaphore(%arg18 : memref<!tpu.dma_semaphore, #tpu.memory_space<semaphore_mem>>) src(%dma_wait3A_980 : memref<96x128xf32, #tpu.memory_space<vmem>>) dst(%dma_wait3A_976 : memref<96x128xf32, #tpu.memory_space<vmem_shared>>)
      } else {
      }
      %add3A_959 = arith.constant 2 : i32
      %add3A_960 = arith.addi %add3A_922, %add3A_959 : i32
      %lt3A_961 = arith.constant 24 : i32
      %lt3A_962 = arith.cmpi slt, %add3A_960, %lt3A_961 : i32
      %convert_element_type3A_963 = arith.extui %lt3A_962 : i1 to i32
      %cond3A_964 = arith.constant 0 : i32
      %cond3A_965 = arith.cmpi ne, %convert_element_type3A_963, %cond3A_964 : i32
      scf.if %cond3A_965 {
        %add3A_966 = arith.constant 2 : i32
        %add3A_967 = arith.addi %add3A_922, %add3A_966 : i32
        %dma_start3A_968 = arith.constant 1 : i32
        %dma_start3A_969 = arith.constant 0 : i32
        %dma_start3A_970 = arith.constant 0 : i32
        %dma_start3A_971 = tpu.memref_slice %arg9[%dma_start3A_968, %dma_start3A_969, %dma_start3A_970] : memref<3x96x128xf32, #tpu.memory_space<vmem>> -> memref<1x96x128xf32, #tpu.memory_space<vmem>>
        %dma_start3A_972 = tpu.memref_squeeze %dma_start3A_971 : memref<1x96x128xf32, #tpu.memory_space<vmem>> -> memref<96x128xf32, #tpu.memory_space<vmem>>
        %dma_start3A_973 = arith.constant 0 : i32
        %dma_start3A_974 = tpu.memref_slice %arg7[%add3A_967, %dma_start3A_973] : memref<24x96xi32, #tpu.memory_space<vmem>> -> memref<1x96xi32, #tpu.memory_space<vmem>>
        %dma_start3A_975 = tpu.memref_squeeze %dma_start3A_974 : memref<1x96xi32, #tpu.memory_space<vmem>> -> memref<96xi32, #tpu.memory_space<vmem>>
        %dma_start3A_976 = arith.constant 0 : i32
        %dma_start3A_977 = arith.constant 0 : i32
        %dma_start3A_978 = tpu.memref_slice %arg2[%dma_start3A_976, %dma_start3A_977] : memref<10000x128xf32, #tpu.memory_space<hbm>> -> memref<10000x128xf32, #tpu.memory_space<hbm>>
        tpu.enqueue_indirect_dma source(%dma_start3A_978 : memref<10000x128xf32, #tpu.memory_space<hbm>>) target(%dma_start3A_972 : memref<96x128xf32, #tpu.memory_space<vmem>>) offsets(%dma_start3A_975 : memref<96xi32, #tpu.memory_space<vmem>>) semaphore(%arg15 : memref<!tpu.dma_semaphore, #tpu.memory_space<semaphore_mem>>)
      } else {
      }
      "tpu.region"() ({
        %run_scoped3A_966 = tpu.sem_alloc : memref<!tpu.dma_semaphore, #tpu.memory_space<semaphore_mem>>
        %dma_start3A_967 = arith.constant 0 : i32
        %dma_start3A_968 = tpu.memref_slice %arg8[%add3A_922, %dma_start3A_967] : memref<24x96xi32, #tpu.memory_space<vmem>> -> memref<1x96xi32, #tpu.memory_space<vmem>>
        %dma_start3A_969 = tpu.memref_squeeze %dma_start3A_968 : memref<1x96xi32, #tpu.memory_space<vmem>> -> memref<96xi32, #tpu.memory_space<vmem>>
        %dma_start3A_970 = arith.constant 0 : i32
        %dma_start3A_971 = tpu.memref_slice %arg13[%dma_start3A_970] : memref<16384xf32, #tpu.memory_space<vmem_shared>> -> memref<16384xf32, #tpu.memory_space<vmem_shared>>
        tpu.enqueue_indirect_dma source(%arg10 : memref<96xf32, #tpu.memory_space<vmem>>) target(%dma_start3A_971 : memref<16384xf32, #tpu.memory_space<vmem_shared>>) offsets(%dma_start3A_969 : memref<96xi32, #tpu.memory_space<vmem>>) semaphore(%run_scoped3A_966 : memref<!tpu.dma_semaphore, #tpu.memory_space<semaphore_mem>>) {add = true}
        %dma_wait3A_972 = arith.constant 0 : i32
        %dma_wait3A_973 = tpu.memref_slice %arg8[%add3A_922, %dma_wait3A_972] : memref<24x96xi32, #tpu.memory_space<vmem>> -> memref<1x96xi32, #tpu.memory_space<vmem>>
        %dma_wait3A_974 = tpu.memref_squeeze %dma_wait3A_973 : memref<1x96xi32, #tpu.memory_space<vmem>> -> memref<96xi32, #tpu.memory_space<vmem>>
        %dma_wait3A_975 = arith.constant 0 : i32
        %dma_wait3A_976 = tpu.memref_slice %arg13[%dma_wait3A_975] : memref<16384xf32, #tpu.memory_space<vmem_shared>> -> memref<16384xf32, #tpu.memory_space<vmem_shared>>
        tpu.wait_indirect_dma semaphore(%run_scoped3A_966 : memref<!tpu.dma_semaphore, #tpu.memory_space<semaphore_mem>>) src(%arg10 : memref<96xf32, #tpu.memory_space<vmem>>) dst(%dma_wait3A_976 : memref<16384xf32, #tpu.memory_space<vmem_shared>>)
        tpu.yield
      }) : () -> ()
    }
    %scan3A_700 = arith.constant 8 : i32
    %dma_wait3A_701 = arith.constant 0 : i32
    %dma_wait3A_702 = arith.constant 0 : i32
    %dma_wait3A_703 = arith.constant 0 : i32
    %dma_wait3A_704 = tpu.memref_slice %arg9[%dma_wait3A_701, %dma_wait3A_702, %dma_wait3A_703] : memref<3x96x128xf32, #tpu.memory_space<vmem>> -> memref<1x96x128xf32, #tpu.memory_space<vmem>>
    %dma_wait3A_705 = tpu.memref_squeeze %dma_wait3A_704 : memref<1x96x128xf32, #tpu.memory_space<vmem>> -> memref<96x128xf32, #tpu.memory_space<vmem>>
    %dma_wait3A_706 = arith.constant 0 : i32
    %dma_wait3A_707 = arith.constant 0 : i32
    %dma_wait3A_708 = tpu.memref_slice %arg12[%dma_wait3A_706, %dma_wait3A_707] : memref<10112x128xf32, #tpu.memory_space<vmem_shared>> -> memref<96x128xf32, #tpu.memory_space<vmem_shared>>
    %dma_wait3A_709 = arith.constant 0 : i32
    %dma_wait3A_710 = arith.constant 0 : i32
    %dma_wait3A_711 = tpu.memref_slice %arg12[%dma_wait3A_709, %dma_wait3A_710] : memref<10112x128xf32, #tpu.memory_space<vmem_shared>> -> memref<96x128xf32, #tpu.memory_space<vmem_shared>>
    %dma_wait3A_712 = arith.constant 0 : i32
    %dma_wait3A_713 = arith.constant 0 : i32
    %dma_wait3A_714 = tpu.memref_slice %arg9[%dma_wait3A_701, %dma_wait3A_712, %dma_wait3A_713] : memref<3x96x128xf32, #tpu.memory_space<vmem>> -> memref<1x96x128xf32, #tpu.memory_space<vmem>>
    %dma_wait3A_715 = tpu.memref_squeeze %dma_wait3A_714 : memref<1x96x128xf32, #tpu.memory_space<vmem>> -> memref<96x128xf32, #tpu.memory_space<vmem>>
    tpu.wait_dma2 semaphore(%arg17 : memref<!tpu.dma_semaphore, #tpu.memory_space<semaphore_mem>>) src(%dma_wait3A_715 : memref<96x128xf32, #tpu.memory_space<vmem>>) dst(%dma_wait3A_711 : memref<96x128xf32, #tpu.memory_space<vmem_shared>>)
    %dma_wait3A_716 = arith.constant 1 : i32
    %dma_wait3A_717 = arith.constant 0 : i32
    %dma_wait3A_718 = arith.constant 0 : i32
    %dma_wait3A_719 = tpu.memref_slice %arg9[%dma_wait3A_716, %dma_wait3A_717, %dma_wait3A_718] : memref<3x96x128xf32, #tpu.memory_space<vmem>> -> memref<1x96x128xf32, #tpu.memory_space<vmem>>
    %dma_wait3A_720 = tpu.memref_squeeze %dma_wait3A_719 : memref<1x96x128xf32, #tpu.memory_space<vmem>> -> memref<96x128xf32, #tpu.memory_space<vmem>>
    %dma_wait3A_721 = arith.constant 0 : i32
    %dma_wait3A_722 = arith.constant 0 : i32
    %dma_wait3A_723 = tpu.memref_slice %arg12[%dma_wait3A_721, %dma_wait3A_722] : memref<10112x128xf32, #tpu.memory_space<vmem_shared>> -> memref<96x128xf32, #tpu.memory_space<vmem_shared>>
    %dma_wait3A_724 = arith.constant 0 : i32
    %dma_wait3A_725 = arith.constant 0 : i32
    %dma_wait3A_726 = tpu.memref_slice %arg12[%dma_wait3A_724, %dma_wait3A_725] : memref<10112x128xf32, #tpu.memory_space<vmem_shared>> -> memref<96x128xf32, #tpu.memory_space<vmem_shared>>
    %dma_wait3A_727 = arith.constant 0 : i32
    %dma_wait3A_728 = arith.constant 0 : i32
    %dma_wait3A_729 = tpu.memref_slice %arg9[%dma_wait3A_716, %dma_wait3A_727, %dma_wait3A_728] : memref<3x96x128xf32, #tpu.memory_space<vmem>> -> memref<1x96x128xf32, #tpu.memory_space<vmem>>
    %dma_wait3A_730 = tpu.memref_squeeze %dma_wait3A_729 : memref<1x96x128xf32, #tpu.memory_space<vmem>> -> memref<96x128xf32, #tpu.memory_space<vmem>>
    tpu.wait_dma2 semaphore(%arg18 : memref<!tpu.dma_semaphore, #tpu.memory_space<semaphore_mem>>) src(%dma_wait3A_730 : memref<96x128xf32, #tpu.memory_space<vmem>>) dst(%dma_wait3A_726 : memref<96x128xf32, #tpu.memory_space<vmem_shared>>)
    %dma_wait3A_731 = arith.constant 2 : i32
    %dma_wait3A_732 = arith.constant 0 : i32
    %dma_wait3A_733 = arith.constant 0 : i32
    %dma_wait3A_734 = tpu.memref_slice %arg9[%dma_wait3A_731, %dma_wait3A_732, %dma_wait3A_733] : memref<3x96x128xf32, #tpu.memory_space<vmem>> -> memref<1x96x128xf32, #tpu.memory_space<vmem>>
    %dma_wait3A_735 = tpu.memref_squeeze %dma_wait3A_734 : memref<1x96x128xf32, #tpu.memory_space<vmem>> -> memref<96x128xf32, #tpu.memory_space<vmem>>
    %dma_wait3A_736 = arith.constant 0 : i32
    %dma_wait3A_737 = arith.constant 0 : i32
    %dma_wait3A_738 = tpu.memref_slice %arg12[%dma_wait3A_736, %dma_wait3A_737] : memref<10112x128xf32, #tpu.memory_space<vmem_shared>> -> memref<96x128xf32, #tpu.memory_space<vmem_shared>>
    %dma_wait3A_739 = arith.constant 0 : i32
    %dma_wait3A_740 = arith.constant 0 : i32
    %dma_wait3A_741 = tpu.memref_slice %arg12[%dma_wait3A_739, %dma_wait3A_740] : memref<10112x128xf32, #tpu.memory_space<vmem_shared>> -> memref<96x128xf32, #tpu.memory_space<vmem_shared>>
    %dma_wait3A_742 = arith.constant 0 : i32
    %dma_wait3A_743 = arith.constant 0 : i32
    %dma_wait3A_744 = tpu.memref_slice %arg9[%dma_wait3A_731, %dma_wait3A_742, %dma_wait3A_743] : memref<3x96x128xf32, #tpu.memory_space<vmem>> -> memref<1x96x128xf32, #tpu.memory_space<vmem>>
    %dma_wait3A_745 = tpu.memref_squeeze %dma_wait3A_744 : memref<1x96x128xf32, #tpu.memory_space<vmem>> -> memref<96x128xf32, #tpu.memory_space<vmem>>
    tpu.wait_dma2 semaphore(%arg19 : memref<!tpu.dma_semaphore, #tpu.memory_space<semaphore_mem>>) src(%dma_wait3A_745 : memref<96x128xf32, #tpu.memory_space<vmem>>) dst(%dma_wait3A_741 : memref<96x128xf32, #tpu.memory_space<vmem_shared>>)
    "tpu.region"() ({
      %run_scoped3A_829 = tpu.sem_alloc : memref<!tpu.dma_semaphore, #tpu.memory_space<semaphore_mem>>
      %dma_start3A_830 = arith.constant 0 : i32
      %dma_start3A_831 = arith.constant 0 : i32
      %dma_start3A_832 = tpu.memref_slice %arg7[%dma_start3A_830, %dma_start3A_831] : memref<24x96xi32, #tpu.memory_space<vmem>> -> memref<12x96xi32, #tpu.memory_space<vmem>>
      %dma_start3A_833 = arith.constant 96 : i32
      %dma_start3A_834 = arith.constant 0 : i32
      %dma_start3A_835 = tpu.memref_slice %arg3[%add3A, %dma_start3A_833, %dma_start3A_834] : memref<32x108x96xi32, #tpu.memory_space<hbm>> -> memref<1x12x96xi32, #tpu.memory_space<hbm>>
      %dma_start3A_836 = tpu.memref_squeeze %dma_start3A_835 : memref<1x12x96xi32, #tpu.memory_space<hbm>> -> memref<12x96xi32, #tpu.memory_space<hbm>>
      %dma_start3A_837 = arith.constant 0 : i32
      %dma_start3A_838 = arith.constant 0 : i32
      %dma_start3A_839 = tpu.memref_slice %arg7[%dma_start3A_837, %dma_start3A_838] : memref<24x96xi32, #tpu.memory_space<vmem>> -> memref<12x96xi32, #tpu.memory_space<vmem>>
      %dma_start3A_840 = arith.constant 96 : i32
      %dma_start3A_841 = arith.constant 0 : i32
      %dma_start3A_842 = tpu.memref_slice %arg3[%add3A, %dma_start3A_840, %dma_start3A_841] : memref<32x108x96xi32, #tpu.memory_space<hbm>> -> memref<1x12x96xi32, #tpu.memory_space<hbm>>
      %dma_start3A_843 = tpu.memref_squeeze %dma_start3A_842 : memref<1x12x96xi32, #tpu.memory_space<hbm>> -> memref<12x96xi32, #tpu.memory_space<hbm>>
      tpu.enqueue_dma source(%dma_start3A_843 : memref<12x96xi32, #tpu.memory_space<hbm>>) target(%dma_start3A_839 : memref<12x96xi32, #tpu.memory_space<vmem>>) target_semaphore(%run_scoped3A_829 : memref<!tpu.dma_semaphore, #tpu.memory_space<semaphore_mem>>)
      %dma_wait3A_844 = arith.constant 0 : i32
      %dma_wait3A_845 = arith.constant 0 : i32
      %dma_wait3A_846 = tpu.memref_slice %arg7[%dma_wait3A_844, %dma_wait3A_845] : memref<24x96xi32, #tpu.memory_space<vmem>> -> memref<12x96xi32, #tpu.memory_space<vmem>>
      %dma_wait3A_847 = arith.constant 96 : i32
      %dma_wait3A_848 = arith.constant 0 : i32
      %dma_wait3A_849 = tpu.memref_slice %arg3[%add3A, %dma_wait3A_847, %dma_wait3A_848] : memref<32x108x96xi32, #tpu.memory_space<hbm>> -> memref<1x12x96xi32, #tpu.memory_space<hbm>>
      %dma_wait3A_850 = tpu.memref_squeeze %dma_wait3A_849 : memref<1x12x96xi32, #tpu.memory_space<hbm>> -> memref<12x96xi32, #tpu.memory_space<hbm>>
      %dma_wait3A_851 = arith.constant 0 : i32
      %dma_wait3A_852 = arith.constant 0 : i32
      %dma_wait3A_853 = tpu.memref_slice %arg7[%dma_wait3A_851, %dma_wait3A_852] : memref<24x96xi32, #tpu.memory_space<vmem>> -> memref<12x96xi32, #tpu.memory_space<vmem>>
      %dma_wait3A_854 = arith.constant 96 : i32
      %dma_wait3A_855 = arith.constant 0 : i32
      %dma_wait3A_856 = tpu.memref_slice %arg3[%add3A, %dma_wait3A_854, %dma_wait3A_855] : memref<32x108x96xi32, #tpu.memory_space<hbm>> -> memref<1x12x96xi32, #tpu.memory_space<hbm>>
      %dma_wait3A_857 = tpu.memref_squeeze %dma_wait3A_856 : memref<1x12x96xi32, #tpu.memory_space<hbm>> -> memref<12x96xi32, #tpu.memory_space<hbm>>
      tpu.wait_dma2 semaphore(%run_scoped3A_829 : memref<!tpu.dma_semaphore, #tpu.memory_space<semaphore_mem>>) src(%dma_wait3A_857 : memref<12x96xi32, #tpu.memory_space<hbm>>) dst(%dma_wait3A_853 : memref<12x96xi32, #tpu.memory_space<vmem>>)
      tpu.yield
    }) : () -> ()
    "tpu.region"() ({
      %run_scoped3A_829 = tpu.sem_alloc : memref<!tpu.dma_semaphore, #tpu.memory_space<semaphore_mem>>
      %dma_start3A_830 = arith.constant 0 : i32
      %dma_start3A_831 = arith.constant 0 : i32
      %dma_start3A_832 = tpu.memref_slice %arg8[%dma_start3A_830, %dma_start3A_831] : memref<24x96xi32, #tpu.memory_space<vmem>> -> memref<12x96xi32, #tpu.memory_space<vmem>>
      %dma_start3A_833 = arith.constant 96 : i32
      %dma_start3A_834 = arith.constant 0 : i32
      %dma_start3A_835 = tpu.memref_slice %arg4[%add3A, %dma_start3A_833, %dma_start3A_834] : memref<32x108x96xi32, #tpu.memory_space<hbm>> -> memref<1x12x96xi32, #tpu.memory_space<hbm>>
      %dma_start3A_836 = tpu.memref_squeeze %dma_start3A_835 : memref<1x12x96xi32, #tpu.memory_space<hbm>> -> memref<12x96xi32, #tpu.memory_space<hbm>>
      %dma_start3A_837 = arith.constant 0 : i32
      %dma_start3A_838 = arith.constant 0 : i32
      %dma_start3A_839 = tpu.memref_slice %arg8[%dma_start3A_837, %dma_start3A_838] : memref<24x96xi32, #tpu.memory_space<vmem>> -> memref<12x96xi32, #tpu.memory_space<vmem>>
      %dma_start3A_840 = arith.constant 96 : i32
      %dma_start3A_841 = arith.constant 0 : i32
      %dma_start3A_842 = tpu.memref_slice %arg4[%add3A, %dma_start3A_840, %dma_start3A_841] : memref<32x108x96xi32, #tpu.memory_space<hbm>> -> memref<1x12x96xi32, #tpu.memory_space<hbm>>
      %dma_start3A_843 = tpu.memref_squeeze %dma_start3A_842 : memref<1x12x96xi32, #tpu.memory_space<hbm>> -> memref<12x96xi32, #tpu.memory_space<hbm>>
      tpu.enqueue_dma source(%dma_start3A_843 : memref<12x96xi32, #tpu.memory_space<hbm>>) target(%dma_start3A_839 : memref<12x96xi32, #tpu.memory_space<vmem>>) target_semaphore(%run_scoped3A_829 : memref<!tpu.dma_semaphore, #tpu.memory_space<semaphore_mem>>)
      %dma_wait3A_844 = arith.constant 0 : i32
      %dma_wait3A_845 = arith.constant 0 : i32
      %dma_wait3A_846 = tpu.memref_slice %arg8[%dma_wait3A_844, %dma_wait3A_845] : memref<24x96xi32, #tpu.memory_space<vmem>> -> memref<12x96xi32, #tpu.memory_space<vmem>>
      %dma_wait3A_847 = arith.constant 96 : i32
      %dma_wait3A_848 = arith.constant 0 : i32
      %dma_wait3A_849 = tpu.memref_slice %arg4[%add3A, %dma_wait3A_847, %dma_wait3A_848] : memref<32x108x96xi32, #tpu.memory_space<hbm>> -> memref<1x12x96xi32, #tpu.memory_space<hbm>>
      %dma_wait3A_850 = tpu.memref_squeeze %dma_wait3A_849 : memref<1x12x96xi32, #tpu.memory_space<hbm>> -> memref<12x96xi32, #tpu.memory_space<hbm>>
      %dma_wait3A_851 = arith.constant 0 : i32
      %dma_wait3A_852 = arith.constant 0 : i32
      %dma_wait3A_853 = tpu.memref_slice %arg8[%dma_wait3A_851, %dma_wait3A_852] : memref<24x96xi32, #tpu.memory_space<vmem>> -> memref<12x96xi32, #tpu.memory_space<vmem>>
      %dma_wait3A_854 = arith.constant 96 : i32
      %dma_wait3A_855 = arith.constant 0 : i32
      %dma_wait3A_856 = tpu.memref_slice %arg4[%add3A, %dma_wait3A_854, %dma_wait3A_855] : memref<32x108x96xi32, #tpu.memory_space<hbm>> -> memref<1x12x96xi32, #tpu.memory_space<hbm>>
      %dma_wait3A_857 = tpu.memref_squeeze %dma_wait3A_856 : memref<1x12x96xi32, #tpu.memory_space<hbm>> -> memref<12x96xi32, #tpu.memory_space<hbm>>
      tpu.wait_dma2 semaphore(%run_scoped3A_829 : memref<!tpu.dma_semaphore, #tpu.memory_space<semaphore_mem>>) src(%dma_wait3A_857 : memref<12x96xi32, #tpu.memory_space<hbm>>) dst(%dma_wait3A_853 : memref<12x96xi32, #tpu.memory_space<vmem>>)
      tpu.yield
    }) : () -> ()
    %dma_start3A_746 = arith.constant 0 : i32
    %dma_start3A_747 = arith.constant 0 : i32
    %dma_start3A_748 = arith.constant 0 : i32
    %dma_start3A_749 = arith.constant 0 : i32
    %dma_start3A_750 = tpu.memref_slice %arg9[%dma_start3A_747, %dma_start3A_748, %dma_start3A_749] : memref<3x96x128xf32, #tpu.memory_space<vmem>> -> memref<1x96x128xf32, #tpu.memory_space<vmem>>
    %dma_start3A_751 = tpu.memref_squeeze %dma_start3A_750 : memref<1x96x128xf32, #tpu.memory_space<vmem>> -> memref<96x128xf32, #tpu.memory_space<vmem>>
    %dma_start3A_752 = arith.constant 0 : i32
    %dma_start3A_753 = tpu.memref_slice %arg7[%dma_start3A_746, %dma_start3A_752] : memref<24x96xi32, #tpu.memory_space<vmem>> -> memref<1x96xi32, #tpu.memory_space<vmem>>
    %dma_start3A_754 = tpu.memref_squeeze %dma_start3A_753 : memref<1x96xi32, #tpu.memory_space<vmem>> -> memref<96xi32, #tpu.memory_space<vmem>>
    %dma_start3A_755 = arith.constant 0 : i32
    %dma_start3A_756 = arith.constant 0 : i32
    %dma_start3A_757 = tpu.memref_slice %arg2[%dma_start3A_755, %dma_start3A_756] : memref<10000x128xf32, #tpu.memory_space<hbm>> -> memref<10000x128xf32, #tpu.memory_space<hbm>>
    tpu.enqueue_indirect_dma source(%dma_start3A_757 : memref<10000x128xf32, #tpu.memory_space<hbm>>) target(%dma_start3A_751 : memref<96x128xf32, #tpu.memory_space<vmem>>) offsets(%dma_start3A_754 : memref<96xi32, #tpu.memory_space<vmem>>) semaphore(%arg14 : memref<!tpu.dma_semaphore, #tpu.memory_space<semaphore_mem>>)
    %dma_start3A_758 = arith.constant 1 : i32
    %dma_start3A_759 = arith.constant 1 : i32
    %dma_start3A_760 = arith.constant 0 : i32
    %dma_start3A_761 = arith.constant 0 : i32
    %dma_start3A_762 = tpu.memref_slice %arg9[%dma_start3A_759, %dma_start3A_760, %dma_start3A_761] : memref<3x96x128xf32, #tpu.memory_space<vmem>> -> memref<1x96x128xf32, #tpu.memory_space<vmem>>
    %dma_start3A_763 = tpu.memref_squeeze %dma_start3A_762 : memref<1x96x128xf32, #tpu.memory_space<vmem>> -> memref<96x128xf32, #tpu.memory_space<vmem>>
    %dma_start3A_764 = arith.constant 0 : i32
    %dma_start3A_765 = tpu.memref_slice %arg7[%dma_start3A_758, %dma_start3A_764] : memref<24x96xi32, #tpu.memory_space<vmem>> -> memref<1x96xi32, #tpu.memory_space<vmem>>
    %dma_start3A_766 = tpu.memref_squeeze %dma_start3A_765 : memref<1x96xi32, #tpu.memory_space<vmem>> -> memref<96xi32, #tpu.memory_space<vmem>>
    %dma_start3A_767 = arith.constant 0 : i32
    %dma_start3A_768 = arith.constant 0 : i32
    %dma_start3A_769 = tpu.memref_slice %arg2[%dma_start3A_767, %dma_start3A_768] : memref<10000x128xf32, #tpu.memory_space<hbm>> -> memref<10000x128xf32, #tpu.memory_space<hbm>>
    tpu.enqueue_indirect_dma source(%dma_start3A_769 : memref<10000x128xf32, #tpu.memory_space<hbm>>) target(%dma_start3A_763 : memref<96x128xf32, #tpu.memory_space<vmem>>) offsets(%dma_start3A_766 : memref<96xi32, #tpu.memory_space<vmem>>) semaphore(%arg15 : memref<!tpu.dma_semaphore, #tpu.memory_space<semaphore_mem>>)
    %scan3A_770 = arith.constant 0 : i32
    %scan3A_771 = arith.constant 0 : i32
    %scan3A_772 = arith.constant 4 : i32
    %scan3A_773 = arith.addi %scan3A_771, %scan3A_772 : i32
    %scan3A_774 = arith.constant 1 : i32
    scf.for %scan3A_829 = %scan3A_771 to %scan3A_773 step %scan3A_774  : i32 {
      %mul3A_830 = arith.constant 3 : i32
      %mul3A_831 = arith.muli %mul3A_830, %scan3A_829 : i32
      %add3A_832 = arith.constant 0 : i32
      %add3A_833 = arith.addi %mul3A_831, %add3A_832 : i32
      %dma_wait3A_834 = arith.constant 0 : i32
      %dma_wait3A_835 = arith.constant 0 : i32
      %dma_wait3A_836 = arith.constant 0 : i32
      %dma_wait3A_837 = tpu.memref_slice %arg9[%dma_wait3A_834, %dma_wait3A_835, %dma_wait3A_836] : memref<3x96x128xf32, #tpu.memory_space<vmem>> -> memref<1x96x128xf32, #tpu.memory_space<vmem>>
      %dma_wait3A_838 = tpu.memref_squeeze %dma_wait3A_837 : memref<1x96x128xf32, #tpu.memory_space<vmem>> -> memref<96x128xf32, #tpu.memory_space<vmem>>
      %dma_wait3A_839 = arith.constant 0 : i32
      %dma_wait3A_840 = arith.constant 0 : i32
      %dma_wait3A_841 = tpu.memref_slice %arg2[%dma_wait3A_839, %dma_wait3A_840] : memref<10000x128xf32, #tpu.memory_space<hbm>> -> memref<96x128xf32, #tpu.memory_space<hbm>>
      %dma_wait3A_842 = arith.constant 0 : i32
      %dma_wait3A_843 = arith.constant 0 : i32
      %dma_wait3A_844 = tpu.memref_slice %arg9[%dma_wait3A_834, %dma_wait3A_842, %dma_wait3A_843] : memref<3x96x128xf32, #tpu.memory_space<vmem>> -> memref<1x96x128xf32, #tpu.memory_space<vmem>>
      %dma_wait3A_845 = tpu.memref_squeeze %dma_wait3A_844 : memref<1x96x128xf32, #tpu.memory_space<vmem>> -> memref<96x128xf32, #tpu.memory_space<vmem>>
      %dma_wait3A_846 = arith.constant 0 : i32
      %dma_wait3A_847 = arith.constant 0 : i32
      %dma_wait3A_848 = tpu.memref_slice %arg2[%dma_wait3A_846, %dma_wait3A_847] : memref<10000x128xf32, #tpu.memory_space<hbm>> -> memref<96x128xf32, #tpu.memory_space<hbm>>
      tpu.wait_dma2 semaphore(%arg14 : memref<!tpu.dma_semaphore, #tpu.memory_space<semaphore_mem>>) src(%dma_wait3A_848 : memref<96x128xf32, #tpu.memory_space<hbm>>) dst(%dma_wait3A_845 : memref<96x128xf32, #tpu.memory_space<vmem>>)
      %dma_start3A_849 = arith.constant 0 : i32
      %dma_start3A_850 = arith.constant 0 : i32
      %dma_start3A_851 = arith.constant 0 : i32
      %dma_start3A_852 = tpu.memref_slice %arg9[%dma_start3A_849, %dma_start3A_850, %dma_start3A_851] : memref<3x96x128xf32, #tpu.memory_space<vmem>> -> memref<1x96x128xf32, #tpu.memory_space<vmem>>
      %dma_start3A_853 = tpu.memref_squeeze %dma_start3A_852 : memref<1x96x128xf32, #tpu.memory_space<vmem>> -> memref<96x128xf32, #tpu.memory_space<vmem>>
      %dma_start3A_854 = arith.constant 0 : i32
      %dma_start3A_855 = tpu.memref_slice %arg8[%add3A_833, %dma_start3A_854] : memref<24x96xi32, #tpu.memory_space<vmem>> -> memref<1x96xi32, #tpu.memory_space<vmem>>
      %dma_start3A_856 = tpu.memref_squeeze %dma_start3A_855 : memref<1x96xi32, #tpu.memory_space<vmem>> -> memref<96xi32, #tpu.memory_space<vmem>>
      %dma_start3A_857 = arith.constant 0 : i32
      %dma_start3A_858 = arith.constant 0 : i32
      %dma_start3A_859 = tpu.memref_slice %arg12[%dma_start3A_857, %dma_start3A_858] : memref<10112x128xf32, #tpu.memory_space<vmem_shared>> -> memref<10112x128xf32, #tpu.memory_space<vmem_shared>>
      tpu.enqueue_indirect_dma source(%dma_start3A_853 : memref<96x128xf32, #tpu.memory_space<vmem>>) target(%dma_start3A_859 : memref<10112x128xf32, #tpu.memory_space<vmem_shared>>) offsets(%dma_start3A_856 : memref<96xi32, #tpu.memory_space<vmem>>) semaphore(%arg17 : memref<!tpu.dma_semaphore, #tpu.memory_space<semaphore_mem>>) {add = true}
      %ge3A = arith.constant 1 : i32
      %ge3A_860 = arith.cmpi sge, %add3A_833, %ge3A : i32
      %add3A_861 = arith.constant 2 : i32
      %add3A_862 = arith.addi %add3A_833, %add3A_861 : i32
      %lt3A = arith.constant 12 : i32
      %lt3A_863 = arith.cmpi slt, %add3A_862, %lt3A : i32
      %and3A = arith.andi %ge3A_860, %lt3A_863 : i1
      %convert_element_type3A = arith.extui %and3A : i1 to i32
      %cond3A = arith.constant 0 : i32
      %cond3A_864 = arith.cmpi ne, %convert_element_type3A, %cond3A : i32
      scf.if %cond3A_864 {
        %dma_wait3A_966 = arith.constant 2 : i32
        %dma_wait3A_967 = arith.constant 0 : i32
        %dma_wait3A_968 = arith.constant 0 : i32
        %dma_wait3A_969 = tpu.memref_slice %arg9[%dma_wait3A_966, %dma_wait3A_967, %dma_wait3A_968] : memref<3x96x128xf32, #tpu.memory_space<vmem>> -> memref<1x96x128xf32, #tpu.memory_space<vmem>>
        %dma_wait3A_970 = tpu.memref_squeeze %dma_wait3A_969 : memref<1x96x128xf32, #tpu.memory_space<vmem>> -> memref<96x128xf32, #tpu.memory_space<vmem>>
        %dma_wait3A_971 = arith.constant 0 : i32
        %dma_wait3A_972 = arith.constant 0 : i32
        %dma_wait3A_973 = tpu.memref_slice %arg12[%dma_wait3A_971, %dma_wait3A_972] : memref<10112x128xf32, #tpu.memory_space<vmem_shared>> -> memref<96x128xf32, #tpu.memory_space<vmem_shared>>
        %dma_wait3A_974 = arith.constant 0 : i32
        %dma_wait3A_975 = arith.constant 0 : i32
        %dma_wait3A_976 = tpu.memref_slice %arg12[%dma_wait3A_974, %dma_wait3A_975] : memref<10112x128xf32, #tpu.memory_space<vmem_shared>> -> memref<96x128xf32, #tpu.memory_space<vmem_shared>>
        %dma_wait3A_977 = arith.constant 0 : i32
        %dma_wait3A_978 = arith.constant 0 : i32
        %dma_wait3A_979 = tpu.memref_slice %arg9[%dma_wait3A_966, %dma_wait3A_977, %dma_wait3A_978] : memref<3x96x128xf32, #tpu.memory_space<vmem>> -> memref<1x96x128xf32, #tpu.memory_space<vmem>>
        %dma_wait3A_980 = tpu.memref_squeeze %dma_wait3A_979 : memref<1x96x128xf32, #tpu.memory_space<vmem>> -> memref<96x128xf32, #tpu.memory_space<vmem>>
        tpu.wait_dma2 semaphore(%arg19 : memref<!tpu.dma_semaphore, #tpu.memory_space<semaphore_mem>>) src(%dma_wait3A_980 : memref<96x128xf32, #tpu.memory_space<vmem>>) dst(%dma_wait3A_976 : memref<96x128xf32, #tpu.memory_space<vmem_shared>>)
      } else {
      }
      %add3A_865 = arith.constant 2 : i32
      %add3A_866 = arith.addi %add3A_833, %add3A_865 : i32
      %lt3A_867 = arith.constant 12 : i32
      %lt3A_868 = arith.cmpi slt, %add3A_866, %lt3A_867 : i32
      %convert_element_type3A_869 = arith.extui %lt3A_868 : i1 to i32
      %cond3A_870 = arith.constant 0 : i32
      %cond3A_871 = arith.cmpi ne, %convert_element_type3A_869, %cond3A_870 : i32
      scf.if %cond3A_871 {
        %add3A_966 = arith.constant 2 : i32
        %add3A_967 = arith.addi %add3A_833, %add3A_966 : i32
        %dma_start3A_968 = arith.constant 2 : i32
        %dma_start3A_969 = arith.constant 0 : i32
        %dma_start3A_970 = arith.constant 0 : i32
        %dma_start3A_971 = tpu.memref_slice %arg9[%dma_start3A_968, %dma_start3A_969, %dma_start3A_970] : memref<3x96x128xf32, #tpu.memory_space<vmem>> -> memref<1x96x128xf32, #tpu.memory_space<vmem>>
        %dma_start3A_972 = tpu.memref_squeeze %dma_start3A_971 : memref<1x96x128xf32, #tpu.memory_space<vmem>> -> memref<96x128xf32, #tpu.memory_space<vmem>>
        %dma_start3A_973 = arith.constant 0 : i32
        %dma_start3A_974 = tpu.memref_slice %arg7[%add3A_967, %dma_start3A_973] : memref<24x96xi32, #tpu.memory_space<vmem>> -> memref<1x96xi32, #tpu.memory_space<vmem>>
        %dma_start3A_975 = tpu.memref_squeeze %dma_start3A_974 : memref<1x96xi32, #tpu.memory_space<vmem>> -> memref<96xi32, #tpu.memory_space<vmem>>
        %dma_start3A_976 = arith.constant 0 : i32
        %dma_start3A_977 = arith.constant 0 : i32
        %dma_start3A_978 = tpu.memref_slice %arg2[%dma_start3A_976, %dma_start3A_977] : memref<10000x128xf32, #tpu.memory_space<hbm>> -> memref<10000x128xf32, #tpu.memory_space<hbm>>
        tpu.enqueue_indirect_dma source(%dma_start3A_978 : memref<10000x128xf32, #tpu.memory_space<hbm>>) target(%dma_start3A_972 : memref<96x128xf32, #tpu.memory_space<vmem>>) offsets(%dma_start3A_975 : memref<96xi32, #tpu.memory_space<vmem>>) semaphore(%arg16 : memref<!tpu.dma_semaphore, #tpu.memory_space<semaphore_mem>>)
      } else {
      }
      "tpu.region"() ({
        %run_scoped3A_966 = tpu.sem_alloc : memref<!tpu.dma_semaphore, #tpu.memory_space<semaphore_mem>>
        %dma_start3A_967 = arith.constant 0 : i32
        %dma_start3A_968 = tpu.memref_slice %arg8[%add3A_833, %dma_start3A_967] : memref<24x96xi32, #tpu.memory_space<vmem>> -> memref<1x96xi32, #tpu.memory_space<vmem>>
        %dma_start3A_969 = tpu.memref_squeeze %dma_start3A_968 : memref<1x96xi32, #tpu.memory_space<vmem>> -> memref<96xi32, #tpu.memory_space<vmem>>
        %dma_start3A_970 = arith.constant 0 : i32
        %dma_start3A_971 = tpu.memref_slice %arg13[%dma_start3A_970] : memref<16384xf32, #tpu.memory_space<vmem_shared>> -> memref<16384xf32, #tpu.memory_space<vmem_shared>>
        tpu.enqueue_indirect_dma source(%arg10 : memref<96xf32, #tpu.memory_space<vmem>>) target(%dma_start3A_971 : memref<16384xf32, #tpu.memory_space<vmem_shared>>) offsets(%dma_start3A_969 : memref<96xi32, #tpu.memory_space<vmem>>) semaphore(%run_scoped3A_966 : memref<!tpu.dma_semaphore, #tpu.memory_space<semaphore_mem>>) {add = true}
        %dma_wait3A_972 = arith.constant 0 : i32
        %dma_wait3A_973 = tpu.memref_slice %arg8[%add3A_833, %dma_wait3A_972] : memref<24x96xi32, #tpu.memory_space<vmem>> -> memref<1x96xi32, #tpu.memory_space<vmem>>
        %dma_wait3A_974 = tpu.memref_squeeze %dma_wait3A_973 : memref<1x96xi32, #tpu.memory_space<vmem>> -> memref<96xi32, #tpu.memory_space<vmem>>
        %dma_wait3A_975 = arith.constant 0 : i32
        %dma_wait3A_976 = tpu.memref_slice %arg13[%dma_wait3A_975] : memref<16384xf32, #tpu.memory_space<vmem_shared>> -> memref<16384xf32, #tpu.memory_space<vmem_shared>>
        tpu.wait_indirect_dma semaphore(%run_scoped3A_966 : memref<!tpu.dma_semaphore, #tpu.memory_space<semaphore_mem>>) src(%arg10 : memref<96xf32, #tpu.memory_space<vmem>>) dst(%dma_wait3A_976 : memref<16384xf32, #tpu.memory_space<vmem_shared>>)
        tpu.yield
      }) : () -> ()
      %mul3A_872 = arith.constant 3 : i32
      %mul3A_873 = arith.muli %mul3A_872, %scan3A_829 : i32
      %add3A_874 = arith.constant 1 : i32
      %add3A_875 = arith.addi %mul3A_873, %add3A_874 : i32
      %dma_wait3A_876 = arith.constant 1 : i32
      %dma_wait3A_877 = arith.constant 0 : i32
      %dma_wait3A_878 = arith.constant 0 : i32
      %dma_wait3A_879 = tpu.memref_slice %arg9[%dma_wait3A_876, %dma_wait3A_877, %dma_wait3A_878] : memref<3x96x128xf32, #tpu.memory_space<vmem>> -> memref<1x96x128xf32, #tpu.memory_space<vmem>>
      %dma_wait3A_880 = tpu.memref_squeeze %dma_wait3A_879 : memref<1x96x128xf32, #tpu.memory_space<vmem>> -> memref<96x128xf32, #tpu.memory_space<vmem>>
      %dma_wait3A_881 = arith.constant 0 : i32
      %dma_wait3A_882 = arith.constant 0 : i32
      %dma_wait3A_883 = tpu.memref_slice %arg2[%dma_wait3A_881, %dma_wait3A_882] : memref<10000x128xf32, #tpu.memory_space<hbm>> -> memref<96x128xf32, #tpu.memory_space<hbm>>
      %dma_wait3A_884 = arith.constant 0 : i32
      %dma_wait3A_885 = arith.constant 0 : i32
      %dma_wait3A_886 = tpu.memref_slice %arg9[%dma_wait3A_876, %dma_wait3A_884, %dma_wait3A_885] : memref<3x96x128xf32, #tpu.memory_space<vmem>> -> memref<1x96x128xf32, #tpu.memory_space<vmem>>
      %dma_wait3A_887 = tpu.memref_squeeze %dma_wait3A_886 : memref<1x96x128xf32, #tpu.memory_space<vmem>> -> memref<96x128xf32, #tpu.memory_space<vmem>>
      %dma_wait3A_888 = arith.constant 0 : i32
      %dma_wait3A_889 = arith.constant 0 : i32
      %dma_wait3A_890 = tpu.memref_slice %arg2[%dma_wait3A_888, %dma_wait3A_889] : memref<10000x128xf32, #tpu.memory_space<hbm>> -> memref<96x128xf32, #tpu.memory_space<hbm>>
      tpu.wait_dma2 semaphore(%arg15 : memref<!tpu.dma_semaphore, #tpu.memory_space<semaphore_mem>>) src(%dma_wait3A_890 : memref<96x128xf32, #tpu.memory_space<hbm>>) dst(%dma_wait3A_887 : memref<96x128xf32, #tpu.memory_space<vmem>>)
      %dma_start3A_891 = arith.constant 1 : i32
      %dma_start3A_892 = arith.constant 0 : i32
      %dma_start3A_893 = arith.constant 0 : i32
      %dma_start3A_894 = tpu.memref_slice %arg9[%dma_start3A_891, %dma_start3A_892, %dma_start3A_893] : memref<3x96x128xf32, #tpu.memory_space<vmem>> -> memref<1x96x128xf32, #tpu.memory_space<vmem>>
      %dma_start3A_895 = tpu.memref_squeeze %dma_start3A_894 : memref<1x96x128xf32, #tpu.memory_space<vmem>> -> memref<96x128xf32, #tpu.memory_space<vmem>>
      %dma_start3A_896 = arith.constant 0 : i32
      %dma_start3A_897 = tpu.memref_slice %arg8[%add3A_875, %dma_start3A_896] : memref<24x96xi32, #tpu.memory_space<vmem>> -> memref<1x96xi32, #tpu.memory_space<vmem>>
      %dma_start3A_898 = tpu.memref_squeeze %dma_start3A_897 : memref<1x96xi32, #tpu.memory_space<vmem>> -> memref<96xi32, #tpu.memory_space<vmem>>
      %dma_start3A_899 = arith.constant 0 : i32
      %dma_start3A_900 = arith.constant 0 : i32
      %dma_start3A_901 = tpu.memref_slice %arg12[%dma_start3A_899, %dma_start3A_900] : memref<10112x128xf32, #tpu.memory_space<vmem_shared>> -> memref<10112x128xf32, #tpu.memory_space<vmem_shared>>
      tpu.enqueue_indirect_dma source(%dma_start3A_895 : memref<96x128xf32, #tpu.memory_space<vmem>>) target(%dma_start3A_901 : memref<10112x128xf32, #tpu.memory_space<vmem_shared>>) offsets(%dma_start3A_898 : memref<96xi32, #tpu.memory_space<vmem>>) semaphore(%arg18 : memref<!tpu.dma_semaphore, #tpu.memory_space<semaphore_mem>>) {add = true}
      %ge3A_902 = arith.constant 1 : i32
      %ge3A_903 = arith.cmpi sge, %add3A_875, %ge3A_902 : i32
      %add3A_904 = arith.constant 2 : i32
      %add3A_905 = arith.addi %add3A_875, %add3A_904 : i32
      %lt3A_906 = arith.constant 12 : i32
      %lt3A_907 = arith.cmpi slt, %add3A_905, %lt3A_906 : i32
      %and3A_908 = arith.andi %ge3A_903, %lt3A_907 : i1
      %convert_element_type3A_909 = arith.extui %and3A_908 : i1 to i32
      %cond3A_910 = arith.constant 0 : i32
      %cond3A_911 = arith.cmpi ne, %convert_element_type3A_909, %cond3A_910 : i32
      scf.if %cond3A_911 {
        %dma_wait3A_966 = arith.constant 0 : i32
        %dma_wait3A_967 = arith.constant 0 : i32
        %dma_wait3A_968 = arith.constant 0 : i32
        %dma_wait3A_969 = tpu.memref_slice %arg9[%dma_wait3A_966, %dma_wait3A_967, %dma_wait3A_968] : memref<3x96x128xf32, #tpu.memory_space<vmem>> -> memref<1x96x128xf32, #tpu.memory_space<vmem>>
        %dma_wait3A_970 = tpu.memref_squeeze %dma_wait3A_969 : memref<1x96x128xf32, #tpu.memory_space<vmem>> -> memref<96x128xf32, #tpu.memory_space<vmem>>
        %dma_wait3A_971 = arith.constant 0 : i32
        %dma_wait3A_972 = arith.constant 0 : i32
        %dma_wait3A_973 = tpu.memref_slice %arg12[%dma_wait3A_971, %dma_wait3A_972] : memref<10112x128xf32, #tpu.memory_space<vmem_shared>> -> memref<96x128xf32, #tpu.memory_space<vmem_shared>>
        %dma_wait3A_974 = arith.constant 0 : i32
        %dma_wait3A_975 = arith.constant 0 : i32
        %dma_wait3A_976 = tpu.memref_slice %arg12[%dma_wait3A_974, %dma_wait3A_975] : memref<10112x128xf32, #tpu.memory_space<vmem_shared>> -> memref<96x128xf32, #tpu.memory_space<vmem_shared>>
        %dma_wait3A_977 = arith.constant 0 : i32
        %dma_wait3A_978 = arith.constant 0 : i32
        %dma_wait3A_979 = tpu.memref_slice %arg9[%dma_wait3A_966, %dma_wait3A_977, %dma_wait3A_978] : memref<3x96x128xf32, #tpu.memory_space<vmem>> -> memref<1x96x128xf32, #tpu.memory_space<vmem>>
        %dma_wait3A_980 = tpu.memref_squeeze %dma_wait3A_979 : memref<1x96x128xf32, #tpu.memory_space<vmem>> -> memref<96x128xf32, #tpu.memory_space<vmem>>
        tpu.wait_dma2 semaphore(%arg17 : memref<!tpu.dma_semaphore, #tpu.memory_space<semaphore_mem>>) src(%dma_wait3A_980 : memref<96x128xf32, #tpu.memory_space<vmem>>) dst(%dma_wait3A_976 : memref<96x128xf32, #tpu.memory_space<vmem_shared>>)
      } else {
      }
      %add3A_912 = arith.constant 2 : i32
      %add3A_913 = arith.addi %add3A_875, %add3A_912 : i32
      %lt3A_914 = arith.constant 12 : i32
      %lt3A_915 = arith.cmpi slt, %add3A_913, %lt3A_914 : i32
      %convert_element_type3A_916 = arith.extui %lt3A_915 : i1 to i32
      %cond3A_917 = arith.constant 0 : i32
      %cond3A_918 = arith.cmpi ne, %convert_element_type3A_916, %cond3A_917 : i32
      scf.if %cond3A_918 {
        %add3A_966 = arith.constant 2 : i32
        %add3A_967 = arith.addi %add3A_875, %add3A_966 : i32
        %dma_start3A_968 = arith.constant 0 : i32
        %dma_start3A_969 = arith.constant 0 : i32
        %dma_start3A_970 = arith.constant 0 : i32
        %dma_start3A_971 = tpu.memref_slice %arg9[%dma_start3A_968, %dma_start3A_969, %dma_start3A_970] : memref<3x96x128xf32, #tpu.memory_space<vmem>> -> memref<1x96x128xf32, #tpu.memory_space<vmem>>
        %dma_start3A_972 = tpu.memref_squeeze %dma_start3A_971 : memref<1x96x128xf32, #tpu.memory_space<vmem>> -> memref<96x128xf32, #tpu.memory_space<vmem>>
        %dma_start3A_973 = arith.constant 0 : i32
        %dma_start3A_974 = tpu.memref_slice %arg7[%add3A_967, %dma_start3A_973] : memref<24x96xi32, #tpu.memory_space<vmem>> -> memref<1x96xi32, #tpu.memory_space<vmem>>
        %dma_start3A_975 = tpu.memref_squeeze %dma_start3A_974 : memref<1x96xi32, #tpu.memory_space<vmem>> -> memref<96xi32, #tpu.memory_space<vmem>>
        %dma_start3A_976 = arith.constant 0 : i32
        %dma_start3A_977 = arith.constant 0 : i32
        %dma_start3A_978 = tpu.memref_slice %arg2[%dma_start3A_976, %dma_start3A_977] : memref<10000x128xf32, #tpu.memory_space<hbm>> -> memref<10000x128xf32, #tpu.memory_space<hbm>>
        tpu.enqueue_indirect_dma source(%dma_start3A_978 : memref<10000x128xf32, #tpu.memory_space<hbm>>) target(%dma_start3A_972 : memref<96x128xf32, #tpu.memory_space<vmem>>) offsets(%dma_start3A_975 : memref<96xi32, #tpu.memory_space<vmem>>) semaphore(%arg14 : memref<!tpu.dma_semaphore, #tpu.memory_space<semaphore_mem>>)
      } else {
      }
      "tpu.region"() ({
        %run_scoped3A_966 = tpu.sem_alloc : memref<!tpu.dma_semaphore, #tpu.memory_space<semaphore_mem>>
        %dma_start3A_967 = arith.constant 0 : i32
        %dma_start3A_968 = tpu.memref_slice %arg8[%add3A_875, %dma_start3A_967] : memref<24x96xi32, #tpu.memory_space<vmem>> -> memref<1x96xi32, #tpu.memory_space<vmem>>
        %dma_start3A_969 = tpu.memref_squeeze %dma_start3A_968 : memref<1x96xi32, #tpu.memory_space<vmem>> -> memref<96xi32, #tpu.memory_space<vmem>>
        %dma_start3A_970 = arith.constant 0 : i32
        %dma_start3A_971 = tpu.memref_slice %arg13[%dma_start3A_970] : memref<16384xf32, #tpu.memory_space<vmem_shared>> -> memref<16384xf32, #tpu.memory_space<vmem_shared>>
        tpu.enqueue_indirect_dma source(%arg10 : memref<96xf32, #tpu.memory_space<vmem>>) target(%dma_start3A_971 : memref<16384xf32, #tpu.memory_space<vmem_shared>>) offsets(%dma_start3A_969 : memref<96xi32, #tpu.memory_space<vmem>>) semaphore(%run_scoped3A_966 : memref<!tpu.dma_semaphore, #tpu.memory_space<semaphore_mem>>) {add = true}
        %dma_wait3A_972 = arith.constant 0 : i32
        %dma_wait3A_973 = tpu.memref_slice %arg8[%add3A_875, %dma_wait3A_972] : memref<24x96xi32, #tpu.memory_space<vmem>> -> memref<1x96xi32, #tpu.memory_space<vmem>>
        %dma_wait3A_974 = tpu.memref_squeeze %dma_wait3A_973 : memref<1x96xi32, #tpu.memory_space<vmem>> -> memref<96xi32, #tpu.memory_space<vmem>>
        %dma_wait3A_975 = arith.constant 0 : i32
        %dma_wait3A_976 = tpu.memref_slice %arg13[%dma_wait3A_975] : memref<16384xf32, #tpu.memory_space<vmem_shared>> -> memref<16384xf32, #tpu.memory_space<vmem_shared>>
        tpu.wait_indirect_dma semaphore(%run_scoped3A_966 : memref<!tpu.dma_semaphore, #tpu.memory_space<semaphore_mem>>) src(%arg10 : memref<96xf32, #tpu.memory_space<vmem>>) dst(%dma_wait3A_976 : memref<16384xf32, #tpu.memory_space<vmem_shared>>)
        tpu.yield
      }) : () -> ()
      %mul3A_919 = arith.constant 3 : i32
      %mul3A_920 = arith.muli %mul3A_919, %scan3A_829 : i32
      %add3A_921 = arith.constant 2 : i32
      %add3A_922 = arith.addi %mul3A_920, %add3A_921 : i32
      %dma_wait3A_923 = arith.constant 2 : i32
      %dma_wait3A_924 = arith.constant 0 : i32
      %dma_wait3A_925 = arith.constant 0 : i32
      %dma_wait3A_926 = tpu.memref_slice %arg9[%dma_wait3A_923, %dma_wait3A_924, %dma_wait3A_925] : memref<3x96x128xf32, #tpu.memory_space<vmem>> -> memref<1x96x128xf32, #tpu.memory_space<vmem>>
      %dma_wait3A_927 = tpu.memref_squeeze %dma_wait3A_926 : memref<1x96x128xf32, #tpu.memory_space<vmem>> -> memref<96x128xf32, #tpu.memory_space<vmem>>
      %dma_wait3A_928 = arith.constant 0 : i32
      %dma_wait3A_929 = arith.constant 0 : i32
      %dma_wait3A_930 = tpu.memref_slice %arg2[%dma_wait3A_928, %dma_wait3A_929] : memref<10000x128xf32, #tpu.memory_space<hbm>> -> memref<96x128xf32, #tpu.memory_space<hbm>>
      %dma_wait3A_931 = arith.constant 0 : i32
      %dma_wait3A_932 = arith.constant 0 : i32
      %dma_wait3A_933 = tpu.memref_slice %arg9[%dma_wait3A_923, %dma_wait3A_931, %dma_wait3A_932] : memref<3x96x128xf32, #tpu.memory_space<vmem>> -> memref<1x96x128xf32, #tpu.memory_space<vmem>>
      %dma_wait3A_934 = tpu.memref_squeeze %dma_wait3A_933 : memref<1x96x128xf32, #tpu.memory_space<vmem>> -> memref<96x128xf32, #tpu.memory_space<vmem>>
      %dma_wait3A_935 = arith.constant 0 : i32
      %dma_wait3A_936 = arith.constant 0 : i32
      %dma_wait3A_937 = tpu.memref_slice %arg2[%dma_wait3A_935, %dma_wait3A_936] : memref<10000x128xf32, #tpu.memory_space<hbm>> -> memref<96x128xf32, #tpu.memory_space<hbm>>
      tpu.wait_dma2 semaphore(%arg16 : memref<!tpu.dma_semaphore, #tpu.memory_space<semaphore_mem>>) src(%dma_wait3A_937 : memref<96x128xf32, #tpu.memory_space<hbm>>) dst(%dma_wait3A_934 : memref<96x128xf32, #tpu.memory_space<vmem>>)
      %dma_start3A_938 = arith.constant 2 : i32
      %dma_start3A_939 = arith.constant 0 : i32
      %dma_start3A_940 = arith.constant 0 : i32
      %dma_start3A_941 = tpu.memref_slice %arg9[%dma_start3A_938, %dma_start3A_939, %dma_start3A_940] : memref<3x96x128xf32, #tpu.memory_space<vmem>> -> memref<1x96x128xf32, #tpu.memory_space<vmem>>
      %dma_start3A_942 = tpu.memref_squeeze %dma_start3A_941 : memref<1x96x128xf32, #tpu.memory_space<vmem>> -> memref<96x128xf32, #tpu.memory_space<vmem>>
      %dma_start3A_943 = arith.constant 0 : i32
      %dma_start3A_944 = tpu.memref_slice %arg8[%add3A_922, %dma_start3A_943] : memref<24x96xi32, #tpu.memory_space<vmem>> -> memref<1x96xi32, #tpu.memory_space<vmem>>
      %dma_start3A_945 = tpu.memref_squeeze %dma_start3A_944 : memref<1x96xi32, #tpu.memory_space<vmem>> -> memref<96xi32, #tpu.memory_space<vmem>>
      %dma_start3A_946 = arith.constant 0 : i32
      %dma_start3A_947 = arith.constant 0 : i32
      %dma_start3A_948 = tpu.memref_slice %arg12[%dma_start3A_946, %dma_start3A_947] : memref<10112x128xf32, #tpu.memory_space<vmem_shared>> -> memref<10112x128xf32, #tpu.memory_space<vmem_shared>>
      tpu.enqueue_indirect_dma source(%dma_start3A_942 : memref<96x128xf32, #tpu.memory_space<vmem>>) target(%dma_start3A_948 : memref<10112x128xf32, #tpu.memory_space<vmem_shared>>) offsets(%dma_start3A_945 : memref<96xi32, #tpu.memory_space<vmem>>) semaphore(%arg19 : memref<!tpu.dma_semaphore, #tpu.memory_space<semaphore_mem>>) {add = true}
      %ge3A_949 = arith.constant 1 : i32
      %ge3A_950 = arith.cmpi sge, %add3A_922, %ge3A_949 : i32
      %add3A_951 = arith.constant 2 : i32
      %add3A_952 = arith.addi %add3A_922, %add3A_951 : i32
      %lt3A_953 = arith.constant 12 : i32
      %lt3A_954 = arith.cmpi slt, %add3A_952, %lt3A_953 : i32
      %and3A_955 = arith.andi %ge3A_950, %lt3A_954 : i1
      %convert_element_type3A_956 = arith.extui %and3A_955 : i1 to i32
      %cond3A_957 = arith.constant 0 : i32
      %cond3A_958 = arith.cmpi ne, %convert_element_type3A_956, %cond3A_957 : i32
      scf.if %cond3A_958 {
        %dma_wait3A_966 = arith.constant 1 : i32
        %dma_wait3A_967 = arith.constant 0 : i32
        %dma_wait3A_968 = arith.constant 0 : i32
        %dma_wait3A_969 = tpu.memref_slice %arg9[%dma_wait3A_966, %dma_wait3A_967, %dma_wait3A_968] : memref<3x96x128xf32, #tpu.memory_space<vmem>> -> memref<1x96x128xf32, #tpu.memory_space<vmem>>
        %dma_wait3A_970 = tpu.memref_squeeze %dma_wait3A_969 : memref<1x96x128xf32, #tpu.memory_space<vmem>> -> memref<96x128xf32, #tpu.memory_space<vmem>>
        %dma_wait3A_971 = arith.constant 0 : i32
        %dma_wait3A_972 = arith.constant 0 : i32
        %dma_wait3A_973 = tpu.memref_slice %arg12[%dma_wait3A_971, %dma_wait3A_972] : memref<10112x128xf32, #tpu.memory_space<vmem_shared>> -> memref<96x128xf32, #tpu.memory_space<vmem_shared>>
        %dma_wait3A_974 = arith.constant 0 : i32
        %dma_wait3A_975 = arith.constant 0 : i32
        %dma_wait3A_976 = tpu.memref_slice %arg12[%dma_wait3A_974, %dma_wait3A_975] : memref<10112x128xf32, #tpu.memory_space<vmem_shared>> -> memref<96x128xf32, #tpu.memory_space<vmem_shared>>
        %dma_wait3A_977 = arith.constant 0 : i32
        %dma_wait3A_978 = arith.constant 0 : i32
        %dma_wait3A_979 = tpu.memref_slice %arg9[%dma_wait3A_966, %dma_wait3A_977, %dma_wait3A_978] : memref<3x96x128xf32, #tpu.memory_space<vmem>> -> memref<1x96x128xf32, #tpu.memory_space<vmem>>
        %dma_wait3A_980 = tpu.memref_squeeze %dma_wait3A_979 : memref<1x96x128xf32, #tpu.memory_space<vmem>> -> memref<96x128xf32, #tpu.memory_space<vmem>>
        tpu.wait_dma2 semaphore(%arg18 : memref<!tpu.dma_semaphore, #tpu.memory_space<semaphore_mem>>) src(%dma_wait3A_980 : memref<96x128xf32, #tpu.memory_space<vmem>>) dst(%dma_wait3A_976 : memref<96x128xf32, #tpu.memory_space<vmem_shared>>)
      } else {
      }
      %add3A_959 = arith.constant 2 : i32
      %add3A_960 = arith.addi %add3A_922, %add3A_959 : i32
      %lt3A_961 = arith.constant 12 : i32
      %lt3A_962 = arith.cmpi slt, %add3A_960, %lt3A_961 : i32
      %convert_element_type3A_963 = arith.extui %lt3A_962 : i1 to i32
      %cond3A_964 = arith.constant 0 : i32
      %cond3A_965 = arith.cmpi ne, %convert_element_type3A_963, %cond3A_964 : i32
      scf.if %cond3A_965 {
        %add3A_966 = arith.constant 2 : i32
        %add3A_967 = arith.addi %add3A_922, %add3A_966 : i32
        %dma_start3A_968 = arith.constant 1 : i32
        %dma_start3A_969 = arith.constant 0 : i32
        %dma_start3A_970 = arith.constant 0 : i32
        %dma_start3A_971 = tpu.memref_slice %arg9[%dma_start3A_968, %dma_start3A_969, %dma_start3A_970] : memref<3x96x128xf32, #tpu.memory_space<vmem>> -> memref<1x96x128xf32, #tpu.memory_space<vmem>>
        %dma_start3A_972 = tpu.memref_squeeze %dma_start3A_971 : memref<1x96x128xf32, #tpu.memory_space<vmem>> -> memref<96x128xf32, #tpu.memory_space<vmem>>
        %dma_start3A_973 = arith.constant 0 : i32
        %dma_start3A_974 = tpu.memref_slice %arg7[%add3A_967, %dma_start3A_973] : memref<24x96xi32, #tpu.memory_space<vmem>> -> memref<1x96xi32, #tpu.memory_space<vmem>>
        %dma_start3A_975 = tpu.memref_squeeze %dma_start3A_974 : memref<1x96xi32, #tpu.memory_space<vmem>> -> memref<96xi32, #tpu.memory_space<vmem>>
        %dma_start3A_976 = arith.constant 0 : i32
        %dma_start3A_977 = arith.constant 0 : i32
        %dma_start3A_978 = tpu.memref_slice %arg2[%dma_start3A_976, %dma_start3A_977] : memref<10000x128xf32, #tpu.memory_space<hbm>> -> memref<10000x128xf32, #tpu.memory_space<hbm>>
        tpu.enqueue_indirect_dma source(%dma_start3A_978 : memref<10000x128xf32, #tpu.memory_space<hbm>>) target(%dma_start3A_972 : memref<96x128xf32, #tpu.memory_space<vmem>>) offsets(%dma_start3A_975 : memref<96xi32, #tpu.memory_space<vmem>>) semaphore(%arg15 : memref<!tpu.dma_semaphore, #tpu.memory_space<semaphore_mem>>)
      } else {
      }
      "tpu.region"() ({
        %run_scoped3A_966 = tpu.sem_alloc : memref<!tpu.dma_semaphore, #tpu.memory_space<semaphore_mem>>
        %dma_start3A_967 = arith.constant 0 : i32
        %dma_start3A_968 = tpu.memref_slice %arg8[%add3A_922, %dma_start3A_967] : memref<24x96xi32, #tpu.memory_space<vmem>> -> memref<1x96xi32, #tpu.memory_space<vmem>>
        %dma_start3A_969 = tpu.memref_squeeze %dma_start3A_968 : memref<1x96xi32, #tpu.memory_space<vmem>> -> memref<96xi32, #tpu.memory_space<vmem>>
        %dma_start3A_970 = arith.constant 0 : i32
        %dma_start3A_971 = tpu.memref_slice %arg13[%dma_start3A_970] : memref<16384xf32, #tpu.memory_space<vmem_shared>> -> memref<16384xf32, #tpu.memory_space<vmem_shared>>
        tpu.enqueue_indirect_dma source(%arg10 : memref<96xf32, #tpu.memory_space<vmem>>) target(%dma_start3A_971 : memref<16384xf32, #tpu.memory_space<vmem_shared>>) offsets(%dma_start3A_969 : memref<96xi32, #tpu.memory_space<vmem>>) semaphore(%run_scoped3A_966 : memref<!tpu.dma_semaphore, #tpu.memory_space<semaphore_mem>>) {add = true}
        %dma_wait3A_972 = arith.constant 0 : i32
        %dma_wait3A_973 = tpu.memref_slice %arg8[%add3A_922, %dma_wait3A_972] : memref<24x96xi32, #tpu.memory_space<vmem>> -> memref<1x96xi32, #tpu.memory_space<vmem>>
        %dma_wait3A_974 = tpu.memref_squeeze %dma_wait3A_973 : memref<1x96xi32, #tpu.memory_space<vmem>> -> memref<96xi32, #tpu.memory_space<vmem>>
        %dma_wait3A_975 = arith.constant 0 : i32
        %dma_wait3A_976 = tpu.memref_slice %arg13[%dma_wait3A_975] : memref<16384xf32, #tpu.memory_space<vmem_shared>> -> memref<16384xf32, #tpu.memory_space<vmem_shared>>
        tpu.wait_indirect_dma semaphore(%run_scoped3A_966 : memref<!tpu.dma_semaphore, #tpu.memory_space<semaphore_mem>>) src(%arg10 : memref<96xf32, #tpu.memory_space<vmem>>) dst(%dma_wait3A_976 : memref<16384xf32, #tpu.memory_space<vmem_shared>>)
        tpu.yield
      }) : () -> ()
    }
    %scan3A_775 = arith.constant 4 : i32
    %dma_wait3A_776 = arith.constant 0 : i32
    %dma_wait3A_777 = arith.constant 0 : i32
    %dma_wait3A_778 = arith.constant 0 : i32
    %dma_wait3A_779 = tpu.memref_slice %arg9[%dma_wait3A_776, %dma_wait3A_777, %dma_wait3A_778] : memref<3x96x128xf32, #tpu.memory_space<vmem>> -> memref<1x96x128xf32, #tpu.memory_space<vmem>>
    %dma_wait3A_780 = tpu.memref_squeeze %dma_wait3A_779 : memref<1x96x128xf32, #tpu.memory_space<vmem>> -> memref<96x128xf32, #tpu.memory_space<vmem>>
    %dma_wait3A_781 = arith.constant 0 : i32
    %dma_wait3A_782 = arith.constant 0 : i32
    %dma_wait3A_783 = tpu.memref_slice %arg12[%dma_wait3A_781, %dma_wait3A_782] : memref<10112x128xf32, #tpu.memory_space<vmem_shared>> -> memref<96x128xf32, #tpu.memory_space<vmem_shared>>
    %dma_wait3A_784 = arith.constant 0 : i32
    %dma_wait3A_785 = arith.constant 0 : i32
    %dma_wait3A_786 = tpu.memref_slice %arg12[%dma_wait3A_784, %dma_wait3A_785] : memref<10112x128xf32, #tpu.memory_space<vmem_shared>> -> memref<96x128xf32, #tpu.memory_space<vmem_shared>>
    %dma_wait3A_787 = arith.constant 0 : i32
    %dma_wait3A_788 = arith.constant 0 : i32
    %dma_wait3A_789 = tpu.memref_slice %arg9[%dma_wait3A_776, %dma_wait3A_787, %dma_wait3A_788] : memref<3x96x128xf32, #tpu.memory_space<vmem>> -> memref<1x96x128xf32, #tpu.memory_space<vmem>>
    %dma_wait3A_790 = tpu.memref_squeeze %dma_wait3A_789 : memref<1x96x128xf32, #tpu.memory_space<vmem>> -> memref<96x128xf32, #tpu.memory_space<vmem>>
    tpu.wait_dma2 semaphore(%arg17 : memref<!tpu.dma_semaphore, #tpu.memory_space<semaphore_mem>>) src(%dma_wait3A_790 : memref<96x128xf32, #tpu.memory_space<vmem>>) dst(%dma_wait3A_786 : memref<96x128xf32, #tpu.memory_space<vmem_shared>>)
    %dma_wait3A_791 = arith.constant 1 : i32
    %dma_wait3A_792 = arith.constant 0 : i32
    %dma_wait3A_793 = arith.constant 0 : i32
    %dma_wait3A_794 = tpu.memref_slice %arg9[%dma_wait3A_791, %dma_wait3A_792, %dma_wait3A_793] : memref<3x96x128xf32, #tpu.memory_space<vmem>> -> memref<1x96x128xf32, #tpu.memory_space<vmem>>
    %dma_wait3A_795 = tpu.memref_squeeze %dma_wait3A_794 : memref<1x96x128xf32, #tpu.memory_space<vmem>> -> memref<96x128xf32, #tpu.memory_space<vmem>>
    %dma_wait3A_796 = arith.constant 0 : i32
    %dma_wait3A_797 = arith.constant 0 : i32
    %dma_wait3A_798 = tpu.memref_slice %arg12[%dma_wait3A_796, %dma_wait3A_797] : memref<10112x128xf32, #tpu.memory_space<vmem_shared>> -> memref<96x128xf32, #tpu.memory_space<vmem_shared>>
    %dma_wait3A_799 = arith.constant 0 : i32
    %dma_wait3A_800 = arith.constant 0 : i32
    %dma_wait3A_801 = tpu.memref_slice %arg12[%dma_wait3A_799, %dma_wait3A_800] : memref<10112x128xf32, #tpu.memory_space<vmem_shared>> -> memref<96x128xf32, #tpu.memory_space<vmem_shared>>
    %dma_wait3A_802 = arith.constant 0 : i32
    %dma_wait3A_803 = arith.constant 0 : i32
    %dma_wait3A_804 = tpu.memref_slice %arg9[%dma_wait3A_791, %dma_wait3A_802, %dma_wait3A_803] : memref<3x96x128xf32, #tpu.memory_space<vmem>> -> memref<1x96x128xf32, #tpu.memory_space<vmem>>
    %dma_wait3A_805 = tpu.memref_squeeze %dma_wait3A_804 : memref<1x96x128xf32, #tpu.memory_space<vmem>> -> memref<96x128xf32, #tpu.memory_space<vmem>>
    tpu.wait_dma2 semaphore(%arg18 : memref<!tpu.dma_semaphore, #tpu.memory_space<semaphore_mem>>) src(%dma_wait3A_805 : memref<96x128xf32, #tpu.memory_space<vmem>>) dst(%dma_wait3A_801 : memref<96x128xf32, #tpu.memory_space<vmem_shared>>)
    %dma_wait3A_806 = arith.constant 2 : i32
    %dma_wait3A_807 = arith.constant 0 : i32
    %dma_wait3A_808 = arith.constant 0 : i32
    %dma_wait3A_809 = tpu.memref_slice %arg9[%dma_wait3A_806, %dma_wait3A_807, %dma_wait3A_808] : memref<3x96x128xf32, #tpu.memory_space<vmem>> -> memref<1x96x128xf32, #tpu.memory_space<vmem>>
    %dma_wait3A_810 = tpu.memref_squeeze %dma_wait3A_809 : memref<1x96x128xf32, #tpu.memory_space<vmem>> -> memref<96x128xf32, #tpu.memory_space<vmem>>
    %dma_wait3A_811 = arith.constant 0 : i32
    %dma_wait3A_812 = arith.constant 0 : i32
    %dma_wait3A_813 = tpu.memref_slice %arg12[%dma_wait3A_811, %dma_wait3A_812] : memref<10112x128xf32, #tpu.memory_space<vmem_shared>> -> memref<96x128xf32, #tpu.memory_space<vmem_shared>>
    %dma_wait3A_814 = arith.constant 0 : i32
    %dma_wait3A_815 = arith.constant 0 : i32
    %dma_wait3A_816 = tpu.memref_slice %arg12[%dma_wait3A_814, %dma_wait3A_815] : memref<10112x128xf32, #tpu.memory_space<vmem_shared>> -> memref<96x128xf32, #tpu.memory_space<vmem_shared>>
    %dma_wait3A_817 = arith.constant 0 : i32
    %dma_wait3A_818 = arith.constant 0 : i32
    %dma_wait3A_819 = tpu.memref_slice %arg9[%dma_wait3A_806, %dma_wait3A_817, %dma_wait3A_818] : memref<3x96x128xf32, #tpu.memory_space<vmem>> -> memref<1x96x128xf32, #tpu.memory_space<vmem>>
    %dma_wait3A_820 = tpu.memref_squeeze %dma_wait3A_819 : memref<1x96x128xf32, #tpu.memory_space<vmem>> -> memref<96x128xf32, #tpu.memory_space<vmem>>
    tpu.wait_dma2 semaphore(%arg19 : memref<!tpu.dma_semaphore, #tpu.memory_space<semaphore_mem>>) src(%dma_wait3A_820 : memref<96x128xf32, #tpu.memory_space<vmem>>) dst(%dma_wait3A_816 : memref<96x128xf32, #tpu.memory_space<vmem_shared>>)
    %barrier3A_821 = arith.constant 0 : index
    tpu.barrier barrier_id(%barrier3A_821)
    %mul3A_822 = arith.constant 632 : i32
    %mul3A_823 = arith.muli %arg1, %mul3A_822 : i32
    "tpu.region"() ({
      %run_scoped3A_829 = tpu.sem_alloc : memref<!tpu.dma_semaphore, #tpu.memory_space<semaphore_mem>>
      %dma_start3A_830 = arith.constant 0 : i32
      %dma_start3A_831 = tpu.memref_slice %arg5[%arg0, %mul3A_823, %dma_start3A_830] : memref<2x10112x128xf32, #tpu.memory_space<hbm>> -> memref<1x632x128xf32, #tpu.memory_space<hbm>>
      %dma_start3A_832 = tpu.memref_squeeze %dma_start3A_831 : memref<1x632x128xf32, #tpu.memory_space<hbm>> -> memref<632x128xf32, #tpu.memory_space<hbm>>
      %dma_start3A_833 = arith.constant 0 : i32
      %dma_start3A_834 = tpu.memref_slice %arg12[%mul3A_823, %dma_start3A_833] : memref<10112x128xf32, #tpu.memory_space<vmem_shared>> -> memref<632x128xf32, #tpu.memory_space<vmem_shared>>
      tpu.enqueue_dma source(%dma_start3A_834 : memref<632x128xf32, #tpu.memory_space<vmem_shared>>) target(%dma_start3A_832 : memref<632x128xf32, #tpu.memory_space<hbm>>) target_semaphore(%run_scoped3A_829 : memref<!tpu.dma_semaphore, #tpu.memory_space<semaphore_mem>>)
      %dma_wait3A_835 = arith.constant 0 : i32
      %dma_wait3A_836 = tpu.memref_slice %arg5[%arg0, %mul3A_823, %dma_wait3A_835] : memref<2x10112x128xf32, #tpu.memory_space<hbm>> -> memref<1x632x128xf32, #tpu.memory_space<hbm>>
      %dma_wait3A_837 = tpu.memref_squeeze %dma_wait3A_836 : memref<1x632x128xf32, #tpu.memory_space<hbm>> -> memref<632x128xf32, #tpu.memory_space<hbm>>
      %dma_wait3A_838 = arith.constant 0 : i32
      %dma_wait3A_839 = tpu.memref_slice %arg12[%mul3A_823, %dma_wait3A_838] : memref<10112x128xf32, #tpu.memory_space<vmem_shared>> -> memref<632x128xf32, #tpu.memory_space<vmem_shared>>
      tpu.wait_dma2 semaphore(%run_scoped3A_829 : memref<!tpu.dma_semaphore, #tpu.memory_space<semaphore_mem>>) src(%dma_wait3A_839 : memref<632x128xf32, #tpu.memory_space<vmem_shared>>) dst(%dma_wait3A_837 : memref<632x128xf32, #tpu.memory_space<hbm>>)
      tpu.yield
    }) : () -> ()
    %mul3A_824 = arith.constant 1024 : i32
    %mul3A_825 = arith.muli %arg1, %mul3A_824 : i32
    %mul3A_826 = arith.constant 16384 : i32
    %mul3A_827 = arith.muli %arg0, %mul3A_826 : i32
    %add3A_828 = arith.addi %mul3A_827, %mul3A_825 : i32
    "tpu.region"() ({
      %run_scoped3A_829 = tpu.sem_alloc : memref<!tpu.dma_semaphore, #tpu.memory_space<semaphore_mem>>
      %dma_start3A_830 = tpu.memref_slice %arg6[%add3A_828] : memref<32768xf32, #tpu.memory_space<hbm>> -> memref<1024xf32, #tpu.memory_space<hbm>>
      %dma_start3A_831 = tpu.memref_slice %arg13[%mul3A_825] : memref<16384xf32, #tpu.memory_space<vmem_shared>> -> memref<1024xf32, #tpu.memory_space<vmem_shared>>
      tpu.enqueue_dma source(%dma_start3A_831 : memref<1024xf32, #tpu.memory_space<vmem_shared>>) target(%dma_start3A_830 : memref<1024xf32, #tpu.memory_space<hbm>>) target_semaphore(%run_scoped3A_829 : memref<!tpu.dma_semaphore, #tpu.memory_space<semaphore_mem>>)
      %dma_wait3A_832 = tpu.memref_slice %arg6[%add3A_828] : memref<32768xf32, #tpu.memory_space<hbm>> -> memref<1024xf32, #tpu.memory_space<hbm>>
      %dma_wait3A_833 = tpu.memref_slice %arg13[%mul3A_825] : memref<16384xf32, #tpu.memory_space<vmem_shared>> -> memref<1024xf32, #tpu.memory_space<vmem_shared>>
      tpu.wait_dma2 semaphore(%run_scoped3A_829 : memref<!tpu.dma_semaphore, #tpu.memory_space<semaphore_mem>>) src(%dma_wait3A_833 : memref<1024xf32, #tpu.memory_space<vmem_shared>>) dst(%dma_wait3A_832 : memref<1024xf32, #tpu.memory_space<hbm>>)
      tpu.yield
    }) : () -> ()
    return
  }
}

module attributes {stable_mosaic.version = 14 : i64} {
  func.func @_tc_dense_body(%arg0: i32, %arg1: memref<1000x128xf32, #tpu.memory_space<vmem>>, %arg2: memref<2x1000x128xf32, #tpu.memory_space<vmem>>, %arg3: memref<2x1000x1xf32, #tpu.memory_space<vmem>>, %arg4: memref<128x128xf32, #tpu.memory_space<vmem>>, %arg5: memref<1x128xf32, #tpu.memory_space<vmem>>, %arg6: memref<128x128xf32, #tpu.memory_space<vmem>>, %arg7: memref<128x256xf32, #tpu.memory_space<vmem>>, %arg8: memref<1000x128xf32, #tpu.memory_space<vmem>>, %arg9: memref<1000x50xf32, #tpu.memory_space<vmem>>, %arg10: memref<1000x100xf32, #tpu.memory_space<vmem>>) attributes {dimension_semantics = [#tpu.dimension_semantics<arbitrary>], iteration_bounds = array<i64: 10>, scalar_prefetch = 0 : i64, scratch_operands = 0 : i64, tpu.core_type = #tpu.core_type<tc>, window_params = [{transform_indices = @transform_0, window_bounds = array<i64: 1000, 128>}, {transform_indices = @transform_1, window_bounds = array<i64: 2, 1000, 128>}, {transform_indices = @transform_2, window_bounds = array<i64: 2, 1000, 1>}, {pipeline_mode = #tpu.pipeline_mode<synchronous>, transform_indices = @transform_3, window_bounds = array<i64: 128, 128>}, {pipeline_mode = #tpu.pipeline_mode<synchronous>, transform_indices = @transform_4, window_bounds = array<i64: 1, 128>}, {pipeline_mode = #tpu.pipeline_mode<synchronous>, transform_indices = @transform_5, window_bounds = array<i64: 128, 128>}, {pipeline_mode = #tpu.pipeline_mode<synchronous>, transform_indices = @transform_6, window_bounds = array<i64: 128, 256>}, {transform_indices = @transform_7, window_bounds = array<i64: 1000, 128>}, {transform_indices = @transform_8, window_bounds = array<i64: 1000, 50>}, {transform_indices = @transform_9, window_bounds = array<i64: 1000, 100>}]} {
    %get3A = arith.constant 0 : index
    %get3A_0 = arith.constant 0 : index
    %get3A_1 = arith.constant 0 : index
    %get3A_2 = vector.load %arg2[%get3A, %get3A_0, %get3A_1] : memref<2x1000x128xf32, #tpu.memory_space<vmem>>, vector<1x1000x128xf32>
    %get3A_3 = vector.shape_cast %get3A_2 : vector<1x1000x128xf32> to vector<1000x128xf32>
    %get3A_4 = arith.constant 1 : index
    %get3A_5 = arith.constant 0 : index
    %get3A_6 = arith.constant 0 : index
    %get3A_7 = vector.load %arg2[%get3A_4, %get3A_5, %get3A_6] : memref<2x1000x128xf32, #tpu.memory_space<vmem>>, vector<1x1000x128xf32>
    %get3A_8 = vector.shape_cast %get3A_7 : vector<1x1000x128xf32> to vector<1000x128xf32>
    %add3A = arith.addf %get3A_3, %get3A_8 : vector<1000x128xf32>
    %get3A_9 = arith.constant 0 : index
    %get3A_10 = arith.constant 0 : index
    %get3A_11 = arith.constant 0 : index
    %get3A_12 = vector.load %arg3[%get3A_9, %get3A_10, %get3A_11] : memref<2x1000x1xf32, #tpu.memory_space<vmem>>, vector<1x1000x1xf32>
    %get3A_13 = vector.shape_cast %get3A_12 : vector<1x1000x1xf32> to vector<1000x1xf32>
    %get3A_14 = arith.constant 1 : index
    %get3A_15 = arith.constant 0 : index
    %get3A_16 = arith.constant 0 : index
    %get3A_17 = vector.load %arg3[%get3A_14, %get3A_15, %get3A_16] : memref<2x1000x1xf32, #tpu.memory_space<vmem>>, vector<1x1000x1xf32>
    %get3A_18 = vector.shape_cast %get3A_17 : vector<1x1000x1xf32> to vector<1000x1xf32>
    %add3A_19 = arith.addf %get3A_13, %get3A_18 : vector<1000x1xf32>
    %max3A = arith.constant 1.000000e+00 : f32
    %max3A_20 = vector.broadcast %max3A : f32 to vector<1000x1xf32>
    %max3A_21 = arith.maximumf %add3A_19, %max3A_20 : vector<1000x1xf32>
    %div3A = vector.broadcast %max3A_21 : vector<1000x1xf32> to vector<1000x128xf32>
    %div3A_22 = arith.divf %add3A, %div3A : vector<1000x128xf32>
    %get3A_23 = arith.constant 0 : index
    %get3A_24 = arith.constant 0 : index
    %get3A_25 = vector.load %arg4[%get3A_23, %get3A_24] : memref<128x128xf32, #tpu.memory_space<vmem>>, vector<128x128xf32>
    %dot_general3A = arith.constant dense<0.000000e+00> : vector<1000x128xf32>
    %dot_general3A_26 = tpu.matmul %div3A_22, %get3A_25, %dot_general3A {dimension_numbers = #tpu.dot_dimension_numbers<[1], [0], [0], [1], [0, 0, 1, 1], [], []>, transpose_lhs_hint = false} : vector<1000x128xf32>, vector<128x128xf32>, vector<1000x128xf32> -> vector<1000x128xf32>
    %get3A_27 = arith.constant 0 : index
    %get3A_28 = arith.constant 0 : index
    %get3A_29 = vector.load %arg5[%get3A_27, %get3A_28] : memref<1x128xf32, #tpu.memory_space<vmem>>, vector<1x128xf32>
    %add3A_30 = vector.broadcast %get3A_29 : vector<1x128xf32> to vector<1000x128xf32>
    %add3A_31 = arith.addf %dot_general3A_26, %add3A_30 : vector<1000x128xf32>
    %get3A_32 = arith.constant 0 : index
    %get3A_33 = arith.constant 0 : index
    %get3A_34 = vector.load %arg1[%get3A_32, %get3A_33] : memref<1000x128xf32, #tpu.memory_space<vmem>>, vector<1000x128xf32>
    %get3A_35 = arith.constant 0 : index
    %get3A_36 = arith.constant 0 : index
    %get3A_37 = vector.load %arg6[%get3A_35, %get3A_36] : memref<128x128xf32, #tpu.memory_space<vmem>>, vector<128x128xf32>
    %dot_general3A_38 = arith.constant dense<0.000000e+00> : vector<1000x128xf32>
    %dot_general3A_39 = tpu.matmul %get3A_34, %get3A_37, %dot_general3A_38 {dimension_numbers = #tpu.dot_dimension_numbers<[1], [0], [0], [1], [0, 0, 1, 1], [], []>, transpose_lhs_hint = false} : vector<1000x128xf32>, vector<128x128xf32>, vector<1000x128xf32> -> vector<1000x128xf32>
    %add3A_40 = arith.addf %add3A_31, %dot_general3A_39 : vector<1000x128xf32>
    %swap3A = arith.constant 0 : index
    %swap3A_41 = arith.constant 0 : index
    %swap3A_42 = vector.load %arg8[%swap3A, %swap3A_41] : memref<1000x128xf32, #tpu.memory_space<vmem>>, vector<1000x128xf32>
    tpu.vector_store %arg8[%swap3A, %swap3A_41], %add3A_40 {strides = array<i32>} : memref<1000x128xf32, #tpu.memory_space<vmem>>, vector<1000x128xf32>,
    %mul3A = arith.mulf %add3A_40, %add3A_40 : vector<1000x128xf32>
    %reduce_sum3A = arith.constant dense<0.000000e+00> : vector<1000xf32>
    %reduce_sum3A_43 = vector.multi_reduction <add>, %mul3A, %reduce_sum3A [1] : vector<1000x128xf32> to vector<1000xf32>
    %broadcast_in_dim3A = vector.shape_cast %reduce_sum3A_43 : vector<1000xf32> to vector<1000x1xf32>
    %sqrt3A = math.sqrt %broadcast_in_dim3A : vector<1000x1xf32>
    %max3A_44 = arith.constant 9.99999996E-13 : f32
    %max3A_45 = vector.broadcast %max3A_44 : f32 to vector<1000x1xf32>
    %max3A_46 = arith.maximumf %sqrt3A, %max3A_45 : vector<1000x1xf32>
    %div3A_47 = vector.broadcast %max3A_46 : vector<1000x1xf32> to vector<1000x128xf32>
    %div3A_48 = arith.divf %add3A_40, %div3A_47 : vector<1000x128xf32>
    %get3A_49 = arith.constant 0 : index
    %get3A_50 = arith.constant 0 : index
    %get3A_51 = vector.load %arg7[%get3A_49, %get3A_50] : memref<128x256xf32, #tpu.memory_space<vmem>>, vector<128x256xf32>
    %mul3A_52 = arith.mulf %get3A_51, %get3A_51 : vector<128x256xf32>
    %reduce_sum3A_53 = arith.constant dense<0.000000e+00> : vector<256xf32>
    %reduce_sum3A_54 = vector.multi_reduction <add>, %mul3A_52, %reduce_sum3A_53 [0] : vector<128x256xf32> to vector<256xf32>
    %broadcast_in_dim3A_55 = vector.shape_cast %reduce_sum3A_54 : vector<256xf32> to vector<1x256xf32>
    %sqrt3A_56 = math.sqrt %broadcast_in_dim3A_55 : vector<1x256xf32>
    %max3A_57 = arith.constant 9.99999996E-13 : f32
    %max3A_58 = vector.broadcast %max3A_57 : f32 to vector<1x256xf32>
    %max3A_59 = arith.maximumf %sqrt3A_56, %max3A_58 : vector<1x256xf32>
    %div3A_60 = vector.broadcast %max3A_59 : vector<1x256xf32> to vector<128x256xf32>
    %div3A_61 = arith.divf %get3A_51, %div3A_60 : vector<128x256xf32>
    %dot_general3A_62 = arith.constant dense<0.000000e+00> : vector<1000x256xf32>
    %dot_general3A_63 = tpu.matmul %div3A_48, %div3A_61, %dot_general3A_62 {dimension_numbers = #tpu.dot_dimension_numbers<[1], [0], [0], [1], [0, 0, 1, 1], [], []>, transpose_lhs_hint = false} : vector<1000x128xf32>, vector<128x256xf32>, vector<1000x256xf32> -> vector<1000x256xf32>
    %slice3A = vector.extract_strided_slice %dot_general3A_63 {offsets = [0, 0], sizes = [1000, 50], strides = [1, 1]} : vector<1000x256xf32> to vector<1000x50xf32>
    %swap3A_64 = arith.constant 0 : index
    %swap3A_65 = arith.constant 0 : index
    %swap3A_66 = vector.load %arg9[%swap3A_64, %swap3A_65] : memref<1000x50xf32, #tpu.memory_space<vmem>>, vector<1000x50xf32>
    tpu.vector_store %arg9[%swap3A_64, %swap3A_65], %slice3A {strides = array<i32>} : memref<1000x50xf32, #tpu.memory_space<vmem>>, vector<1000x50xf32>,
    %slice3A_67 = vector.extract_strided_slice %dot_general3A_63 {offsets = [0, 128], sizes = [1000, 100], strides = [1, 1]} : vector<1000x256xf32> to vector<1000x100xf32>
    %swap3A_68 = arith.constant 0 : index
    %swap3A_69 = arith.constant 0 : index
    %swap3A_70 = vector.load %arg10[%swap3A_68, %swap3A_69] : memref<1000x100xf32, #tpu.memory_space<vmem>>, vector<1000x100xf32>
    tpu.vector_store %arg10[%swap3A_68, %swap3A_69], %slice3A_67 {strides = array<i32>} : memref<1000x100xf32, #tpu.memory_space<vmem>>, vector<1000x100xf32>,
    return
  }
  func.func @transform_0(%arg0: i32) -> (i32, i32) {
    %c0_i32 = arith.constant 0 : i32
    %c0_i32_0 = arith.constant 0 : i32
    return %arg0, %c0_i32 : i32, i32
  }
  func.func @transform_1(%arg0: i32) -> (i32, i32, i32) {
    %c0_i32 = arith.constant 0 : i32
    %c0_i32_0 = arith.constant 0 : i32
    %c0_i32_1 = arith.constant 0 : i32
    return %c0_i32, %arg0, %c0_i32_0 : i32, i32, i32
  }
  func.func @transform_2(%arg0: i32) -> (i32, i32, i32) {
    %c0_i32 = arith.constant 0 : i32
    %c0_i32_0 = arith.constant 0 : i32
    %c0_i32_1 = arith.constant 0 : i32
    return %c0_i32, %arg0, %c0_i32_0 : i32, i32, i32
  }
  func.func @transform_3(%arg0: i32) -> (i32, i32) {
    %c0_i32 = arith.constant 0 : i32
    %c0_i32_0 = arith.constant 0 : i32
    %c0_i32_1 = arith.constant 0 : i32
    return %c0_i32, %c0_i32_0 : i32, i32
  }
  func.func @transform_4(%arg0: i32) -> (i32, i32) {
    %c0_i32 = arith.constant 0 : i32
    %c0_i32_0 = arith.constant 0 : i32
    %c0_i32_1 = arith.constant 0 : i32
    return %c0_i32, %c0_i32_0 : i32, i32
  }
  func.func @transform_5(%arg0: i32) -> (i32, i32) {
    %c0_i32 = arith.constant 0 : i32
    %c0_i32_0 = arith.constant 0 : i32
    %c0_i32_1 = arith.constant 0 : i32
    return %c0_i32, %c0_i32_0 : i32, i32
  }
  func.func @transform_6(%arg0: i32) -> (i32, i32) {
    %c0_i32 = arith.constant 0 : i32
    %c0_i32_0 = arith.constant 0 : i32
    %c0_i32_1 = arith.constant 0 : i32
    return %c0_i32, %c0_i32_0 : i32, i32
  }
  func.func @transform_7(%arg0: i32) -> (i32, i32) {
    %c0_i32 = arith.constant 0 : i32
    %c0_i32_0 = arith.constant 0 : i32
    return %arg0, %c0_i32 : i32, i32
  }
  func.func @transform_8(%arg0: i32) -> (i32, i32) {
    %c0_i32 = arith.constant 0 : i32
    %c0_i32_0 = arith.constant 0 : i32
    return %arg0, %c0_i32 : i32, i32
  }
  func.func @transform_9(%arg0: i32) -> (i32, i32) {
    %c0_i32 = arith.constant 0 : i32
    %c0_i32_0 = arith.constant 0 : i32
    return %arg0, %c0_i32 : i32, i32
  }
}

</mosaic_0001>

<sc_bundles>
// kernel: kernel.4.cloned.1.call-start
scs
__scs_entry_jumppad:
0x0: {  	(pc) =	sbr.rel $0x88, $3  }
0x1: {  	(tag) =	ssettag $0x0;
	lr =	simm.s32 $0x1  }
0x2: {  	[smem:$0x3F9A] =	sst lr;
	_ =	strace $0xD0000000  }
0x3: {  	_ = 	snop  }
0x4: {  	_ = 	snop  }
0x5: {  	_ = 	snop  }
0x6: {  	_ = 	snop  }
0x7: {  	_ = 	snop  }
__scs_overlays_trampoline_lowered:
0x8: {  	[smem:$0x3FA9] =	sst s0  }
0x9: {  	[smem:$0x3FAA] =	sst s1  }
0xa: {  	[smem:$0x3FAB] =	sst s2  }
0xb: {  	[smem:$0x3FAC] =	sst s3  }
0xc: {  	[smem:$0x3FAD] =	sst s4  }
0xd: {  	[smem:$0x3FAE] =	sst s5  }
0xe: {  	[smem:$0x3FAF] =	sst s6  }
0xf: {  	[smem:$0x3FB0] =	sst s7  }
0x10: {  	[smem:$0x3FB1] =	sst s8  }
0x11: {  	[smem:$0x3FB2] =	sst s9;
	s0 =	simm.s32 @!p0 $0x0  }
0x12: {  	s1 =	sld [smem:$0x3F98];
	s0 =	simm.s32 @p0 $0x1  }
0x13: {  	[smem:$0x3FB3] =	sst s0;
	s0 =	simm.s32 @!p1 $0x0  }
0x14: {  	s2 =	sld [smem:$0x3F97];
	s0 =	simm.s32 @p1 $0x1  }
0x15: {  	[smem:$0x3FB4] =	sst s0;
	s0 =	simm.s32 @!p2 $0x0  }
0x16: {  	s3 =	sld [smem:$0x3FDB];
	s0 =	simm.s32 @p2 $0x1  }
0x17: {  	s4 =	simm.s32 $0x1BF5;
	[smem:$0x3FB6] =	sst s0  }
0x18: {  	s0 =	sld [smem:$0x3F99];
	_ =	swait.ge [sflag:s4], $0x0  }
0x19: {  	s7 =	sld [smem:$0x3F9A]  }
0x1a: {  	s8 =	sadd.s32 $0xFFFFE003, lr  }
0x1b: {  	s9 =	sadd.s32 $0xFFFFFEF7, lr;
	s5 =	simm.s32 $0xFFFFFFFF;
	p2 =	slt.u32 s8, $0xFFFFF086  }
0x1c: {  	p1 =	slt.u32 s9, $0xF7A;
	s5 =	simm.s32 @!p2 $0x0  }
0x1d: {  	s5 =	simm.s32 @p1 $0x1;
	p0 =	seq.s32 s7, s2  }
0x1e: {  	s7 =	smul.u32 @!p0 $0xF7A, s2;
	p2 =	seq.s32 @!p0 s5, $0x0  }
0x1f: {  	s9 =	smul.u32 $0xF7A, s1;
	s8 =	simm.s32 @!p0 $0x1BF5;
	p2 =	por !p2, p0  }
0x20: {  	[sflag:s8] =	ssyncset.s32 @!p0 $0xFFFFF086;
	s6 =	sadd.s32 @!p0 s3, s7;
	s7 =	simm.s32 @!p0 $0x108  }
0x21: {  	s3 =	sadd.s32 s3, s9;
	s6 =	sadd.s32 @!p0 $0x88, s6;
	s7 =	simm.s32 @p2 $0x1082  }
0x22: {  	[simem:s7], [sflag:s8] =	dma.local @!p0 [hbm:s6], $0xF7A  }
0x23: {  	s9 =	sor.u32 $0xD0000000, s2;
	s6 =	simm.s32 $0x108;
	_ =	swait.ge @!p0 [sflag:s8], $0x0  }
0x24: {  	s3 =	sadd.s32 $0x88, s3;
	s6 =	simm.s32 @!p1 $0x1082;
	[sflag:s4] =	ssyncset.s32 $0xFFFFF086  }
0x25: {  	[simem:s6], [sflag:s4] =	dma.local [hbm:s3], $0xF7A  }
0x26: {  	[smem:$0x3F9A] =	sst s1;
	(tag) =	ssettag s2;
	_ =	strace s9  }
0x27: {  	s1 =	sld [smem:$0x3FAA]  }
0x28: {  	s2 =	sld [smem:$0x3FAB]  }
0x29: {  	s4 =	sld [smem:$0x3FAD]  }
0x2a: {  	p0 =	seq.s32 s5, $0x0;
	s5 =	sld [smem:$0x3FAE]  }
0x2b: {  	s6 =	sld [smem:$0x3FAF]  }
0x2c: {  	s7 =	sld [smem:$0x3FB0]  }
0x2d: {  	s3 =	simm.s32 $0x108;
	s8 =	sld [smem:$0x3FB1]  }
0x2e: {  	s3 =	simm.s32 @!p0 $0x1082;
	s9 =	sld [smem:$0x3FB2]  }
0x2f: {  	lr =	sadd.s32 s0, s3;
	s0 =	sld [smem:$0x3FA9]  }
0x30: {  	s3 =	sld [smem:$0x3FAC]  }
0x31: {  	[smem:$0x3FB5] =	sst s10  }
0x32: {  	s10 =	sld [smem:$0x3FB3];
	_ =	sdelay $0x3  }
0x33: {  	p0 =	seq.s32 s10, $0x1;
	s10 =	sld [smem:$0x3FB5];
	_ =	sdelay $0x3  }
0x34: {  	[smem:$0x3FB5] =	sst s10  }
0x35: {  	s10 =	sld [smem:$0x3FB4];
	_ =	sdelay $0x3  }
0x36: {  	p1 =	seq.s32 s10, $0x1;
	s10 =	sld [smem:$0x3FB5];
	_ =	sdelay $0x3  }
0x37: {  	[smem:$0x3FB5] =	sst s10  }
0x38: {  	s10 =	sld [smem:$0x3FB6]  }
0x39: {  	_ = 	snop;
	(pc) =	sbr.ind lr, $3  }
0x3a: {  	_ = 	snop  }
0x3b: {  	_ = 	snop  }
0x3c: {  	p2 =	seq.s32 s10, $0x1;
	s10 =	sld [smem:$0x3FB5]  }
0x3d: {  	_ =	shalt  }
0x3e: {  	_ =	shalt  }
0x3f: {  	_ =	shalt  }
0x40: {  	_ =	shalt  }
0x41: {  	_ =	shalt  }
0x42: {  	_ =	shalt  }
0x43: {  	_ =	shalt  }
0x44: {  	_ =	shalt  }
0x45: {  	_ =	shalt  }
0x46: {  	_ =	shalt  }
0x47: {  	_ =	shalt  }
0x48: {  	_ =	shalt  }
0x49: {  	_ =	shalt  }
0x4a: {  	_ =	shalt  }
0x4b: {  	_ =	shalt  }
0x4c: {  	_ =	shalt  }
0x4d: {  	_ =	shalt  }
0x4e: {  	_ =	shalt  }
0x4f: {  	_ =	shalt  }
0x50: {  	_ =	shalt  }
0x51: {  	_ =	shalt  }
0x52: {  	_ =	shalt  }
0x53: {  	_ =	shalt  }
0x54: {  	_ =	shalt  }
0x55: {  	_ =	shalt  }
0x56: {  	_ =	shalt  }
0x57: {  	_ =	shalt  }
0x58: {  	_ =	shalt  }
0x59: {  	_ =	shalt  }
0x5a: {  	_ =	shalt  }
0x5b: {  	_ =	shalt  }
0x5c: {  	_ =	shalt  }
0x5d: {  	_ =	shalt  }
0x5e: {  	_ =	shalt  }
0x5f: {  	_ =	shalt  }
0x60: {  	_ =	shalt  }
0x61: {  	_ =	shalt  }
0x62: {  	_ =	shalt  }
0x63: {  	_ =	shalt  }
0x64: {  	_ =	shalt  }
0x65: {  	_ =	shalt  }
0x66: {  	_ =	shalt  }
0x67: {  	_ =	shalt  }
0x68: {  	_ =	shalt  }
0x69: {  	_ =	shalt  }
0x6a: {  	_ =	shalt  }
0x6b: {  	_ =	shalt  }
0x6c: {  	_ =	shalt  }
0x6d: {  	_ =	shalt  }
0x6e: {  	_ =	shalt  }
0x6f: {  	_ =	shalt  }
0x70: {  	_ =	shalt  }
0x71: {  	_ =	shalt  }
0x72: {  	_ =	shalt  }
0x73: {  	_ =	shalt  }
0x74: {  	_ =	shalt  }
0x75: {  	_ =	shalt  }
0x76: {  	_ =	shalt  }
0x77: {  	_ =	shalt  }
0x78: {  	_ =	shalt  }
0x79: {  	_ =	shalt  }
0x7a: {  	_ =	shalt  }
0x7b: {  	_ =	shalt  }
0x7c: {  	_ =	shalt  }
0x7d: {  	_ =	shalt  }
0x7e: {  	_ =	shalt  }
0x7f: {  	_ =	shalt  }
0x80: {  	_ =	shalt  }
0x81: {  	_ =	shalt  }
0x82: {  	_ =	shalt  }
0x83: {  	_ =	shalt  }
0x84: {  	_ =	shalt  }
0x85: {  	_ =	shalt  }
0x86: {  	_ =	shalt  }
0x87: {  	_ =	shalt  }
.Lfunc_end0:
.L_simem_size_0:
called_computation_lowered:
.L_overlay_start_0:
0x88: {  	s2 =	sld [smem:$0x3FD9]  }
0x89: {  	s3 =	sld [smem:$0x3FFE];
	_ =	sdelay $0x1  }
0x8a: {  	s1 =	srdreg.scid  }
0x8b: {  	s0 =	sand.u32 $0x1, s1  }
0x8c: {  	s14 =	sshll.u32 s0, $0xA;
	s2 =	sadd.s32 s3, s2  }
0x8d: {  	s2 =	sadd.s32 s2, s14  }
0x8e: {  	[smem:$0x3FC1] =	sst s2  }
0x8f: {  	_ = 	snop  }
0x90: {  	s2 =	sld [smem:$0x3FD0];
	_ =	sdelay $0x2  }
0x91: {  	s4 =	simm.s32 $0xA;
	s5 =	simm.s32 $0x10;
	s15 =	sld [smem:$0x3FC9]  }
0x92: {  	[smem:s5], [sflag:s4] =	dma.local [hbm:s2], $0x1  }
0x93: {  	_ =	swait.eq [sflag:s4], $0x1  }
0x94: {  	s16 =	sld [smem:$0x10];
	[sflag:s4] =	ssyncset.done $0x0  }
0x95: {  	s17 =	sld [smem:$0x11];
	[sflag:s4] =	ssyncadd.s32 $0xFFFFFFFF  }
0x96: {  	s18 =	sld [smem:$0x12];
	(tm) =	ssettm $0x1  }
0x97: {  	s6 =	sld [smem:$0x3FFB];
	_ =	sdelay $0x3  }
0x98: {  	_ =	strace s6  }
0x99: {  	s6 =	sld [smem:$0x3FFC];
	_ =	sdelay $0x3  }
0x9a: {  	_ =	strace s6  }
0x9b: {  	s6 =	sld [smem:$0x3FFD];
	_ =	sdelay $0x3  }
0x9c: {  	_ =	strace s6  }
0x9d: {  	_ =	strace $0x8FFFFFFF  }
0x9e: {  	s19 =	sld [smem:$0x3FDB];
	_ =	sdelay $0x1  }
0x9f: {  	s7 =	simm.s32 $_scs_section_size  }
0xa0: {  	s8 =	simm.s32 $_size__tile_overlayer_lowered;
	s9 =	simm.s32 $_tile_overlayer_lowered  }
0xa1: {  	s22 =	simm.s32 $0x1BFF;
	s21 =	sshll.u32 s9, $0x1;
	s6 =	sadd.s32 s7, s19  }
0xa2: {  	s10 =	simm.s32 $0x0;
	s20 =	sshll.u32 s8, $0x1;
	s8 =	sadd.s32 s21, s6  }
0xa3: {  	[timem:s10], [sflag:s22] =	dma.local [hbm:s8], s20  }
0xa4: {  	_ =	swait.ge [sflag:s22], s20  }
0xa5: {  	s7 =	ssub.s32 $0x0, s20;
	[sflag:s22] =	ssyncset.done $0x0  }
0xa6: {  	[sflag:s22] =	ssyncadd.s32 s7;
	_ =	sdelay $0x1  }
0xa7: {  	s23 =	simm.s32 $0x1B8B  }
0xa8: {  	_ =	swait.ge [sflag:s23], $0x1  }
0xa9: {  	[sflag:s23] =	ssyncset.done $0x0  }
0xaa: {  	s25 =	simm.s32 $0x1B8E;
	s24 =	sld [smem:$0x3FFE];
	[sflag:s23] =	ssyncadd.s32 $0xFFFFFFFF  }
0xab: {  	s26 =	simm.s32 $execute0_lowered;
	[smem:$0x3FD2] =	sst s25  }
0xac: {  	s8 =	sshll.u32 s26, $0x1;
	_ =	strace $0x80000046;
	[dreg:$0x1] =	wrdreg $0xFFFFFFFF  }
0xad: {  	s28 =	simm.s32 $_size_execute0_lowered;
	s6 =	sadd.s32 s6, s8;
	[dreg:$0x0] =	wrdreg $0x0  }
0xae: {  	s8 =	sshll.u32 s28, $0x1;
	[dreg:$0x2] =	wrdreg s6  }
0xaf: {  	[dreg:$0x3] =	wrdreg s8  }
0xb0: {  	[dreg:$0x4] =	wrdreg $0xC0  }
0xb1: {  	_ =	task [dreg:s10], $0x5FFFF  }
0xb2: {  	[dreg:$0x1] =	wrdreg $0xFFFFFFFF  }
0xb3: {  	[dreg:$0x0] =	wrdreg $0x60  }
0xb4: {  	[dreg:$0x2] =	wrdreg s15  }
0xb5: {  	[dreg:$0x3] =	wrdreg s16  }
0xb6: {  	[dreg:$0x4] =	wrdreg s17  }
0xb7: {  	[dreg:$0x5] =	wrdreg s24  }
0xb8: {  	[dreg:$0x6] =	wrdreg s18  }
0xb9: {  	[dreg:$0x7] =	wrdreg $0xAC800  }
0xba: {  	[dreg:$0x8] =	wrdreg $0x1E8800  }
0xbb: {  	[dreg:$0x9] =	wrdreg $0x9  }
0xbc: {  	_ =	task.clear_ibuf [dreg:s10], $0xAFFFF;
	_ =	strace $0x90000046  }
0xbd: {  	s29 =	simm.s32 $0x9;
	_ =	strace $0x80000048  }
0xbe: {  	_ =	swait.ge [sflag:s29], $0x1  }
0xbf: {  	[sflag:s29] =	ssyncadd.s32 $0xFFFFFFFF  }
0xc0: {  	_ =	strace $0x90000048  }
0xc1: {  	_ =	sfence  }
0xc2: {  	s30 =	sld [smem:$0x0];
	_ =	sdelay $0x2  }
0xc3: {  	s31 =	sshll.u32 s1, $0xD;
	s1 =	sshrl.u32 s1, $0x2  }
0xc4: {  	s3 =	sand.u32 $0x4000, s31;
	s1 =	sadd.s32 s1, s30  }
0xc5: {  	s0 =	sor.u32 s3, s0;
	s1 =	sshll.u32 s1, $0x11  }
0xc6: {  	s0 =	sor.u32 s1, s0  }
0xc7: {  	s0 =	sadd.s32 $0x8F2B, s0  }
0xc8: {  	[sflag:s0] =	ssyncadd.remote.s32 $0x1  }
0xc9: {  	_ =	sfence.sel $0xFFFF  }
0xca: {  	[dreg:$0x0] =	wrdreg $0xFFFFFFFF;
	(pc) =	sbr.abs _section_cstart, $3  }
0xcb: {  	[dreg:$0x1] =	wrdreg $0xFFFFFFFF  }
0xcc: {  	_ =	task.clear_ibuf [dreg:s10], $0x2FFFF;
	_ =	strace $0x9FFFFFFF  }
0xcd: {  	(tm) =	ssettm $0x7FFFFFFF  }
tec
execute0_lowered:
.L_overlay_start_1:
0x0: {  	(tag) =	ssettag $0x1  }
0x1: {  	s0 =	rddreg [dreg:$0x0]  }
0x2: {  	s1 =	rddreg [dreg:$0x1]  }
0x3: {  	s2 =	rddreg [dreg:$0x2]  }
0x4: {  	s6 =	rddreg [dreg:$0x3];
	s3 =	srdreg.scid  }
0x5: {  	s7 =	rddreg [dreg:$0x4];
	s5 =	stileid.u32  }
0x6: {  	s4 =	rddreg [dreg:$0x6];
	s11 =	simm.s32 $0x0;
	s28 =	simm.s32 $0x4800  }
0x7: {  	s29 =	simm.s32 $0x7;
	s8 =	sand.u32 $0x1, s3;
	s10 =	smul.u32 $0x13C00, s5  }
0x8: {  	s31 =	simm.s32 $0xC00;
	s3 =	rddreg [dreg:$0x5];
	s9 =	smul.u32 $0x13C000, s8  }
0x9: {  	s30 =	simm.s32 $0x1800;
	[smem:$0x7FF] =	sst s11;
	s16 =	smul.u32 $0x4F000, s5  }
0xa: {  	s11 =	sshll.u32 s5, $0xA;
	_ =	strace $0x80000047;
	s9 =	sadd.s32 s10, s9  }
0xb: {  	s17 =	sshll.u32 s8, $0x4;
	s19 =	sshrl.u32 s16, $0x2;
	s9 =	sshrl.u32 s9, $0x3  }
0xc: {  	s12 =	sor.u32 s5, s17;
	s9 =	sadd.s32 s9, s6;
	s6 =	sadd.s32 s19, s3  }
0xd: {  	s18 =	ssub.s32 $0x2, s8;
	s12 =	smul.u32 $0x3800, s12;
	s21 =	sadd.s32 $0x3000, s6  }
0xe: {  	s8 =	sshll.u32 s8, $0xE;
	s22 =	sadd.s32 $0x6000, s6;
	[dreg:$0x8] =	wrdreg s21  }
0xf: {  	s12 =	sshrl.u32 s12, $0x3;
	s23 =	sadd.s32 $0x9000, s6;
	[dreg:$0x9] =	wrdreg s22  }
0x10: {  	s20 =	sshrl.u32 s18, $0x1;
	s24 =	sadd.s32 s1, s12;
	[dreg:$0xa] =	wrdreg s23  }
0x11: {  	s25 =	sadd.s32 s2, s12;
	s13 =	sadd.s32 $0x180, s12;
	[dreg:$0xb] =	wrdreg s24  }
0x12: {  	s10 =	ssub.s32 s18, s20;
	[dreg:$0xc] =	wrdreg s25;
	s26 =	sadd.s32 s1, s13  }
0x13: {  	s15 =	sadd.s32 $0x300, s12;
	s14 =	sadd.s32 s2, s13;
	[dreg:$0xd] =	wrdreg s26  }
0x14: {  	s18 =	sadd.s32 $0x480, s12;
	s16 =	sadd.s32 s1, s15;
	[dreg:$0xe] =	wrdreg s14  }
0x15: {  	s12 =	sadd.s32 $0x600, s12;
	s17 =	sadd.s32 s2, s15;
	[dreg:$0xf] =	wrdreg s16  }
0x16: {  	s19 =	sadd.s32 s1, s18;
	s20 =	sadd.s32 s2, s18;
	[dreg:$0x10] =	wrdreg s17  }
0x17: {  	s1 =	sadd.s32 s1, s12;
	s21 =	sor.u32 s11, s8;
	[dreg:$0x11] =	wrdreg s19  }
0x18: {  	s2 =	sadd.s32 s2, s12;
	s22 =	sadd.s32 $0xC000, s6;
	[dreg:$0x12] =	wrdreg s20  }
0x19: {  	s23 =	sadd.s32 $0xF000, s6;
	s24 =	sadd.s32 $0x1800, s9;
	[dreg:$0x13] =	wrdreg s1  }
0x1a: {  	s25 =	smax.u32 s10, $0x1;
	s8 =	simm.s32 $0x100;
	[dreg:$0x14] =	wrdreg s2  }
0x1b: {  	s9 =	simm.s32 $0x7800;
	s10 =	simm.s32 $0xA800;
	[dreg:$0x15] =	wrdreg s22  }
0x1c: {  	s12 =	simm.s32 $0xC80;
	s13 =	simm.s32 $0x4;
	[dreg:$0x17] =	wrdreg s23  }
0x1d: {  	s15 =	simm.s32 $0x3;
	s18 =	simm.s32 $0x200;
	[dreg:$0x18] =	wrdreg s24  }
0x1e: {  	s1 =	sshrl.u32 s21, $0x3;
	s23 =	sadd.s32 s11, s4;
	[dreg:$0x19] =	wrdreg s25  }
0x1f: {  	s26 =	sadd.s32 $0x12000, s6;
	s2 =	simm.s32 $0x60;
	s11 =	simm.s32 $0x2  }
0x20: {  	s14 =	simm.s32 $0x180;
	s16 =	simm.s32 $0xD00;
	s17 =	simm.s32 $0x5  }
0x21: {  	s19 =	simm.s32 $0x6;
	s20 =	simm.s32 $0xB80;
	s21 =	simm.s32 $0x1780  }
0x22: {  	s24 =	simm.s32 $0x0;
	s1 =	sadd.s32 s7, s1;
	[dreg:$0x1a] =	wrdreg s26  }
0x23: {  	v0 =	vimm.f32 $0.0e+00;
	v1 =	vimm.f32 $1.000000000e+00;
	s7 =	simm.s32 $0x1;
	[dreg:$0x16] =	wrdreg s1;
	s1 =	simm.s32 $0x80  }
.LBB2_1:
0x24: {  	s25 =	simm.s32 $0x0;
	s26 =	simm.s32 $0x200  }
.LBB2_2:
0x25: {  	p0 =	sne.s32 s26, $0xBE00;
	[tilespmem:s25+$0x4870] =	vst v0  }
0x26: {  	[tilespmem:s25+$0x4800] =	vst v0  }
0x27: {  	[tilespmem:s25+$0x4810] =	vst v0  }
.Ltmp0:
0x28: {  	[tilespmem:s25+$0x4820] =	vst v0;
	(pc) =	sbr.rel @p0 .LBB2_2-.Ltmp0, $4  }
0x29: {  	[tilespmem:s25+$0x4830] =	vst v0  }
0x2a: {  	[tilespmem:s25+$0x4840] =	vst v0  }
0x2b: {  	[tilespmem:s25+$0x4850] =	vst v0  }
0x2c: {  	[tilespmem:s25+$0x4860] =	vst v0;
	s25 =	sshra.s32 s26, $0x2;
	s26 =	sadd.s32 $0x200, s26  }
0x2d: {  	[tilespmem:s25+$0x4870] =	vst v0  }
0x2e: {  	[tilespmem:s25+$0x4800] =	vst v0  }
0x2f: {  	[tilespmem:s25+$0x4810] =	vst v0  }
0x30: {  	[tilespmem:s25+$0x4820] =	vst v0  }
0x31: {  	[tilespmem:s25+$0x4830] =	vst v0  }
0x32: {  	[tilespmem:s25+$0x4840] =	vst v0  }
0x33: {  	[tilespmem:s25+$0x4850] =	vst v0  }
0x34: {  	[tilespmem:s25+$0x4860] =	vst v0  }
0x35: {  	[tilespmem:$0xA880] =	vst v0  }
0x36: {  	[tilespmem:$0xA890] =	vst v0  }
0x37: {  	[tilespmem:$0xA8A0] =	vst v0  }
0x38: {  	[tilespmem:$0xA8B0] =	vst v0  }
0x39: {  	[tilespmem:$0xA8C0] =	vst v0  }
0x3a: {  	[tilespmem:$0xA8D0] =	vst v0  }
0x3b: {  	[tilespmem:$0xA8E0] =	vst v0  }
0x3c: {  	[tilespmem:$0xA8F0] =	vst v0  }
0x3d: {  	[tilespmem:$0xA900] =	vst v0  }
0x3e: {  	[tilespmem:$0xA910] =	vst v0  }
0x3f: {  	[tilespmem:$0xA920] =	vst v0  }
0x40: {  	[tilespmem:$0xA930] =	vst v0  }
0x41: {  	[tilespmem:$0xA940] =	vst v0  }
0x42: {  	[tilespmem:$0xA950] =	vst v0  }
0x43: {  	[tilespmem:$0xA960] =	vst v0  }
0x44: {  	[tilespmem:$0xA970] =	vst v0  }
0x45: {  	[tilespmem:$0xA980] =	vst v0  }
0x46: {  	[tilespmem:$0xA990] =	vst v0  }
0x47: {  	[tilespmem:$0xA9A0] =	vst v0  }
0x48: {  	[tilespmem:$0xA9B0] =	vst v0  }
0x49: {  	[tilespmem:$0xA9C0] =	vst v0  }
0x4a: {  	[tilespmem:$0xA9D0] =	vst v0  }
0x4b: {  	[tilespmem:$0xA9E0] =	vst v0  }
0x4c: {  	[tilespmem:$0xA9F0] =	vst v0  }
0x4d: {  	[tilespmem:$0xAA00] =	vst v0  }
0x4e: {  	[tilespmem:$0xAA10] =	vst v0  }
0x4f: {  	[tilespmem:$0xAA20] =	vst v0  }
0x50: {  	[tilespmem:$0xAA30] =	vst v0  }
0x51: {  	[tilespmem:$0xAA40] =	vst v0  }
0x52: {  	[tilespmem:$0xAA50] =	vst v0  }
0x53: {  	[tilespmem:$0xAA60] =	vst v0  }
0x54: {  	[tilespmem:$0xAA70] =	vst v0  }
0x55: {  	[tilespmem:$0xAA80] =	vst v0  }
0x56: {  	[tilespmem:$0xAA90] =	vst v0  }
0x57: {  	[tilespmem:$0xAAA0] =	vst v0  }
0x58: {  	[tilespmem:$0xAAB0] =	vst v0  }
0x59: {  	[tilespmem:$0xAAC0] =	vst v0  }
0x5a: {  	[tilespmem:$0xAAD0] =	vst v0  }
0x5b: {  	[tilespmem:$0xAAE0] =	vst v0  }
0x5c: {  	[tilespmem:$0xAAF0] =	vst v0  }
0x5d: {  	[tilespmem:$0xAB00] =	vst v0  }
0x5e: {  	[tilespmem:$0xAB10] =	vst v0  }
0x5f: {  	[tilespmem:$0xAB20] =	vst v0  }
0x60: {  	[tilespmem:$0xAB30] =	vst v0  }
0x61: {  	[tilespmem:$0xAB40] =	vst v0  }
0x62: {  	[tilespmem:$0xAB50] =	vst v0  }
0x63: {  	[tilespmem:$0xAB60] =	vst v0  }
0x64: {  	[tilespmem:$0xAB70] =	vst v0  }
0x65: {  	[tilespmem:$0xAB80] =	vst v0  }
0x66: {  	[tilespmem:$0xAB90] =	vst v0  }
0x67: {  	[tilespmem:$0xABA0] =	vst v0  }
0x68: {  	[tilespmem:$0xABB0] =	vst v0  }
0x69: {  	[tilespmem:$0xABC0] =	vst v0  }
0x6a: {  	[tilespmem:$0xABD0] =	vst v0  }
0x6b: {  	[tilespmem:$0xABE0] =	vst v0  }
0x6c: {  	[tilespmem:$0xABF0] =	vst v0  }
0x6d: {  	[tilespmem:$0xAC00] =	vst v0  }
0x6e: {  	[tilespmem:$0xAC10] =	vst v0  }
0x6f: {  	[tilespmem:$0xAC20] =	vst v0  }
0x70: {  	[tilespmem:$0xAC30] =	vst v0  }
0x71: {  	[tilespmem:$0xAC40] =	vst v0  }
0x72: {  	[tilespmem:$0xAC50] =	vst v0  }
0x73: {  	[tilespmem:$0xAC60] =	vst v0  }
0x74: {  	[tilespmem:$0xAC70] =	vst v0  }
0x75: {  	[spmem:s6] =	stream.linear.scatter [tilespmem:s28], [sflag:$0x7], $0x3000, $0x38;
	[tilespmem:$0x1EC80] =	vst v63  }
0x76: {  	_ =	swait.ge [sflag:s29], $0x3000  }
0x77: {  	[sflag:s29] =	ssyncset.done $0x0  }
0x78: {  	s5 =	rddreg [dreg:$0x8];
	[sflag:s29] =	ssyncadd.s32 $0xFFFFD000  }
0x79: {  	[spmem:s5] =	stream.linear.scatter [tilespmem:s28], [sflag:$0x7], $0x3000, $0x38;
	[tilespmem:$0x1EC80] =	vst v63  }
0x7a: {  	_ =	swait.ge [sflag:s29], $0x3000  }
0x7b: {  	[sflag:s29] =	ssyncset.done $0x0  }
0x7c: {  	s22 =	rddreg [dreg:$0x9];
	[sflag:s29] =	ssyncadd.s32 $0xFFFFD000  }
0x7d: {  	[spmem:s22] =	stream.linear.scatter [tilespmem:s28], [sflag:$0x7], $0x3000, $0x38;
	[tilespmem:$0x1EC80] =	vst v63  }
0x7e: {  	_ =	swait.ge [sflag:s29], $0x3000  }
0x7f: {  	[sflag:s29] =	ssyncset.done $0x0  }
0x80: {  	s25 =	rddreg [dreg:$0xa];
	[sflag:s29] =	ssyncadd.s32 $0xFFFFD000  }
0x81: {  	[spmem:s25] =	stream.linear.scatter [tilespmem:s28], [sflag:$0x7], $0x3000, $0x38;
	[tilespmem:$0x1EC80] =	vst v63  }
0x82: {  	_ =	swait.ge [sflag:s29], $0x3000  }
0x83: {  	[sflag:s29] =	ssyncset.done $0x0  }
0x84: {  	s26 =	rddreg [dreg:$0x15];
	[sflag:s29] =	ssyncadd.s32 $0xFFFFD000  }
0x85: {  	[spmem:s26] =	stream.linear.scatter [tilespmem:s28], [sflag:$0x7], $0x3000, $0x38;
	[tilespmem:$0x1EC80] =	vst v63  }
0x86: {  	_ =	swait.ge [sflag:s29], $0x3000  }
0x87: {  	[sflag:s29] =	ssyncset.done $0x0  }
0x88: {  	s22 =	rddreg [dreg:$0x17];
	[sflag:s29] =	ssyncadd.s32 $0xFFFFD000  }
0x89: {  	[spmem:s22] =	stream.linear.scatter [tilespmem:s28], [sflag:$0x7], $0x3000, $0x38;
	[tilespmem:$0x1EC80] =	vst v63  }
0x8a: {  	_ =	swait.ge [sflag:s29], $0x3000  }
0x8b: {  	[sflag:s29] =	ssyncset.done $0x0  }
0x8c: {  	s25 =	rddreg [dreg:$0x1a];
	[sflag:s29] =	ssyncadd.s32 $0xFFFFD000  }
0x8d: {  	[spmem:s25] =	stream.linear.scatter [tilespmem:s28], [sflag:$0x7], $0x1C00, $0x38;
	[tilespmem:$0x1EC80] =	vst v63  }
0x8e: {  	_ =	swait.ge [sflag:s29], $0x1C00  }
0x8f: {  	[sflag:s29] =	ssyncset.done $0x0  }
0x90: {  	s26 =	simm.s32 $0xA880;
	[sflag:s29] =	ssyncadd.s32 $0xFFFFE400  }
0x91: {  	[spmem:s23] =	stream.linear.scatter [tilespmem:s26], [sflag:$0x7], $0x400, $0x38;
	[tilespmem:$0x1EC80] =	vst v63  }
0x92: {  	_ =	swait.ge [sflag:s29], $0x400  }
0x93: {  	[sflag:s29] =	ssyncset.done $0x0  }
0x94: {  	[sflag:s29] =	ssyncadd.s32 $0xFFFFFC00  }
0x95: {  	[tilespmem:$0xA800] =	vst v1  }
0x96: {  	[tilespmem:$0xA810] =	vst v1  }
0x97: {  	[tilespmem:$0xA820] =	vst v1  }
0x98: {  	[tilespmem:$0xA830] =	vst v1  }
0x99: {  	[tilespmem:$0xA840] =	vst v1  }
0x9a: {  	[tilespmem:$0xA850] =	vst v1  }
0x9b: {  	[bflag:$0x0] =	sbarrier.arrive $0xFFFF  }
0x9c: {  	s25 =	simm.s32 $0x0;
	s22 =	rddreg [dreg:$0xb]  }
0x9d: {  	[tilespmem:s25], [sflag:$0x7] =	stream.linear.gather [hbm4b:s22+s25], $0xC00, $0x38;
	[tilespmem:$0x1EC80] =	vst v63  }
0x9e: {  	_ =	swait.ge [sflag:s29], $0xC00  }
0x9f: {  	[sflag:s29] =	ssyncset.done $0x0  }
0xa0: {  	s26 =	rddreg [dreg:$0xc];
	[sflag:s29] =	ssyncadd.s32 $0xFFFFF400  }
0xa1: {  	[tilespmem:s31], [sflag:$0x7] =	stream.linear.gather [hbm4b:s26+s25], $0xC00, $0x38;
	[tilespmem:$0x1EC80] =	vst v63  }
0xa2: {  	_ =	swait.ge [sflag:s29], $0xC00  }
0xa3: {  	[sflag:s29] =	ssyncset.done $0x0  }
0xa4: {  	[sflag:s29] =	ssyncadd.s32 $0xFFFFF400  }
0xa5: {  	[tilespmem:s30], [sflag:$0x1] =	stream.indirect.gather [hbm4b:s0+s2], $0x80, s25, s2, $0xb8;
	[tilespmem:$0x1EC80] =	vst v63  }
0xa6: {  	_ = 	snop  }
0xa7: {  	[tilespmem:s28], [sflag:$0x2] =	stream.indirect.gather [hbm4b:s0+s2], $0x80, s1, s2, $0xb8;
	[tilespmem:$0x1EC80] =	vst v63  }
0xa8: {  	_ =	swait.ge [sflag:s7], $0x3000  }
0xa9: {  	[sflag:s7] =	ssyncset.done $0x0  }
0xaa: {  	[sflag:s7] =	ssyncadd.s32 $0xFFFFD000  }
0xab: {  	[spmem:s3] =	stream.indirect.scatter.add.f32 [tilespmem:s30], [sflag:$0x4], $0x80, s31, s2, $0xb8;
	[tilespmem:$0x1EC80] =	vst v63  }
0xac: {  	_ = 	snop  }
0xad: {  	[tilespmem:s9], [sflag:$0x3] =	stream.indirect.gather [hbm4b:s0+s2], $0x80, s8, s2, $0xb8;
	[tilespmem:$0x1EC80] =	vst v63  }
0xae: {  	_ = 	snop  }
0xaf: {  	[spmem:s4] =	stream.indirect.scatter.add.f32 [tilespmem:s10], [sflag:$0x7], $0x1, s31, s2, $0xb8;
	[tilespmem:$0x1EC80] =	vst v63  }
0xb0: {  	_ =	swait.ge [sflag:s29], $0x60  }
0xb1: {  	[sflag:s29] =	ssyncset.done $0x0  }
0xb2: {  	[sflag:s29] =	ssyncadd.s32 $0xFFFFFFA0  }
0xb3: {  	_ =	swait.ge [sflag:s11], $0x3000  }
0xb4: {  	[sflag:s11] =	ssyncset.done $0x0  }
0xb5: {  	[sflag:s11] =	ssyncadd.s32 $0xFFFFD000  }
0xb6: {  	[spmem:s3] =	stream.indirect.scatter.add.f32 [tilespmem:s28], [sflag:$0x5], $0x80, s12, s2, $0xb8;
	[tilespmem:$0x1EC80] =	vst v63  }
0xb7: {  	_ =	swait.ge [sflag:s13], $0x3000  }
0xb8: {  	[sflag:s13] =	ssyncset.done $0x0  }
0xb9: {  	[sflag:s13] =	ssyncadd.s32 $0xFFFFD000  }
0xba: {  	[tilespmem:s30], [sflag:$0x1] =	stream.indirect.gather [hbm4b:s0+s2], $0x80, s14, s2, $0xb8;
	[tilespmem:$0x1EC80] =	vst v63  }
0xbb: {  	_ = 	snop  }
0xbc: {  	[spmem:s4] =	stream.indirect.scatter.add.f32 [tilespmem:s10], [sflag:$0x7], $0x1, s12, s2, $0xb8;
	[tilespmem:$0x1EC80] =	vst v63  }
0xbd: {  	_ =	swait.ge [sflag:s29], $0x60  }
0xbe: {  	[sflag:s29] =	ssyncset.done $0x0  }
0xbf: {  	[sflag:s29] =	ssyncadd.s32 $0xFFFFFFA0  }
0xc0: {  	_ =	swait.ge [sflag:s15], $0x3000  }
0xc1: {  	[sflag:s15] =	ssyncset.done $0x0  }
0xc2: {  	[sflag:s15] =	ssyncadd.s32 $0xFFFFD000  }
0xc3: {  	[spmem:s3] =	stream.indirect.scatter.add.f32 [tilespmem:s9], [sflag:$0x6], $0x80, s16, s2, $0xb8;
	[tilespmem:$0x1EC80] =	vst v63  }
0xc4: {  	_ =	swait.ge [sflag:s17], $0x3000  }
0xc5: {  	[sflag:s17] =	ssyncset.done $0x0  }
0xc6: {  	[sflag:s17] =	ssyncadd.s32 $0xFFFFD000  }
0xc7: {  	[tilespmem:s28], [sflag:$0x2] =	stream.indirect.gather [hbm4b:s0+s2], $0x80, s18, s2, $0xb8;
	[tilespmem:$0x1EC80] =	vst v63  }
0xc8: {  	_ = 	snop  }
0xc9: {  	[spmem:s4] =	stream.indirect.scatter.add.f32 [tilespmem:s10], [sflag:$0x7], $0x1, s16, s2, $0xb8;
	[tilespmem:$0x1EC80] =	vst v63  }
0xca: {  	_ =	swait.ge [sflag:s29], $0x60  }
0xcb: {  	[sflag:s29] =	ssyncset.done $0x0  }
0xcc: {  	[sflag:s29] =	ssyncadd.s32 $0xFFFFFFA0  }
0xcd: {  	_ =	swait.ge [sflag:s7], $0x3000  }
0xce: {  	[sflag:s7] =	ssyncset.done $0x0  }
0xcf: {  	s22 =	simm.s32 $0xD80;
	[sflag:s7] =	ssyncadd.s32 $0xFFFFD000  }
0xd0: {  	[spmem:s3] =	stream.indirect.scatter.add.f32 [tilespmem:s30], [sflag:$0x4], $0x80, s22, s2, $0xb8;
	[tilespmem:$0x1EC80] =	vst v63  }
0xd1: {  	_ =	swait.ge [sflag:s19], $0x3000  }
0xd2: {  	[sflag:s19] =	ssyncset.done $0x0  }
0xd3: {  	s26 =	simm.s32 $0x280;
	[sflag:s19] =	ssyncadd.s32 $0xFFFFD000  }
0xd4: {  	[tilespmem:s9], [sflag:$0x3] =	stream.indirect.gather [hbm4b:s0+s2], $0x80, s26, s2, $0xb8;
	[tilespmem:$0x1EC80] =	vst v63  }
0xd5: {  	_ = 	snop  }
0xd6: {  	[spmem:s4] =	stream.indirect.scatter.add.f32 [tilespmem:s10], [sflag:$0x7], $0x1, s22, s2, $0xb8;
	[tilespmem:$0x1EC80] =	vst v63  }
0xd7: {  	_ =	swait.ge [sflag:s29], $0x60  }
0xd8: {  	[sflag:s29] =	ssyncset.done $0x0  }
0xd9: {  	[sflag:s29] =	ssyncadd.s32 $0xFFFFFFA0  }
0xda: {  	_ =	swait.ge [sflag:s11], $0x3000  }
0xdb: {  	[sflag:s11] =	ssyncset.done $0x0  }
0xdc: {  	s5 =	simm.s32 $0xE00;
	[sflag:s11] =	ssyncadd.s32 $0xFFFFD000  }
0xdd: {  	[spmem:s3] =	stream.indirect.scatter.add.f32 [tilespmem:s28], [sflag:$0x5], $0x80, s5, s2, $0xb8;
	[tilespmem:$0x1EC80] =	vst v63  }
0xde: {  	_ =	swait.ge [sflag:s13], $0x3000  }
0xdf: {  	[sflag:s13] =	ssyncset.done $0x0  }
0xe0: {  	s22 =	simm.s32 $0x300;
	[sflag:s13] =	ssyncadd.s32 $0xFFFFD000  }
0xe1: {  	[tilespmem:s30], [sflag:$0x1] =	stream.indirect.gather [hbm4b:s0+s2], $0x80, s22, s2, $0xb8;
	[tilespmem:$0x1EC80] =	vst v63  }
0xe2: {  	_ = 	snop  }
0xe3: {  	[spmem:s4] =	stream.indirect.scatter.add.f32 [tilespmem:s10], [sflag:$0x7], $0x1, s5, s2, $0xb8;
	[tilespmem:$0x1EC80] =	vst v63  }
0xe4: {  	_ =	swait.ge [sflag:s29], $0x60  }
0xe5: {  	[sflag:s29] =	ssyncset.done $0x0  }
0xe6: {  	[sflag:s29] =	ssyncadd.s32 $0xFFFFFFA0  }
0xe7: {  	_ =	swait.ge [sflag:s15], $0x3000  }
0xe8: {  	[sflag:s15] =	ssyncset.done $0x0  }
0xe9: {  	s5 =	simm.s32 $0xE80;
	[sflag:s15] =	ssyncadd.s32 $0xFFFFD000  }
0xea: {  	[spmem:s3] =	stream.indirect.scatter.add.f32 [tilespmem:s9], [sflag:$0x6], $0x80, s5, s2, $0xb8;
	[tilespmem:$0x1EC80] =	vst v63  }
0xeb: {  	_ =	swait.ge [sflag:s17], $0x3000  }
0xec: {  	[sflag:s17] =	ssyncset.done $0x0  }
0xed: {  	s22 =	simm.s32 $0x380;
	[sflag:s17] =	ssyncadd.s32 $0xFFFFD000  }
0xee: {  	[tilespmem:s28], [sflag:$0x2] =	stream.indirect.gather [hbm4b:s0+s2], $0x80, s22, s2, $0xb8;
	[tilespmem:$0x1EC80] =	vst v63  }
0xef: {  	_ = 	snop  }
0xf0: {  	[spmem:s4] =	stream.indirect.scatter.add.f32 [tilespmem:s10], [sflag:$0x7], $0x1, s5, s2, $0xb8;
	[tilespmem:$0x1EC80] =	vst v63  }
0xf1: {  	_ =	swait.ge [sflag:s29], $0x60  }
0xf2: {  	s25 =	simm.s32 $0x600;
	[sflag:s29] =	ssyncset.done $0x0  }
.LBB2_4:
0xf3: {  	[sflag:s29] =	ssyncadd.s32 $0xFFFFFFA0;
	s26 =	smov.u32 s25;
	s25 =	sadd.s32 $0x600, s25  }
0xf4: {  	p0 =	sne.s32 s25, $0x2400  }
0xf5: {  	_ =	swait.ge [sflag:s7], $0x3000  }
0xf6: {  	s26 =	sshra.s32 s26, $0x2;
	[sflag:s7] =	ssyncset.done $0x0  }
0xf7: {  	s22 =	sadd.s32 $0xD80, s26;
	[sflag:s7] =	ssyncadd.s32 $0xFFFFD000  }
0xf8: {  	[spmem:s3] =	stream.indirect.scatter.add.f32 [tilespmem:s30], [sflag:$0x4], $0x80, s22, s2, $0xb8;
	[tilespmem:$0x1EC80] =	vst v63  }
0xf9: {  	_ =	swait.ge [sflag:s19], $0x3000  }
0xfa: {  	[sflag:s19] =	ssyncset.done $0x0  }
0xfb: {  	s5 =	sadd.s32 $0x280, s26;
	[sflag:s19] =	ssyncadd.s32 $0xFFFFD000  }
0xfc: {  	[tilespmem:s9], [sflag:$0x3] =	stream.indirect.gather [hbm4b:s0+s2], $0x80, s5, s2, $0xb8;
	[tilespmem:$0x1EC80] =	vst v63  }
0xfd: {  	_ = 	snop  }
0xfe: {  	[spmem:s4] =	stream.indirect.scatter.add.f32 [tilespmem:s10], [sflag:$0x7], $0x1, s22, s2, $0xb8;
	[tilespmem:$0x1EC80] =	vst v63  }
0xff: {  	_ =	swait.ge [sflag:s29], $0x60  }
0x100: {  	[sflag:s29] =	ssyncset.done $0x0  }
0x101: {  	[sflag:s29] =	ssyncadd.s32 $0xFFFFFFA0  }
0x102: {  	_ =	swait.ge [sflag:s11], $0x3000  }
0x103: {  	[sflag:s11] =	ssyncset.done $0x0  }
0x104: {  	s5 =	sadd.s32 $0xE00, s26;
	[sflag:s11] =	ssyncadd.s32 $0xFFFFD000  }
0x105: {  	[spmem:s3] =	stream.indirect.scatter.add.f32 [tilespmem:s28], [sflag:$0x5], $0x80, s5, s2, $0xb8;
	[tilespmem:$0x1EC80] =	vst v63  }
0x106: {  	_ =	swait.ge [sflag:s13], $0x3000  }
0x107: {  	[sflag:s13] =	ssyncset.done $0x0  }
0x108: {  	s22 =	sadd.s32 $0x300, s26;
	[sflag:s13] =	ssyncadd.s32 $0xFFFFD000  }
0x109: {  	[tilespmem:s30], [sflag:$0x1] =	stream.indirect.gather [hbm4b:s0+s2], $0x80, s22, s2, $0xb8;
	[tilespmem:$0x1EC80] =	vst v63  }
0x10a: {  	_ = 	snop  }
0x10b: {  	[spmem:s4] =	stream.indirect.scatter.add.f32 [tilespmem:s10], [sflag:$0x7], $0x1, s5, s2, $0xb8;
	[tilespmem:$0x1EC80] =	vst v63  }
0x10c: {  	_ =	swait.ge [sflag:s29], $0x60  }
0x10d: {  	[sflag:s29] =	ssyncset.done $0x0  }
0x10e: {  	[sflag:s29] =	ssyncadd.s32 $0xFFFFFFA0  }
0x10f: {  	_ =	swait.ge [sflag:s15], $0x3000  }
0x110: {  	[sflag:s15] =	ssyncset.done $0x0  }
0x111: {  	s5 =	sadd.s32 $0xE80, s26;
	[sflag:s15] =	ssyncadd.s32 $0xFFFFD000  }
0x112: {  	[spmem:s3] =	stream.indirect.scatter.add.f32 [tilespmem:s9], [sflag:$0x6], $0x80, s5, s2, $0xb8;
	[tilespmem:$0x1EC80] =	vst v63  }
0x113: {  	_ =	swait.ge [sflag:s17], $0x3000  }
0x114: {  	[sflag:s17] =	ssyncset.done $0x0  }
0x115: {  	s22 =	sadd.s32 $0x380, s26;
	[sflag:s17] =	ssyncadd.s32 $0xFFFFD000  }
0x116: {  	[tilespmem:s28], [sflag:$0x2] =	stream.indirect.gather [hbm4b:s0+s2], $0x80, s22, s2, $0xb8;
	[tilespmem:$0x1EC80] =	vst v63  }
.Ltmp1:
0x117: {  	_ = 	snop;
	(pc) =	sbr.rel @p0 .LBB2_4-.Ltmp1, $4  }
0x118: {  	_ = 	snop  }
0x119: {  	[spmem:s4] =	stream.indirect.scatter.add.f32 [tilespmem:s10], [sflag:$0x7], $0x1, s5, s2, $0xb8;
	[tilespmem:$0x1EC80] =	vst v63  }
0x11a: {  	_ =	swait.ge [sflag:s29], $0x60  }
0x11b: {  	[sflag:s29] =	ssyncset.done $0x0  }
0x11c: {  	[sflag:s29] =	ssyncadd.s32 $0xFFFFFFA0  }
0x11d: {  	_ =	swait.ge [sflag:s7], $0x3000  }
0x11e: {  	s5 =	sshra.s32 s25, $0x2;
	[sflag:s7] =	ssyncset.done $0x0  }
0x11f: {  	s22 =	sadd.s32 $0xD80, s5;
	[sflag:s7] =	ssyncadd.s32 $0xFFFFD000  }
0x120: {  	[spmem:s3] =	stream.indirect.scatter.add.f32 [tilespmem:s30], [sflag:$0x4], $0x80, s22, s2, $0xb8;
	[tilespmem:$0x1EC80] =	vst v63  }
0x121: {  	_ =	swait.ge [sflag:s19], $0x3000  }
0x122: {  	[sflag:s19] =	ssyncset.done $0x0  }
0x123: {  	[sflag:s19] =	ssyncadd.s32 $0xFFFFD000  }
0x124: {  	[tilespmem:s9], [sflag:$0x3] =	stream.indirect.gather [hbm4b:s0+s2], $0x80, s20, s2, $0xb8;
	[tilespmem:$0x1EC80] =	vst v63  }
0x125: {  	_ = 	snop  }
0x126: {  	[spmem:s4] =	stream.indirect.scatter.add.f32 [tilespmem:s10], [sflag:$0x7], $0x1, s22, s2, $0xb8;
	[tilespmem:$0x1EC80] =	vst v63  }
0x127: {  	_ =	swait.ge [sflag:s29], $0x60  }
0x128: {  	[sflag:s29] =	ssyncset.done $0x0  }
0x129: {  	[sflag:s29] =	ssyncadd.s32 $0xFFFFFFA0  }
0x12a: {  	_ =	swait.ge [sflag:s11], $0x3000  }
0x12b: {  	[sflag:s11] =	ssyncset.done $0x0  }
0x12c: {  	s5 =	sadd.s32 $0xE00, s5;
	[sflag:s11] =	ssyncadd.s32 $0xFFFFD000  }
0x12d: {  	[spmem:s3] =	stream.indirect.scatter.add.f32 [tilespmem:s28], [sflag:$0x5], $0x80, s5, s2, $0xb8;
	[tilespmem:$0x1EC80] =	vst v63  }
0x12e: {  	_ = 	snop  }
0x12f: {  	[spmem:s4] =	stream.indirect.scatter.add.f32 [tilespmem:s10], [sflag:$0x7], $0x1, s5, s2, $0xb8;
	[tilespmem:$0x1EC80] =	vst v63  }
0x130: {  	_ =	swait.ge [sflag:s29], $0x60  }
0x131: {  	[sflag:s29] =	ssyncset.done $0x0  }
0x132: {  	[sflag:s29] =	ssyncadd.s32 $0xFFFFFFA0  }
0x133: {  	_ =	swait.ge [sflag:s15], $0x3000  }
0x134: {  	[sflag:s15] =	ssyncset.done $0x0  }
0x135: {  	[sflag:s15] =	ssyncadd.s32 $0xFFFFD000  }
0x136: {  	[spmem:s3] =	stream.indirect.scatter.add.f32 [tilespmem:s9], [sflag:$0x6], $0x80, s21, s2, $0xb8;
	[tilespmem:$0x1EC80] =	vst v63  }
0x137: {  	_ = 	snop  }
0x138: {  	[spmem:s4] =	stream.indirect.scatter.add.f32 [tilespmem:s10], [sflag:$0x7], $0x1, s21, s2, $0xb8;
	[tilespmem:$0x1EC80] =	vst v63  }
0x139: {  	_ =	swait.ge [sflag:s29], $0x60  }
0x13a: {  	[sflag:s29] =	ssyncset.done $0x0  }
0x13b: {  	[sflag:s29] =	ssyncadd.s32 $0xFFFFFFA0  }
0x13c: {  	_ =	swait.ge [sflag:s13], $0x3000  }
0x13d: {  	[sflag:s13] =	ssyncset.done $0x0  }
0x13e: {  	[sflag:s13] =	ssyncadd.s32 $0xFFFFD000  }
0x13f: {  	_ =	swait.ge [sflag:s17], $0x3000  }
0x140: {  	[sflag:s17] =	ssyncset.done $0x0  }
0x141: {  	[sflag:s17] =	ssyncadd.s32 $0xFFFFD000  }
0x142: {  	_ =	swait.ge [sflag:s19], $0x3000  }
0x143: {  	[sflag:s19] =	ssyncset.done $0x0  }
0x144: {  	s5 =	simm.s32 $0x0;
	s25 =	rddreg [dreg:$0xd];
	[sflag:s19] =	ssyncadd.s32 $0xFFFFD000  }
0x145: {  	[tilespmem:s5], [sflag:$0x7] =	stream.linear.gather [hbm4b:s25+s5], $0xC00, $0x38;
	[tilespmem:$0x1EC80] =	vst v63  }
0x146: {  	_ =	swait.ge [sflag:s29], $0xC00  }
0x147: {  	[sflag:s29] =	ssyncset.done $0x0  }
0x148: {  	s26 =	rddreg [dreg:$0xe];
	[sflag:s29] =	ssyncadd.s32 $0xFFFFF400  }
0x149: {  	[tilespmem:s31], [sflag:$0x7] =	stream.linear.gather [hbm4b:s26+s5], $0xC00, $0x38;
	[tilespmem:$0x1EC80] =	vst v63  }
0x14a: {  	_ =	swait.ge [sflag:s29], $0xC00  }
0x14b: {  	[sflag:s29] =	ssyncset.done $0x0  }
0x14c: {  	[sflag:s29] =	ssyncadd.s32 $0xFFFFF400  }
0x14d: {  	[tilespmem:s30], [sflag:$0x1] =	stream.indirect.gather [hbm4b:s0+s2], $0x80, s5, s2, $0xb8;
	[tilespmem:$0x1EC80] =	vst v63  }
0x14e: {  	_ = 	snop  }
0x14f: {  	[tilespmem:s28], [sflag:$0x2] =	stream.indirect.gather [hbm4b:s0+s2], $0x80, s1, s2, $0xb8;
	[tilespmem:$0x1EC80] =	vst v63  }
0x150: {  	_ =	swait.ge [sflag:s7], $0x3000  }
0x151: {  	[sflag:s7] =	ssyncset.done $0x0  }
0x152: {  	[sflag:s7] =	ssyncadd.s32 $0xFFFFD000  }
0x153: {  	[spmem:s3] =	stream.indirect.scatter.add.f32 [tilespmem:s30], [sflag:$0x4], $0x80, s31, s2, $0xb8;
	[tilespmem:$0x1EC80] =	vst v63  }
0x154: {  	_ = 	snop  }
0x155: {  	[tilespmem:s9], [sflag:$0x3] =	stream.indirect.gather [hbm4b:s0+s2], $0x80, s8, s2, $0xb8;
	[tilespmem:$0x1EC80] =	vst v63  }
0x156: {  	_ = 	snop  }
0x157: {  	[spmem:s4] =	stream.indirect.scatter.add.f32 [tilespmem:s10], [sflag:$0x7], $0x1, s31, s2, $0xb8;
	[tilespmem:$0x1EC80] =	vst v63  }
0x158: {  	_ =	swait.ge [sflag:s29], $0x60  }
0x159: {  	[sflag:s29] =	ssyncset.done $0x0  }
0x15a: {  	[sflag:s29] =	ssyncadd.s32 $0xFFFFFFA0  }
0x15b: {  	_ =	swait.ge [sflag:s11], $0x3000  }
0x15c: {  	[sflag:s11] =	ssyncset.done $0x0  }
0x15d: {  	[sflag:s11] =	ssyncadd.s32 $0xFFFFD000  }
0x15e: {  	[spmem:s3] =	stream.indirect.scatter.add.f32 [tilespmem:s28], [sflag:$0x5], $0x80, s12, s2, $0xb8;
	[tilespmem:$0x1EC80] =	vst v63  }
0x15f: {  	_ =	swait.ge [sflag:s13], $0x3000  }
0x160: {  	[sflag:s13] =	ssyncset.done $0x0  }
0x161: {  	[sflag:s13] =	ssyncadd.s32 $0xFFFFD000  }
0x162: {  	[tilespmem:s30], [sflag:$0x1] =	stream.indirect.gather [hbm4b:s0+s2], $0x80, s14, s2, $0xb8;
	[tilespmem:$0x1EC80] =	vst v63  }
0x163: {  	_ = 	snop  }
0x164: {  	[spmem:s4] =	stream.indirect.scatter.add.f32 [tilespmem:s10], [sflag:$0x7], $0x1, s12, s2, $0xb8;
	[tilespmem:$0x1EC80] =	vst v63  }
0x165: {  	_ =	swait.ge [sflag:s29], $0x60  }
0x166: {  	[sflag:s29] =	ssyncset.done $0x0  }
0x167: {  	[sflag:s29] =	ssyncadd.s32 $0xFFFFFFA0  }
0x168: {  	_ =	swait.ge [sflag:s15], $0x3000  }
0x169: {  	[sflag:s15] =	ssyncset.done $0x0  }
0x16a: {  	[sflag:s15] =	ssyncadd.s32 $0xFFFFD000  }
0x16b: {  	[spmem:s3] =	stream.indirect.scatter.add.f32 [tilespmem:s9], [sflag:$0x6], $0x80, s16, s2, $0xb8;
	[tilespmem:$0x1EC80] =	vst v63  }
0x16c: {  	_ =	swait.ge [sflag:s17], $0x3000  }
0x16d: {  	[sflag:s17] =	ssyncset.done $0x0  }
0x16e: {  	[sflag:s17] =	ssyncadd.s32 $0xFFFFD000  }
0x16f: {  	[tilespmem:s28], [sflag:$0x2] =	stream.indirect.gather [hbm4b:s0+s2], $0x80, s18, s2, $0xb8;
	[tilespmem:$0x1EC80] =	vst v63  }
0x170: {  	_ = 	snop  }
0x171: {  	[spmem:s4] =	stream.indirect.scatter.add.f32 [tilespmem:s10], [sflag:$0x7], $0x1, s16, s2, $0xb8;
	[tilespmem:$0x1EC80] =	vst v63  }
0x172: {  	_ =	swait.ge [sflag:s29], $0x60  }
0x173: {  	[sflag:s29] =	ssyncset.done $0x0  }
0x174: {  	[sflag:s29] =	ssyncadd.s32 $0xFFFFFFA0  }
0x175: {  	_ =	swait.ge [sflag:s7], $0x3000  }
0x176: {  	[sflag:s7] =	ssyncset.done $0x0  }
0x177: {  	s25 =	simm.s32 $0xD80;
	[sflag:s7] =	ssyncadd.s32 $0xFFFFD000  }
0x178: {  	[spmem:s3] =	stream.indirect.scatter.add.f32 [tilespmem:s30], [sflag:$0x4], $0x80, s25, s2, $0xb8;
	[tilespmem:$0x1EC80] =	vst v63  }
0x179: {  	_ =	swait.ge [sflag:s19], $0x3000  }
0x17a: {  	[sflag:s19] =	ssyncset.done $0x0  }
0x17b: {  	s26 =	simm.s32 $0x280;
	[sflag:s19] =	ssyncadd.s32 $0xFFFFD000  }
0x17c: {  	[tilespmem:s9], [sflag:$0x3] =	stream.indirect.gather [hbm4b:s0+s2], $0x80, s26, s2, $0xb8;
	[tilespmem:$0x1EC80] =	vst v63  }
0x17d: {  	_ = 	snop  }
0x17e: {  	[spmem:s4] =	stream.indirect.scatter.add.f32 [tilespmem:s10], [sflag:$0x7], $0x1, s25, s2, $0xb8;
	[tilespmem:$0x1EC80] =	vst v63  }
0x17f: {  	_ =	swait.ge [sflag:s29], $0x60  }
0x180: {  	[sflag:s29] =	ssyncset.done $0x0  }
0x181: {  	[sflag:s29] =	ssyncadd.s32 $0xFFFFFFA0  }
0x182: {  	_ =	swait.ge [sflag:s11], $0x3000  }
0x183: {  	[sflag:s11] =	ssyncset.done $0x0  }
0x184: {  	s25 =	simm.s32 $0xE00;
	[sflag:s11] =	ssyncadd.s32 $0xFFFFD000  }
0x185: {  	[spmem:s3] =	stream.indirect.scatter.add.f32 [tilespmem:s28], [sflag:$0x5], $0x80, s25, s2, $0xb8;
	[tilespmem:$0x1EC80] =	vst v63  }
0x186: {  	_ =	swait.ge [sflag:s13], $0x3000  }
0x187: {  	[sflag:s13] =	ssyncset.done $0x0  }
0x188: {  	s26 =	simm.s32 $0x300;
	[sflag:s13] =	ssyncadd.s32 $0xFFFFD000  }
0x189: {  	[tilespmem:s30], [sflag:$0x1] =	stream.indirect.gather [hbm4b:s0+s2], $0x80, s26, s2, $0xb8;
	[tilespmem:$0x1EC80] =	vst v63  }
0x18a: {  	_ = 	snop  }
0x18b: {  	[spmem:s4] =	stream.indirect.scatter.add.f32 [tilespmem:s10], [sflag:$0x7], $0x1, s25, s2, $0xb8;
	[tilespmem:$0x1EC80] =	vst v63  }
0x18c: {  	_ =	swait.ge [sflag:s29], $0x60  }
0x18d: {  	[sflag:s29] =	ssyncset.done $0x0  }
0x18e: {  	[sflag:s29] =	ssyncadd.s32 $0xFFFFFFA0  }
0x18f: {  	_ =	swait.ge [sflag:s15], $0x3000  }
0x190: {  	[sflag:s15] =	ssyncset.done $0x0  }
0x191: {  	s25 =	simm.s32 $0xE80;
	[sflag:s15] =	ssyncadd.s32 $0xFFFFD000  }
0x192: {  	[spmem:s3] =	stream.indirect.scatter.add.f32 [tilespmem:s9], [sflag:$0x6], $0x80, s25, s2, $0xb8;
	[tilespmem:$0x1EC80] =	vst v63  }
0x193: {  	_ =	swait.ge [sflag:s17], $0x3000  }
0x194: {  	[sflag:s17] =	ssyncset.done $0x0  }
0x195: {  	s26 =	simm.s32 $0x380;
	[sflag:s17] =	ssyncadd.s32 $0xFFFFD000  }
0x196: {  	[tilespmem:s28], [sflag:$0x2] =	stream.indirect.gather [hbm4b:s0+s2], $0x80, s26, s2, $0xb8;
	[tilespmem:$0x1EC80] =	vst v63  }
0x197: {  	_ = 	snop  }
0x198: {  	[spmem:s4] =	stream.indirect.scatter.add.f32 [tilespmem:s10], [sflag:$0x7], $0x1, s25, s2, $0xb8;
	[tilespmem:$0x1EC80] =	vst v63  }
0x199: {  	_ =	swait.ge [sflag:s29], $0x60  }
0x19a: {  	s25 =	simm.s32 $0x600;
	[sflag:s29] =	ssyncset.done $0x0  }
.LBB2_6:
0x19b: {  	[sflag:s29] =	ssyncadd.s32 $0xFFFFFFA0;
	s5 =	smov.u32 s25;
	s25 =	sadd.s32 $0x600, s25  }
0x19c: {  	p0 =	sne.s32 s25, $0x2400  }
0x19d: {  	_ =	swait.ge [sflag:s7], $0x3000  }
0x19e: {  	s26 =	sshra.s32 s5, $0x2;
	[sflag:s7] =	ssyncset.done $0x0  }
0x19f: {  	s5 =	sadd.s32 $0xD80, s26;
	[sflag:s7] =	ssyncadd.s32 $0xFFFFD000  }
0x1a0: {  	[spmem:s3] =	stream.indirect.scatter.add.f32 [tilespmem:s30], [sflag:$0x4], $0x80, s5, s2, $0xb8;
	[tilespmem:$0x1EC80] =	vst v63  }
0x1a1: {  	_ =	swait.ge [sflag:s19], $0x3000  }
0x1a2: {  	[sflag:s19] =	ssyncset.done $0x0  }
0x1a3: {  	s22 =	sadd.s32 $0x280, s26;
	[sflag:s19] =	ssyncadd.s32 $0xFFFFD000  }
0x1a4: {  	[tilespmem:s9], [sflag:$0x3] =	stream.indirect.gather [hbm4b:s0+s2], $0x80, s22, s2, $0xb8;
	[tilespmem:$0x1EC80] =	vst v63  }
0x1a5: {  	_ = 	snop  }
0x1a6: {  	[spmem:s4] =	stream.indirect.scatter.add.f32 [tilespmem:s10], [sflag:$0x7], $0x1, s5, s2, $0xb8;
	[tilespmem:$0x1EC80] =	vst v63  }
0x1a7: {  	_ =	swait.ge [sflag:s29], $0x60  }
0x1a8: {  	[sflag:s29] =	ssyncset.done $0x0  }
0x1a9: {  	[sflag:s29] =	ssyncadd.s32 $0xFFFFFFA0  }
0x1aa: {  	_ =	swait.ge [sflag:s11], $0x3000  }
0x1ab: {  	[sflag:s11] =	ssyncset.done $0x0  }
0x1ac: {  	s5 =	sadd.s32 $0xE00, s26;
	[sflag:s11] =	ssyncadd.s32 $0xFFFFD000  }
0x1ad: {  	[spmem:s3] =	stream.indirect.scatter.add.f32 [tilespmem:s28], [sflag:$0x5], $0x80, s5, s2, $0xb8;
	[tilespmem:$0x1EC80] =	vst v63  }
0x1ae: {  	_ =	swait.ge [sflag:s13], $0x3000  }
0x1af: {  	[sflag:s13] =	ssyncset.done $0x0  }
0x1b0: {  	s22 =	sadd.s32 $0x300, s26;
	[sflag:s13] =	ssyncadd.s32 $0xFFFFD000  }
0x1b1: {  	[tilespmem:s30], [sflag:$0x1] =	stream.indirect.gather [hbm4b:s0+s2], $0x80, s22, s2, $0xb8;
	[tilespmem:$0x1EC80] =	vst v63  }
0x1b2: {  	_ = 	snop  }
0x1b3: {  	[spmem:s4] =	stream.indirect.scatter.add.f32 [tilespmem:s10], [sflag:$0x7], $0x1, s5, s2, $0xb8;
	[tilespmem:$0x1EC80] =	vst v63  }
0x1b4: {  	_ =	swait.ge [sflag:s29], $0x60  }
0x1b5: {  	[sflag:s29] =	ssyncset.done $0x0  }
0x1b6: {  	[sflag:s29] =	ssyncadd.s32 $0xFFFFFFA0  }
0x1b7: {  	_ =	swait.ge [sflag:s15], $0x3000  }
0x1b8: {  	[sflag:s15] =	ssyncset.done $0x0  }
0x1b9: {  	s5 =	sadd.s32 $0xE80, s26;
	[sflag:s15] =	ssyncadd.s32 $0xFFFFD000  }
0x1ba: {  	[spmem:s3] =	stream.indirect.scatter.add.f32 [tilespmem:s9], [sflag:$0x6], $0x80, s5, s2, $0xb8;
	[tilespmem:$0x1EC80] =	vst v63  }
0x1bb: {  	_ =	swait.ge [sflag:s17], $0x3000  }
0x1bc: {  	[sflag:s17] =	ssyncset.done $0x0  }
0x1bd: {  	s22 =	sadd.s32 $0x380, s26;
	[sflag:s17] =	ssyncadd.s32 $0xFFFFD000  }
0x1be: {  	[tilespmem:s28], [sflag:$0x2] =	stream.indirect.gather [hbm4b:s0+s2], $0x80, s22, s2, $0xb8;
	[tilespmem:$0x1EC80] =	vst v63  }
.Ltmp2:
0x1bf: {  	_ = 	snop;
	(pc) =	sbr.rel @p0 .LBB2_6-.Ltmp2, $4  }
0x1c0: {  	_ = 	snop  }
0x1c1: {  	[spmem:s4] =	stream.indirect.scatter.add.f32 [tilespmem:s10], [sflag:$0x7], $0x1, s5, s2, $0xb8;
	[tilespmem:$0x1EC80] =	vst v63  }
0x1c2: {  	_ =	swait.ge [sflag:s29], $0x60  }
0x1c3: {  	[sflag:s29] =	ssyncset.done $0x0  }
0x1c4: {  	[sflag:s29] =	ssyncadd.s32 $0xFFFFFFA0  }
0x1c5: {  	_ =	swait.ge [sflag:s7], $0x3000  }
0x1c6: {  	s5 =	sshra.s32 s25, $0x2;
	[sflag:s7] =	ssyncset.done $0x0  }
0x1c7: {  	s22 =	sadd.s32 $0xD80, s5;
	[sflag:s7] =	ssyncadd.s32 $0xFFFFD000  }
0x1c8: {  	[spmem:s3] =	stream.indirect.scatter.add.f32 [tilespmem:s30], [sflag:$0x4], $0x80, s22, s2, $0xb8;
	[tilespmem:$0x1EC80] =	vst v63  }
0x1c9: {  	_ =	swait.ge [sflag:s19], $0x3000  }
0x1ca: {  	[sflag:s19] =	ssyncset.done $0x0  }
0x1cb: {  	[sflag:s19] =	ssyncadd.s32 $0xFFFFD000  }
0x1cc: {  	[tilespmem:s9], [sflag:$0x3] =	stream.indirect.gather [hbm4b:s0+s2], $0x80, s20, s2, $0xb8;
	[tilespmem:$0x1EC80] =	vst v63  }
0x1cd: {  	_ = 	snop  }
0x1ce: {  	[spmem:s4] =	stream.indirect.scatter.add.f32 [tilespmem:s10], [sflag:$0x7], $0x1, s22, s2, $0xb8;
	[tilespmem:$0x1EC80] =	vst v63  }
0x1cf: {  	_ =	swait.ge [sflag:s29], $0x60  }
0x1d0: {  	[sflag:s29] =	ssyncset.done $0x0  }
0x1d1: {  	[sflag:s29] =	ssyncadd.s32 $0xFFFFFFA0  }
0x1d2: {  	_ =	swait.ge [sflag:s11], $0x3000  }
0x1d3: {  	[sflag:s11] =	ssyncset.done $0x0  }
0x1d4: {  	s5 =	sadd.s32 $0xE00, s5;
	[sflag:s11] =	ssyncadd.s32 $0xFFFFD000  }
0x1d5: {  	[spmem:s3] =	stream.indirect.scatter.add.f32 [tilespmem:s28], [sflag:$0x5], $0x80, s5, s2, $0xb8;
	[tilespmem:$0x1EC80] =	vst v63  }
0x1d6: {  	_ = 	snop  }
0x1d7: {  	[spmem:s4] =	stream.indirect.scatter.add.f32 [tilespmem:s10], [sflag:$0x7], $0x1, s5, s2, $0xb8;
	[tilespmem:$0x1EC80] =	vst v63  }
0x1d8: {  	_ =	swait.ge [sflag:s29], $0x60  }
0x1d9: {  	[sflag:s29] =	ssyncset.done $0x0  }
0x1da: {  	[sflag:s29] =	ssyncadd.s32 $0xFFFFFFA0  }
0x1db: {  	_ =	swait.ge [sflag:s15], $0x3000  }
0x1dc: {  	[sflag:s15] =	ssyncset.done $0x0  }
0x1dd: {  	[sflag:s15] =	ssyncadd.s32 $0xFFFFD000  }
0x1de: {  	[spmem:s3] =	stream.indirect.scatter.add.f32 [tilespmem:s9], [sflag:$0x6], $0x80, s21, s2, $0xb8;
	[tilespmem:$0x1EC80] =	vst v63  }
0x1df: {  	_ = 	snop  }
0x1e0: {  	[spmem:s4] =	stream.indirect.scatter.add.f32 [tilespmem:s10], [sflag:$0x7], $0x1, s21, s2, $0xb8;
	[tilespmem:$0x1EC80] =	vst v63  }
0x1e1: {  	_ =	swait.ge [sflag:s29], $0x60  }
0x1e2: {  	[sflag:s29] =	ssyncset.done $0x0  }
0x1e3: {  	[sflag:s29] =	ssyncadd.s32 $0xFFFFFFA0  }
0x1e4: {  	_ =	swait.ge [sflag:s13], $0x3000  }
0x1e5: {  	[sflag:s13] =	ssyncset.done $0x0  }
0x1e6: {  	[sflag:s13] =	ssyncadd.s32 $0xFFFFD000  }
0x1e7: {  	_ =	swait.ge [sflag:s17], $0x3000  }
0x1e8: {  	[sflag:s17] =	ssyncset.done $0x0  }
0x1e9: {  	[sflag:s17] =	ssyncadd.s32 $0xFFFFD000  }
0x1ea: {  	_ =	swait.ge [sflag:s19], $0x3000  }
0x1eb: {  	[sflag:s19] =	ssyncset.done $0x0  }
0x1ec: {  	s5 =	simm.s32 $0x0;
	s25 =	rddreg [dreg:$0xf];
	[sflag:s19] =	ssyncadd.s32 $0xFFFFD000  }
0x1ed: {  	[tilespmem:s5], [sflag:$0x7] =	stream.linear.gather [hbm4b:s25+s5], $0xC00, $0x38;
	[tilespmem:$0x1EC80] =	vst v63  }
0x1ee: {  	_ =	swait.ge [sflag:s29], $0xC00  }
0x1ef: {  	[sflag:s29] =	ssyncset.done $0x0  }
0x1f0: {  	s26 =	rddreg [dreg:$0x10];
	[sflag:s29] =	ssyncadd.s32 $0xFFFFF400  }
0x1f1: {  	[tilespmem:s31], [sflag:$0x7] =	stream.linear.gather [hbm4b:s26+s5], $0xC00, $0x38;
	[tilespmem:$0x1EC80] =	vst v63  }
0x1f2: {  	_ =	swait.ge [sflag:s29], $0xC00  }
0x1f3: {  	[sflag:s29] =	ssyncset.done $0x0  }
0x1f4: {  	[sflag:s29] =	ssyncadd.s32 $0xFFFFF400  }
0x1f5: {  	[tilespmem:s30], [sflag:$0x1] =	stream.indirect.gather [hbm4b:s0+s2], $0x80, s5, s2, $0xb8;
	[tilespmem:$0x1EC80] =	vst v63  }
0x1f6: {  	_ = 	snop  }
0x1f7: {  	[tilespmem:s28], [sflag:$0x2] =	stream.indirect.gather [hbm4b:s0+s2], $0x80, s1, s2, $0xb8;
	[tilespmem:$0x1EC80] =	vst v63  }
0x1f8: {  	_ =	swait.ge [sflag:s7], $0x3000  }
0x1f9: {  	[sflag:s7] =	ssyncset.done $0x0  }
0x1fa: {  	[sflag:s7] =	ssyncadd.s32 $0xFFFFD000  }
0x1fb: {  	[spmem:s3] =	stream.indirect.scatter.add.f32 [tilespmem:s30], [sflag:$0x4], $0x80, s31, s2, $0xb8;
	[tilespmem:$0x1EC80] =	vst v63  }
0x1fc: {  	_ = 	snop  }
0x1fd: {  	[tilespmem:s9], [sflag:$0x3] =	stream.indirect.gather [hbm4b:s0+s2], $0x80, s8, s2, $0xb8;
	[tilespmem:$0x1EC80] =	vst v63  }
0x1fe: {  	_ = 	snop  }
0x1ff: {  	[spmem:s4] =	stream.indirect.scatter.add.f32 [tilespmem:s10], [sflag:$0x7], $0x1, s31, s2, $0xb8;
	[tilespmem:$0x1EC80] =	vst v63  }
0x200: {  	_ =	swait.ge [sflag:s29], $0x60  }
0x201: {  	[sflag:s29] =	ssyncset.done $0x0  }
0x202: {  	[sflag:s29] =	ssyncadd.s32 $0xFFFFFFA0  }
0x203: {  	_ =	swait.ge [sflag:s11], $0x3000  }
0x204: {  	[sflag:s11] =	ssyncset.done $0x0  }
0x205: {  	[sflag:s11] =	ssyncadd.s32 $0xFFFFD000  }
0x206: {  	[spmem:s3] =	stream.indirect.scatter.add.f32 [tilespmem:s28], [sflag:$0x5], $0x80, s12, s2, $0xb8;
	[tilespmem:$0x1EC80] =	vst v63  }
0x207: {  	_ =	swait.ge [sflag:s13], $0x3000  }
0x208: {  	[sflag:s13] =	ssyncset.done $0x0  }
0x209: {  	[sflag:s13] =	ssyncadd.s32 $0xFFFFD000  }
0x20a: {  	[tilespmem:s30], [sflag:$0x1] =	stream.indirect.gather [hbm4b:s0+s2], $0x80, s14, s2, $0xb8;
	[tilespmem:$0x1EC80] =	vst v63  }
0x20b: {  	_ = 	snop  }
0x20c: {  	[spmem:s4] =	stream.indirect.scatter.add.f32 [tilespmem:s10], [sflag:$0x7], $0x1, s12, s2, $0xb8;
	[tilespmem:$0x1EC80] =	vst v63  }
0x20d: {  	_ =	swait.ge [sflag:s29], $0x60  }
0x20e: {  	[sflag:s29] =	ssyncset.done $0x0  }
0x20f: {  	[sflag:s29] =	ssyncadd.s32 $0xFFFFFFA0  }
0x210: {  	_ =	swait.ge [sflag:s15], $0x3000  }
0x211: {  	[sflag:s15] =	ssyncset.done $0x0  }
0x212: {  	[sflag:s15] =	ssyncadd.s32 $0xFFFFD000  }
0x213: {  	[spmem:s3] =	stream.indirect.scatter.add.f32 [tilespmem:s9], [sflag:$0x6], $0x80, s16, s2, $0xb8;
	[tilespmem:$0x1EC80] =	vst v63  }
0x214: {  	_ =	swait.ge [sflag:s17], $0x3000  }
0x215: {  	[sflag:s17] =	ssyncset.done $0x0  }
0x216: {  	[sflag:s17] =	ssyncadd.s32 $0xFFFFD000  }
0x217: {  	[tilespmem:s28], [sflag:$0x2] =	stream.indirect.gather [hbm4b:s0+s2], $0x80, s18, s2, $0xb8;
	[tilespmem:$0x1EC80] =	vst v63  }
0x218: {  	_ = 	snop  }
0x219: {  	[spmem:s4] =	stream.indirect.scatter.add.f32 [tilespmem:s10], [sflag:$0x7], $0x1, s16, s2, $0xb8;
	[tilespmem:$0x1EC80] =	vst v63  }
0x21a: {  	_ =	swait.ge [sflag:s29], $0x60  }
0x21b: {  	[sflag:s29] =	ssyncset.done $0x0  }
0x21c: {  	[sflag:s29] =	ssyncadd.s32 $0xFFFFFFA0  }
0x21d: {  	_ =	swait.ge [sflag:s7], $0x3000  }
0x21e: {  	[sflag:s7] =	ssyncset.done $0x0  }
0x21f: {  	s25 =	simm.s32 $0xD80;
	[sflag:s7] =	ssyncadd.s32 $0xFFFFD000  }
0x220: {  	[spmem:s3] =	stream.indirect.scatter.add.f32 [tilespmem:s30], [sflag:$0x4], $0x80, s25, s2, $0xb8;
	[tilespmem:$0x1EC80] =	vst v63  }
0x221: {  	_ =	swait.ge [sflag:s19], $0x3000  }
0x222: {  	[sflag:s19] =	ssyncset.done $0x0  }
0x223: {  	s26 =	simm.s32 $0x280;
	[sflag:s19] =	ssyncadd.s32 $0xFFFFD000  }
0x224: {  	[tilespmem:s9], [sflag:$0x3] =	stream.indirect.gather [hbm4b:s0+s2], $0x80, s26, s2, $0xb8;
	[tilespmem:$0x1EC80] =	vst v63  }
0x225: {  	_ = 	snop  }
0x226: {  	[spmem:s4] =	stream.indirect.scatter.add.f32 [tilespmem:s10], [sflag:$0x7], $0x1, s25, s2, $0xb8;
	[tilespmem:$0x1EC80] =	vst v63  }
0x227: {  	_ =	swait.ge [sflag:s29], $0x60  }
0x228: {  	[sflag:s29] =	ssyncset.done $0x0  }
0x229: {  	[sflag:s29] =	ssyncadd.s32 $0xFFFFFFA0  }
0x22a: {  	_ =	swait.ge [sflag:s11], $0x3000  }
0x22b: {  	[sflag:s11] =	ssyncset.done $0x0  }
0x22c: {  	s25 =	simm.s32 $0xE00;
	[sflag:s11] =	ssyncadd.s32 $0xFFFFD000  }
0x22d: {  	[spmem:s3] =	stream.indirect.scatter.add.f32 [tilespmem:s28], [sflag:$0x5], $0x80, s25, s2, $0xb8;
	[tilespmem:$0x1EC80] =	vst v63  }
0x22e: {  	_ =	swait.ge [sflag:s13], $0x3000  }
0x22f: {  	[sflag:s13] =	ssyncset.done $0x0  }
0x230: {  	s26 =	simm.s32 $0x300;
	[sflag:s13] =	ssyncadd.s32 $0xFFFFD000  }
0x231: {  	[tilespmem:s30], [sflag:$0x1] =	stream.indirect.gather [hbm4b:s0+s2], $0x80, s26, s2, $0xb8;
	[tilespmem:$0x1EC80] =	vst v63  }
0x232: {  	_ = 	snop  }
0x233: {  	[spmem:s4] =	stream.indirect.scatter.add.f32 [tilespmem:s10], [sflag:$0x7], $0x1, s25, s2, $0xb8;
	[tilespmem:$0x1EC80] =	vst v63  }
0x234: {  	_ =	swait.ge [sflag:s29], $0x60  }
0x235: {  	[sflag:s29] =	ssyncset.done $0x0  }
0x236: {  	[sflag:s29] =	ssyncadd.s32 $0xFFFFFFA0  }
0x237: {  	_ =	swait.ge [sflag:s15], $0x3000  }
0x238: {  	[sflag:s15] =	ssyncset.done $0x0  }
0x239: {  	s25 =	simm.s32 $0xE80;
	[sflag:s15] =	ssyncadd.s32 $0xFFFFD000  }
0x23a: {  	[spmem:s3] =	stream.indirect.scatter.add.f32 [tilespmem:s9], [sflag:$0x6], $0x80, s25, s2, $0xb8;
	[tilespmem:$0x1EC80] =	vst v63  }
0x23b: {  	_ =	swait.ge [sflag:s17], $0x3000  }
0x23c: {  	[sflag:s17] =	ssyncset.done $0x0  }
0x23d: {  	s26 =	simm.s32 $0x380;
	[sflag:s17] =	ssyncadd.s32 $0xFFFFD000  }
0x23e: {  	[tilespmem:s28], [sflag:$0x2] =	stream.indirect.gather [hbm4b:s0+s2], $0x80, s26, s2, $0xb8;
	[tilespmem:$0x1EC80] =	vst v63  }
0x23f: {  	_ = 	snop  }
0x240: {  	[spmem:s4] =	stream.indirect.scatter.add.f32 [tilespmem:s10], [sflag:$0x7], $0x1, s25, s2, $0xb8;
	[tilespmem:$0x1EC80] =	vst v63  }
0x241: {  	_ =	swait.ge [sflag:s29], $0x60  }
0x242: {  	s25 =	simm.s32 $0x600;
	[sflag:s29] =	ssyncset.done $0x0  }
.LBB2_8:
0x243: {  	[sflag:s29] =	ssyncadd.s32 $0xFFFFFFA0;
	s5 =	smov.u32 s25;
	s25 =	sadd.s32 $0x600, s25  }
0x244: {  	p0 =	sne.s32 s25, $0x2400  }
0x245: {  	_ =	swait.ge [sflag:s7], $0x3000  }
0x246: {  	s26 =	sshra.s32 s5, $0x2;
	[sflag:s7] =	ssyncset.done $0x0  }
0x247: {  	s5 =	sadd.s32 $0xD80, s26;
	[sflag:s7] =	ssyncadd.s32 $0xFFFFD000  }
0x248: {  	[spmem:s3] =	stream.indirect.scatter.add.f32 [tilespmem:s30], [sflag:$0x4], $0x80, s5, s2, $0xb8;
	[tilespmem:$0x1EC80] =	vst v63  }
0x249: {  	_ =	swait.ge [sflag:s19], $0x3000  }
0x24a: {  	[sflag:s19] =	ssyncset.done $0x0  }
0x24b: {  	s22 =	sadd.s32 $0x280, s26;
	[sflag:s19] =	ssyncadd.s32 $0xFFFFD000  }
0x24c: {  	[tilespmem:s9], [sflag:$0x3] =	stream.indirect.gather [hbm4b:s0+s2], $0x80, s22, s2, $0xb8;
	[tilespmem:$0x1EC80] =	vst v63  }
0x24d: {  	_ = 	snop  }
0x24e: {  	[spmem:s4] =	stream.indirect.scatter.add.f32 [tilespmem:s10], [sflag:$0x7], $0x1, s5, s2, $0xb8;
	[tilespmem:$0x1EC80] =	vst v63  }
0x24f: {  	_ =	swait.ge [sflag:s29], $0x60  }
0x250: {  	[sflag:s29] =	ssyncset.done $0x0  }
0x251: {  	[sflag:s29] =	ssyncadd.s32 $0xFFFFFFA0  }
0x252: {  	_ =	swait.ge [sflag:s11], $0x3000  }
0x253: {  	[sflag:s11] =	ssyncset.done $0x0  }
0x254: {  	s5 =	sadd.s32 $0xE00, s26;
	[sflag:s11] =	ssyncadd.s32 $0xFFFFD000  }
0x255: {  	[spmem:s3] =	stream.indirect.scatter.add.f32 [tilespmem:s28], [sflag:$0x5], $0x80, s5, s2, $0xb8;
	[tilespmem:$0x1EC80] =	vst v63  }
0x256: {  	_ =	swait.ge [sflag:s13], $0x3000  }
0x257: {  	[sflag:s13] =	ssyncset.done $0x0  }
0x258: {  	s22 =	sadd.s32 $0x300, s26;
	[sflag:s13] =	ssyncadd.s32 $0xFFFFD000  }
0x259: {  	[tilespmem:s30], [sflag:$0x1] =	stream.indirect.gather [hbm4b:s0+s2], $0x80, s22, s2, $0xb8;
	[tilespmem:$0x1EC80] =	vst v63  }
0x25a: {  	_ = 	snop  }
0x25b: {  	[spmem:s4] =	stream.indirect.scatter.add.f32 [tilespmem:s10], [sflag:$0x7], $0x1, s5, s2, $0xb8;
	[tilespmem:$0x1EC80] =	vst v63  }
0x25c: {  	_ =	swait.ge [sflag:s29], $0x60  }
0x25d: {  	[sflag:s29] =	ssyncset.done $0x0  }
0x25e: {  	[sflag:s29] =	ssyncadd.s32 $0xFFFFFFA0  }
0x25f: {  	_ =	swait.ge [sflag:s15], $0x3000  }
0x260: {  	[sflag:s15] =	ssyncset.done $0x0  }
0x261: {  	s5 =	sadd.s32 $0xE80, s26;
	[sflag:s15] =	ssyncadd.s32 $0xFFFFD000  }
0x262: {  	[spmem:s3] =	stream.indirect.scatter.add.f32 [tilespmem:s9], [sflag:$0x6], $0x80, s5, s2, $0xb8;
	[tilespmem:$0x1EC80] =	vst v63  }
0x263: {  	_ =	swait.ge [sflag:s17], $0x3000  }
0x264: {  	[sflag:s17] =	ssyncset.done $0x0  }
0x265: {  	s22 =	sadd.s32 $0x380, s26;
	[sflag:s17] =	ssyncadd.s32 $0xFFFFD000  }
0x266: {  	[tilespmem:s28], [sflag:$0x2] =	stream.indirect.gather [hbm4b:s0+s2], $0x80, s22, s2, $0xb8;
	[tilespmem:$0x1EC80] =	vst v63  }
.Ltmp3:
0x267: {  	_ = 	snop;
	(pc) =	sbr.rel @p0 .LBB2_8-.Ltmp3, $4  }
0x268: {  	_ = 	snop  }
0x269: {  	[spmem:s4] =	stream.indirect.scatter.add.f32 [tilespmem:s10], [sflag:$0x7], $0x1, s5, s2, $0xb8;
	[tilespmem:$0x1EC80] =	vst v63  }
0x26a: {  	_ =	swait.ge [sflag:s29], $0x60  }
0x26b: {  	[sflag:s29] =	ssyncset.done $0x0  }
0x26c: {  	[sflag:s29] =	ssyncadd.s32 $0xFFFFFFA0  }
0x26d: {  	_ =	swait.ge [sflag:s7], $0x3000  }
0x26e: {  	s5 =	sshra.s32 s25, $0x2;
	[sflag:s7] =	ssyncset.done $0x0  }
0x26f: {  	s22 =	sadd.s32 $0xD80, s5;
	[sflag:s7] =	ssyncadd.s32 $0xFFFFD000  }
0x270: {  	[spmem:s3] =	stream.indirect.scatter.add.f32 [tilespmem:s30], [sflag:$0x4], $0x80, s22, s2, $0xb8;
	[tilespmem:$0x1EC80] =	vst v63  }
0x271: {  	_ =	swait.ge [sflag:s19], $0x3000  }
0x272: {  	[sflag:s19] =	ssyncset.done $0x0  }
0x273: {  	[sflag:s19] =	ssyncadd.s32 $0xFFFFD000  }
0x274: {  	[tilespmem:s9], [sflag:$0x3] =	stream.indirect.gather [hbm4b:s0+s2], $0x80, s20, s2, $0xb8;
	[tilespmem:$0x1EC80] =	vst v63  }
0x275: {  	_ = 	snop  }
0x276: {  	[spmem:s4] =	stream.indirect.scatter.add.f32 [tilespmem:s10], [sflag:$0x7], $0x1, s22, s2, $0xb8;
	[tilespmem:$0x1EC80] =	vst v63  }
0x277: {  	_ =	swait.ge [sflag:s29], $0x60  }
0x278: {  	[sflag:s29] =	ssyncset.done $0x0  }
0x279: {  	[sflag:s29] =	ssyncadd.s32 $0xFFFFFFA0  }
0x27a: {  	_ =	swait.ge [sflag:s11], $0x3000  }
0x27b: {  	[sflag:s11] =	ssyncset.done $0x0  }
0x27c: {  	s5 =	sadd.s32 $0xE00, s5;
	[sflag:s11] =	ssyncadd.s32 $0xFFFFD000  }
0x27d: {  	[spmem:s3] =	stream.indirect.scatter.add.f32 [tilespmem:s28], [sflag:$0x5], $0x80, s5, s2, $0xb8;
	[tilespmem:$0x1EC80] =	vst v63  }
0x27e: {  	_ = 	snop  }
0x27f: {  	[spmem:s4] =	stream.indirect.scatter.add.f32 [tilespmem:s10], [sflag:$0x7], $0x1, s5, s2, $0xb8;
	[tilespmem:$0x1EC80] =	vst v63  }
0x280: {  	_ =	swait.ge [sflag:s29], $0x60  }
0x281: {  	[sflag:s29] =	ssyncset.done $0x0  }
0x282: {  	[sflag:s29] =	ssyncadd.s32 $0xFFFFFFA0  }
0x283: {  	_ =	swait.ge [sflag:s15], $0x3000  }
0x284: {  	[sflag:s15] =	ssyncset.done $0x0  }
0x285: {  	[sflag:s15] =	ssyncadd.s32 $0xFFFFD000  }
0x286: {  	[spmem:s3] =	stream.indirect.scatter.add.f32 [tilespmem:s9], [sflag:$0x6], $0x80, s21, s2, $0xb8;
	[tilespmem:$0x1EC80] =	vst v63  }
0x287: {  	_ = 	snop  }
0x288: {  	[spmem:s4] =	stream.indirect.scatter.add.f32 [tilespmem:s10], [sflag:$0x7], $0x1, s21, s2, $0xb8;
	[tilespmem:$0x1EC80] =	vst v63  }
0x289: {  	_ =	swait.ge [sflag:s29], $0x60  }
0x28a: {  	[sflag:s29] =	ssyncset.done $0x0  }
0x28b: {  	[sflag:s29] =	ssyncadd.s32 $0xFFFFFFA0  }
0x28c: {  	_ =	swait.ge [sflag:s13], $0x3000  }
0x28d: {  	[sflag:s13] =	ssyncset.done $0x0  }
0x28e: {  	[sflag:s13] =	ssyncadd.s32 $0xFFFFD000  }
0x28f: {  	_ =	swait.ge [sflag:s17], $0x3000  }
0x290: {  	[sflag:s17] =	ssyncset.done $0x0  }
0x291: {  	[sflag:s17] =	ssyncadd.s32 $0xFFFFD000  }
0x292: {  	_ =	swait.ge [sflag:s19], $0x3000  }
0x293: {  	[sflag:s19] =	ssyncset.done $0x0  }
0x294: {  	s5 =	simm.s32 $0x0;
	s25 =	rddreg [dreg:$0x11];
	[sflag:s19] =	ssyncadd.s32 $0xFFFFD000  }
0x295: {  	[tilespmem:s5], [sflag:$0x7] =	stream.linear.gather [hbm4b:s25+s5], $0xC00, $0x38;
	[tilespmem:$0x1EC80] =	vst v63  }
0x296: {  	_ =	swait.ge [sflag:s29], $0xC00  }
0x297: {  	[sflag:s29] =	ssyncset.done $0x0  }
0x298: {  	s26 =	rddreg [dreg:$0x12];
	[sflag:s29] =	ssyncadd.s32 $0xFFFFF400  }
0x299: {  	[tilespmem:s31], [sflag:$0x7] =	stream.linear.gather [hbm4b:s26+s5], $0xC00, $0x38;
	[tilespmem:$0x1EC80] =	vst v63  }
0x29a: {  	_ =	swait.ge [sflag:s29], $0xC00  }
0x29b: {  	[sflag:s29] =	ssyncset.done $0x0  }
0x29c: {  	[sflag:s29] =	ssyncadd.s32 $0xFFFFF400  }
0x29d: {  	[tilespmem:s30], [sflag:$0x1] =	stream.indirect.gather [hbm4b:s0+s2], $0x80, s5, s2, $0xb8;
	[tilespmem:$0x1EC80] =	vst v63  }
0x29e: {  	_ = 	snop  }
0x29f: {  	[tilespmem:s28], [sflag:$0x2] =	stream.indirect.gather [hbm4b:s0+s2], $0x80, s1, s2, $0xb8;
	[tilespmem:$0x1EC80] =	vst v63  }
0x2a0: {  	_ =	swait.ge [sflag:s7], $0x3000  }
0x2a1: {  	[sflag:s7] =	ssyncset.done $0x0  }
0x2a2: {  	[sflag:s7] =	ssyncadd.s32 $0xFFFFD000  }
0x2a3: {  	[spmem:s3] =	stream.indirect.scatter.add.f32 [tilespmem:s30], [sflag:$0x4], $0x80, s31, s2, $0xb8;
	[tilespmem:$0x1EC80] =	vst v63  }
0x2a4: {  	_ = 	snop  }
0x2a5: {  	[tilespmem:s9], [sflag:$0x3] =	stream.indirect.gather [hbm4b:s0+s2], $0x80, s8, s2, $0xb8;
	[tilespmem:$0x1EC80] =	vst v63  }
0x2a6: {  	_ = 	snop  }
0x2a7: {  	[spmem:s4] =	stream.indirect.scatter.add.f32 [tilespmem:s10], [sflag:$0x7], $0x1, s31, s2, $0xb8;
	[tilespmem:$0x1EC80] =	vst v63  }
0x2a8: {  	_ =	swait.ge [sflag:s29], $0x60  }
0x2a9: {  	[sflag:s29] =	ssyncset.done $0x0  }
0x2aa: {  	[sflag:s29] =	ssyncadd.s32 $0xFFFFFFA0  }
0x2ab: {  	_ =	swait.ge [sflag:s11], $0x3000  }
0x2ac: {  	[sflag:s11] =	ssyncset.done $0x0  }
0x2ad: {  	[sflag:s11] =	ssyncadd.s32 $0xFFFFD000  }
0x2ae: {  	[spmem:s3] =	stream.indirect.scatter.add.f32 [tilespmem:s28], [sflag:$0x5], $0x80, s12, s2, $0xb8;
	[tilespmem:$0x1EC80] =	vst v63  }
0x2af: {  	_ =	swait.ge [sflag:s13], $0x3000  }
0x2b0: {  	[sflag:s13] =	ssyncset.done $0x0  }
0x2b1: {  	[sflag:s13] =	ssyncadd.s32 $0xFFFFD000  }
0x2b2: {  	[tilespmem:s30], [sflag:$0x1] =	stream.indirect.gather [hbm4b:s0+s2], $0x80, s14, s2, $0xb8;
	[tilespmem:$0x1EC80] =	vst v63  }
0x2b3: {  	_ = 	snop  }
0x2b4: {  	[spmem:s4] =	stream.indirect.scatter.add.f32 [tilespmem:s10], [sflag:$0x7], $0x1, s12, s2, $0xb8;
	[tilespmem:$0x1EC80] =	vst v63  }
0x2b5: {  	_ =	swait.ge [sflag:s29], $0x60  }
0x2b6: {  	[sflag:s29] =	ssyncset.done $0x0  }
0x2b7: {  	[sflag:s29] =	ssyncadd.s32 $0xFFFFFFA0  }
0x2b8: {  	_ =	swait.ge [sflag:s15], $0x3000  }
0x2b9: {  	[sflag:s15] =	ssyncset.done $0x0  }
0x2ba: {  	[sflag:s15] =	ssyncadd.s32 $0xFFFFD000  }
0x2bb: {  	[spmem:s3] =	stream.indirect.scatter.add.f32 [tilespmem:s9], [sflag:$0x6], $0x80, s16, s2, $0xb8;
	[tilespmem:$0x1EC80] =	vst v63  }
0x2bc: {  	_ =	swait.ge [sflag:s17], $0x3000  }
0x2bd: {  	[sflag:s17] =	ssyncset.done $0x0  }
0x2be: {  	[sflag:s17] =	ssyncadd.s32 $0xFFFFD000  }
0x2bf: {  	[tilespmem:s28], [sflag:$0x2] =	stream.indirect.gather [hbm4b:s0+s2], $0x80, s18, s2, $0xb8;
	[tilespmem:$0x1EC80] =	vst v63  }
0x2c0: {  	_ = 	snop  }
0x2c1: {  	[spmem:s4] =	stream.indirect.scatter.add.f32 [tilespmem:s10], [sflag:$0x7], $0x1, s16, s2, $0xb8;
	[tilespmem:$0x1EC80] =	vst v63  }
0x2c2: {  	_ =	swait.ge [sflag:s29], $0x60  }
0x2c3: {  	[sflag:s29] =	ssyncset.done $0x0  }
0x2c4: {  	[sflag:s29] =	ssyncadd.s32 $0xFFFFFFA0  }
0x2c5: {  	_ =	swait.ge [sflag:s7], $0x3000  }
0x2c6: {  	[sflag:s7] =	ssyncset.done $0x0  }
0x2c7: {  	s25 =	simm.s32 $0xD80;
	[sflag:s7] =	ssyncadd.s32 $0xFFFFD000  }
0x2c8: {  	[spmem:s3] =	stream.indirect.scatter.add.f32 [tilespmem:s30], [sflag:$0x4], $0x80, s25, s2, $0xb8;
	[tilespmem:$0x1EC80] =	vst v63  }
0x2c9: {  	_ =	swait.ge [sflag:s19], $0x3000  }
0x2ca: {  	[sflag:s19] =	ssyncset.done $0x0  }
0x2cb: {  	s26 =	simm.s32 $0x280;
	[sflag:s19] =	ssyncadd.s32 $0xFFFFD000  }
0x2cc: {  	[tilespmem:s9], [sflag:$0x3] =	stream.indirect.gather [hbm4b:s0+s2], $0x80, s26, s2, $0xb8;
	[tilespmem:$0x1EC80] =	vst v63  }
0x2cd: {  	_ = 	snop  }
0x2ce: {  	[spmem:s4] =	stream.indirect.scatter.add.f32 [tilespmem:s10], [sflag:$0x7], $0x1, s25, s2, $0xb8;
	[tilespmem:$0x1EC80] =	vst v63  }
0x2cf: {  	_ =	swait.ge [sflag:s29], $0x60  }
0x2d0: {  	[sflag:s29] =	ssyncset.done $0x0  }
0x2d1: {  	[sflag:s29] =	ssyncadd.s32 $0xFFFFFFA0  }
0x2d2: {  	_ =	swait.ge [sflag:s11], $0x3000  }
0x2d3: {  	[sflag:s11] =	ssyncset.done $0x0  }
0x2d4: {  	s25 =	simm.s32 $0xE00;
	[sflag:s11] =	ssyncadd.s32 $0xFFFFD000  }
0x2d5: {  	[spmem:s3] =	stream.indirect.scatter.add.f32 [tilespmem:s28], [sflag:$0x5], $0x80, s25, s2, $0xb8;
	[tilespmem:$0x1EC80] =	vst v63  }
0x2d6: {  	_ =	swait.ge [sflag:s13], $0x3000  }
0x2d7: {  	[sflag:s13] =	ssyncset.done $0x0  }
0x2d8: {  	s26 =	simm.s32 $0x300;
	[sflag:s13] =	ssyncadd.s32 $0xFFFFD000  }
0x2d9: {  	[tilespmem:s30], [sflag:$0x1] =	stream.indirect.gather [hbm4b:s0+s2], $0x80, s26, s2, $0xb8;
	[tilespmem:$0x1EC80] =	vst v63  }
0x2da: {  	_ = 	snop  }
0x2db: {  	[spmem:s4] =	stream.indirect.scatter.add.f32 [tilespmem:s10], [sflag:$0x7], $0x1, s25, s2, $0xb8;
	[tilespmem:$0x1EC80] =	vst v63  }
0x2dc: {  	_ =	swait.ge [sflag:s29], $0x60  }
0x2dd: {  	[sflag:s29] =	ssyncset.done $0x0  }
0x2de: {  	[sflag:s29] =	ssyncadd.s32 $0xFFFFFFA0  }
0x2df: {  	_ =	swait.ge [sflag:s15], $0x3000  }
0x2e0: {  	[sflag:s15] =	ssyncset.done $0x0  }
0x2e1: {  	s25 =	simm.s32 $0xE80;
	[sflag:s15] =	ssyncadd.s32 $0xFFFFD000  }
0x2e2: {  	[spmem:s3] =	stream.indirect.scatter.add.f32 [tilespmem:s9], [sflag:$0x6], $0x80, s25, s2, $0xb8;
	[tilespmem:$0x1EC80] =	vst v63  }
0x2e3: {  	_ =	swait.ge [sflag:s17], $0x3000  }
0x2e4: {  	[sflag:s17] =	ssyncset.done $0x0  }
0x2e5: {  	s26 =	simm.s32 $0x380;
	[sflag:s17] =	ssyncadd.s32 $0xFFFFD000  }
0x2e6: {  	[tilespmem:s28], [sflag:$0x2] =	stream.indirect.gather [hbm4b:s0+s2], $0x80, s26, s2, $0xb8;
	[tilespmem:$0x1EC80] =	vst v63  }
0x2e7: {  	_ = 	snop  }
0x2e8: {  	[spmem:s4] =	stream.indirect.scatter.add.f32 [tilespmem:s10], [sflag:$0x7], $0x1, s25, s2, $0xb8;
	[tilespmem:$0x1EC80] =	vst v63  }
0x2e9: {  	_ =	swait.ge [sflag:s29], $0x60  }
0x2ea: {  	s25 =	simm.s32 $0x600;
	[sflag:s29] =	ssyncset.done $0x0  }
.LBB2_10:
0x2eb: {  	[sflag:s29] =	ssyncadd.s32 $0xFFFFFFA0;
	s5 =	smov.u32 s25;
	s25 =	sadd.s32 $0x600, s25  }
0x2ec: {  	p0 =	sne.s32 s25, $0x2400  }
0x2ed: {  	_ =	swait.ge [sflag:s7], $0x3000  }
0x2ee: {  	s26 =	sshra.s32 s5, $0x2;
	[sflag:s7] =	ssyncset.done $0x0  }
0x2ef: {  	s5 =	sadd.s32 $0xD80, s26;
	[sflag:s7] =	ssyncadd.s32 $0xFFFFD000  }
0x2f0: {  	[spmem:s3] =	stream.indirect.scatter.add.f32 [tilespmem:s30], [sflag:$0x4], $0x80, s5, s2, $0xb8;
	[tilespmem:$0x1EC80] =	vst v63  }
0x2f1: {  	_ =	swait.ge [sflag:s19], $0x3000  }
0x2f2: {  	[sflag:s19] =	ssyncset.done $0x0  }
0x2f3: {  	s22 =	sadd.s32 $0x280, s26;
	[sflag:s19] =	ssyncadd.s32 $0xFFFFD000  }
0x2f4: {  	[tilespmem:s9], [sflag:$0x3] =	stream.indirect.gather [hbm4b:s0+s2], $0x80, s22, s2, $0xb8;
	[tilespmem:$0x1EC80] =	vst v63  }
0x2f5: {  	_ = 	snop  }
0x2f6: {  	[spmem:s4] =	stream.indirect.scatter.add.f32 [tilespmem:s10], [sflag:$0x7], $0x1, s5, s2, $0xb8;
	[tilespmem:$0x1EC80] =	vst v63  }
0x2f7: {  	_ =	swait.ge [sflag:s29], $0x60  }
0x2f8: {  	[sflag:s29] =	ssyncset.done $0x0  }
0x2f9: {  	[sflag:s29] =	ssyncadd.s32 $0xFFFFFFA0  }
0x2fa: {  	_ =	swait.ge [sflag:s11], $0x3000  }
0x2fb: {  	[sflag:s11] =	ssyncset.done $0x0  }
0x2fc: {  	s5 =	sadd.s32 $0xE00, s26;
	[sflag:s11] =	ssyncadd.s32 $0xFFFFD000  }
0x2fd: {  	[spmem:s3] =	stream.indirect.scatter.add.f32 [tilespmem:s28], [sflag:$0x5], $0x80, s5, s2, $0xb8;
	[tilespmem:$0x1EC80] =	vst v63  }
0x2fe: {  	_ =	swait.ge [sflag:s13], $0x3000  }
0x2ff: {  	[sflag:s13] =	ssyncset.done $0x0  }
0x300: {  	s22 =	sadd.s32 $0x300, s26;
	[sflag:s13] =	ssyncadd.s32 $0xFFFFD000  }
0x301: {  	[tilespmem:s30], [sflag:$0x1] =	stream.indirect.gather [hbm4b:s0+s2], $0x80, s22, s2, $0xb8;
	[tilespmem:$0x1EC80] =	vst v63  }
0x302: {  	_ = 	snop  }
0x303: {  	[spmem:s4] =	stream.indirect.scatter.add.f32 [tilespmem:s10], [sflag:$0x7], $0x1, s5, s2, $0xb8;
	[tilespmem:$0x1EC80] =	vst v63  }
0x304: {  	_ =	swait.ge [sflag:s29], $0x60  }
0x305: {  	[sflag:s29] =	ssyncset.done $0x0  }
0x306: {  	[sflag:s29] =	ssyncadd.s32 $0xFFFFFFA0  }
0x307: {  	_ =	swait.ge [sflag:s15], $0x3000  }
0x308: {  	[sflag:s15] =	ssyncset.done $0x0  }
0x309: {  	s5 =	sadd.s32 $0xE80, s26;
	[sflag:s15] =	ssyncadd.s32 $0xFFFFD000  }
0x30a: {  	[spmem:s3] =	stream.indirect.scatter.add.f32 [tilespmem:s9], [sflag:$0x6], $0x80, s5, s2, $0xb8;
	[tilespmem:$0x1EC80] =	vst v63  }
0x30b: {  	_ =	swait.ge [sflag:s17], $0x3000  }
0x30c: {  	[sflag:s17] =	ssyncset.done $0x0  }
0x30d: {  	s22 =	sadd.s32 $0x380, s26;
	[sflag:s17] =	ssyncadd.s32 $0xFFFFD000  }
0x30e: {  	[tilespmem:s28], [sflag:$0x2] =	stream.indirect.gather [hbm4b:s0+s2], $0x80, s22, s2, $0xb8;
	[tilespmem:$0x1EC80] =	vst v63  }
.Ltmp4:
0x30f: {  	_ = 	snop;
	(pc) =	sbr.rel @p0 .LBB2_10-.Ltmp4, $4  }
0x310: {  	_ = 	snop  }
0x311: {  	[spmem:s4] =	stream.indirect.scatter.add.f32 [tilespmem:s10], [sflag:$0x7], $0x1, s5, s2, $0xb8;
	[tilespmem:$0x1EC80] =	vst v63  }
0x312: {  	_ =	swait.ge [sflag:s29], $0x60  }
0x313: {  	[sflag:s29] =	ssyncset.done $0x0  }
0x314: {  	[sflag:s29] =	ssyncadd.s32 $0xFFFFFFA0  }
0x315: {  	_ =	swait.ge [sflag:s7], $0x3000  }
0x316: {  	s5 =	sshra.s32 s25, $0x2;
	[sflag:s7] =	ssyncset.done $0x0  }
0x317: {  	s22 =	sadd.s32 $0xD80, s5;
	[sflag:s7] =	ssyncadd.s32 $0xFFFFD000  }
0x318: {  	[spmem:s3] =	stream.indirect.scatter.add.f32 [tilespmem:s30], [sflag:$0x4], $0x80, s22, s2, $0xb8;
	[tilespmem:$0x1EC80] =	vst v63  }
0x319: {  	_ =	swait.ge [sflag:s19], $0x3000  }
0x31a: {  	[sflag:s19] =	ssyncset.done $0x0  }
0x31b: {  	[sflag:s19] =	ssyncadd.s32 $0xFFFFD000  }
0x31c: {  	[tilespmem:s9], [sflag:$0x3] =	stream.indirect.gather [hbm4b:s0+s2], $0x80, s20, s2, $0xb8;
	[tilespmem:$0x1EC80] =	vst v63  }
0x31d: {  	_ = 	snop  }
0x31e: {  	[spmem:s4] =	stream.indirect.scatter.add.f32 [tilespmem:s10], [sflag:$0x7], $0x1, s22, s2, $0xb8;
	[tilespmem:$0x1EC80] =	vst v63  }
0x31f: {  	_ =	swait.ge [sflag:s29], $0x60  }
0x320: {  	[sflag:s29] =	ssyncset.done $0x0  }
0x321: {  	[sflag:s29] =	ssyncadd.s32 $0xFFFFFFA0  }
0x322: {  	_ =	swait.ge [sflag:s11], $0x3000  }
0x323: {  	[sflag:s11] =	ssyncset.done $0x0  }
0x324: {  	s5 =	sadd.s32 $0xE00, s5;
	[sflag:s11] =	ssyncadd.s32 $0xFFFFD000  }
0x325: {  	[spmem:s3] =	stream.indirect.scatter.add.f32 [tilespmem:s28], [sflag:$0x5], $0x80, s5, s2, $0xb8;
	[tilespmem:$0x1EC80] =	vst v63  }
0x326: {  	_ = 	snop  }
0x327: {  	[spmem:s4] =	stream.indirect.scatter.add.f32 [tilespmem:s10], [sflag:$0x7], $0x1, s5, s2, $0xb8;
	[tilespmem:$0x1EC80] =	vst v63  }
0x328: {  	_ =	swait.ge [sflag:s29], $0x60  }
0x329: {  	[sflag:s29] =	ssyncset.done $0x0  }
0x32a: {  	[sflag:s29] =	ssyncadd.s32 $0xFFFFFFA0  }
0x32b: {  	_ =	swait.ge [sflag:s15], $0x3000  }
0x32c: {  	[sflag:s15] =	ssyncset.done $0x0  }
0x32d: {  	[sflag:s15] =	ssyncadd.s32 $0xFFFFD000  }
0x32e: {  	[spmem:s3] =	stream.indirect.scatter.add.f32 [tilespmem:s9], [sflag:$0x6], $0x80, s21, s2, $0xb8;
	[tilespmem:$0x1EC80] =	vst v63  }
0x32f: {  	_ = 	snop  }
0x330: {  	[spmem:s4] =	stream.indirect.scatter.add.f32 [tilespmem:s10], [sflag:$0x7], $0x1, s21, s2, $0xb8;
	[tilespmem:$0x1EC80] =	vst v63  }
0x331: {  	_ =	swait.ge [sflag:s29], $0x60  }
0x332: {  	[sflag:s29] =	ssyncset.done $0x0  }
0x333: {  	[sflag:s29] =	ssyncadd.s32 $0xFFFFFFA0  }
0x334: {  	_ =	swait.ge [sflag:s13], $0x3000  }
0x335: {  	[sflag:s13] =	ssyncset.done $0x0  }
0x336: {  	[sflag:s13] =	ssyncadd.s32 $0xFFFFD000  }
0x337: {  	_ =	swait.ge [sflag:s17], $0x3000  }
0x338: {  	[sflag:s17] =	ssyncset.done $0x0  }
0x339: {  	[sflag:s17] =	ssyncadd.s32 $0xFFFFD000  }
0x33a: {  	_ =	swait.ge [sflag:s19], $0x3000  }
0x33b: {  	[sflag:s19] =	ssyncset.done $0x0  }
0x33c: {  	s5 =	simm.s32 $0x0;
	s25 =	rddreg [dreg:$0x13];
	[sflag:s19] =	ssyncadd.s32 $0xFFFFD000  }
0x33d: {  	[tilespmem:s5], [sflag:$0x7] =	stream.linear.gather [hbm4b:s25+s5], $0x600, $0x38;
	[tilespmem:$0x1EC80] =	vst v63  }
0x33e: {  	_ =	swait.ge [sflag:s29], $0x600  }
0x33f: {  	[sflag:s29] =	ssyncset.done $0x0  }
0x340: {  	s26 =	rddreg [dreg:$0x14];
	[sflag:s29] =	ssyncadd.s32 $0xFFFFFA00  }
0x341: {  	[tilespmem:s31], [sflag:$0x7] =	stream.linear.gather [hbm4b:s26+s5], $0x600, $0x38;
	[tilespmem:$0x1EC80] =	vst v63  }
0x342: {  	_ =	swait.ge [sflag:s29], $0x600  }
0x343: {  	[sflag:s29] =	ssyncset.done $0x0  }
0x344: {  	[sflag:s29] =	ssyncadd.s32 $0xFFFFFA00  }
0x345: {  	[tilespmem:s30], [sflag:$0x1] =	stream.indirect.gather [hbm4b:s0+s2], $0x80, s5, s2, $0xb8;
	[tilespmem:$0x1EC80] =	vst v63  }
0x346: {  	_ = 	snop  }
0x347: {  	[tilespmem:s28], [sflag:$0x2] =	stream.indirect.gather [hbm4b:s0+s2], $0x80, s1, s2, $0xb8;
	[tilespmem:$0x1EC80] =	vst v63  }
0x348: {  	_ =	swait.ge [sflag:s7], $0x3000  }
0x349: {  	[sflag:s7] =	ssyncset.done $0x0  }
0x34a: {  	[sflag:s7] =	ssyncadd.s32 $0xFFFFD000  }
0x34b: {  	[spmem:s3] =	stream.indirect.scatter.add.f32 [tilespmem:s30], [sflag:$0x4], $0x80, s31, s2, $0xb8;
	[tilespmem:$0x1EC80] =	vst v63  }
0x34c: {  	_ = 	snop  }
0x34d: {  	[tilespmem:s9], [sflag:$0x3] =	stream.indirect.gather [hbm4b:s0+s2], $0x80, s8, s2, $0xb8;
	[tilespmem:$0x1EC80] =	vst v63  }
0x34e: {  	_ = 	snop  }
0x34f: {  	[spmem:s4] =	stream.indirect.scatter.add.f32 [tilespmem:s10], [sflag:$0x7], $0x1, s31, s2, $0xb8;
	[tilespmem:$0x1EC80] =	vst v63  }
0x350: {  	_ =	swait.ge [sflag:s29], $0x60  }
0x351: {  	[sflag:s29] =	ssyncset.done $0x0  }
0x352: {  	[sflag:s29] =	ssyncadd.s32 $0xFFFFFFA0  }
0x353: {  	_ =	swait.ge [sflag:s11], $0x3000  }
0x354: {  	[sflag:s11] =	ssyncset.done $0x0  }
0x355: {  	[sflag:s11] =	ssyncadd.s32 $0xFFFFD000  }
0x356: {  	[spmem:s3] =	stream.indirect.scatter.add.f32 [tilespmem:s28], [sflag:$0x5], $0x80, s12, s2, $0xb8;
	[tilespmem:$0x1EC80] =	vst v63  }
0x357: {  	_ =	swait.ge [sflag:s13], $0x3000  }
0x358: {  	[sflag:s13] =	ssyncset.done $0x0  }
0x359: {  	[sflag:s13] =	ssyncadd.s32 $0xFFFFD000  }
0x35a: {  	[tilespmem:s30], [sflag:$0x1] =	stream.indirect.gather [hbm4b:s0+s2], $0x80, s14, s2, $0xb8;
	[tilespmem:$0x1EC80] =	vst v63  }
0x35b: {  	_ = 	snop  }
0x35c: {  	[spmem:s4] =	stream.indirect.scatter.add.f32 [tilespmem:s10], [sflag:$0x7], $0x1, s12, s2, $0xb8;
	[tilespmem:$0x1EC80] =	vst v63  }
0x35d: {  	_ =	swait.ge [sflag:s29], $0x60  }
0x35e: {  	[sflag:s29] =	ssyncset.done $0x0  }
0x35f: {  	[sflag:s29] =	ssyncadd.s32 $0xFFFFFFA0  }
0x360: {  	_ =	swait.ge [sflag:s15], $0x3000  }
0x361: {  	[sflag:s15] =	ssyncset.done $0x0  }
0x362: {  	[sflag:s15] =	ssyncadd.s32 $0xFFFFD000  }
0x363: {  	[spmem:s3] =	stream.indirect.scatter.add.f32 [tilespmem:s9], [sflag:$0x6], $0x80, s16, s2, $0xb8;
	[tilespmem:$0x1EC80] =	vst v63  }
0x364: {  	_ =	swait.ge [sflag:s17], $0x3000  }
0x365: {  	[sflag:s17] =	ssyncset.done $0x0  }
0x366: {  	[sflag:s17] =	ssyncadd.s32 $0xFFFFD000  }
0x367: {  	[tilespmem:s28], [sflag:$0x2] =	stream.indirect.gather [hbm4b:s0+s2], $0x80, s18, s2, $0xb8;
	[tilespmem:$0x1EC80] =	vst v63  }
0x368: {  	_ = 	snop  }
0x369: {  	[spmem:s4] =	stream.indirect.scatter.add.f32 [tilespmem:s10], [sflag:$0x7], $0x1, s16, s2, $0xb8;
	[tilespmem:$0x1EC80] =	vst v63  }
0x36a: {  	_ =	swait.ge [sflag:s29], $0x60  }
0x36b: {  	[sflag:s29] =	ssyncset.done $0x0  }
0x36c: {  	[sflag:s29] =	ssyncadd.s32 $0xFFFFFFA0  }
0x36d: {  	_ =	swait.ge [sflag:s7], $0x3000  }
0x36e: {  	[sflag:s7] =	ssyncset.done $0x0  }
0x36f: {  	s25 =	simm.s32 $0xD80;
	[sflag:s7] =	ssyncadd.s32 $0xFFFFD000  }
0x370: {  	[spmem:s3] =	stream.indirect.scatter.add.f32 [tilespmem:s30], [sflag:$0x4], $0x80, s25, s2, $0xb8;
	[tilespmem:$0x1EC80] =	vst v63  }
0x371: {  	_ =	swait.ge [sflag:s19], $0x3000  }
0x372: {  	[sflag:s19] =	ssyncset.done $0x0  }
0x373: {  	s26 =	simm.s32 $0x280;
	[sflag:s19] =	ssyncadd.s32 $0xFFFFD000  }
0x374: {  	[tilespmem:s9], [sflag:$0x3] =	stream.indirect.gather [hbm4b:s0+s2], $0x80, s26, s2, $0xb8;
	[tilespmem:$0x1EC80] =	vst v63  }
0x375: {  	_ = 	snop  }
0x376: {  	[spmem:s4] =	stream.indirect.scatter.add.f32 [tilespmem:s10], [sflag:$0x7], $0x1, s25, s2, $0xb8;
	[tilespmem:$0x1EC80] =	vst v63  }
0x377: {  	_ =	swait.ge [sflag:s29], $0x60  }
0x378: {  	[sflag:s29] =	ssyncset.done $0x0  }
0x379: {  	[sflag:s29] =	ssyncadd.s32 $0xFFFFFFA0  }
0x37a: {  	_ =	swait.ge [sflag:s11], $0x3000  }
0x37b: {  	[sflag:s11] =	ssyncset.done $0x0  }
0x37c: {  	s25 =	simm.s32 $0xE00;
	[sflag:s11] =	ssyncadd.s32 $0xFFFFD000  }
0x37d: {  	[spmem:s3] =	stream.indirect.scatter.add.f32 [tilespmem:s28], [sflag:$0x5], $0x80, s25, s2, $0xb8;
	[tilespmem:$0x1EC80] =	vst v63  }
0x37e: {  	_ =	swait.ge [sflag:s13], $0x3000  }
0x37f: {  	[sflag:s13] =	ssyncset.done $0x0  }
0x380: {  	s26 =	simm.s32 $0x300;
	[sflag:s13] =	ssyncadd.s32 $0xFFFFD000  }
0x381: {  	[tilespmem:s30], [sflag:$0x1] =	stream.indirect.gather [hbm4b:s0+s2], $0x80, s26, s2, $0xb8;
	[tilespmem:$0x1EC80] =	vst v63  }
0x382: {  	_ = 	snop  }
0x383: {  	[spmem:s4] =	stream.indirect.scatter.add.f32 [tilespmem:s10], [sflag:$0x7], $0x1, s25, s2, $0xb8;
	[tilespmem:$0x1EC80] =	vst v63  }
0x384: {  	_ =	swait.ge [sflag:s29], $0x60  }
0x385: {  	[sflag:s29] =	ssyncset.done $0x0  }
0x386: {  	[sflag:s29] =	ssyncadd.s32 $0xFFFFFFA0  }
0x387: {  	_ =	swait.ge [sflag:s15], $0x3000  }
0x388: {  	[sflag:s15] =	ssyncset.done $0x0  }
0x389: {  	s25 =	simm.s32 $0xE80;
	[sflag:s15] =	ssyncadd.s32 $0xFFFFD000  }
0x38a: {  	[spmem:s3] =	stream.indirect.scatter.add.f32 [tilespmem:s9], [sflag:$0x6], $0x80, s25, s2, $0xb8;
	[tilespmem:$0x1EC80] =	vst v63  }
0x38b: {  	_ =	swait.ge [sflag:s17], $0x3000  }
0x38c: {  	[sflag:s17] =	ssyncset.done $0x0  }
0x38d: {  	s26 =	simm.s32 $0x380;
	[sflag:s17] =	ssyncadd.s32 $0xFFFFD000  }
0x38e: {  	[tilespmem:s28], [sflag:$0x2] =	stream.indirect.gather [hbm4b:s0+s2], $0x80, s26, s2, $0xb8;
	[tilespmem:$0x1EC80] =	vst v63  }
0x38f: {  	_ = 	snop  }
0x390: {  	[spmem:s4] =	stream.indirect.scatter.add.f32 [tilespmem:s10], [sflag:$0x7], $0x1, s25, s2, $0xb8;
	[tilespmem:$0x1EC80] =	vst v63  }
0x391: {  	_ =	swait.ge [sflag:s29], $0x60  }
0x392: {  	[sflag:s29] =	ssyncset.done $0x0  }
0x393: {  	[sflag:s29] =	ssyncadd.s32 $0xFFFFFFA0  }
0x394: {  	_ =	swait.ge [sflag:s7], $0x3000  }
0x395: {  	[sflag:s7] =	ssyncset.done $0x0  }
0x396: {  	s25 =	simm.s32 $0xF00;
	[sflag:s7] =	ssyncadd.s32 $0xFFFFD000  }
0x397: {  	[spmem:s3] =	stream.indirect.scatter.add.f32 [tilespmem:s30], [sflag:$0x4], $0x80, s25, s2, $0xb8;
	[tilespmem:$0x1EC80] =	vst v63  }
0x398: {  	_ =	swait.ge [sflag:s19], $0x3000  }
0x399: {  	[sflag:s19] =	ssyncset.done $0x0  }
0x39a: {  	s26 =	simm.s32 $0x400;
	[sflag:s19] =	ssyncadd.s32 $0xFFFFD000  }
0x39b: {  	[tilespmem:s9], [sflag:$0x3] =	stream.indirect.gather [hbm4b:s0+s2], $0x80, s26, s2, $0xb8;
	[tilespmem:$0x1EC80] =	vst v63  }
0x39c: {  	_ = 	snop  }
0x39d: {  	[spmem:s4] =	stream.indirect.scatter.add.f32 [tilespmem:s10], [sflag:$0x7], $0x1, s25, s2, $0xb8;
	[tilespmem:$0x1EC80] =	vst v63  }
0x39e: {  	_ =	swait.ge [sflag:s29], $0x60  }
0x39f: {  	[sflag:s29] =	ssyncset.done $0x0  }
0x3a0: {  	[sflag:s29] =	ssyncadd.s32 $0xFFFFFFA0  }
0x3a1: {  	_ =	swait.ge [sflag:s11], $0x3000  }
0x3a2: {  	[sflag:s11] =	ssyncset.done $0x0  }
0x3a3: {  	s25 =	simm.s32 $0xF80;
	[sflag:s11] =	ssyncadd.s32 $0xFFFFD000  }
0x3a4: {  	[spmem:s3] =	stream.indirect.scatter.add.f32 [tilespmem:s28], [sflag:$0x5], $0x80, s25, s2, $0xb8;
	[tilespmem:$0x1EC80] =	vst v63  }
0x3a5: {  	_ =	swait.ge [sflag:s13], $0x3000  }
0x3a6: {  	[sflag:s13] =	ssyncset.done $0x0  }
0x3a7: {  	s26 =	simm.s32 $0x480;
	[sflag:s13] =	ssyncadd.s32 $0xFFFFD000  }
0x3a8: {  	[tilespmem:s30], [sflag:$0x1] =	stream.indirect.gather [hbm4b:s0+s2], $0x80, s26, s2, $0xb8;
	[tilespmem:$0x1EC80] =	vst v63  }
0x3a9: {  	_ = 	snop  }
0x3aa: {  	[spmem:s4] =	stream.indirect.scatter.add.f32 [tilespmem:s10], [sflag:$0x7], $0x1, s25, s2, $0xb8;
	[tilespmem:$0x1EC80] =	vst v63  }
0x3ab: {  	_ =	swait.ge [sflag:s29], $0x60  }
0x3ac: {  	[sflag:s29] =	ssyncset.done $0x0  }
0x3ad: {  	[sflag:s29] =	ssyncadd.s32 $0xFFFFFFA0  }
0x3ae: {  	_ =	swait.ge [sflag:s15], $0x3000  }
0x3af: {  	[sflag:s15] =	ssyncset.done $0x0  }
0x3b0: {  	s25 =	simm.s32 $0x1000;
	[sflag:s15] =	ssyncadd.s32 $0xFFFFD000  }
0x3b1: {  	[spmem:s3] =	stream.indirect.scatter.add.f32 [tilespmem:s9], [sflag:$0x6], $0x80, s25, s2, $0xb8;
	[tilespmem:$0x1EC80] =	vst v63  }
0x3b2: {  	_ =	swait.ge [sflag:s17], $0x3000  }
0x3b3: {  	[sflag:s17] =	ssyncset.done $0x0  }
0x3b4: {  	s26 =	simm.s32 $0x500;
	[sflag:s17] =	ssyncadd.s32 $0xFFFFD000  }
0x3b5: {  	[tilespmem:s28], [sflag:$0x2] =	stream.indirect.gather [hbm4b:s0+s2], $0x80, s26, s2, $0xb8;
	[tilespmem:$0x1EC80] =	vst v63  }
0x3b6: {  	_ = 	snop  }
0x3b7: {  	[spmem:s4] =	stream.indirect.scatter.add.f32 [tilespmem:s10], [sflag:$0x7], $0x1, s25, s2, $0xb8;
	[tilespmem:$0x1EC80] =	vst v63  }
0x3b8: {  	_ =	swait.ge [sflag:s29], $0x60  }
0x3b9: {  	[sflag:s29] =	ssyncset.done $0x0  }
0x3ba: {  	[sflag:s29] =	ssyncadd.s32 $0xFFFFFFA0  }
0x3bb: {  	_ =	swait.ge [sflag:s7], $0x3000  }
0x3bc: {  	[sflag:s7] =	ssyncset.done $0x0  }
0x3bd: {  	s25 =	simm.s32 $0x1080;
	[sflag:s7] =	ssyncadd.s32 $0xFFFFD000  }
0x3be: {  	[spmem:s3] =	stream.indirect.scatter.add.f32 [tilespmem:s30], [sflag:$0x4], $0x80, s25, s2, $0xb8;
	[tilespmem:$0x1EC80] =	vst v63  }
0x3bf: {  	_ =	swait.ge [sflag:s19], $0x3000  }
0x3c0: {  	[sflag:s19] =	ssyncset.done $0x0  }
0x3c1: {  	s26 =	simm.s32 $0x580;
	[sflag:s19] =	ssyncadd.s32 $0xFFFFD000  }
0x3c2: {  	[tilespmem:s9], [sflag:$0x3] =	stream.indirect.gather [hbm4b:s0+s2], $0x80, s26, s2, $0xb8;
	[tilespmem:$0x1EC80] =	vst v63  }
0x3c3: {  	_ = 	snop  }
0x3c4: {  	[spmem:s4] =	stream.indirect.scatter.add.f32 [tilespmem:s10], [sflag:$0x7], $0x1, s25, s2, $0xb8;
	[tilespmem:$0x1EC80] =	vst v63  }
0x3c5: {  	_ =	swait.ge [sflag:s29], $0x60  }
0x3c6: {  	[sflag:s29] =	ssyncset.done $0x0  }
0x3c7: {  	[sflag:s29] =	ssyncadd.s32 $0xFFFFFFA0  }
0x3c8: {  	_ =	swait.ge [sflag:s11], $0x3000  }
0x3c9: {  	[sflag:s11] =	ssyncset.done $0x0  }
0x3ca: {  	s25 =	simm.s32 $0x1100;
	[sflag:s11] =	ssyncadd.s32 $0xFFFFD000  }
0x3cb: {  	[spmem:s3] =	stream.indirect.scatter.add.f32 [tilespmem:s28], [sflag:$0x5], $0x80, s25, s2, $0xb8;
	[tilespmem:$0x1EC80] =	vst v63  }
0x3cc: {  	_ = 	snop  }
0x3cd: {  	[spmem:s4] =	stream.indirect.scatter.add.f32 [tilespmem:s10], [sflag:$0x7], $0x1, s25, s2, $0xb8;
	[tilespmem:$0x1EC80] =	vst v63  }
0x3ce: {  	_ =	swait.ge [sflag:s29], $0x60  }
0x3cf: {  	[sflag:s29] =	ssyncset.done $0x0  }
0x3d0: {  	[sflag:s29] =	ssyncadd.s32 $0xFFFFFFA0  }
0x3d1: {  	_ =	swait.ge [sflag:s15], $0x3000  }
0x3d2: {  	[sflag:s15] =	ssyncset.done $0x0  }
0x3d3: {  	s26 =	simm.s32 $0x1180;
	[sflag:s15] =	ssyncadd.s32 $0xFFFFD000  }
0x3d4: {  	[spmem:s3] =	stream.indirect.scatter.add.f32 [tilespmem:s9], [sflag:$0x6], $0x80, s26, s2, $0xb8;
	[tilespmem:$0x1EC80] =	vst v63  }
0x3d5: {  	_ = 	snop  }
0x3d6: {  	[spmem:s4] =	stream.indirect.scatter.add.f32 [tilespmem:s10], [sflag:$0x7], $0x1, s26, s2, $0xb8;
	[tilespmem:$0x1EC80] =	vst v63  }
0x3d7: {  	_ =	swait.ge [sflag:s29], $0x60  }
0x3d8: {  	[sflag:s29] =	ssyncset.done $0x0  }
0x3d9: {  	[sflag:s29] =	ssyncadd.s32 $0xFFFFFFA0  }
0x3da: {  	_ =	swait.ge [sflag:s13], $0x3000  }
0x3db: {  	[sflag:s13] =	ssyncset.done $0x0  }
0x3dc: {  	[sflag:s13] =	ssyncadd.s32 $0xFFFFD000  }
0x3dd: {  	_ =	swait.ge [sflag:s17], $0x3000  }
0x3de: {  	[sflag:s17] =	ssyncset.done $0x0  }
0x3df: {  	[sflag:s17] =	ssyncadd.s32 $0xFFFFD000  }
0x3e0: {  	_ =	swait.ge [sflag:s19], $0x3000  }
0x3e1: {  	[sflag:s19] =	ssyncset.done $0x0  }
0x3e2: {  	s22 =	stileid.u32;
	[sflag:s19] =	ssyncadd.s32 $0xFFFFD000  }
0x3e3: {  	s5 =	sshll.u32 s22, $0x6;
	[bflag:$0x0] =	sbarrier.arrive $0xFFFF  }
0x3e4: {  	s5 =	sor.u32 $0x1C07, s5;
	s25 =	sshrl.u32 s6, $0x3;
	s26 =	rddreg [dreg:$0x18]  }
0x3e5: {  	[hbm:s26], [sflag:s5] =	dma.local [spmem:s25], $0x2780  }
0x3e6: {  	_ =	swait.ge [sflag:s29], $0x2780  }
0x3e7: {  	[sflag:s29] =	ssyncset.done $0x0  }
0x3e8: {  	s25 =	sshrl.u32 s23, $0x3;
	s26 =	rddreg [dreg:$0x16];
	[sflag:s29] =	ssyncadd.s32 $0xFFFFD880  }
0x3e9: {  	[hbm:s26], [sflag:s5] =	dma.local [spmem:s25], $0x80  }
0x3ea: {  	_ =	swait.ge [sflag:s29], $0x80  }
0x3eb: {  	s24 =	sadd.s32 $0x1, s24;
	s26 =	rddreg [dreg:$0x19]  }
0x3ec: {  	p0 =	sne.s32 s24, s26  }
.Ltmp5:
0x3ed: {  	_ = 	snop;
	(pc) =	sbr.rel @p0 .LBB2_1-.Ltmp5, $3  }
0x3ee: {  	_ =	sdelay $0x1  }
0x3ef: {  	[sflag:s29] =	ssyncset.done $0x0  }
0x3f0: {  	[sflag:s29] =	ssyncadd.s32 $0xFFFFFF80  }
0x3f1: {  	_ =	sfence.sel $0x180000  }
0x3f2: {  	[bflag:$0x0] =	sbarrier.arrive $0xFFFF  }
0x3f3: {  	_ =	strace $0x90000047  }
0x3f4: {  	s0 =	stileid.u32;
	[bflag:$0x2] =	sbarrier.arrive $0xFFFF  }
0x3f5: {  	p0 =	sne.s32 s0, $0x0;
	s0 =	rddreg [dreg:$0x7]  }
0x3f6: {  	s0 =	sadd.s32 @!p0 $0x100000, s0  }
0x3f7: {  	[sflag:s0] =	ssyncadd.tile.s32 @!p0 $0x1;
	_ =	shalt  }
.Lfunc_end2:
_tile_overlayer_lowered:
.L_overlay_start_2:
0x3f8: {  	(tag) =	ssettag $0x2  }
0x3f9: {  	s0 =	rddreg [dreg:$0x0];
	s2 =	stileid.u32  }
0x3fa: {  	s1 =	rddreg [dreg:$0x1];
	p0 =	sne.s32 s2, $0x0  }
0x3fb: {  	s3 =	rddreg [dreg:$0x2];
	[bflag:$0x3] =	sbarrier.arrive $0xFFFF;
	s2 =	simm.s32 @!p0 $0x1C07  }
0x3fc: {  	[timem:s3], [sflag:s2] =	dma.local @!p0 [hbm:s0], s1  }
0x3fd: {  	s0 =	simm.s32 @!p0 $0x7  }
0x3fe: {  	_ =	swait.ge @!p0 [sflag:s0], s1  }
0x3ff: {  	s1 =	ssub.s32 @!p0 $0x0, s1;
	[sflag:s0] =	ssyncset.done @!p0 $0x0  }
0x400: {  	[sflag:s0] =	ssyncadd.s32 @!p0 s1  }
0x401: {  	[bflag:$0x3] =	sbarrier.arrive $0xFFFF  }
0x402: {  	_ =	shalt  }

</sc_bundles>
